<compile_context>
chip_gen: v7x
topology: tpu7x:2x2x1
jax: 0.10.2.dev20260603
libtpu: 0.0.44.dev20260713+nightly
codegen_flags: <defaults>
</compile_context>

<pallas_src>
import functools

import numpy as np
import jax
import jax.numpy as jnp
from jax import lax
from jax.experimental import pallas as pl
from jax.experimental.pallas import tpu as pltpu
from jax.experimental.pallas import tpu_sc as plsc

_N, _C, _H, _W = 2, 256, 128, 128
_R = 512
_PH = _PW = 7
_S = 2
_SCALE = 0.125
_K = (_S * _S) * 4
_BINS = _R * _PH * _PW
_COLS = _PH * _PW * _K
_NC, _NS = 2, 16
_NW = _NC * _NS
_BPW = _BINS // _NW
_OCH = 112
_NOC = _BPW // _OCH
_GRP = 2
_VPAD = 256
_V = _N * _H * _W + _VPAD


def _col_consts() -> np.ndarray:
    j = np.arange(_COLS)
    b = j // _K
    ph = b // _PW
    pw = b % _PW
    k = j % _K
    s = k // 4
    corner = k % 4
    sy = s // _S
    sx = s % _S
    cyb = (corner // 2).astype(np.float32)
    cxb = (corner % 2).astype(np.float32)
    ay = ((ph + (sy + 0.5) / _S) / _PH - 0.5).astype(np.float32)
    ax = ((pw + (sx + 0.5) / _S) / _PW - 0.5).astype(np.float32)
    return np.stack([ax, ay, cxb, cyb], axis=0)


def _coord_body(rois_ref, cst_ref, idx_ref, wgt_ref):
    b = rois_ref[:, 0:1]
    cx = rois_ref[:, 1:2] * _SCALE
    cy = rois_ref[:, 2:3] * _SCALE
    w = jnp.maximum(rois_ref[:, 3:4] * _SCALE, 1.0)
    h = jnp.maximum(rois_ref[:, 4:5] * _SCALE, 1.0)
    th = rois_ref[:, 5:6]
    cos_t = jnp.cos(th)
    sin_t = jnp.sin(th)
    ax = cst_ref[0:1, :]
    ay = cst_ref[1:2, :]
    cxb = cst_ref[2:3, :]
    cyb = cst_ref[3:4, :]
    xx = w * ax
    yy = h * ay
    x = xx * cos_t - yy * sin_t + cx
    y = xx * sin_t + yy * cos_t + cy
    valid = (y > -1.0) & (y < float(_H)) & (x > -1.0) & (x < float(_W))
    xc = jnp.clip(x, 0.0, float(_W - 1))
    yc = jnp.clip(y, 0.0, float(_H - 1))
    x0 = jnp.floor(xc)
    y0 = jnp.floor(yc)
    lx = xc - x0
    ly = yc - y0
    wx = jnp.where(cxb > 0.5, lx, 1.0 - lx)
    wy = jnp.where(cyb > 0.5, ly, 1.0 - ly)
    wgt_ref[...] = jnp.where(valid, wx * wy * 0.25, 0.0)
    idx_f = (b * float(_H) + y0) * float(_W) + x0 + cxb + cyb * float(_W)
    idx_ref[...] = idx_f.astype(jnp.int32)


_coord_call = pl.pallas_call(
    _coord_body,
    out_shape=(
        jax.ShapeDtypeStruct((_R, _COLS), jnp.int32),
        jax.ShapeDtypeStruct((_R, _COLS), jnp.float32),
    ),
)


def _sc_body(table, idxs, wgts, out, idx_v, wgt_v, rows_v, out_v, sem0, sem1):
    cid = lax.axis_index("c")
    sid = lax.axis_index("s")
    wid = sid * _NC + cid
    base = wid * _BPW
    pltpu.sync_copy(idxs.at[pl.ds(base * _K, _BPW * _K)], idx_v)
    pltpu.sync_copy(wgts.at[pl.ds(base * _K, _BPW * _K)], wgt_v)
    sems = (sem0, sem1)

    def fire(bl, buf):
        pltpu.make_async_copy(
            table.at[idx_v.at[pl.ds(bl * _K, _K)]],
            rows_v.at[buf], sems[buf]).start()

    def wait(buf):
        pltpu.make_async_copy(
            table.at[idx_v.at[pl.ds(0, _K)]],
            rows_v.at[buf], sems[buf]).wait()

    def compute(bl, ob, buf):
        wrow = wgt_v[pl.ds(bl * _K, _K)]
        wks = [
            wrow.at[jnp.full((16,), k, jnp.int32)].get(
                mode="promise_in_bounds")
            for k in range(_K)
        ]
        for c16 in range(_C // 16):
            acc = rows_v[buf, 0, pl.ds(c16 * 16, 16)] * wks[0]
            for k in range(1, _K):
                acc = acc + rows_v[buf, k, pl.ds(c16 * 16, 16)] * wks[k]
            out_v[ob, pl.ds(c16 * 16, 16)] = acc

    fire(0, 0)

    def oc_body(oc, carry):
        obase = oc * _OCH

        def grp_body(g, carry2):
            for u in range(_GRP):
                bl = obase + g * _GRP + u
                buf = u
                nxt = bl + 1

                @pl.when(nxt < _BPW)
                def _():
                    fire(nxt, (u + 1) % _GRP)

                wait(buf)
                compute(bl, g * _GRP + u, buf)
            return carry2

        lax.fori_loop(0, _OCH // _GRP, grp_body, None)
        pltpu.sync_copy(out_v, out.at[pl.ds(base + obase, _OCH)])
        return carry

    lax.fori_loop(0, _NOC, oc_body, None)


@functools.cache
def _sc_gather():
    mesh = plsc.VectorSubcoreMesh(
        core_axis_name="c", subcore_axis_name="s",
        num_cores=_NC, num_subcores=_NS)
    return pl.kernel(
        _sc_body,
        out_type=jax.ShapeDtypeStruct((_BINS, _C), jnp.float32),
        mesh=mesh,
        scratch_types=[
            pltpu.VMEM((_BPW * _K,), jnp.int32),
            pltpu.VMEM((_BPW * _K,), jnp.float32),
            pltpu.VMEM((_GRP, _K, _C), jnp.float32),
            pltpu.VMEM((_OCH, _C), jnp.float32),
            pltpu.SemaphoreType.DMA,
            pltpu.SemaphoreType.DMA,
        ],
    )


def kernel(inputs, rois):
    feat = jnp.transpose(inputs, (0, 2, 3, 1)).reshape(_N * _H * _W, _C)
    table = jnp.concatenate(
        [feat, jnp.zeros((_VPAD, _C), jnp.float32)], axis=0)
    consts = jnp.asarray(_col_consts())
    idx, wgt = _coord_call(rois, consts)
    out = _sc_gather()(
        table, idx.reshape(_BINS * _K), wgt.reshape(_BINS * _K))
    return out.reshape(_R, _PH, _PW, _C).transpose(0, 3, 1, 2)

# --- scband reference (transcript-rebuilt; emitter-appended) ---
"""Pipeline reference for scband-rotate-ro-ialign-16020228014579 (READ-ONLY COPY).

The authoritative reference and input builder live on the scoring server;
editing this copy changes nothing except your own understanding.
"""

import jax, jax.numpy as jnp
import numpy as np

OUTPUT_SIZE = (7, 7)
SPATIAL_SCALE = 0.125
SAMPLING_RATIO = 2


def setup_inputs(seed: int = 0) -> dict:
    key = jax.random.key(seed)
    k1, k2, k3, k4, k5, k6 = jax.random.split(key, 6)
    N, C, H, W = 2, 256, 128, 128
    R = 512
    inputs = jax.random.normal(k1, (N, C, H, W), dtype=jnp.float32)
    batch_idx = jax.random.randint(k2, (R,), 0, N).astype(jnp.float32)
    cx = jax.random.uniform(k3, (R,), minval=64.0, maxval=960.0)
    cy = jax.random.uniform(k4, (R,), minval=64.0, maxval=960.0)
    wh = jax.random.uniform(k5, (R, 2), minval=32.0, maxval=256.0)
    ang = jax.random.uniform(k6, (R,), minval=-np.pi / 2, maxval=np.pi / 2)
    rois = jnp.stack([batch_idx, cx, cy, wh[:, 0], wh[:, 1], ang], axis=1).astype(jnp.float32)
    return {"inputs": inputs, "rois": rois}


def _bilinear(feat, y, x):
    # feat: [C, H, W]; y, x: [PH, PW, S, S] float sample coords
    C, H, W = feat.shape
    valid = (y > -1.0) & (y < float(H)) & (x > -1.0) & (x < float(W))
    y = jnp.clip(y, 0.0, float(H - 1))
    x = jnp.clip(x, 0.0, float(W - 1))
    y0 = jnp.floor(y)
    x0 = jnp.floor(x)
    y1 = jnp.minimum(y0 + 1.0, float(H - 1))
    x1 = jnp.minimum(x0 + 1.0, float(W - 1))
    ly = y - y0
    lx = x - x0
    hy = 1.0 - ly
    hx = 1.0 - lx
    y0i = y0.astype(jnp.int32)
    y1i = y1.astype(jnp.int32)
    x0i = x0.astype(jnp.int32)
    x1i = x1.astype(jnp.int32)
    v00 = feat[:, y0i, x0i]
    v01 = feat[:, y0i, x1i]
    v10 = feat[:, y1i, x0i]
    v11 = feat[:, y1i, x1i]
    val = hy * hx * v00 + hy * lx * v01 + ly * hx * v10 + ly * lx * v11
    return val * valid.astype(feat.dtype)


def roi_align_rotated(inputs, rois):
    N, C, H, W = inputs.shape
    PH, PW = OUTPUT_SIZE
    S = SAMPLING_RATIO

    def one_roi(roi):
        b = roi[0].astype(jnp.int32)
        cx = roi[1] * SPATIAL_SCALE
        cy = roi[2] * SPATIAL_SCALE
        w = jnp.maximum(roi[3] * SPATIAL_SCALE, 1.0)
        h = jnp.maximum(roi[4] * SPATIAL_SCALE, 1.0)
        theta = roi[5]
        bin_h = h / PH
        bin_w = w / PW
        ph = jnp.arange(PH, dtype=jnp.float32)
        pw = jnp.arange(PW, dtype=jnp.float32)
        iy = jnp.arange(S, dtype=jnp.float32)
        ix = jnp.arange(S, dtype=jnp.float32)
        # local roi-frame coords of each sample point: [PH,1,S,1] and [1,PW,1,S]
        yy = -h / 2.0 + ph[:, None, None, None] * bin_h + (iy[None, None, :, None] + 0.5) * bin_h / S
        xx = -w / 2.0 + pw[None, :, None, None] * bin_w + (ix[None, None, None, :] + 0.5) * bin_w / S
        cos_t = jnp.cos(theta)
        sin_t = jnp.sin(theta)
        x = xx * cos_t - yy * sin_t + cx
        y = xx * sin_t + yy * cos_t + cy
        x = jnp.broadcast_to(x, (PH, PW, S, S))
        y = jnp.broadcast_to(y, (PH, PW, S, S))
        feat = jnp.take(inputs, b, axis=0)
        vals = _bilinear(feat, y, x)  # [C, PH, PW, S, S]
        return vals.mean(axis=(-1, -2))  # [C, PH, PW]

    return jax.vmap(one_roi)(rois)  # [R, C, PH, PW]


def reference(inputs, rois):
    return roi_align_rotated(inputs, rois)

if __name__ == "__main__":
    import jax
    _d = setup_inputs()
    print(jax.jit(kernel)(*tuple(_d.values())))

</pallas_src>

<mosaic_0001>
#map = affine_map<(d0, d1) -> (0, 0)>
#map1 = affine_map<(d0, d1) -> (0)>
module attributes {stable_mosaic.version = 14 : i64} {
  func.func @_sc_body(%arg0: i32, %arg1: i32, %arg2: memref<33024x256xf32, #tpu.memory_space<hbm>>, %arg3: memref<401408xi32, #tpu.memory_space<hbm>>, %arg4: memref<401408xf32, #tpu.memory_space<hbm>>, %arg5: memref<25088x256xf32, #tpu.memory_space<hbm>>, %arg6: memref<12544xi32, #tpu.memory_space<vmem>>, %arg7: memref<12544xf32, #tpu.memory_space<vmem>>, %arg8: memref<2x16x256xf32, #tpu.memory_space<vmem>>, %arg9: memref<112x256xf32, #tpu.memory_space<vmem>>, %arg10: memref<!tpu.dma_semaphore, #tpu.memory_space<semaphore_mem>>, %arg11: memref<!tpu.dma_semaphore, #tpu.memory_space<semaphore_mem>>) attributes {dimension_semantics = [#tpu.dimension_semantics<core_parallel>, #tpu.dimension_semantics<subcore_parallel>], iteration_bounds = array<i64: 2, 16>, scalar_prefetch = 0 : i64, scratch_operands = 6 : i64, tpu.core_type = #tpu.core_type<sc_vector_subcore>, window_params = [{transform_indices = #map}, {transform_indices = #map1}, {transform_indices = #map1}, {transform_indices = #map}]} {
    %mul3A = arith.constant 2 : i32
    %mul3A_0 = arith.muli %arg1, %mul3A : i32
    %add3A = arith.addi %mul3A_0, %arg0 : i32
    %mul3A_1 = arith.constant 784 : i32
    %mul3A_2 = arith.muli %add3A, %mul3A_1 : i32
    %mul3A_3 = arith.constant 16 : i32
    %mul3A_4 = arith.muli %mul3A_2, %mul3A_3 : i32
    "tpu.region"() ({
      %run_scoped3A = tpu.sem_alloc : memref<!tpu.dma_semaphore, #tpu.memory_space<semaphore_mem>>
      %dma_start3A_20 = tpu.memref_slice %arg3[%mul3A_4] : memref<401408xi32, #tpu.memory_space<hbm>> -> memref<12544xi32, #tpu.memory_space<hbm>>
      %dma_start3A_21 = tpu.memref_slice %arg3[%mul3A_4] : memref<401408xi32, #tpu.memory_space<hbm>> -> memref<12544xi32, #tpu.memory_space<hbm>>
      tpu.enqueue_dma source(%dma_start3A_21 : memref<12544xi32, #tpu.memory_space<hbm>>) target(%arg6 : memref<12544xi32, #tpu.memory_space<vmem>>) target_semaphore(%run_scoped3A : memref<!tpu.dma_semaphore, #tpu.memory_space<semaphore_mem>>)
      %dma_wait3A = tpu.memref_slice %arg3[%mul3A_4] : memref<401408xi32, #tpu.memory_space<hbm>> -> memref<12544xi32, #tpu.memory_space<hbm>>
      %dma_wait3A_22 = tpu.memref_slice %arg3[%mul3A_4] : memref<401408xi32, #tpu.memory_space<hbm>> -> memref<12544xi32, #tpu.memory_space<hbm>>
      tpu.wait_dma2 semaphore(%run_scoped3A : memref<!tpu.dma_semaphore, #tpu.memory_space<semaphore_mem>>) src(%dma_wait3A_22 : memref<12544xi32, #tpu.memory_space<hbm>>) dst(%arg6 : memref<12544xi32, #tpu.memory_space<vmem>>)
      tpu.yield
    }) : () -> ()
    %mul3A_5 = arith.constant 16 : i32
    %mul3A_6 = arith.muli %mul3A_2, %mul3A_5 : i32
    "tpu.region"() ({
      %run_scoped3A = tpu.sem_alloc : memref<!tpu.dma_semaphore, #tpu.memory_space<semaphore_mem>>
      %dma_start3A_20 = tpu.memref_slice %arg4[%mul3A_6] : memref<401408xf32, #tpu.memory_space<hbm>> -> memref<12544xf32, #tpu.memory_space<hbm>>
      %dma_start3A_21 = tpu.memref_slice %arg4[%mul3A_6] : memref<401408xf32, #tpu.memory_space<hbm>> -> memref<12544xf32, #tpu.memory_space<hbm>>
      tpu.enqueue_dma source(%dma_start3A_21 : memref<12544xf32, #tpu.memory_space<hbm>>) target(%arg7 : memref<12544xf32, #tpu.memory_space<vmem>>) target_semaphore(%run_scoped3A : memref<!tpu.dma_semaphore, #tpu.memory_space<semaphore_mem>>)
      %dma_wait3A = tpu.memref_slice %arg4[%mul3A_6] : memref<401408xf32, #tpu.memory_space<hbm>> -> memref<12544xf32, #tpu.memory_space<hbm>>
      %dma_wait3A_22 = tpu.memref_slice %arg4[%mul3A_6] : memref<401408xf32, #tpu.memory_space<hbm>> -> memref<12544xf32, #tpu.memory_space<hbm>>
      tpu.wait_dma2 semaphore(%run_scoped3A : memref<!tpu.dma_semaphore, #tpu.memory_space<semaphore_mem>>) src(%dma_wait3A_22 : memref<12544xf32, #tpu.memory_space<hbm>>) dst(%arg7 : memref<12544xf32, #tpu.memory_space<vmem>>)
      tpu.yield
    }) : () -> ()
    %dma_start3A = arith.constant 0 : i32
    %dma_start3A_7 = arith.constant 0 : i32
    %dma_start3A_8 = arith.constant 0 : i32
    %dma_start3A_9 = tpu.memref_slice %arg8[%dma_start3A, %dma_start3A_7, %dma_start3A_8] : memref<2x16x256xf32, #tpu.memory_space<vmem>> -> memref<1x16x256xf32, #tpu.memory_space<vmem>>
    %dma_start3A_10 = tpu.memref_squeeze %dma_start3A_9 : memref<1x16x256xf32, #tpu.memory_space<vmem>> -> memref<16x256xf32, #tpu.memory_space<vmem>>
    %dma_start3A_11 = arith.constant 0 : i32
    %dma_start3A_12 = tpu.memref_slice %arg6[%dma_start3A_11] : memref<12544xi32, #tpu.memory_space<vmem>> -> memref<16xi32, #tpu.memory_space<vmem>>
    %dma_start3A_13 = arith.constant 0 : i32
    %dma_start3A_14 = arith.constant 0 : i32
    %dma_start3A_15 = tpu.memref_slice %arg2[%dma_start3A_13, %dma_start3A_14] : memref<33024x256xf32, #tpu.memory_space<hbm>> -> memref<33024x256xf32, #tpu.memory_space<hbm>>
    tpu.enqueue_indirect_dma source(%dma_start3A_15 : memref<33024x256xf32, #tpu.memory_space<hbm>>) target(%dma_start3A_10 : memref<16x256xf32, #tpu.memory_space<vmem>>) offsets(%dma_start3A_12 : memref<16xi32, #tpu.memory_space<vmem>>) semaphore(%arg10 : memref<!tpu.dma_semaphore, #tpu.memory_space<semaphore_mem>>)
    %scan3A = arith.constant 0 : i32
    %scan3A_16 = arith.constant 7 : i32
    %scan3A_17 = arith.addi %scan3A, %scan3A_16 : i32
    %scan3A_18 = arith.constant 1 : i32
    scf.for %scan3A_20 = %scan3A to %scan3A_17 step %scan3A_18  : i32 {
      %mul3A_21 = arith.constant 112 : i32
      %mul3A_22 = arith.muli %scan3A_20, %mul3A_21 : i32
      %scan3A_23 = arith.constant 0 : i32
      %scan3A_24 = arith.constant 56 : i32
      %scan3A_25 = arith.addi %scan3A_23, %scan3A_24 : i32
      %scan3A_26 = arith.constant 1 : i32
      scf.for %scan3A_29 = %scan3A_23 to %scan3A_25 step %scan3A_26  : i32 {
        %mul3A_30 = arith.constant 2 : i32
        %mul3A_31 = arith.muli %scan3A_29, %mul3A_30 : i32
        %add3A_32 = arith.addi %mul3A_22, %mul3A_31 : i32
        %add3A_33 = arith.constant 0 : i32
        %add3A_34 = arith.addi %add3A_32, %add3A_33 : i32
        %add3A_35 = arith.constant 1 : i32
        %add3A_36 = arith.addi %add3A_34, %add3A_35 : i32
        %lt3A = arith.constant 784 : i32
        %lt3A_37 = arith.cmpi slt, %add3A_36, %lt3A : i32
        %convert_element_type3A = arith.extui %lt3A_37 : i1 to i32
        %cond3A = arith.constant 0 : i32
        %cond3A_38 = arith.cmpi ne, %convert_element_type3A, %cond3A : i32
        scf.if %cond3A_38 {
          %mul3A_5203 = arith.constant 16 : i32
          %mul3A_5204 = arith.muli %add3A_36, %mul3A_5203 : i32
          %dma_start3A_5205 = arith.constant 1 : i32
          %dma_start3A_5206 = arith.constant 0 : i32
          %dma_start3A_5207 = arith.constant 0 : i32
          %dma_start3A_5208 = tpu.memref_slice %arg8[%dma_start3A_5205, %dma_start3A_5206, %dma_start3A_5207] : memref<2x16x256xf32, #tpu.memory_space<vmem>> -> memref<1x16x256xf32, #tpu.memory_space<vmem>>
          %dma_start3A_5209 = tpu.memref_squeeze %dma_start3A_5208 : memref<1x16x256xf32, #tpu.memory_space<vmem>> -> memref<16x256xf32, #tpu.memory_space<vmem>>
          %dma_start3A_5210 = tpu.memref_slice %arg6[%mul3A_5204] : memref<12544xi32, #tpu.memory_space<vmem>> -> memref<16xi32, #tpu.memory_space<vmem>>
          %dma_start3A_5211 = arith.constant 0 : i32
          %dma_start3A_5212 = arith.constant 0 : i32
          %dma_start3A_5213 = tpu.memref_slice %arg2[%dma_start3A_5211, %dma_start3A_5212] : memref<33024x256xf32, #tpu.memory_space<hbm>> -> memref<33024x256xf32, #tpu.memory_space<hbm>>
          tpu.enqueue_indirect_dma source(%dma_start3A_5213 : memref<33024x256xf32, #tpu.memory_space<hbm>>) target(%dma_start3A_5209 : memref<16x256xf32, #tpu.memory_space<vmem>>) offsets(%dma_start3A_5210 : memref<16xi32, #tpu.memory_space<vmem>>) semaphore(%arg11 : memref<!tpu.dma_semaphore, #tpu.memory_space<semaphore_mem>>)
        } else {
        }
        %dma_wait3A = arith.constant 0 : i32
        %dma_wait3A_39 = arith.constant 0 : i32
        %dma_wait3A_40 = arith.constant 0 : i32
        %dma_wait3A_41 = tpu.memref_slice %arg8[%dma_wait3A, %dma_wait3A_39, %dma_wait3A_40] : memref<2x16x256xf32, #tpu.memory_space<vmem>> -> memref<1x16x256xf32, #tpu.memory_space<vmem>>
        %dma_wait3A_42 = tpu.memref_squeeze %dma_wait3A_41 : memref<1x16x256xf32, #tpu.memory_space<vmem>> -> memref<16x256xf32, #tpu.memory_space<vmem>>
        %dma_wait3A_43 = arith.constant 0 : i32
        %dma_wait3A_44 = tpu.memref_slice %arg6[%dma_wait3A_43] : memref<12544xi32, #tpu.memory_space<vmem>> -> memref<16xi32, #tpu.memory_space<vmem>>
        %dma_wait3A_45 = arith.constant 0 : i32
        %dma_wait3A_46 = arith.constant 0 : i32
        %dma_wait3A_47 = tpu.memref_slice %arg2[%dma_wait3A_45, %dma_wait3A_46] : memref<33024x256xf32, #tpu.memory_space<hbm>> -> memref<33024x256xf32, #tpu.memory_space<hbm>>
        tpu.wait_indirect_dma semaphore(%arg10 : memref<!tpu.dma_semaphore, #tpu.memory_space<semaphore_mem>>) src(%dma_wait3A_47 : memref<33024x256xf32, #tpu.memory_space<hbm>>) dst(%dma_wait3A_42 : memref<16x256xf32, #tpu.memory_space<vmem>>)
        %mul3A_48 = arith.constant 2 : i32
        %mul3A_49 = arith.muli %scan3A_29, %mul3A_48 : i32
        %add3A_50 = arith.constant 0 : i32
        %add3A_51 = arith.addi %mul3A_49, %add3A_50 : i32
        %mul3A_52 = arith.constant 16 : i32
        %mul3A_53 = arith.muli %add3A_34, %mul3A_52 : i32
        %get3A = arith.index_cast %mul3A_53 : i32 to index
        %get3A_54 = tpu.vector_load %arg7[%get3A] {strides = array<i32>} : memref<12544xf32, #tpu.memory_space<vmem>>, vector<16xf32>,
        %get3A_55 = vector.shape_cast %get3A_54 : vector<16xf32> to vector<16xf32>
        %broadcast_in_dim3A = arith.constant 0 : i32
        %broadcast_in_dim3A_56 = vector.broadcast %broadcast_in_dim3A : i32 to vector<16xi32>
        %lt3A_57 = arith.constant 0 : i32
        %lt3A_58 = vector.broadcast %lt3A_57 : i32 to vector<16xi32>
        %lt3A_59 = arith.cmpi slt, %broadcast_in_dim3A_56, %lt3A_58 : vector<16xi32>
        %add3A_60 = arith.constant 16 : i32
        %add3A_61 = vector.broadcast %add3A_60 : i32 to vector<16xi32>
        %add3A_62 = arith.addi %broadcast_in_dim3A_56, %add3A_61 : vector<16xi32>
        %select_n3A = arith.select %lt3A_59, %add3A_62, %broadcast_in_dim3A_56 : vector<16xi1>, vector<16xi32>
        %broadcast_in_dim3A_63 = vector.shape_cast %select_n3A : vector<16xi32> to vector<16x1xi32>
        %gather3A = vector.shape_cast %broadcast_in_dim3A_63 : vector<16x1xi32> to vector<16xi32>
        %gather3A_64 = tpu.dynamic_gather %get3A_55[%gather3A] in [0] : vector<16xf32>, vector<16xi32> -> vector<16xf32>
        %broadcast_in_dim3A_65 = arith.constant 1 : i32
        %broadcast_in_dim3A_66 = vector.broadcast %broadcast_in_dim3A_65 : i32 to vector<16xi32>
        %lt3A_67 = arith.constant 0 : i32
        %lt3A_68 = vector.broadcast %lt3A_67 : i32 to vector<16xi32>
        %lt3A_69 = arith.cmpi slt, %broadcast_in_dim3A_66, %lt3A_68 : vector<16xi32>
        %add3A_70 = arith.constant 16 : i32
        %add3A_71 = vector.broadcast %add3A_70 : i32 to vector<16xi32>
        %add3A_72 = arith.addi %broadcast_in_dim3A_66, %add3A_71 : vector<16xi32>
        %select_n3A_73 = arith.select %lt3A_69, %add3A_72, %broadcast_in_dim3A_66 : vector<16xi1>, vector<16xi32>
        %broadcast_in_dim3A_74 = vector.shape_cast %select_n3A_73 : vector<16xi32> to vector<16x1xi32>
        %gather3A_75 = vector.shape_cast %broadcast_in_dim3A_74 : vector<16x1xi32> to vector<16xi32>
        %gather3A_76 = tpu.dynamic_gather %get3A_55[%gather3A_75] in [0] : vector<16xf32>, vector<16xi32> -> vector<16xf32>
        %broadcast_in_dim3A_77 = arith.constant 2 : i32
        %broadcast_in_dim3A_78 = vector.broadcast %broadcast_in_dim3A_77 : i32 to vector<16xi32>
        %lt3A_79 = arith.constant 0 : i32
        %lt3A_80 = vector.broadcast %lt3A_79 : i32 to vector<16xi32>
        %lt3A_81 = arith.cmpi slt, %broadcast_in_dim3A_78, %lt3A_80 : vector<16xi32>
        %add3A_82 = arith.constant 16 : i32
        %add3A_83 = vector.broadcast %add3A_82 : i32 to vector<16xi32>
        %add3A_84 = arith.addi %broadcast_in_dim3A_78, %add3A_83 : vector<16xi32>
        %select_n3A_85 = arith.select %lt3A_81, %add3A_84, %broadcast_in_dim3A_78 : vector<16xi1>, vector<16xi32>
        %broadcast_in_dim3A_86 = vector.shape_cast %select_n3A_85 : vector<16xi32> to vector<16x1xi32>
        %gather3A_87 = vector.shape_cast %broadcast_in_dim3A_86 : vector<16x1xi32> to vector<16xi32>
        %gather3A_88 = tpu.dynamic_gather %get3A_55[%gather3A_87] in [0] : vector<16xf32>, vector<16xi32> -> vector<16xf32>
        %broadcast_in_dim3A_89 = arith.constant 3 : i32
        %broadcast_in_dim3A_90 = vector.broadcast %broadcast_in_dim3A_89 : i32 to vector<16xi32>
        %lt3A_91 = arith.constant 0 : i32
        %lt3A_92 = vector.broadcast %lt3A_91 : i32 to vector<16xi32>
        %lt3A_93 = arith.cmpi slt, %broadcast_in_dim3A_90, %lt3A_92 : vector<16xi32>
        %add3A_94 = arith.constant 16 : i32
        %add3A_95 = vector.broadcast %add3A_94 : i32 to vector<16xi32>
        %add3A_96 = arith.addi %broadcast_in_dim3A_90, %add3A_95 : vector<16xi32>
        %select_n3A_97 = arith.select %lt3A_93, %add3A_96, %broadcast_in_dim3A_90 : vector<16xi1>, vector<16xi32>
        %broadcast_in_dim3A_98 = vector.shape_cast %select_n3A_97 : vector<16xi32> to vector<16x1xi32>
        %gather3A_99 = vector.shape_cast %broadcast_in_dim3A_98 : vector<16x1xi32> to vector<16xi32>
        %gather3A_100 = tpu.dynamic_gather %get3A_55[%gather3A_99] in [0] : vector<16xf32>, vector<16xi32> -> vector<16xf32>
        %broadcast_in_dim3A_101 = arith.constant 4 : i32
        %broadcast_in_dim3A_102 = vector.broadcast %broadcast_in_dim3A_101 : i32 to vector<16xi32>
        %lt3A_103 = arith.constant 0 : i32
        %lt3A_104 = vector.broadcast %lt3A_103 : i32 to vector<16xi32>
        %lt3A_105 = arith.cmpi slt, %broadcast_in_dim3A_102, %lt3A_104 : vector<16xi32>
        %add3A_106 = arith.constant 16 : i32
        %add3A_107 = vector.broadcast %add3A_106 : i32 to vector<16xi32>
        %add3A_108 = arith.addi %broadcast_in_dim3A_102, %add3A_107 : vector<16xi32>
        %select_n3A_109 = arith.select %lt3A_105, %add3A_108, %broadcast_in_dim3A_102 : vector<16xi1>, vector<16xi32>
        %broadcast_in_dim3A_110 = vector.shape_cast %select_n3A_109 : vector<16xi32> to vector<16x1xi32>
        %gather3A_111 = vector.shape_cast %broadcast_in_dim3A_110 : vector<16x1xi32> to vector<16xi32>
        %gather3A_112 = tpu.dynamic_gather %get3A_55[%gather3A_111] in [0] : vector<16xf32>, vector<16xi32> -> vector<16xf32>
        %broadcast_in_dim3A_113 = arith.constant 5 : i32
        %broadcast_in_dim3A_114 = vector.broadcast %broadcast_in_dim3A_113 : i32 to vector<16xi32>
        %lt3A_115 = arith.constant 0 : i32
        %lt3A_116 = vector.broadcast %lt3A_115 : i32 to vector<16xi32>
        %lt3A_117 = arith.cmpi slt, %broadcast_in_dim3A_114, %lt3A_116 : vector<16xi32>
        %add3A_118 = arith.constant 16 : i32
        %add3A_119 = vector.broadcast %add3A_118 : i32 to vector<16xi32>
        %add3A_120 = arith.addi %broadcast_in_dim3A_114, %add3A_119 : vector<16xi32>
        %select_n3A_121 = arith.select %lt3A_117, %add3A_120, %broadcast_in_dim3A_114 : vector<16xi1>, vector<16xi32>
        %broadcast_in_dim3A_122 = vector.shape_cast %select_n3A_121 : vector<16xi32> to vector<16x1xi32>
        %gather3A_123 = vector.shape_cast %broadcast_in_dim3A_122 : vector<16x1xi32> to vector<16xi32>
        %gather3A_124 = tpu.dynamic_gather %get3A_55[%gather3A_123] in [0] : vector<16xf32>, vector<16xi32> -> vector<16xf32>
        %broadcast_in_dim3A_125 = arith.constant 6 : i32
        %broadcast_in_dim3A_126 = vector.broadcast %broadcast_in_dim3A_125 : i32 to vector<16xi32>
        %lt3A_127 = arith.constant 0 : i32
        %lt3A_128 = vector.broadcast %lt3A_127 : i32 to vector<16xi32>
        %lt3A_129 = arith.cmpi slt, %broadcast_in_dim3A_126, %lt3A_128 : vector<16xi32>
        %add3A_130 = arith.constant 16 : i32
        %add3A_131 = vector.broadcast %add3A_130 : i32 to vector<16xi32>
        %add3A_132 = arith.addi %broadcast_in_dim3A_126, %add3A_131 : vector<16xi32>
        %select_n3A_133 = arith.select %lt3A_129, %add3A_132, %broadcast_in_dim3A_126 : vector<16xi1>, vector<16xi32>
        %broadcast_in_dim3A_134 = vector.shape_cast %select_n3A_133 : vector<16xi32> to vector<16x1xi32>
        %gather3A_135 = vector.shape_cast %broadcast_in_dim3A_134 : vector<16x1xi32> to vector<16xi32>
        %gather3A_136 = tpu.dynamic_gather %get3A_55[%gather3A_135] in [0] : vector<16xf32>, vector<16xi32> -> vector<16xf32>
        %broadcast_in_dim3A_137 = arith.constant 7 : i32
        %broadcast_in_dim3A_138 = vector.broadcast %broadcast_in_dim3A_137 : i32 to vector<16xi32>
        %lt3A_139 = arith.constant 0 : i32
        %lt3A_140 = vector.broadcast %lt3A_139 : i32 to vector<16xi32>
        %lt3A_141 = arith.cmpi slt, %broadcast_in_dim3A_138, %lt3A_140 : vector<16xi32>
        %add3A_142 = arith.constant 16 : i32
        %add3A_143 = vector.broadcast %add3A_142 : i32 to vector<16xi32>
        %add3A_144 = arith.addi %broadcast_in_dim3A_138, %add3A_143 : vector<16xi32>
        %select_n3A_145 = arith.select %lt3A_141, %add3A_144, %broadcast_in_dim3A_138 : vector<16xi1>, vector<16xi32>
        %broadcast_in_dim3A_146 = vector.shape_cast %select_n3A_145 : vector<16xi32> to vector<16x1xi32>
        %gather3A_147 = vector.shape_cast %broadcast_in_dim3A_146 : vector<16x1xi32> to vector<16xi32>
        %gather3A_148 = tpu.dynamic_gather %get3A_55[%gather3A_147] in [0] : vector<16xf32>, vector<16xi32> -> vector<16xf32>
        %broadcast_in_dim3A_149 = arith.constant 8 : i32
        %broadcast_in_dim3A_150 = vector.broadcast %broadcast_in_dim3A_149 : i32 to vector<16xi32>
        %lt3A_151 = arith.constant 0 : i32
        %lt3A_152 = vector.broadcast %lt3A_151 : i32 to vector<16xi32>
        %lt3A_153 = arith.cmpi slt, %broadcast_in_dim3A_150, %lt3A_152 : vector<16xi32>
        %add3A_154 = arith.constant 16 : i32
        %add3A_155 = vector.broadcast %add3A_154 : i32 to vector<16xi32>
        %add3A_156 = arith.addi %broadcast_in_dim3A_150, %add3A_155 : vector<16xi32>
        %select_n3A_157 = arith.select %lt3A_153, %add3A_156, %broadcast_in_dim3A_150 : vector<16xi1>, vector<16xi32>
        %broadcast_in_dim3A_158 = vector.shape_cast %select_n3A_157 : vector<16xi32> to vector<16x1xi32>
        %gather3A_159 = vector.shape_cast %broadcast_in_dim3A_158 : vector<16x1xi32> to vector<16xi32>
        %gather3A_160 = tpu.dynamic_gather %get3A_55[%gather3A_159] in [0] : vector<16xf32>, vector<16xi32> -> vector<16xf32>
        %broadcast_in_dim3A_161 = arith.constant 9 : i32
        %broadcast_in_dim3A_162 = vector.broadcast %broadcast_in_dim3A_161 : i32 to vector<16xi32>
        %lt3A_163 = arith.constant 0 : i32
        %lt3A_164 = vector.broadcast %lt3A_163 : i32 to vector<16xi32>
        %lt3A_165 = arith.cmpi slt, %broadcast_in_dim3A_162, %lt3A_164 : vector<16xi32>
        %add3A_166 = arith.constant 16 : i32
        %add3A_167 = vector.broadcast %add3A_166 : i32 to vector<16xi32>
        %add3A_168 = arith.addi %broadcast_in_dim3A_162, %add3A_167 : vector<16xi32>
        %select_n3A_169 = arith.select %lt3A_165, %add3A_168, %broadcast_in_dim3A_162 : vector<16xi1>, vector<16xi32>
        %broadcast_in_dim3A_170 = vector.shape_cast %select_n3A_169 : vector<16xi32> to vector<16x1xi32>
        %gather3A_171 = vector.shape_cast %broadcast_in_dim3A_170 : vector<16x1xi32> to vector<16xi32>
        %gather3A_172 = tpu.dynamic_gather %get3A_55[%gather3A_171] in [0] : vector<16xf32>, vector<16xi32> -> vector<16xf32>
        %broadcast_in_dim3A_173 = arith.constant 10 : i32
        %broadcast_in_dim3A_174 = vector.broadcast %broadcast_in_dim3A_173 : i32 to vector<16xi32>
        %lt3A_175 = arith.constant 0 : i32
        %lt3A_176 = vector.broadcast %lt3A_175 : i32 to vector<16xi32>
        %lt3A_177 = arith.cmpi slt, %broadcast_in_dim3A_174, %lt3A_176 : vector<16xi32>
        %add3A_178 = arith.constant 16 : i32
        %add3A_179 = vector.broadcast %add3A_178 : i32 to vector<16xi32>
        %add3A_180 = arith.addi %broadcast_in_dim3A_174, %add3A_179 : vector<16xi32>
        %select_n3A_181 = arith.select %lt3A_177, %add3A_180, %broadcast_in_dim3A_174 : vector<16xi1>, vector<16xi32>
        %broadcast_in_dim3A_182 = vector.shape_cast %select_n3A_181 : vector<16xi32> to vector<16x1xi32>
        %gather3A_183 = vector.shape_cast %broadcast_in_dim3A_182 : vector<16x1xi32> to vector<16xi32>
        %gather3A_184 = tpu.dynamic_gather %get3A_55[%gather3A_183] in [0] : vector<16xf32>, vector<16xi32> -> vector<16xf32>
        %broadcast_in_dim3A_185 = arith.constant 11 : i32
        %broadcast_in_dim3A_186 = vector.broadcast %broadcast_in_dim3A_185 : i32 to vector<16xi32>
        %lt3A_187 = arith.constant 0 : i32
        %lt3A_188 = vector.broadcast %lt3A_187 : i32 to vector<16xi32>
        %lt3A_189 = arith.cmpi slt, %broadcast_in_dim3A_186, %lt3A_188 : vector<16xi32>
        %add3A_190 = arith.constant 16 : i32
        %add3A_191 = vector.broadcast %add3A_190 : i32 to vector<16xi32>
        %add3A_192 = arith.addi %broadcast_in_dim3A_186, %add3A_191 : vector<16xi32>
        %select_n3A_193 = arith.select %lt3A_189, %add3A_192, %broadcast_in_dim3A_186 : vector<16xi1>, vector<16xi32>
        %broadcast_in_dim3A_194 = vector.shape_cast %select_n3A_193 : vector<16xi32> to vector<16x1xi32>
        %gather3A_195 = vector.shape_cast %broadcast_in_dim3A_194 : vector<16x1xi32> to vector<16xi32>
        %gather3A_196 = tpu.dynamic_gather %get3A_55[%gather3A_195] in [0] : vector<16xf32>, vector<16xi32> -> vector<16xf32>
        %broadcast_in_dim3A_197 = arith.constant 12 : i32
        %broadcast_in_dim3A_198 = vector.broadcast %broadcast_in_dim3A_197 : i32 to vector<16xi32>
        %lt3A_199 = arith.constant 0 : i32
        %lt3A_200 = vector.broadcast %lt3A_199 : i32 to vector<16xi32>
        %lt3A_201 = arith.cmpi slt, %broadcast_in_dim3A_198, %lt3A_200 : vector<16xi32>
        %add3A_202 = arith.constant 16 : i32
        %add3A_203 = vector.broadcast %add3A_202 : i32 to vector<16xi32>
        %add3A_204 = arith.addi %broadcast_in_dim3A_198, %add3A_203 : vector<16xi32>
        %select_n3A_205 = arith.select %lt3A_201, %add3A_204, %broadcast_in_dim3A_198 : vector<16xi1>, vector<16xi32>
        %broadcast_in_dim3A_206 = vector.shape_cast %select_n3A_205 : vector<16xi32> to vector<16x1xi32>
        %gather3A_207 = vector.shape_cast %broadcast_in_dim3A_206 : vector<16x1xi32> to vector<16xi32>
        %gather3A_208 = tpu.dynamic_gather %get3A_55[%gather3A_207] in [0] : vector<16xf32>, vector<16xi32> -> vector<16xf32>
        %broadcast_in_dim3A_209 = arith.constant 13 : i32
        %broadcast_in_dim3A_210 = vector.broadcast %broadcast_in_dim3A_209 : i32 to vector<16xi32>
        %lt3A_211 = arith.constant 0 : i32
        %lt3A_212 = vector.broadcast %lt3A_211 : i32 to vector<16xi32>
        %lt3A_213 = arith.cmpi slt, %broadcast_in_dim3A_210, %lt3A_212 : vector<16xi32>
        %add3A_214 = arith.constant 16 : i32
        %add3A_215 = vector.broadcast %add3A_214 : i32 to vector<16xi32>
        %add3A_216 = arith.addi %broadcast_in_dim3A_210, %add3A_215 : vector<16xi32>
        %select_n3A_217 = arith.select %lt3A_213, %add3A_216, %broadcast_in_dim3A_210 : vector<16xi1>, vector<16xi32>
        %broadcast_in_dim3A_218 = vector.shape_cast %select_n3A_217 : vector<16xi32> to vector<16x1xi32>
        %gather3A_219 = vector.shape_cast %broadcast_in_dim3A_218 : vector<16x1xi32> to vector<16xi32>
        %gather3A_220 = tpu.dynamic_gather %get3A_55[%gather3A_219] in [0] : vector<16xf32>, vector<16xi32> -> vector<16xf32>
        %broadcast_in_dim3A_221 = arith.constant 14 : i32
        %broadcast_in_dim3A_222 = vector.broadcast %broadcast_in_dim3A_221 : i32 to vector<16xi32>
        %lt3A_223 = arith.constant 0 : i32
        %lt3A_224 = vector.broadcast %lt3A_223 : i32 to vector<16xi32>
        %lt3A_225 = arith.cmpi slt, %broadcast_in_dim3A_222, %lt3A_224 : vector<16xi32>
        %add3A_226 = arith.constant 16 : i32
        %add3A_227 = vector.broadcast %add3A_226 : i32 to vector<16xi32>
        %add3A_228 = arith.addi %broadcast_in_dim3A_222, %add3A_227 : vector<16xi32>
        %select_n3A_229 = arith.select %lt3A_225, %add3A_228, %broadcast_in_dim3A_222 : vector<16xi1>, vector<16xi32>
        %broadcast_in_dim3A_230 = vector.shape_cast %select_n3A_229 : vector<16xi32> to vector<16x1xi32>
        %gather3A_231 = vector.shape_cast %broadcast_in_dim3A_230 : vector<16x1xi32> to vector<16xi32>
        %gather3A_232 = tpu.dynamic_gather %get3A_55[%gather3A_231] in [0] : vector<16xf32>, vector<16xi32> -> vector<16xf32>
        %broadcast_in_dim3A_233 = arith.constant 15 : i32
        %broadcast_in_dim3A_234 = vector.broadcast %broadcast_in_dim3A_233 : i32 to vector<16xi32>
        %lt3A_235 = arith.constant 0 : i32
        %lt3A_236 = vector.broadcast %lt3A_235 : i32 to vector<16xi32>
        %lt3A_237 = arith.cmpi slt, %broadcast_in_dim3A_234, %lt3A_236 : vector<16xi32>
        %add3A_238 = arith.constant 16 : i32
        %add3A_239 = vector.broadcast %add3A_238 : i32 to vector<16xi32>
        %add3A_240 = arith.addi %broadcast_in_dim3A_234, %add3A_239 : vector<16xi32>
        %select_n3A_241 = arith.select %lt3A_237, %add3A_240, %broadcast_in_dim3A_234 : vector<16xi1>, vector<16xi32>
        %broadcast_in_dim3A_242 = vector.shape_cast %select_n3A_241 : vector<16xi32> to vector<16x1xi32>
        %gather3A_243 = vector.shape_cast %broadcast_in_dim3A_242 : vector<16x1xi32> to vector<16xi32>
        %gather3A_244 = tpu.dynamic_gather %get3A_55[%gather3A_243] in [0] : vector<16xf32>, vector<16xi32> -> vector<16xf32>
        %get3A_245 = arith.constant 0 : i32
        %get3A_246 = arith.constant 0 : i32
        %get3A_247 = arith.index_cast %get3A_245 : i32 to index
        %get3A_248 = arith.index_cast %get3A_246 : i32 to index
        %get3A_249 = arith.constant 0 : index
        %get3A_250 = tpu.vector_load %arg8[%get3A_247, %get3A_248, %get3A_249] {strides = array<i32>} : memref<2x16x256xf32, #tpu.memory_space<vmem>>, vector<1x1x16xf32>,
        %get3A_251 = vector.shape_cast %get3A_250 : vector<1x1x16xf32> to vector<16xf32>
        %mul3A_252 = arith.mulf %get3A_251, %gather3A_64 : vector<16xf32>
        %get3A_253 = arith.constant 0 : i32
        %get3A_254 = arith.constant 1 : i32
        %get3A_255 = arith.index_cast %get3A_253 : i32 to index
        %get3A_256 = arith.index_cast %get3A_254 : i32 to index
        %get3A_257 = arith.constant 0 : index
        %get3A_258 = tpu.vector_load %arg8[%get3A_255, %get3A_256, %get3A_257] {strides = array<i32>} : memref<2x16x256xf32, #tpu.memory_space<vmem>>, vector<1x1x16xf32>,
        %get3A_259 = vector.shape_cast %get3A_258 : vector<1x1x16xf32> to vector<16xf32>
        %mul3A_260 = arith.mulf %get3A_259, %gather3A_76 : vector<16xf32>
        %add3A_261 = arith.addf %mul3A_252, %mul3A_260 : vector<16xf32>
        %get3A_262 = arith.constant 0 : i32
        %get3A_263 = arith.constant 2 : i32
        %get3A_264 = arith.index_cast %get3A_262 : i32 to index
        %get3A_265 = arith.index_cast %get3A_263 : i32 to index
        %get3A_266 = arith.constant 0 : index
        %get3A_267 = tpu.vector_load %arg8[%get3A_264, %get3A_265, %get3A_266] {strides = array<i32>} : memref<2x16x256xf32, #tpu.memory_space<vmem>>, vector<1x1x16xf32>,
        %get3A_268 = vector.shape_cast %get3A_267 : vector<1x1x16xf32> to vector<16xf32>
        %mul3A_269 = arith.mulf %get3A_268, %gather3A_88 : vector<16xf32>
        %add3A_270 = arith.addf %add3A_261, %mul3A_269 : vector<16xf32>
        %get3A_271 = arith.constant 0 : i32
        %get3A_272 = arith.constant 3 : i32
        %get3A_273 = arith.index_cast %get3A_271 : i32 to index
        %get3A_274 = arith.index_cast %get3A_272 : i32 to index
        %get3A_275 = arith.constant 0 : index
        %get3A_276 = tpu.vector_load %arg8[%get3A_273, %get3A_274, %get3A_275] {strides = array<i32>} : memref<2x16x256xf32, #tpu.memory_space<vmem>>, vector<1x1x16xf32>,
        %get3A_277 = vector.shape_cast %get3A_276 : vector<1x1x16xf32> to vector<16xf32>
        %mul3A_278 = arith.mulf %get3A_277, %gather3A_100 : vector<16xf32>
        %add3A_279 = arith.addf %add3A_270, %mul3A_278 : vector<16xf32>
        %get3A_280 = arith.constant 0 : i32
        %get3A_281 = arith.constant 4 : i32
        %get3A_282 = arith.index_cast %get3A_280 : i32 to index
        %get3A_283 = arith.index_cast %get3A_281 : i32 to index
        %get3A_284 = arith.constant 0 : index
        %get3A_285 = tpu.vector_load %arg8[%get3A_282, %get3A_283, %get3A_284] {strides = array<i32>} : memref<2x16x256xf32, #tpu.memory_space<vmem>>, vector<1x1x16xf32>,
        %get3A_286 = vector.shape_cast %get3A_285 : vector<1x1x16xf32> to vector<16xf32>
        %mul3A_287 = arith.mulf %get3A_286, %gather3A_112 : vector<16xf32>
        %add3A_288 = arith.addf %add3A_279, %mul3A_287 : vector<16xf32>
        %get3A_289 = arith.constant 0 : i32
        %get3A_290 = arith.constant 5 : i32
        %get3A_291 = arith.index_cast %get3A_289 : i32 to index
        %get3A_292 = arith.index_cast %get3A_290 : i32 to index
        %get3A_293 = arith.constant 0 : index
        %get3A_294 = tpu.vector_load %arg8[%get3A_291, %get3A_292, %get3A_293] {strides = array<i32>} : memref<2x16x256xf32, #tpu.memory_space<vmem>>, vector<1x1x16xf32>,
        %get3A_295 = vector.shape_cast %get3A_294 : vector<1x1x16xf32> to vector<16xf32>
        %mul3A_296 = arith.mulf %get3A_295, %gather3A_124 : vector<16xf32>
        %add3A_297 = arith.addf %add3A_288, %mul3A_296 : vector<16xf32>
        %get3A_298 = arith.constant 0 : i32
        %get3A_299 = arith.constant 6 : i32
        %get3A_300 = arith.index_cast %get3A_298 : i32 to index
        %get3A_301 = arith.index_cast %get3A_299 : i32 to index
        %get3A_302 = arith.constant 0 : index
        %get3A_303 = tpu.vector_load %arg8[%get3A_300, %get3A_301, %get3A_302] {strides = array<i32>} : memref<2x16x256xf32, #tpu.memory_space<vmem>>, vector<1x1x16xf32>,
        %get3A_304 = vector.shape_cast %get3A_303 : vector<1x1x16xf32> to vector<16xf32>
        %mul3A_305 = arith.mulf %get3A_304, %gather3A_136 : vector<16xf32>
        %add3A_306 = arith.addf %add3A_297, %mul3A_305 : vector<16xf32>
        %get3A_307 = arith.constant 0 : i32
        %get3A_308 = arith.constant 7 : i32
        %get3A_309 = arith.index_cast %get3A_307 : i32 to index
        %get3A_310 = arith.index_cast %get3A_308 : i32 to index
        %get3A_311 = arith.constant 0 : index
        %get3A_312 = tpu.vector_load %arg8[%get3A_309, %get3A_310, %get3A_311] {strides = array<i32>} : memref<2x16x256xf32, #tpu.memory_space<vmem>>, vector<1x1x16xf32>,
        %get3A_313 = vector.shape_cast %get3A_312 : vector<1x1x16xf32> to vector<16xf32>
        %mul3A_314 = arith.mulf %get3A_313, %gather3A_148 : vector<16xf32>
        %add3A_315 = arith.addf %add3A_306, %mul3A_314 : vector<16xf32>
        %get3A_316 = arith.constant 0 : i32
        %get3A_317 = arith.constant 8 : i32
        %get3A_318 = arith.index_cast %get3A_316 : i32 to index
        %get3A_319 = arith.index_cast %get3A_317 : i32 to index
        %get3A_320 = arith.constant 0 : index
        %get3A_321 = tpu.vector_load %arg8[%get3A_318, %get3A_319, %get3A_320] {strides = array<i32>} : memref<2x16x256xf32, #tpu.memory_space<vmem>>, vector<1x1x16xf32>,
        %get3A_322 = vector.shape_cast %get3A_321 : vector<1x1x16xf32> to vector<16xf32>
        %mul3A_323 = arith.mulf %get3A_322, %gather3A_160 : vector<16xf32>
        %add3A_324 = arith.addf %add3A_315, %mul3A_323 : vector<16xf32>
        %get3A_325 = arith.constant 0 : i32
        %get3A_326 = arith.constant 9 : i32
        %get3A_327 = arith.index_cast %get3A_325 : i32 to index
        %get3A_328 = arith.index_cast %get3A_326 : i32 to index
        %get3A_329 = arith.constant 0 : index
        %get3A_330 = tpu.vector_load %arg8[%get3A_327, %get3A_328, %get3A_329] {strides = array<i32>} : memref<2x16x256xf32, #tpu.memory_space<vmem>>, vector<1x1x16xf32>,
        %get3A_331 = vector.shape_cast %get3A_330 : vector<1x1x16xf32> to vector<16xf32>
        %mul3A_332 = arith.mulf %get3A_331, %gather3A_172 : vector<16xf32>
        %add3A_333 = arith.addf %add3A_324, %mul3A_332 : vector<16xf32>
        %get3A_334 = arith.constant 0 : i32
        %get3A_335 = arith.constant 10 : i32
        %get3A_336 = arith.index_cast %get3A_334 : i32 to index
        %get3A_337 = arith.index_cast %get3A_335 : i32 to index
        %get3A_338 = arith.constant 0 : index
        %get3A_339 = tpu.vector_load %arg8[%get3A_336, %get3A_337, %get3A_338] {strides = array<i32>} : memref<2x16x256xf32, #tpu.memory_space<vmem>>, vector<1x1x16xf32>,
        %get3A_340 = vector.shape_cast %get3A_339 : vector<1x1x16xf32> to vector<16xf32>
        %mul3A_341 = arith.mulf %get3A_340, %gather3A_184 : vector<16xf32>
        %add3A_342 = arith.addf %add3A_333, %mul3A_341 : vector<16xf32>
        %get3A_343 = arith.constant 0 : i32
        %get3A_344 = arith.constant 11 : i32
        %get3A_345 = arith.index_cast %get3A_343 : i32 to index
        %get3A_346 = arith.index_cast %get3A_344 : i32 to index
        %get3A_347 = arith.constant 0 : index
        %get3A_348 = tpu.vector_load %arg8[%get3A_345, %get3A_346, %get3A_347] {strides = array<i32>} : memref<2x16x256xf32, #tpu.memory_space<vmem>>, vector<1x1x16xf32>,
        %get3A_349 = vector.shape_cast %get3A_348 : vector<1x1x16xf32> to vector<16xf32>
        %mul3A_350 = arith.mulf %get3A_349, %gather3A_196 : vector<16xf32>
        %add3A_351 = arith.addf %add3A_342, %mul3A_350 : vector<16xf32>
        %get3A_352 = arith.constant 0 : i32
        %get3A_353 = arith.constant 12 : i32
        %get3A_354 = arith.index_cast %get3A_352 : i32 to index
        %get3A_355 = arith.index_cast %get3A_353 : i32 to index
        %get3A_356 = arith.constant 0 : index
        %get3A_357 = tpu.vector_load %arg8[%get3A_354, %get3A_355, %get3A_356] {strides = array<i32>} : memref<2x16x256xf32, #tpu.memory_space<vmem>>, vector<1x1x16xf32>,
        %get3A_358 = vector.shape_cast %get3A_357 : vector<1x1x16xf32> to vector<16xf32>
        %mul3A_359 = arith.mulf %get3A_358, %gather3A_208 : vector<16xf32>
        %add3A_360 = arith.addf %add3A_351, %mul3A_359 : vector<16xf32>
        %get3A_361 = arith.constant 0 : i32
        %get3A_362 = arith.constant 13 : i32
        %get3A_363 = arith.index_cast %get3A_361 : i32 to index
        %get3A_364 = arith.index_cast %get3A_362 : i32 to index
        %get3A_365 = arith.constant 0 : index
        %get3A_366 = tpu.vector_load %arg8[%get3A_363, %get3A_364, %get3A_365] {strides = array<i32>} : memref<2x16x256xf32, #tpu.memory_space<vmem>>, vector<1x1x16xf32>,
        %get3A_367 = vector.shape_cast %get3A_366 : vector<1x1x16xf32> to vector<16xf32>
        %mul3A_368 = arith.mulf %get3A_367, %gather3A_220 : vector<16xf32>
        %add3A_369 = arith.addf %add3A_360, %mul3A_368 : vector<16xf32>
        %get3A_370 = arith.constant 0 : i32
        %get3A_371 = arith.constant 14 : i32
        %get3A_372 = arith.index_cast %get3A_370 : i32 to index
        %get3A_373 = arith.index_cast %get3A_371 : i32 to index
        %get3A_374 = arith.constant 0 : index
        %get3A_375 = tpu.vector_load %arg8[%get3A_372, %get3A_373, %get3A_374] {strides = array<i32>} : memref<2x16x256xf32, #tpu.memory_space<vmem>>, vector<1x1x16xf32>,
        %get3A_376 = vector.shape_cast %get3A_375 : vector<1x1x16xf32> to vector<16xf32>
        %mul3A_377 = arith.mulf %get3A_376, %gather3A_232 : vector<16xf32>
        %add3A_378 = arith.addf %add3A_369, %mul3A_377 : vector<16xf32>
        %get3A_379 = arith.constant 0 : i32
        %get3A_380 = arith.constant 15 : i32
        %get3A_381 = arith.index_cast %get3A_379 : i32 to index
        %get3A_382 = arith.index_cast %get3A_380 : i32 to index
        %get3A_383 = arith.constant 0 : index
        %get3A_384 = tpu.vector_load %arg8[%get3A_381, %get3A_382, %get3A_383] {strides = array<i32>} : memref<2x16x256xf32, #tpu.memory_space<vmem>>, vector<1x1x16xf32>,
        %get3A_385 = vector.shape_cast %get3A_384 : vector<1x1x16xf32> to vector<16xf32>
        %mul3A_386 = arith.mulf %get3A_385, %gather3A_244 : vector<16xf32>
        %add3A_387 = arith.addf %add3A_378, %mul3A_386 : vector<16xf32>
        %swap3A = arith.index_cast %add3A_51 : i32 to index
        %swap3A_388 = arith.constant 0 : index
        %swap3A_389 = tpu.vector_load %arg9[%swap3A, %swap3A_388] {strides = array<i32>} : memref<112x256xf32, #tpu.memory_space<vmem>>, vector<1x16xf32>,
        %swap3A_390 = vector.shape_cast %swap3A_389 : vector<1x16xf32> to vector<16xf32>
        %swap3A_391 = vector.shape_cast %add3A_387 : vector<16xf32> to vector<1x16xf32>
        tpu.vector_store %arg9[%swap3A, %swap3A_388], %swap3A_391 {strides = array<i32>} : memref<112x256xf32, #tpu.memory_space<vmem>>, vector<1x16xf32>,
        %get3A_392 = arith.constant 0 : i32
        %get3A_393 = arith.constant 0 : i32
        %get3A_394 = arith.index_cast %get3A_392 : i32 to index
        %get3A_395 = arith.index_cast %get3A_393 : i32 to index
        %get3A_396 = arith.constant 16 : index
        %get3A_397 = tpu.vector_load %arg8[%get3A_394, %get3A_395, %get3A_396] {strides = array<i32>} : memref<2x16x256xf32, #tpu.memory_space<vmem>>, vector<1x1x16xf32>,
        %get3A_398 = vector.shape_cast %get3A_397 : vector<1x1x16xf32> to vector<16xf32>
        %mul3A_399 = arith.mulf %get3A_398, %gather3A_64 : vector<16xf32>
        %get3A_400 = arith.constant 0 : i32
        %get3A_401 = arith.constant 1 : i32
        %get3A_402 = arith.index_cast %get3A_400 : i32 to index
        %get3A_403 = arith.index_cast %get3A_401 : i32 to index
        %get3A_404 = arith.constant 16 : index
        %get3A_405 = tpu.vector_load %arg8[%get3A_402, %get3A_403, %get3A_404] {strides = array<i32>} : memref<2x16x256xf32, #tpu.memory_space<vmem>>, vector<1x1x16xf32>,
        %get3A_406 = vector.shape_cast %get3A_405 : vector<1x1x16xf32> to vector<16xf32>
        %mul3A_407 = arith.mulf %get3A_406, %gather3A_76 : vector<16xf32>
        %add3A_408 = arith.addf %mul3A_399, %mul3A_407 : vector<16xf32>
        %get3A_409 = arith.constant 0 : i32
        %get3A_410 = arith.constant 2 : i32
        %get3A_411 = arith.index_cast %get3A_409 : i32 to index
        %get3A_412 = arith.index_cast %get3A_410 : i32 to index
        %get3A_413 = arith.constant 16 : index
        %get3A_414 = tpu.vector_load %arg8[%get3A_411, %get3A_412, %get3A_413] {strides = array<i32>} : memref<2x16x256xf32, #tpu.memory_space<vmem>>, vector<1x1x16xf32>,
        %get3A_415 = vector.shape_cast %get3A_414 : vector<1x1x16xf32> to vector<16xf32>
        %mul3A_416 = arith.mulf %get3A_415, %gather3A_88 : vector<16xf32>
        %add3A_417 = arith.addf %add3A_408, %mul3A_416 : vector<16xf32>
        %get3A_418 = arith.constant 0 : i32
        %get3A_419 = arith.constant 3 : i32
        %get3A_420 = arith.index_cast %get3A_418 : i32 to index
        %get3A_421 = arith.index_cast %get3A_419 : i32 to index
        %get3A_422 = arith.constant 16 : index
        %get3A_423 = tpu.vector_load %arg8[%get3A_420, %get3A_421, %get3A_422] {strides = array<i32>} : memref<2x16x256xf32, #tpu.memory_space<vmem>>, vector<1x1x16xf32>,
        %get3A_424 = vector.shape_cast %get3A_423 : vector<1x1x16xf32> to vector<16xf32>
        %mul3A_425 = arith.mulf %get3A_424, %gather3A_100 : vector<16xf32>
        %add3A_426 = arith.addf %add3A_417, %mul3A_425 : vector<16xf32>
        %get3A_427 = arith.constant 0 : i32
        %get3A_428 = arith.constant 4 : i32
        %get3A_429 = arith.index_cast %get3A_427 : i32 to index
        %get3A_430 = arith.index_cast %get3A_428 : i32 to index
        %get3A_431 = arith.constant 16 : index
        %get3A_432 = tpu.vector_load %arg8[%get3A_429, %get3A_430, %get3A_431] {strides = array<i32>} : memref<2x16x256xf32, #tpu.memory_space<vmem>>, vector<1x1x16xf32>,
        %get3A_433 = vector.shape_cast %get3A_432 : vector<1x1x16xf32> to vector<16xf32>
        %mul3A_434 = arith.mulf %get3A_433, %gather3A_112 : vector<16xf32>
        %add3A_435 = arith.addf %add3A_426, %mul3A_434 : vector<16xf32>
        %get3A_436 = arith.constant 0 : i32
        %get3A_437 = arith.constant 5 : i32
        %get3A_438 = arith.index_cast %get3A_436 : i32 to index
        %get3A_439 = arith.index_cast %get3A_437 : i32 to index
        %get3A_440 = arith.constant 16 : index
        %get3A_441 = tpu.vector_load %arg8[%get3A_438, %get3A_439, %get3A_440] {strides = array<i32>} : memref<2x16x256xf32, #tpu.memory_space<vmem>>, vector<1x1x16xf32>,
        %get3A_442 = vector.shape_cast %get3A_441 : vector<1x1x16xf32> to vector<16xf32>
        %mul3A_443 = arith.mulf %get3A_442, %gather3A_124 : vector<16xf32>
        %add3A_444 = arith.addf %add3A_435, %mul3A_443 : vector<16xf32>
        %get3A_445 = arith.constant 0 : i32
        %get3A_446 = arith.constant 6 : i32
        %get3A_447 = arith.index_cast %get3A_445 : i32 to index
        %get3A_448 = arith.index_cast %get3A_446 : i32 to index
        %get3A_449 = arith.constant 16 : index
        %get3A_450 = tpu.vector_load %arg8[%get3A_447, %get3A_448, %get3A_449] {strides = array<i32>} : memref<2x16x256xf32, #tpu.memory_space<vmem>>, vector<1x1x16xf32>,
        %get3A_451 = vector.shape_cast %get3A_450 : vector<1x1x16xf32> to vector<16xf32>
        %mul3A_452 = arith.mulf %get3A_451, %gather3A_136 : vector<16xf32>
        %add3A_453 = arith.addf %add3A_444, %mul3A_452 : vector<16xf32>
        %get3A_454 = arith.constant 0 : i32
        %get3A_455 = arith.constant 7 : i32
        %get3A_456 = arith.index_cast %get3A_454 : i32 to index
        %get3A_457 = arith.index_cast %get3A_455 : i32 to index
        %get3A_458 = arith.constant 16 : index
        %get3A_459 = tpu.vector_load %arg8[%get3A_456, %get3A_457, %get3A_458] {strides = array<i32>} : memref<2x16x256xf32, #tpu.memory_space<vmem>>, vector<1x1x16xf32>,
        %get3A_460 = vector.shape_cast %get3A_459 : vector<1x1x16xf32> to vector<16xf32>
        %mul3A_461 = arith.mulf %get3A_460, %gather3A_148 : vector<16xf32>
        %add3A_462 = arith.addf %add3A_453, %mul3A_461 : vector<16xf32>
        %get3A_463 = arith.constant 0 : i32
        %get3A_464 = arith.constant 8 : i32
        %get3A_465 = arith.index_cast %get3A_463 : i32 to index
        %get3A_466 = arith.index_cast %get3A_464 : i32 to index
        %get3A_467 = arith.constant 16 : index
        %get3A_468 = tpu.vector_load %arg8[%get3A_465, %get3A_466, %get3A_467] {strides = array<i32>} : memref<2x16x256xf32, #tpu.memory_space<vmem>>, vector<1x1x16xf32>,
        %get3A_469 = vector.shape_cast %get3A_468 : vector<1x1x16xf32> to vector<16xf32>
        %mul3A_470 = arith.mulf %get3A_469, %gather3A_160 : vector<16xf32>
        %add3A_471 = arith.addf %add3A_462, %mul3A_470 : vector<16xf32>
        %get3A_472 = arith.constant 0 : i32
        %get3A_473 = arith.constant 9 : i32
        %get3A_474 = arith.index_cast %get3A_472 : i32 to index
        %get3A_475 = arith.index_cast %get3A_473 : i32 to index
        %get3A_476 = arith.constant 16 : index
        %get3A_477 = tpu.vector_load %arg8[%get3A_474, %get3A_475, %get3A_476] {strides = array<i32>} : memref<2x16x256xf32, #tpu.memory_space<vmem>>, vector<1x1x16xf32>,
        %get3A_478 = vector.shape_cast %get3A_477 : vector<1x1x16xf32> to vector<16xf32>
        %mul3A_479 = arith.mulf %get3A_478, %gather3A_172 : vector<16xf32>
        %add3A_480 = arith.addf %add3A_471, %mul3A_479 : vector<16xf32>
        %get3A_481 = arith.constant 0 : i32
        %get3A_482 = arith.constant 10 : i32
        %get3A_483 = arith.index_cast %get3A_481 : i32 to index
        %get3A_484 = arith.index_cast %get3A_482 : i32 to index
        %get3A_485 = arith.constant 16 : index
        %get3A_486 = tpu.vector_load %arg8[%get3A_483, %get3A_484, %get3A_485] {strides = array<i32>} : memref<2x16x256xf32, #tpu.memory_space<vmem>>, vector<1x1x16xf32>,
        %get3A_487 = vector.shape_cast %get3A_486 : vector<1x1x16xf32> to vector<16xf32>
        %mul3A_488 = arith.mulf %get3A_487, %gather3A_184 : vector<16xf32>
        %add3A_489 = arith.addf %add3A_480, %mul3A_488 : vector<16xf32>
        %get3A_490 = arith.constant 0 : i32
        %get3A_491 = arith.constant 11 : i32
        %get3A_492 = arith.index_cast %get3A_490 : i32 to index
        %get3A_493 = arith.index_cast %get3A_491 : i32 to index
        %get3A_494 = arith.constant 16 : index
        %get3A_495 = tpu.vector_load %arg8[%get3A_492, %get3A_493, %get3A_494] {strides = array<i32>} : memref<2x16x256xf32, #tpu.memory_space<vmem>>, vector<1x1x16xf32>,
        %get3A_496 = vector.shape_cast %get3A_495 : vector<1x1x16xf32> to vector<16xf32>
        %mul3A_497 = arith.mulf %get3A_496, %gather3A_196 : vector<16xf32>
        %add3A_498 = arith.addf %add3A_489, %mul3A_497 : vector<16xf32>
        %get3A_499 = arith.constant 0 : i32
        %get3A_500 = arith.constant 12 : i32
        %get3A_501 = arith.index_cast %get3A_499 : i32 to index
        %get3A_502 = arith.index_cast %get3A_500 : i32 to index
        %get3A_503 = arith.constant 16 : index
        %get3A_504 = tpu.vector_load %arg8[%get3A_501, %get3A_502, %get3A_503] {strides = array<i32>} : memref<2x16x256xf32, #tpu.memory_space<vmem>>, vector<1x1x16xf32>,
        %get3A_505 = vector.shape_cast %get3A_504 : vector<1x1x16xf32> to vector<16xf32>
        %mul3A_506 = arith.mulf %get3A_505, %gather3A_208 : vector<16xf32>
        %add3A_507 = arith.addf %add3A_498, %mul3A_506 : vector<16xf32>
        %get3A_508 = arith.constant 0 : i32
        %get3A_509 = arith.constant 13 : i32
        %get3A_510 = arith.index_cast %get3A_508 : i32 to index
        %get3A_511 = arith.index_cast %get3A_509 : i32 to index
        %get3A_512 = arith.constant 16 : index
        %get3A_513 = tpu.vector_load %arg8[%get3A_510, %get3A_511, %get3A_512] {strides = array<i32>} : memref<2x16x256xf32, #tpu.memory_space<vmem>>, vector<1x1x16xf32>,
        %get3A_514 = vector.shape_cast %get3A_513 : vector<1x1x16xf32> to vector<16xf32>
        %mul3A_515 = arith.mulf %get3A_514, %gather3A_220 : vector<16xf32>
        %add3A_516 = arith.addf %add3A_507, %mul3A_515 : vector<16xf32>
        %get3A_517 = arith.constant 0 : i32
        %get3A_518 = arith.constant 14 : i32
        %get3A_519 = arith.index_cast %get3A_517 : i32 to index
        %get3A_520 = arith.index_cast %get3A_518 : i32 to index
        %get3A_521 = arith.constant 16 : index
        %get3A_522 = tpu.vector_load %arg8[%get3A_519, %get3A_520, %get3A_521] {strides = array<i32>} : memref<2x16x256xf32, #tpu.memory_space<vmem>>, vector<1x1x16xf32>,
        %get3A_523 = vector.shape_cast %get3A_522 : vector<1x1x16xf32> to vector<16xf32>
        %mul3A_524 = arith.mulf %get3A_523, %gather3A_232 : vector<16xf32>
        %add3A_525 = arith.addf %add3A_516, %mul3A_524 : vector<16xf32>
        %get3A_526 = arith.constant 0 : i32
        %get3A_527 = arith.constant 15 : i32
        %get3A_528 = arith.index_cast %get3A_526 : i32 to index
        %get3A_529 = arith.index_cast %get3A_527 : i32 to index
        %get3A_530 = arith.constant 16 : index
        %get3A_531 = tpu.vector_load %arg8[%get3A_528, %get3A_529, %get3A_530] {strides = array<i32>} : memref<2x16x256xf32, #tpu.memory_space<vmem>>, vector<1x1x16xf32>,
        %get3A_532 = vector.shape_cast %get3A_531 : vector<1x1x16xf32> to vector<16xf32>
        %mul3A_533 = arith.mulf %get3A_532, %gather3A_244 : vector<16xf32>
        %add3A_534 = arith.addf %add3A_525, %mul3A_533 : vector<16xf32>
        %swap3A_535 = arith.index_cast %add3A_51 : i32 to index
        %swap3A_536 = arith.constant 16 : index
        %swap3A_537 = tpu.vector_load %arg9[%swap3A_535, %swap3A_536] {strides = array<i32>} : memref<112x256xf32, #tpu.memory_space<vmem>>, vector<1x16xf32>,
        %swap3A_538 = vector.shape_cast %swap3A_537 : vector<1x16xf32> to vector<16xf32>
        %swap3A_539 = vector.shape_cast %add3A_534 : vector<16xf32> to vector<1x16xf32>
        tpu.vector_store %arg9[%swap3A_535, %swap3A_536], %swap3A_539 {strides = array<i32>} : memref<112x256xf32, #tpu.memory_space<vmem>>, vector<1x16xf32>,
        %get3A_540 = arith.constant 0 : i32
        %get3A_541 = arith.constant 0 : i32
        %get3A_542 = arith.index_cast %get3A_540 : i32 to index
        %get3A_543 = arith.index_cast %get3A_541 : i32 to index
        %get3A_544 = arith.constant 32 : index
        %get3A_545 = tpu.vector_load %arg8[%get3A_542, %get3A_543, %get3A_544] {strides = array<i32>} : memref<2x16x256xf32, #tpu.memory_space<vmem>>, vector<1x1x16xf32>,
        %get3A_546 = vector.shape_cast %get3A_545 : vector<1x1x16xf32> to vector<16xf32>
        %mul3A_547 = arith.mulf %get3A_546, %gather3A_64 : vector<16xf32>
        %get3A_548 = arith.constant 0 : i32
        %get3A_549 = arith.constant 1 : i32
        %get3A_550 = arith.index_cast %get3A_548 : i32 to index
        %get3A_551 = arith.index_cast %get3A_549 : i32 to index
        %get3A_552 = arith.constant 32 : index
        %get3A_553 = tpu.vector_load %arg8[%get3A_550, %get3A_551, %get3A_552] {strides = array<i32>} : memref<2x16x256xf32, #tpu.memory_space<vmem>>, vector<1x1x16xf32>,
        %get3A_554 = vector.shape_cast %get3A_553 : vector<1x1x16xf32> to vector<16xf32>
        %mul3A_555 = arith.mulf %get3A_554, %gather3A_76 : vector<16xf32>
        %add3A_556 = arith.addf %mul3A_547, %mul3A_555 : vector<16xf32>
        %get3A_557 = arith.constant 0 : i32
        %get3A_558 = arith.constant 2 : i32
        %get3A_559 = arith.index_cast %get3A_557 : i32 to index
        %get3A_560 = arith.index_cast %get3A_558 : i32 to index
        %get3A_561 = arith.constant 32 : index
        %get3A_562 = tpu.vector_load %arg8[%get3A_559, %get3A_560, %get3A_561] {strides = array<i32>} : memref<2x16x256xf32, #tpu.memory_space<vmem>>, vector<1x1x16xf32>,
        %get3A_563 = vector.shape_cast %get3A_562 : vector<1x1x16xf32> to vector<16xf32>
        %mul3A_564 = arith.mulf %get3A_563, %gather3A_88 : vector<16xf32>
        %add3A_565 = arith.addf %add3A_556, %mul3A_564 : vector<16xf32>
        %get3A_566 = arith.constant 0 : i32
        %get3A_567 = arith.constant 3 : i32
        %get3A_568 = arith.index_cast %get3A_566 : i32 to index
        %get3A_569 = arith.index_cast %get3A_567 : i32 to index
        %get3A_570 = arith.constant 32 : index
        %get3A_571 = tpu.vector_load %arg8[%get3A_568, %get3A_569, %get3A_570] {strides = array<i32>} : memref<2x16x256xf32, #tpu.memory_space<vmem>>, vector<1x1x16xf32>,
        %get3A_572 = vector.shape_cast %get3A_571 : vector<1x1x16xf32> to vector<16xf32>
        %mul3A_573 = arith.mulf %get3A_572, %gather3A_100 : vector<16xf32>
        %add3A_574 = arith.addf %add3A_565, %mul3A_573 : vector<16xf32>
        %get3A_575 = arith.constant 0 : i32
        %get3A_576 = arith.constant 4 : i32
        %get3A_577 = arith.index_cast %get3A_575 : i32 to index
        %get3A_578 = arith.index_cast %get3A_576 : i32 to index
        %get3A_579 = arith.constant 32 : index
        %get3A_580 = tpu.vector_load %arg8[%get3A_577, %get3A_578, %get3A_579] {strides = array<i32>} : memref<2x16x256xf32, #tpu.memory_space<vmem>>, vector<1x1x16xf32>,
        %get3A_581 = vector.shape_cast %get3A_580 : vector<1x1x16xf32> to vector<16xf32>
        %mul3A_582 = arith.mulf %get3A_581, %gather3A_112 : vector<16xf32>
        %add3A_583 = arith.addf %add3A_574, %mul3A_582 : vector<16xf32>
        %get3A_584 = arith.constant 0 : i32
        %get3A_585 = arith.constant 5 : i32
        %get3A_586 = arith.index_cast %get3A_584 : i32 to index
        %get3A_587 = arith.index_cast %get3A_585 : i32 to index
        %get3A_588 = arith.constant 32 : index
        %get3A_589 = tpu.vector_load %arg8[%get3A_586, %get3A_587, %get3A_588] {strides = array<i32>} : memref<2x16x256xf32, #tpu.memory_space<vmem>>, vector<1x1x16xf32>,
        %get3A_590 = vector.shape_cast %get3A_589 : vector<1x1x16xf32> to vector<16xf32>
        %mul3A_591 = arith.mulf %get3A_590, %gather3A_124 : vector<16xf32>
        %add3A_592 = arith.addf %add3A_583, %mul3A_591 : vector<16xf32>
        %get3A_593 = arith.constant 0 : i32
        %get3A_594 = arith.constant 6 : i32
        %get3A_595 = arith.index_cast %get3A_593 : i32 to index
        %get3A_596 = arith.index_cast %get3A_594 : i32 to index
        %get3A_597 = arith.constant 32 : index
        %get3A_598 = tpu.vector_load %arg8[%get3A_595, %get3A_596, %get3A_597] {strides = array<i32>} : memref<2x16x256xf32, #tpu.memory_space<vmem>>, vector<1x1x16xf32>,
        %get3A_599 = vector.shape_cast %get3A_598 : vector<1x1x16xf32> to vector<16xf32>
        %mul3A_600 = arith.mulf %get3A_599, %gather3A_136 : vector<16xf32>
        %add3A_601 = arith.addf %add3A_592, %mul3A_600 : vector<16xf32>
        %get3A_602 = arith.constant 0 : i32
        %get3A_603 = arith.constant 7 : i32
        %get3A_604 = arith.index_cast %get3A_602 : i32 to index
        %get3A_605 = arith.index_cast %get3A_603 : i32 to index
        %get3A_606 = arith.constant 32 : index
        %get3A_607 = tpu.vector_load %arg8[%get3A_604, %get3A_605, %get3A_606] {strides = array<i32>} : memref<2x16x256xf32, #tpu.memory_space<vmem>>, vector<1x1x16xf32>,
        %get3A_608 = vector.shape_cast %get3A_607 : vector<1x1x16xf32> to vector<16xf32>
        %mul3A_609 = arith.mulf %get3A_608, %gather3A_148 : vector<16xf32>
        %add3A_610 = arith.addf %add3A_601, %mul3A_609 : vector<16xf32>
        %get3A_611 = arith.constant 0 : i32
        %get3A_612 = arith.constant 8 : i32
        %get3A_613 = arith.index_cast %get3A_611 : i32 to index
        %get3A_614 = arith.index_cast %get3A_612 : i32 to index
        %get3A_615 = arith.constant 32 : index
        %get3A_616 = tpu.vector_load %arg8[%get3A_613, %get3A_614, %get3A_615] {strides = array<i32>} : memref<2x16x256xf32, #tpu.memory_space<vmem>>, vector<1x1x16xf32>,
        %get3A_617 = vector.shape_cast %get3A_616 : vector<1x1x16xf32> to vector<16xf32>
        %mul3A_618 = arith.mulf %get3A_617, %gather3A_160 : vector<16xf32>
        %add3A_619 = arith.addf %add3A_610, %mul3A_618 : vector<16xf32>
        %get3A_620 = arith.constant 0 : i32
        %get3A_621 = arith.constant 9 : i32
        %get3A_622 = arith.index_cast %get3A_620 : i32 to index
        %get3A_623 = arith.index_cast %get3A_621 : i32 to index
        %get3A_624 = arith.constant 32 : index
        %get3A_625 = tpu.vector_load %arg8[%get3A_622, %get3A_623, %get3A_624] {strides = array<i32>} : memref<2x16x256xf32, #tpu.memory_space<vmem>>, vector<1x1x16xf32>,
        %get3A_626 = vector.shape_cast %get3A_625 : vector<1x1x16xf32> to vector<16xf32>
        %mul3A_627 = arith.mulf %get3A_626, %gather3A_172 : vector<16xf32>
        %add3A_628 = arith.addf %add3A_619, %mul3A_627 : vector<16xf32>
        %get3A_629 = arith.constant 0 : i32
        %get3A_630 = arith.constant 10 : i32
        %get3A_631 = arith.index_cast %get3A_629 : i32 to index
        %get3A_632 = arith.index_cast %get3A_630 : i32 to index
        %get3A_633 = arith.constant 32 : index
        %get3A_634 = tpu.vector_load %arg8[%get3A_631, %get3A_632, %get3A_633] {strides = array<i32>} : memref<2x16x256xf32, #tpu.memory_space<vmem>>, vector<1x1x16xf32>,
        %get3A_635 = vector.shape_cast %get3A_634 : vector<1x1x16xf32> to vector<16xf32>
        %mul3A_636 = arith.mulf %get3A_635, %gather3A_184 : vector<16xf32>
        %add3A_637 = arith.addf %add3A_628, %mul3A_636 : vector<16xf32>
        %get3A_638 = arith.constant 0 : i32
        %get3A_639 = arith.constant 11 : i32
        %get3A_640 = arith.index_cast %get3A_638 : i32 to index
        %get3A_641 = arith.index_cast %get3A_639 : i32 to index
        %get3A_642 = arith.constant 32 : index
        %get3A_643 = tpu.vector_load %arg8[%get3A_640, %get3A_641, %get3A_642] {strides = array<i32>} : memref<2x16x256xf32, #tpu.memory_space<vmem>>, vector<1x1x16xf32>,
        %get3A_644 = vector.shape_cast %get3A_643 : vector<1x1x16xf32> to vector<16xf32>
        %mul3A_645 = arith.mulf %get3A_644, %gather3A_196 : vector<16xf32>
        %add3A_646 = arith.addf %add3A_637, %mul3A_645 : vector<16xf32>
        %get3A_647 = arith.constant 0 : i32
        %get3A_648 = arith.constant 12 : i32
        %get3A_649 = arith.index_cast %get3A_647 : i32 to index
        %get3A_650 = arith.index_cast %get3A_648 : i32 to index
        %get3A_651 = arith.constant 32 : index
        %get3A_652 = tpu.vector_load %arg8[%get3A_649, %get3A_650, %get3A_651] {strides = array<i32>} : memref<2x16x256xf32, #tpu.memory_space<vmem>>, vector<1x1x16xf32>,
        %get3A_653 = vector.shape_cast %get3A_652 : vector<1x1x16xf32> to vector<16xf32>
        %mul3A_654 = arith.mulf %get3A_653, %gather3A_208 : vector<16xf32>
        %add3A_655 = arith.addf %add3A_646, %mul3A_654 : vector<16xf32>
        %get3A_656 = arith.constant 0 : i32
        %get3A_657 = arith.constant 13 : i32
        %get3A_658 = arith.index_cast %get3A_656 : i32 to index
        %get3A_659 = arith.index_cast %get3A_657 : i32 to index
        %get3A_660 = arith.constant 32 : index
        %get3A_661 = tpu.vector_load %arg8[%get3A_658, %get3A_659, %get3A_660] {strides = array<i32>} : memref<2x16x256xf32, #tpu.memory_space<vmem>>, vector<1x1x16xf32>,
        %get3A_662 = vector.shape_cast %get3A_661 : vector<1x1x16xf32> to vector<16xf32>
        %mul3A_663 = arith.mulf %get3A_662, %gather3A_220 : vector<16xf32>
        %add3A_664 = arith.addf %add3A_655, %mul3A_663 : vector<16xf32>
        %get3A_665 = arith.constant 0 : i32
        %get3A_666 = arith.constant 14 : i32
        %get3A_667 = arith.index_cast %get3A_665 : i32 to index
        %get3A_668 = arith.index_cast %get3A_666 : i32 to index
        %get3A_669 = arith.constant 32 : index
        %get3A_670 = tpu.vector_load %arg8[%get3A_667, %get3A_668, %get3A_669] {strides = array<i32>} : memref<2x16x256xf32, #tpu.memory_space<vmem>>, vector<1x1x16xf32>,
        %get3A_671 = vector.shape_cast %get3A_670 : vector<1x1x16xf32> to vector<16xf32>
        %mul3A_672 = arith.mulf %get3A_671, %gather3A_232 : vector<16xf32>
        %add3A_673 = arith.addf %add3A_664, %mul3A_672 : vector<16xf32>
        %get3A_674 = arith.constant 0 : i32
        %get3A_675 = arith.constant 15 : i32
        %get3A_676 = arith.index_cast %get3A_674 : i32 to index
        %get3A_677 = arith.index_cast %get3A_675 : i32 to index
        %get3A_678 = arith.constant 32 : index
        %get3A_679 = tpu.vector_load %arg8[%get3A_676, %get3A_677, %get3A_678] {strides = array<i32>} : memref<2x16x256xf32, #tpu.memory_space<vmem>>, vector<1x1x16xf32>,
        %get3A_680 = vector.shape_cast %get3A_679 : vector<1x1x16xf32> to vector<16xf32>
        %mul3A_681 = arith.mulf %get3A_680, %gather3A_244 : vector<16xf32>
        %add3A_682 = arith.addf %add3A_673, %mul3A_681 : vector<16xf32>
        %swap3A_683 = arith.index_cast %add3A_51 : i32 to index
        %swap3A_684 = arith.constant 32 : index
        %swap3A_685 = tpu.vector_load %arg9[%swap3A_683, %swap3A_684] {strides = array<i32>} : memref<112x256xf32, #tpu.memory_space<vmem>>, vector<1x16xf32>,
        %swap3A_686 = vector.shape_cast %swap3A_685 : vector<1x16xf32> to vector<16xf32>
        %swap3A_687 = vector.shape_cast %add3A_682 : vector<16xf32> to vector<1x16xf32>
        tpu.vector_store %arg9[%swap3A_683, %swap3A_684], %swap3A_687 {strides = array<i32>} : memref<112x256xf32, #tpu.memory_space<vmem>>, vector<1x16xf32>,
        %get3A_688 = arith.constant 0 : i32
        %get3A_689 = arith.constant 0 : i32
        %get3A_690 = arith.index_cast %get3A_688 : i32 to index
        %get3A_691 = arith.index_cast %get3A_689 : i32 to index
        %get3A_692 = arith.constant 48 : index
        %get3A_693 = tpu.vector_load %arg8[%get3A_690, %get3A_691, %get3A_692] {strides = array<i32>} : memref<2x16x256xf32, #tpu.memory_space<vmem>>, vector<1x1x16xf32>,
        %get3A_694 = vector.shape_cast %get3A_693 : vector<1x1x16xf32> to vector<16xf32>
        %mul3A_695 = arith.mulf %get3A_694, %gather3A_64 : vector<16xf32>
        %get3A_696 = arith.constant 0 : i32
        %get3A_697 = arith.constant 1 : i32
        %get3A_698 = arith.index_cast %get3A_696 : i32 to index
        %get3A_699 = arith.index_cast %get3A_697 : i32 to index
        %get3A_700 = arith.constant 48 : index
        %get3A_701 = tpu.vector_load %arg8[%get3A_698, %get3A_699, %get3A_700] {strides = array<i32>} : memref<2x16x256xf32, #tpu.memory_space<vmem>>, vector<1x1x16xf32>,
        %get3A_702 = vector.shape_cast %get3A_701 : vector<1x1x16xf32> to vector<16xf32>
        %mul3A_703 = arith.mulf %get3A_702, %gather3A_76 : vector<16xf32>
        %add3A_704 = arith.addf %mul3A_695, %mul3A_703 : vector<16xf32>
        %get3A_705 = arith.constant 0 : i32
        %get3A_706 = arith.constant 2 : i32
        %get3A_707 = arith.index_cast %get3A_705 : i32 to index
        %get3A_708 = arith.index_cast %get3A_706 : i32 to index
        %get3A_709 = arith.constant 48 : index
        %get3A_710 = tpu.vector_load %arg8[%get3A_707, %get3A_708, %get3A_709] {strides = array<i32>} : memref<2x16x256xf32, #tpu.memory_space<vmem>>, vector<1x1x16xf32>,
        %get3A_711 = vector.shape_cast %get3A_710 : vector<1x1x16xf32> to vector<16xf32>
        %mul3A_712 = arith.mulf %get3A_711, %gather3A_88 : vector<16xf32>
        %add3A_713 = arith.addf %add3A_704, %mul3A_712 : vector<16xf32>
        %get3A_714 = arith.constant 0 : i32
        %get3A_715 = arith.constant 3 : i32
        %get3A_716 = arith.index_cast %get3A_714 : i32 to index
        %get3A_717 = arith.index_cast %get3A_715 : i32 to index
        %get3A_718 = arith.constant 48 : index
        %get3A_719 = tpu.vector_load %arg8[%get3A_716, %get3A_717, %get3A_718] {strides = array<i32>} : memref<2x16x256xf32, #tpu.memory_space<vmem>>, vector<1x1x16xf32>,
        %get3A_720 = vector.shape_cast %get3A_719 : vector<1x1x16xf32> to vector<16xf32>
        %mul3A_721 = arith.mulf %get3A_720, %gather3A_100 : vector<16xf32>
        %add3A_722 = arith.addf %add3A_713, %mul3A_721 : vector<16xf32>
        %get3A_723 = arith.constant 0 : i32
        %get3A_724 = arith.constant 4 : i32
        %get3A_725 = arith.index_cast %get3A_723 : i32 to index
        %get3A_726 = arith.index_cast %get3A_724 : i32 to index
        %get3A_727 = arith.constant 48 : index
        %get3A_728 = tpu.vector_load %arg8[%get3A_725, %get3A_726, %get3A_727] {strides = array<i32>} : memref<2x16x256xf32, #tpu.memory_space<vmem>>, vector<1x1x16xf32>,
        %get3A_729 = vector.shape_cast %get3A_728 : vector<1x1x16xf32> to vector<16xf32>
        %mul3A_730 = arith.mulf %get3A_729, %gather3A_112 : vector<16xf32>
        %add3A_731 = arith.addf %add3A_722, %mul3A_730 : vector<16xf32>
        %get3A_732 = arith.constant 0 : i32
        %get3A_733 = arith.constant 5 : i32
        %get3A_734 = arith.index_cast %get3A_732 : i32 to index
        %get3A_735 = arith.index_cast %get3A_733 : i32 to index
        %get3A_736 = arith.constant 48 : index
        %get3A_737 = tpu.vector_load %arg8[%get3A_734, %get3A_735, %get3A_736] {strides = array<i32>} : memref<2x16x256xf32, #tpu.memory_space<vmem>>, vector<1x1x16xf32>,
        %get3A_738 = vector.shape_cast %get3A_737 : vector<1x1x16xf32> to vector<16xf32>
        %mul3A_739 = arith.mulf %get3A_738, %gather3A_124 : vector<16xf32>
        %add3A_740 = arith.addf %add3A_731, %mul3A_739 : vector<16xf32>
        %get3A_741 = arith.constant 0 : i32
        %get3A_742 = arith.constant 6 : i32
        %get3A_743 = arith.index_cast %get3A_741 : i32 to index
        %get3A_744 = arith.index_cast %get3A_742 : i32 to index
        %get3A_745 = arith.constant 48 : index
        %get3A_746 = tpu.vector_load %arg8[%get3A_743, %get3A_744, %get3A_745] {strides = array<i32>} : memref<2x16x256xf32, #tpu.memory_space<vmem>>, vector<1x1x16xf32>,
        %get3A_747 = vector.shape_cast %get3A_746 : vector<1x1x16xf32> to vector<16xf32>
        %mul3A_748 = arith.mulf %get3A_747, %gather3A_136 : vector<16xf32>
        %add3A_749 = arith.addf %add3A_740, %mul3A_748 : vector<16xf32>
        %get3A_750 = arith.constant 0 : i32
        %get3A_751 = arith.constant 7 : i32
        %get3A_752 = arith.index_cast %get3A_750 : i32 to index
        %get3A_753 = arith.index_cast %get3A_751 : i32 to index
        %get3A_754 = arith.constant 48 : index
        %get3A_755 = tpu.vector_load %arg8[%get3A_752, %get3A_753, %get3A_754] {strides = array<i32>} : memref<2x16x256xf32, #tpu.memory_space<vmem>>, vector<1x1x16xf32>,
        %get3A_756 = vector.shape_cast %get3A_755 : vector<1x1x16xf32> to vector<16xf32>
        %mul3A_757 = arith.mulf %get3A_756, %gather3A_148 : vector<16xf32>
        %add3A_758 = arith.addf %add3A_749, %mul3A_757 : vector<16xf32>
        %get3A_759 = arith.constant 0 : i32
        %get3A_760 = arith.constant 8 : i32
        %get3A_761 = arith.index_cast %get3A_759 : i32 to index
        %get3A_762 = arith.index_cast %get3A_760 : i32 to index
        %get3A_763 = arith.constant 48 : index
        %get3A_764 = tpu.vector_load %arg8[%get3A_761, %get3A_762, %get3A_763] {strides = array<i32>} : memref<2x16x256xf32, #tpu.memory_space<vmem>>, vector<1x1x16xf32>,
        %get3A_765 = vector.shape_cast %get3A_764 : vector<1x1x16xf32> to vector<16xf32>
        %mul3A_766 = arith.mulf %get3A_765, %gather3A_160 : vector<16xf32>
        %add3A_767 = arith.addf %add3A_758, %mul3A_766 : vector<16xf32>
        %get3A_768 = arith.constant 0 : i32
        %get3A_769 = arith.constant 9 : i32
        %get3A_770 = arith.index_cast %get3A_768 : i32 to index
        %get3A_771 = arith.index_cast %get3A_769 : i32 to index
        %get3A_772 = arith.constant 48 : index
        %get3A_773 = tpu.vector_load %arg8[%get3A_770, %get3A_771, %get3A_772] {strides = array<i32>} : memref<2x16x256xf32, #tpu.memory_space<vmem>>, vector<1x1x16xf32>,
        %get3A_774 = vector.shape_cast %get3A_773 : vector<1x1x16xf32> to vector<16xf32>
        %mul3A_775 = arith.mulf %get3A_774, %gather3A_172 : vector<16xf32>
        %add3A_776 = arith.addf %add3A_767, %mul3A_775 : vector<16xf32>
        %get3A_777 = arith.constant 0 : i32
        %get3A_778 = arith.constant 10 : i32
        %get3A_779 = arith.index_cast %get3A_777 : i32 to index
        %get3A_780 = arith.index_cast %get3A_778 : i32 to index
        %get3A_781 = arith.constant 48 : index
        %get3A_782 = tpu.vector_load %arg8[%get3A_779, %get3A_780, %get3A_781] {strides = array<i32>} : memref<2x16x256xf32, #tpu.memory_space<vmem>>, vector<1x1x16xf32>,
        %get3A_783 = vector.shape_cast %get3A_782 : vector<1x1x16xf32> to vector<16xf32>
        %mul3A_784 = arith.mulf %get3A_783, %gather3A_184 : vector<16xf32>
        %add3A_785 = arith.addf %add3A_776, %mul3A_784 : vector<16xf32>
        %get3A_786 = arith.constant 0 : i32
        %get3A_787 = arith.constant 11 : i32
        %get3A_788 = arith.index_cast %get3A_786 : i32 to index
        %get3A_789 = arith.index_cast %get3A_787 : i32 to index
        %get3A_790 = arith.constant 48 : index
        %get3A_791 = tpu.vector_load %arg8[%get3A_788, %get3A_789, %get3A_790] {strides = array<i32>} : memref<2x16x256xf32, #tpu.memory_space<vmem>>, vector<1x1x16xf32>,
        %get3A_792 = vector.shape_cast %get3A_791 : vector<1x1x16xf32> to vector<16xf32>
        %mul3A_793 = arith.mulf %get3A_792, %gather3A_196 : vector<16xf32>
        %add3A_794 = arith.addf %add3A_785, %mul3A_793 : vector<16xf32>
        %get3A_795 = arith.constant 0 : i32
        %get3A_796 = arith.constant 12 : i32
        %get3A_797 = arith.index_cast %get3A_795 : i32 to index
        %get3A_798 = arith.index_cast %get3A_796 : i32 to index
        %get3A_799 = arith.constant 48 : index
        %get3A_800 = tpu.vector_load %arg8[%get3A_797, %get3A_798, %get3A_799] {strides = array<i32>} : memref<2x16x256xf32, #tpu.memory_space<vmem>>, vector<1x1x16xf32>,
        %get3A_801 = vector.shape_cast %get3A_800 : vector<1x1x16xf32> to vector<16xf32>
        %mul3A_802 = arith.mulf %get3A_801, %gather3A_208 : vector<16xf32>
        %add3A_803 = arith.addf %add3A_794, %mul3A_802 : vector<16xf32>
        %get3A_804 = arith.constant 0 : i32
        %get3A_805 = arith.constant 13 : i32
        %get3A_806 = arith.index_cast %get3A_804 : i32 to index
        %get3A_807 = arith.index_cast %get3A_805 : i32 to index
        %get3A_808 = arith.constant 48 : index
        %get3A_809 = tpu.vector_load %arg8[%get3A_806, %get3A_807, %get3A_808] {strides = array<i32>} : memref<2x16x256xf32, #tpu.memory_space<vmem>>, vector<1x1x16xf32>,
        %get3A_810 = vector.shape_cast %get3A_809 : vector<1x1x16xf32> to vector<16xf32>
        %mul3A_811 = arith.mulf %get3A_810, %gather3A_220 : vector<16xf32>
        %add3A_812 = arith.addf %add3A_803, %mul3A_811 : vector<16xf32>
        %get3A_813 = arith.constant 0 : i32
        %get3A_814 = arith.constant 14 : i32
        %get3A_815 = arith.index_cast %get3A_813 : i32 to index
        %get3A_816 = arith.index_cast %get3A_814 : i32 to index
        %get3A_817 = arith.constant 48 : index
        %get3A_818 = tpu.vector_load %arg8[%get3A_815, %get3A_816, %get3A_817] {strides = array<i32>} : memref<2x16x256xf32, #tpu.memory_space<vmem>>, vector<1x1x16xf32>,
        %get3A_819 = vector.shape_cast %get3A_818 : vector<1x1x16xf32> to vector<16xf32>
        %mul3A_820 = arith.mulf %get3A_819, %gather3A_232 : vector<16xf32>
        %add3A_821 = arith.addf %add3A_812, %mul3A_820 : vector<16xf32>
        %get3A_822 = arith.constant 0 : i32
        %get3A_823 = arith.constant 15 : i32
        %get3A_824 = arith.index_cast %get3A_822 : i32 to index
        %get3A_825 = arith.index_cast %get3A_823 : i32 to index
        %get3A_826 = arith.constant 48 : index
        %get3A_827 = tpu.vector_load %arg8[%get3A_824, %get3A_825, %get3A_826] {strides = array<i32>} : memref<2x16x256xf32, #tpu.memory_space<vmem>>, vector<1x1x16xf32>,
        %get3A_828 = vector.shape_cast %get3A_827 : vector<1x1x16xf32> to vector<16xf32>
        %mul3A_829 = arith.mulf %get3A_828, %gather3A_244 : vector<16xf32>
        %add3A_830 = arith.addf %add3A_821, %mul3A_829 : vector<16xf32>
        %swap3A_831 = arith.index_cast %add3A_51 : i32 to index
        %swap3A_832 = arith.constant 48 : index
        %swap3A_833 = tpu.vector_load %arg9[%swap3A_831, %swap3A_832] {strides = array<i32>} : memref<112x256xf32, #tpu.memory_space<vmem>>, vector<1x16xf32>,
        %swap3A_834 = vector.shape_cast %swap3A_833 : vector<1x16xf32> to vector<16xf32>
        %swap3A_835 = vector.shape_cast %add3A_830 : vector<16xf32> to vector<1x16xf32>
        tpu.vector_store %arg9[%swap3A_831, %swap3A_832], %swap3A_835 {strides = array<i32>} : memref<112x256xf32, #tpu.memory_space<vmem>>, vector<1x16xf32>,
        %get3A_836 = arith.constant 0 : i32
        %get3A_837 = arith.constant 0 : i32
        %get3A_838 = arith.index_cast %get3A_836 : i32 to index
        %get3A_839 = arith.index_cast %get3A_837 : i32 to index
        %get3A_840 = arith.constant 64 : index
        %get3A_841 = tpu.vector_load %arg8[%get3A_838, %get3A_839, %get3A_840] {strides = array<i32>} : memref<2x16x256xf32, #tpu.memory_space<vmem>>, vector<1x1x16xf32>,
        %get3A_842 = vector.shape_cast %get3A_841 : vector<1x1x16xf32> to vector<16xf32>
        %mul3A_843 = arith.mulf %get3A_842, %gather3A_64 : vector<16xf32>
        %get3A_844 = arith.constant 0 : i32
        %get3A_845 = arith.constant 1 : i32
        %get3A_846 = arith.index_cast %get3A_844 : i32 to index
        %get3A_847 = arith.index_cast %get3A_845 : i32 to index
        %get3A_848 = arith.constant 64 : index
        %get3A_849 = tpu.vector_load %arg8[%get3A_846, %get3A_847, %get3A_848] {strides = array<i32>} : memref<2x16x256xf32, #tpu.memory_space<vmem>>, vector<1x1x16xf32>,
        %get3A_850 = vector.shape_cast %get3A_849 : vector<1x1x16xf32> to vector<16xf32>
        %mul3A_851 = arith.mulf %get3A_850, %gather3A_76 : vector<16xf32>
        %add3A_852 = arith.addf %mul3A_843, %mul3A_851 : vector<16xf32>
        %get3A_853 = arith.constant 0 : i32
        %get3A_854 = arith.constant 2 : i32
        %get3A_855 = arith.index_cast %get3A_853 : i32 to index
        %get3A_856 = arith.index_cast %get3A_854 : i32 to index
        %get3A_857 = arith.constant 64 : index
        %get3A_858 = tpu.vector_load %arg8[%get3A_855, %get3A_856, %get3A_857] {strides = array<i32>} : memref<2x16x256xf32, #tpu.memory_space<vmem>>, vector<1x1x16xf32>,
        %get3A_859 = vector.shape_cast %get3A_858 : vector<1x1x16xf32> to vector<16xf32>
        %mul3A_860 = arith.mulf %get3A_859, %gather3A_88 : vector<16xf32>
        %add3A_861 = arith.addf %add3A_852, %mul3A_860 : vector<16xf32>
        %get3A_862 = arith.constant 0 : i32
        %get3A_863 = arith.constant 3 : i32
        %get3A_864 = arith.index_cast %get3A_862 : i32 to index
        %get3A_865 = arith.index_cast %get3A_863 : i32 to index
        %get3A_866 = arith.constant 64 : index
        %get3A_867 = tpu.vector_load %arg8[%get3A_864, %get3A_865, %get3A_866] {strides = array<i32>} : memref<2x16x256xf32, #tpu.memory_space<vmem>>, vector<1x1x16xf32>,
        %get3A_868 = vector.shape_cast %get3A_867 : vector<1x1x16xf32> to vector<16xf32>
        %mul3A_869 = arith.mulf %get3A_868, %gather3A_100 : vector<16xf32>
        %add3A_870 = arith.addf %add3A_861, %mul3A_869 : vector<16xf32>
        %get3A_871 = arith.constant 0 : i32
        %get3A_872 = arith.constant 4 : i32
        %get3A_873 = arith.index_cast %get3A_871 : i32 to index
        %get3A_874 = arith.index_cast %get3A_872 : i32 to index
        %get3A_875 = arith.constant 64 : index
        %get3A_876 = tpu.vector_load %arg8[%get3A_873, %get3A_874, %get3A_875] {strides = array<i32>} : memref<2x16x256xf32, #tpu.memory_space<vmem>>, vector<1x1x16xf32>,
        %get3A_877 = vector.shape_cast %get3A_876 : vector<1x1x16xf32> to vector<16xf32>
        %mul3A_878 = arith.mulf %get3A_877, %gather3A_112 : vector<16xf32>
        %add3A_879 = arith.addf %add3A_870, %mul3A_878 : vector<16xf32>
        %get3A_880 = arith.constant 0 : i32
        %get3A_881 = arith.constant 5 : i32
        %get3A_882 = arith.index_cast %get3A_880 : i32 to index
        %get3A_883 = arith.index_cast %get3A_881 : i32 to index
        %get3A_884 = arith.constant 64 : index
        %get3A_885 = tpu.vector_load %arg8[%get3A_882, %get3A_883, %get3A_884] {strides = array<i32>} : memref<2x16x256xf32, #tpu.memory_space<vmem>>, vector<1x1x16xf32>,
        %get3A_886 = vector.shape_cast %get3A_885 : vector<1x1x16xf32> to vector<16xf32>
        %mul3A_887 = arith.mulf %get3A_886, %gather3A_124 : vector<16xf32>
        %add3A_888 = arith.addf %add3A_879, %mul3A_887 : vector<16xf32>
        %get3A_889 = arith.constant 0 : i32
        %get3A_890 = arith.constant 6 : i32
        %get3A_891 = arith.index_cast %get3A_889 : i32 to index
        %get3A_892 = arith.index_cast %get3A_890 : i32 to index
        %get3A_893 = arith.constant 64 : index
        %get3A_894 = tpu.vector_load %arg8[%get3A_891, %get3A_892, %get3A_893] {strides = array<i32>} : memref<2x16x256xf32, #tpu.memory_space<vmem>>, vector<1x1x16xf32>,
        %get3A_895 = vector.shape_cast %get3A_894 : vector<1x1x16xf32> to vector<16xf32>
        %mul3A_896 = arith.mulf %get3A_895, %gather3A_136 : vector<16xf32>
        %add3A_897 = arith.addf %add3A_888, %mul3A_896 : vector<16xf32>
        %get3A_898 = arith.constant 0 : i32
        %get3A_899 = arith.constant 7 : i32
        %get3A_900 = arith.index_cast %get3A_898 : i32 to index
        %get3A_901 = arith.index_cast %get3A_899 : i32 to index
        %get3A_902 = arith.constant 64 : index
        %get3A_903 = tpu.vector_load %arg8[%get3A_900, %get3A_901, %get3A_902] {strides = array<i32>} : memref<2x16x256xf32, #tpu.memory_space<vmem>>, vector<1x1x16xf32>,
        %get3A_904 = vector.shape_cast %get3A_903 : vector<1x1x16xf32> to vector<16xf32>
        %mul3A_905 = arith.mulf %get3A_904, %gather3A_148 : vector<16xf32>
        %add3A_906 = arith.addf %add3A_897, %mul3A_905 : vector<16xf32>
        %get3A_907 = arith.constant 0 : i32
        %get3A_908 = arith.constant 8 : i32
        %get3A_909 = arith.index_cast %get3A_907 : i32 to index
        %get3A_910 = arith.index_cast %get3A_908 : i32 to index
        %get3A_911 = arith.constant 64 : index
        %get3A_912 = tpu.vector_load %arg8[%get3A_909, %get3A_910, %get3A_911] {strides = array<i32>} : memref<2x16x256xf32, #tpu.memory_space<vmem>>, vector<1x1x16xf32>,
        %get3A_913 = vector.shape_cast %get3A_912 : vector<1x1x16xf32> to vector<16xf32>
        %mul3A_914 = arith.mulf %get3A_913, %gather3A_160 : vector<16xf32>
        %add3A_915 = arith.addf %add3A_906, %mul3A_914 : vector<16xf32>
        %get3A_916 = arith.constant 0 : i32
        %get3A_917 = arith.constant 9 : i32
        %get3A_918 = arith.index_cast %get3A_916 : i32 to index
        %get3A_919 = arith.index_cast %get3A_917 : i32 to index
        %get3A_920 = arith.constant 64 : index
        %get3A_921 = tpu.vector_load %arg8[%get3A_918, %get3A_919, %get3A_920] {strides = array<i32>} : memref<2x16x256xf32, #tpu.memory_space<vmem>>, vector<1x1x16xf32>,
        %get3A_922 = vector.shape_cast %get3A_921 : vector<1x1x16xf32> to vector<16xf32>
        %mul3A_923 = arith.mulf %get3A_922, %gather3A_172 : vector<16xf32>
        %add3A_924 = arith.addf %add3A_915, %mul3A_923 : vector<16xf32>
        %get3A_925 = arith.constant 0 : i32
        %get3A_926 = arith.constant 10 : i32
        %get3A_927 = arith.index_cast %get3A_925 : i32 to index
        %get3A_928 = arith.index_cast %get3A_926 : i32 to index
        %get3A_929 = arith.constant 64 : index
        %get3A_930 = tpu.vector_load %arg8[%get3A_927, %get3A_928, %get3A_929] {strides = array<i32>} : memref<2x16x256xf32, #tpu.memory_space<vmem>>, vector<1x1x16xf32>,
        %get3A_931 = vector.shape_cast %get3A_930 : vector<1x1x16xf32> to vector<16xf32>
        %mul3A_932 = arith.mulf %get3A_931, %gather3A_184 : vector<16xf32>
        %add3A_933 = arith.addf %add3A_924, %mul3A_932 : vector<16xf32>
        %get3A_934 = arith.constant 0 : i32
        %get3A_935 = arith.constant 11 : i32
        %get3A_936 = arith.index_cast %get3A_934 : i32 to index
        %get3A_937 = arith.index_cast %get3A_935 : i32 to index
        %get3A_938 = arith.constant 64 : index
        %get3A_939 = tpu.vector_load %arg8[%get3A_936, %get3A_937, %get3A_938] {strides = array<i32>} : memref<2x16x256xf32, #tpu.memory_space<vmem>>, vector<1x1x16xf32>,
        %get3A_940 = vector.shape_cast %get3A_939 : vector<1x1x16xf32> to vector<16xf32>
        %mul3A_941 = arith.mulf %get3A_940, %gather3A_196 : vector<16xf32>
        %add3A_942 = arith.addf %add3A_933, %mul3A_941 : vector<16xf32>
        %get3A_943 = arith.constant 0 : i32
        %get3A_944 = arith.constant 12 : i32
        %get3A_945 = arith.index_cast %get3A_943 : i32 to index
        %get3A_946 = arith.index_cast %get3A_944 : i32 to index
        %get3A_947 = arith.constant 64 : index
        %get3A_948 = tpu.vector_load %arg8[%get3A_945, %get3A_946, %get3A_947] {strides = array<i32>} : memref<2x16x256xf32, #tpu.memory_space<vmem>>, vector<1x1x16xf32>,
        %get3A_949 = vector.shape_cast %get3A_948 : vector<1x1x16xf32> to vector<16xf32>
        %mul3A_950 = arith.mulf %get3A_949, %gather3A_208 : vector<16xf32>
        %add3A_951 = arith.addf %add3A_942, %mul3A_950 : vector<16xf32>
        %get3A_952 = arith.constant 0 : i32
        %get3A_953 = arith.constant 13 : i32
        %get3A_954 = arith.index_cast %get3A_952 : i32 to index
        %get3A_955 = arith.index_cast %get3A_953 : i32 to index
        %get3A_956 = arith.constant 64 : index
        %get3A_957 = tpu.vector_load %arg8[%get3A_954, %get3A_955, %get3A_956] {strides = array<i32>} : memref<2x16x256xf32, #tpu.memory_space<vmem>>, vector<1x1x16xf32>,
        %get3A_958 = vector.shape_cast %get3A_957 : vector<1x1x16xf32> to vector<16xf32>
        %mul3A_959 = arith.mulf %get3A_958, %gather3A_220 : vector<16xf32>
        %add3A_960 = arith.addf %add3A_951, %mul3A_959 : vector<16xf32>
        %get3A_961 = arith.constant 0 : i32
        %get3A_962 = arith.constant 14 : i32
        %get3A_963 = arith.index_cast %get3A_961 : i32 to index
        %get3A_964 = arith.index_cast %get3A_962 : i32 to index
        %get3A_965 = arith.constant 64 : index
        %get3A_966 = tpu.vector_load %arg8[%get3A_963, %get3A_964, %get3A_965] {strides = array<i32>} : memref<2x16x256xf32, #tpu.memory_space<vmem>>, vector<1x1x16xf32>,
        %get3A_967 = vector.shape_cast %get3A_966 : vector<1x1x16xf32> to vector<16xf32>
        %mul3A_968 = arith.mulf %get3A_967, %gather3A_232 : vector<16xf32>
        %add3A_969 = arith.addf %add3A_960, %mul3A_968 : vector<16xf32>
        %get3A_970 = arith.constant 0 : i32
        %get3A_971 = arith.constant 15 : i32
        %get3A_972 = arith.index_cast %get3A_970 : i32 to index
        %get3A_973 = arith.index_cast %get3A_971 : i32 to index
        %get3A_974 = arith.constant 64 : index
        %get3A_975 = tpu.vector_load %arg8[%get3A_972, %get3A_973, %get3A_974] {strides = array<i32>} : memref<2x16x256xf32, #tpu.memory_space<vmem>>, vector<1x1x16xf32>,
        %get3A_976 = vector.shape_cast %get3A_975 : vector<1x1x16xf32> to vector<16xf32>
        %mul3A_977 = arith.mulf %get3A_976, %gather3A_244 : vector<16xf32>
        %add3A_978 = arith.addf %add3A_969, %mul3A_977 : vector<16xf32>
        %swap3A_979 = arith.index_cast %add3A_51 : i32 to index
        %swap3A_980 = arith.constant 64 : index
        %swap3A_981 = tpu.vector_load %arg9[%swap3A_979, %swap3A_980] {strides = array<i32>} : memref<112x256xf32, #tpu.memory_space<vmem>>, vector<1x16xf32>,
        %swap3A_982 = vector.shape_cast %swap3A_981 : vector<1x16xf32> to vector<16xf32>
        %swap3A_983 = vector.shape_cast %add3A_978 : vector<16xf32> to vector<1x16xf32>
        tpu.vector_store %arg9[%swap3A_979, %swap3A_980], %swap3A_983 {strides = array<i32>} : memref<112x256xf32, #tpu.memory_space<vmem>>, vector<1x16xf32>,
        %get3A_984 = arith.constant 0 : i32
        %get3A_985 = arith.constant 0 : i32
        %get3A_986 = arith.index_cast %get3A_984 : i32 to index
        %get3A_987 = arith.index_cast %get3A_985 : i32 to index
        %get3A_988 = arith.constant 80 : index
        %get3A_989 = tpu.vector_load %arg8[%get3A_986, %get3A_987, %get3A_988] {strides = array<i32>} : memref<2x16x256xf32, #tpu.memory_space<vmem>>, vector<1x1x16xf32>,
        %get3A_990 = vector.shape_cast %get3A_989 : vector<1x1x16xf32> to vector<16xf32>
        %mul3A_991 = arith.mulf %get3A_990, %gather3A_64 : vector<16xf32>
        %get3A_992 = arith.constant 0 : i32
        %get3A_993 = arith.constant 1 : i32
        %get3A_994 = arith.index_cast %get3A_992 : i32 to index
        %get3A_995 = arith.index_cast %get3A_993 : i32 to index
        %get3A_996 = arith.constant 80 : index
        %get3A_997 = tpu.vector_load %arg8[%get3A_994, %get3A_995, %get3A_996] {strides = array<i32>} : memref<2x16x256xf32, #tpu.memory_space<vmem>>, vector<1x1x16xf32>,
        %get3A_998 = vector.shape_cast %get3A_997 : vector<1x1x16xf32> to vector<16xf32>
        %mul3A_999 = arith.mulf %get3A_998, %gather3A_76 : vector<16xf32>
        %add3A_1000 = arith.addf %mul3A_991, %mul3A_999 : vector<16xf32>
        %get3A_1001 = arith.constant 0 : i32
        %get3A_1002 = arith.constant 2 : i32
        %get3A_1003 = arith.index_cast %get3A_1001 : i32 to index
        %get3A_1004 = arith.index_cast %get3A_1002 : i32 to index
        %get3A_1005 = arith.constant 80 : index
        %get3A_1006 = tpu.vector_load %arg8[%get3A_1003, %get3A_1004, %get3A_1005] {strides = array<i32>} : memref<2x16x256xf32, #tpu.memory_space<vmem>>, vector<1x1x16xf32>,
        %get3A_1007 = vector.shape_cast %get3A_1006 : vector<1x1x16xf32> to vector<16xf32>
        %mul3A_1008 = arith.mulf %get3A_1007, %gather3A_88 : vector<16xf32>
        %add3A_1009 = arith.addf %add3A_1000, %mul3A_1008 : vector<16xf32>
        %get3A_1010 = arith.constant 0 : i32
        %get3A_1011 = arith.constant 3 : i32
        %get3A_1012 = arith.index_cast %get3A_1010 : i32 to index
        %get3A_1013 = arith.index_cast %get3A_1011 : i32 to index
        %get3A_1014 = arith.constant 80 : index
        %get3A_1015 = tpu.vector_load %arg8[%get3A_1012, %get3A_1013, %get3A_1014] {strides = array<i32>} : memref<2x16x256xf32, #tpu.memory_space<vmem>>, vector<1x1x16xf32>,
        %get3A_1016 = vector.shape_cast %get3A_1015 : vector<1x1x16xf32> to vector<16xf32>
        %mul3A_1017 = arith.mulf %get3A_1016, %gather3A_100 : vector<16xf32>
        %add3A_1018 = arith.addf %add3A_1009, %mul3A_1017 : vector<16xf32>
        %get3A_1019 = arith.constant 0 : i32
        %get3A_1020 = arith.constant 4 : i32
        %get3A_1021 = arith.index_cast %get3A_1019 : i32 to index
        %get3A_1022 = arith.index_cast %get3A_1020 : i32 to index
        %get3A_1023 = arith.constant 80 : index
        %get3A_1024 = tpu.vector_load %arg8[%get3A_1021, %get3A_1022, %get3A_1023] {strides = array<i32>} : memref<2x16x256xf32, #tpu.memory_space<vmem>>, vector<1x1x16xf32>,
        %get3A_1025 = vector.shape_cast %get3A_1024 : vector<1x1x16xf32> to vector<16xf32>
        %mul3A_1026 = arith.mulf %get3A_1025, %gather3A_112 : vector<16xf32>
        %add3A_1027 = arith.addf %add3A_1018, %mul3A_1026 : vector<16xf32>
        %get3A_1028 = arith.constant 0 : i32
        %get3A_1029 = arith.constant 5 : i32
        %get3A_1030 = arith.index_cast %get3A_1028 : i32 to index
        %get3A_1031 = arith.index_cast %get3A_1029 : i32 to index
        %get3A_1032 = arith.constant 80 : index
        %get3A_1033 = tpu.vector_load %arg8[%get3A_1030, %get3A_1031, %get3A_1032] {strides = array<i32>} : memref<2x16x256xf32, #tpu.memory_space<vmem>>, vector<1x1x16xf32>,
        %get3A_1034 = vector.shape_cast %get3A_1033 : vector<1x1x16xf32> to vector<16xf32>
        %mul3A_1035 = arith.mulf %get3A_1034, %gather3A_124 : vector<16xf32>
        %add3A_1036 = arith.addf %add3A_1027, %mul3A_1035 : vector<16xf32>
        %get3A_1037 = arith.constant 0 : i32
        %get3A_1038 = arith.constant 6 : i32
        %get3A_1039 = arith.index_cast %get3A_1037 : i32 to index
        %get3A_1040 = arith.index_cast %get3A_1038 : i32 to index
        %get3A_1041 = arith.constant 80 : index
        %get3A_1042 = tpu.vector_load %arg8[%get3A_1039, %get3A_1040, %get3A_1041] {strides = array<i32>} : memref<2x16x256xf32, #tpu.memory_space<vmem>>, vector<1x1x16xf32>,
        %get3A_1043 = vector.shape_cast %get3A_1042 : vector<1x1x16xf32> to vector<16xf32>
        %mul3A_1044 = arith.mulf %get3A_1043, %gather3A_136 : vector<16xf32>
        %add3A_1045 = arith.addf %add3A_1036, %mul3A_1044 : vector<16xf32>
        %get3A_1046 = arith.constant 0 : i32
        %get3A_1047 = arith.constant 7 : i32
        %get3A_1048 = arith.index_cast %get3A_1046 : i32 to index
        %get3A_1049 = arith.index_cast %get3A_1047 : i32 to index
        %get3A_1050 = arith.constant 80 : index
        %get3A_1051 = tpu.vector_load %arg8[%get3A_1048, %get3A_1049, %get3A_1050] {strides = array<i32>} : memref<2x16x256xf32, #tpu.memory_space<vmem>>, vector<1x1x16xf32>,
        %get3A_1052 = vector.shape_cast %get3A_1051 : vector<1x1x16xf32> to vector<16xf32>
        %mul3A_1053 = arith.mulf %get3A_1052, %gather3A_148 : vector<16xf32>
        %add3A_1054 = arith.addf %add3A_1045, %mul3A_1053 : vector<16xf32>
        %get3A_1055 = arith.constant 0 : i32
        %get3A_1056 = arith.constant 8 : i32
        %get3A_1057 = arith.index_cast %get3A_1055 : i32 to index
        %get3A_1058 = arith.index_cast %get3A_1056 : i32 to index
        %get3A_1059 = arith.constant 80 : index
        %get3A_1060 = tpu.vector_load %arg8[%get3A_1057, %get3A_1058, %get3A_1059] {strides = array<i32>} : memref<2x16x256xf32, #tpu.memory_space<vmem>>, vector<1x1x16xf32>,
        %get3A_1061 = vector.shape_cast %get3A_1060 : vector<1x1x16xf32> to vector<16xf32>
        %mul3A_1062 = arith.mulf %get3A_1061, %gather3A_160 : vector<16xf32>
        %add3A_1063 = arith.addf %add3A_1054, %mul3A_1062 : vector<16xf32>
        %get3A_1064 = arith.constant 0 : i32
        %get3A_1065 = arith.constant 9 : i32
        %get3A_1066 = arith.index_cast %get3A_1064 : i32 to index
        %get3A_1067 = arith.index_cast %get3A_1065 : i32 to index
        %get3A_1068 = arith.constant 80 : index
        %get3A_1069 = tpu.vector_load %arg8[%get3A_1066, %get3A_1067, %get3A_1068] {strides = array<i32>} : memref<2x16x256xf32, #tpu.memory_space<vmem>>, vector<1x1x16xf32>,
        %get3A_1070 = vector.shape_cast %get3A_1069 : vector<1x1x16xf32> to vector<16xf32>
        %mul3A_1071 = arith.mulf %get3A_1070, %gather3A_172 : vector<16xf32>
        %add3A_1072 = arith.addf %add3A_1063, %mul3A_1071 : vector<16xf32>
        %get3A_1073 = arith.constant 0 : i32
        %get3A_1074 = arith.constant 10 : i32
        %get3A_1075 = arith.index_cast %get3A_1073 : i32 to index
        %get3A_1076 = arith.index_cast %get3A_1074 : i32 to index
        %get3A_1077 = arith.constant 80 : index
        %get3A_1078 = tpu.vector_load %arg8[%get3A_1075, %get3A_1076, %get3A_1077] {strides = array<i32>} : memref<2x16x256xf32, #tpu.memory_space<vmem>>, vector<1x1x16xf32>,
        %get3A_1079 = vector.shape_cast %get3A_1078 : vector<1x1x16xf32> to vector<16xf32>
        %mul3A_1080 = arith.mulf %get3A_1079, %gather3A_184 : vector<16xf32>
        %add3A_1081 = arith.addf %add3A_1072, %mul3A_1080 : vector<16xf32>
        %get3A_1082 = arith.constant 0 : i32
        %get3A_1083 = arith.constant 11 : i32
        %get3A_1084 = arith.index_cast %get3A_1082 : i32 to index
        %get3A_1085 = arith.index_cast %get3A_1083 : i32 to index
        %get3A_1086 = arith.constant 80 : index
        %get3A_1087 = tpu.vector_load %arg8[%get3A_1084, %get3A_1085, %get3A_1086] {strides = array<i32>} : memref<2x16x256xf32, #tpu.memory_space<vmem>>, vector<1x1x16xf32>,
        %get3A_1088 = vector.shape_cast %get3A_1087 : vector<1x1x16xf32> to vector<16xf32>
        %mul3A_1089 = arith.mulf %get3A_1088, %gather3A_196 : vector<16xf32>
        %add3A_1090 = arith.addf %add3A_1081, %mul3A_1089 : vector<16xf32>
        %get3A_1091 = arith.constant 0 : i32
        %get3A_1092 = arith.constant 12 : i32
        %get3A_1093 = arith.index_cast %get3A_1091 : i32 to index
        %get3A_1094 = arith.index_cast %get3A_1092 : i32 to index
        %get3A_1095 = arith.constant 80 : index
        %get3A_1096 = tpu.vector_load %arg8[%get3A_1093, %get3A_1094, %get3A_1095] {strides = array<i32>} : memref<2x16x256xf32, #tpu.memory_space<vmem>>, vector<1x1x16xf32>,
        %get3A_1097 = vector.shape_cast %get3A_1096 : vector<1x1x16xf32> to vector<16xf32>
        %mul3A_1098 = arith.mulf %get3A_1097, %gather3A_208 : vector<16xf32>
        %add3A_1099 = arith.addf %add3A_1090, %mul3A_1098 : vector<16xf32>
        %get3A_1100 = arith.constant 0 : i32
        %get3A_1101 = arith.constant 13 : i32
        %get3A_1102 = arith.index_cast %get3A_1100 : i32 to index
        %get3A_1103 = arith.index_cast %get3A_1101 : i32 to index
        %get3A_1104 = arith.constant 80 : index
        %get3A_1105 = tpu.vector_load %arg8[%get3A_1102, %get3A_1103, %get3A_1104] {strides = array<i32>} : memref<2x16x256xf32, #tpu.memory_space<vmem>>, vector<1x1x16xf32>,
        %get3A_1106 = vector.shape_cast %get3A_1105 : vector<1x1x16xf32> to vector<16xf32>
        %mul3A_1107 = arith.mulf %get3A_1106, %gather3A_220 : vector<16xf32>
        %add3A_1108 = arith.addf %add3A_1099, %mul3A_1107 : vector<16xf32>
        %get3A_1109 = arith.constant 0 : i32
        %get3A_1110 = arith.constant 14 : i32
        %get3A_1111 = arith.index_cast %get3A_1109 : i32 to index
        %get3A_1112 = arith.index_cast %get3A_1110 : i32 to index
        %get3A_1113 = arith.constant 80 : index
        %get3A_1114 = tpu.vector_load %arg8[%get3A_1111, %get3A_1112, %get3A_1113] {strides = array<i32>} : memref<2x16x256xf32, #tpu.memory_space<vmem>>, vector<1x1x16xf32>,
        %get3A_1115 = vector.shape_cast %get3A_1114 : vector<1x1x16xf32> to vector<16xf32>
        %mul3A_1116 = arith.mulf %get3A_1115, %gather3A_232 : vector<16xf32>
        %add3A_1117 = arith.addf %add3A_1108, %mul3A_1116 : vector<16xf32>
        %get3A_1118 = arith.constant 0 : i32
        %get3A_1119 = arith.constant 15 : i32
        %get3A_1120 = arith.index_cast %get3A_1118 : i32 to index
        %get3A_1121 = arith.index_cast %get3A_1119 : i32 to index
        %get3A_1122 = arith.constant 80 : index
        %get3A_1123 = tpu.vector_load %arg8[%get3A_1120, %get3A_1121, %get3A_1122] {strides = array<i32>} : memref<2x16x256xf32, #tpu.memory_space<vmem>>, vector<1x1x16xf32>,
        %get3A_1124 = vector.shape_cast %get3A_1123 : vector<1x1x16xf32> to vector<16xf32>
        %mul3A_1125 = arith.mulf %get3A_1124, %gather3A_244 : vector<16xf32>
        %add3A_1126 = arith.addf %add3A_1117, %mul3A_1125 : vector<16xf32>
        %swap3A_1127 = arith.index_cast %add3A_51 : i32 to index
        %swap3A_1128 = arith.constant 80 : index
        %swap3A_1129 = tpu.vector_load %arg9[%swap3A_1127, %swap3A_1128] {strides = array<i32>} : memref<112x256xf32, #tpu.memory_space<vmem>>, vector<1x16xf32>,
        %swap3A_1130 = vector.shape_cast %swap3A_1129 : vector<1x16xf32> to vector<16xf32>
        %swap3A_1131 = vector.shape_cast %add3A_1126 : vector<16xf32> to vector<1x16xf32>
        tpu.vector_store %arg9[%swap3A_1127, %swap3A_1128], %swap3A_1131 {strides = array<i32>} : memref<112x256xf32, #tpu.memory_space<vmem>>, vector<1x16xf32>,
        %get3A_1132 = arith.constant 0 : i32
        %get3A_1133 = arith.constant 0 : i32
        %get3A_1134 = arith.index_cast %get3A_1132 : i32 to index
        %get3A_1135 = arith.index_cast %get3A_1133 : i32 to index
        %get3A_1136 = arith.constant 96 : index
        %get3A_1137 = tpu.vector_load %arg8[%get3A_1134, %get3A_1135, %get3A_1136] {strides = array<i32>} : memref<2x16x256xf32, #tpu.memory_space<vmem>>, vector<1x1x16xf32>,
        %get3A_1138 = vector.shape_cast %get3A_1137 : vector<1x1x16xf32> to vector<16xf32>
        %mul3A_1139 = arith.mulf %get3A_1138, %gather3A_64 : vector<16xf32>
        %get3A_1140 = arith.constant 0 : i32
        %get3A_1141 = arith.constant 1 : i32
        %get3A_1142 = arith.index_cast %get3A_1140 : i32 to index
        %get3A_1143 = arith.index_cast %get3A_1141 : i32 to index
        %get3A_1144 = arith.constant 96 : index
        %get3A_1145 = tpu.vector_load %arg8[%get3A_1142, %get3A_1143, %get3A_1144] {strides = array<i32>} : memref<2x16x256xf32, #tpu.memory_space<vmem>>, vector<1x1x16xf32>,
        %get3A_1146 = vector.shape_cast %get3A_1145 : vector<1x1x16xf32> to vector<16xf32>
        %mul3A_1147 = arith.mulf %get3A_1146, %gather3A_76 : vector<16xf32>
        %add3A_1148 = arith.addf %mul3A_1139, %mul3A_1147 : vector<16xf32>
        %get3A_1149 = arith.constant 0 : i32
        %get3A_1150 = arith.constant 2 : i32
        %get3A_1151 = arith.index_cast %get3A_1149 : i32 to index
        %get3A_1152 = arith.index_cast %get3A_1150 : i32 to index
        %get3A_1153 = arith.constant 96 : index
        %get3A_1154 = tpu.vector_load %arg8[%get3A_1151, %get3A_1152, %get3A_1153] {strides = array<i32>} : memref<2x16x256xf32, #tpu.memory_space<vmem>>, vector<1x1x16xf32>,
        %get3A_1155 = vector.shape_cast %get3A_1154 : vector<1x1x16xf32> to vector<16xf32>
        %mul3A_1156 = arith.mulf %get3A_1155, %gather3A_88 : vector<16xf32>
        %add3A_1157 = arith.addf %add3A_1148, %mul3A_1156 : vector<16xf32>
        %get3A_1158 = arith.constant 0 : i32
        %get3A_1159 = arith.constant 3 : i32
        %get3A_1160 = arith.index_cast %get3A_1158 : i32 to index
        %get3A_1161 = arith.index_cast %get3A_1159 : i32 to index
        %get3A_1162 = arith.constant 96 : index
        %get3A_1163 = tpu.vector_load %arg8[%get3A_1160, %get3A_1161, %get3A_1162] {strides = array<i32>} : memref<2x16x256xf32, #tpu.memory_space<vmem>>, vector<1x1x16xf32>,
        %get3A_1164 = vector.shape_cast %get3A_1163 : vector<1x1x16xf32> to vector<16xf32>
        %mul3A_1165 = arith.mulf %get3A_1164, %gather3A_100 : vector<16xf32>
        %add3A_1166 = arith.addf %add3A_1157, %mul3A_1165 : vector<16xf32>
        %get3A_1167 = arith.constant 0 : i32
        %get3A_1168 = arith.constant 4 : i32
        %get3A_1169 = arith.index_cast %get3A_1167 : i32 to index
        %get3A_1170 = arith.index_cast %get3A_1168 : i32 to index
        %get3A_1171 = arith.constant 96 : index
        %get3A_1172 = tpu.vector_load %arg8[%get3A_1169, %get3A_1170, %get3A_1171] {strides = array<i32>} : memref<2x16x256xf32, #tpu.memory_space<vmem>>, vector<1x1x16xf32>,
        %get3A_1173 = vector.shape_cast %get3A_1172 : vector<1x1x16xf32> to vector<16xf32>
        %mul3A_1174 = arith.mulf %get3A_1173, %gather3A_112 : vector<16xf32>
        %add3A_1175 = arith.addf %add3A_1166, %mul3A_1174 : vector<16xf32>
        %get3A_1176 = arith.constant 0 : i32
        %get3A_1177 = arith.constant 5 : i32
        %get3A_1178 = arith.index_cast %get3A_1176 : i32 to index
        %get3A_1179 = arith.index_cast %get3A_1177 : i32 to index
        %get3A_1180 = arith.constant 96 : index
        %get3A_1181 = tpu.vector_load %arg8[%get3A_1178, %get3A_1179, %get3A_1180] {strides = array<i32>} : memref<2x16x256xf32, #tpu.memory_space<vmem>>, vector<1x1x16xf32>,
        %get3A_1182 = vector.shape_cast %get3A_1181 : vector<1x1x16xf32> to vector<16xf32>
        %mul3A_1183 = arith.mulf %get3A_1182, %gather3A_124 : vector<16xf32>
        %add3A_1184 = arith.addf %add3A_1175, %mul3A_1183 : vector<16xf32>
        %get3A_1185 = arith.constant 0 : i32
        %get3A_1186 = arith.constant 6 : i32
        %get3A_1187 = arith.index_cast %get3A_1185 : i32 to index
        %get3A_1188 = arith.index_cast %get3A_1186 : i32 to index
        %get3A_1189 = arith.constant 96 : index
        %get3A_1190 = tpu.vector_load %arg8[%get3A_1187, %get3A_1188, %get3A_1189] {strides = array<i32>} : memref<2x16x256xf32, #tpu.memory_space<vmem>>, vector<1x1x16xf32>,
        %get3A_1191 = vector.shape_cast %get3A_1190 : vector<1x1x16xf32> to vector<16xf32>
        %mul3A_1192 = arith.mulf %get3A_1191, %gather3A_136 : vector<16xf32>
        %add3A_1193 = arith.addf %add3A_1184, %mul3A_1192 : vector<16xf32>
        %get3A_1194 = arith.constant 0 : i32
        %get3A_1195 = arith.constant 7 : i32
        %get3A_1196 = arith.index_cast %get3A_1194 : i32 to index
        %get3A_1197 = arith.index_cast %get3A_1195 : i32 to index
        %get3A_1198 = arith.constant 96 : index
        %get3A_1199 = tpu.vector_load %arg8[%get3A_1196, %get3A_1197, %get3A_1198] {strides = array<i32>} : memref<2x16x256xf32, #tpu.memory_space<vmem>>, vector<1x1x16xf32>,
        %get3A_1200 = vector.shape_cast %get3A_1199 : vector<1x1x16xf32> to vector<16xf32>
        %mul3A_1201 = arith.mulf %get3A_1200, %gather3A_148 : vector<16xf32>
        %add3A_1202 = arith.addf %add3A_1193, %mul3A_1201 : vector<16xf32>
        %get3A_1203 = arith.constant 0 : i32
        %get3A_1204 = arith.constant 8 : i32
        %get3A_1205 = arith.index_cast %get3A_1203 : i32 to index
        %get3A_1206 = arith.index_cast %get3A_1204 : i32 to index
        %get3A_1207 = arith.constant 96 : index
        %get3A_1208 = tpu.vector_load %arg8[%get3A_1205, %get3A_1206, %get3A_1207] {strides = array<i32>} : memref<2x16x256xf32, #tpu.memory_space<vmem>>, vector<1x1x16xf32>,
        %get3A_1209 = vector.shape_cast %get3A_1208 : vector<1x1x16xf32> to vector<16xf32>
        %mul3A_1210 = arith.mulf %get3A_1209, %gather3A_160 : vector<16xf32>
        %add3A_1211 = arith.addf %add3A_1202, %mul3A_1210 : vector<16xf32>
        %get3A_1212 = arith.constant 0 : i32
        %get3A_1213 = arith.constant 9 : i32
        %get3A_1214 = arith.index_cast %get3A_1212 : i32 to index
        %get3A_1215 = arith.index_cast %get3A_1213 : i32 to index
        %get3A_1216 = arith.constant 96 : index
        %get3A_1217 = tpu.vector_load %arg8[%get3A_1214, %get3A_1215, %get3A_1216] {strides = array<i32>} : memref<2x16x256xf32, #tpu.memory_space<vmem>>, vector<1x1x16xf32>,
        %get3A_1218 = vector.shape_cast %get3A_1217 : vector<1x1x16xf32> to vector<16xf32>
        %mul3A_1219 = arith.mulf %get3A_1218, %gather3A_172 : vector<16xf32>
        %add3A_1220 = arith.addf %add3A_1211, %mul3A_1219 : vector<16xf32>
        %get3A_1221 = arith.constant 0 : i32
        %get3A_1222 = arith.constant 10 : i32
        %get3A_1223 = arith.index_cast %get3A_1221 : i32 to index
        %get3A_1224 = arith.index_cast %get3A_1222 : i32 to index
        %get3A_1225 = arith.constant 96 : index
        %get3A_1226 = tpu.vector_load %arg8[%get3A_1223, %get3A_1224, %get3A_1225] {strides = array<i32>} : memref<2x16x256xf32, #tpu.memory_space<vmem>>, vector<1x1x16xf32>,
        %get3A_1227 = vector.shape_cast %get3A_1226 : vector<1x1x16xf32> to vector<16xf32>
        %mul3A_1228 = arith.mulf %get3A_1227, %gather3A_184 : vector<16xf32>
        %add3A_1229 = arith.addf %add3A_1220, %mul3A_1228 : vector<16xf32>
        %get3A_1230 = arith.constant 0 : i32
        %get3A_1231 = arith.constant 11 : i32
        %get3A_1232 = arith.index_cast %get3A_1230 : i32 to index
        %get3A_1233 = arith.index_cast %get3A_1231 : i32 to index
        %get3A_1234 = arith.constant 96 : index
        %get3A_1235 = tpu.vector_load %arg8[%get3A_1232, %get3A_1233, %get3A_1234] {strides = array<i32>} : memref<2x16x256xf32, #tpu.memory_space<vmem>>, vector<1x1x16xf32>,
        %get3A_1236 = vector.shape_cast %get3A_1235 : vector<1x1x16xf32> to vector<16xf32>
        %mul3A_1237 = arith.mulf %get3A_1236, %gather3A_196 : vector<16xf32>
        %add3A_1238 = arith.addf %add3A_1229, %mul3A_1237 : vector<16xf32>
        %get3A_1239 = arith.constant 0 : i32
        %get3A_1240 = arith.constant 12 : i32
        %get3A_1241 = arith.index_cast %get3A_1239 : i32 to index
        %get3A_1242 = arith.index_cast %get3A_1240 : i32 to index
        %get3A_1243 = arith.constant 96 : index
        %get3A_1244 = tpu.vector_load %arg8[%get3A_1241, %get3A_1242, %get3A_1243] {strides = array<i32>} : memref<2x16x256xf32, #tpu.memory_space<vmem>>, vector<1x1x16xf32>,
        %get3A_1245 = vector.shape_cast %get3A_1244 : vector<1x1x16xf32> to vector<16xf32>
        %mul3A_1246 = arith.mulf %get3A_1245, %gather3A_208 : vector<16xf32>
        %add3A_1247 = arith.addf %add3A_1238, %mul3A_1246 : vector<16xf32>
        %get3A_1248 = arith.constant 0 : i32
        %get3A_1249 = arith.constant 13 : i32
        %get3A_1250 = arith.index_cast %get3A_1248 : i32 to index
        %get3A_1251 = arith.index_cast %get3A_1249 : i32 to index
        %get3A_1252 = arith.constant 96 : index
        %get3A_1253 = tpu.vector_load %arg8[%get3A_1250, %get3A_1251, %get3A_1252] {strides = array<i32>} : memref<2x16x256xf32, #tpu.memory_space<vmem>>, vector<1x1x16xf32>,
        %get3A_1254 = vector.shape_cast %get3A_1253 : vector<1x1x16xf32> to vector<16xf32>
        %mul3A_1255 = arith.mulf %get3A_1254, %gather3A_220 : vector<16xf32>
        %add3A_1256 = arith.addf %add3A_1247, %mul3A_1255 : vector<16xf32>
        %get3A_1257 = arith.constant 0 : i32
        %get3A_1258 = arith.constant 14 : i32
        %get3A_1259 = arith.index_cast %get3A_1257 : i32 to index
        %get3A_1260 = arith.index_cast %get3A_1258 : i32 to index
        %get3A_1261 = arith.constant 96 : index
        %get3A_1262 = tpu.vector_load %arg8[%get3A_1259, %get3A_1260, %get3A_1261] {strides = array<i32>} : memref<2x16x256xf32, #tpu.memory_space<vmem>>, vector<1x1x16xf32>,
        %get3A_1263 = vector.shape_cast %get3A_1262 : vector<1x1x16xf32> to vector<16xf32>
        %mul3A_1264 = arith.mulf %get3A_1263, %gather3A_232 : vector<16xf32>
        %add3A_1265 = arith.addf %add3A_1256, %mul3A_1264 : vector<16xf32>
        %get3A_1266 = arith.constant 0 : i32
        %get3A_1267 = arith.constant 15 : i32
        %get3A_1268 = arith.index_cast %get3A_1266 : i32 to index
        %get3A_1269 = arith.index_cast %get3A_1267 : i32 to index
        %get3A_1270 = arith.constant 96 : index
        %get3A_1271 = tpu.vector_load %arg8[%get3A_1268, %get3A_1269, %get3A_1270] {strides = array<i32>} : memref<2x16x256xf32, #tpu.memory_space<vmem>>, vector<1x1x16xf32>,
        %get3A_1272 = vector.shape_cast %get3A_1271 : vector<1x1x16xf32> to vector<16xf32>
        %mul3A_1273 = arith.mulf %get3A_1272, %gather3A_244 : vector<16xf32>
        %add3A_1274 = arith.addf %add3A_1265, %mul3A_1273 : vector<16xf32>
        %swap3A_1275 = arith.index_cast %add3A_51 : i32 to index
        %swap3A_1276 = arith.constant 96 : index
        %swap3A_1277 = tpu.vector_load %arg9[%swap3A_1275, %swap3A_1276] {strides = array<i32>} : memref<112x256xf32, #tpu.memory_space<vmem>>, vector<1x16xf32>,
        %swap3A_1278 = vector.shape_cast %swap3A_1277 : vector<1x16xf32> to vector<16xf32>
        %swap3A_1279 = vector.shape_cast %add3A_1274 : vector<16xf32> to vector<1x16xf32>
        tpu.vector_store %arg9[%swap3A_1275, %swap3A_1276], %swap3A_1279 {strides = array<i32>} : memref<112x256xf32, #tpu.memory_space<vmem>>, vector<1x16xf32>,
        %get3A_1280 = arith.constant 0 : i32
        %get3A_1281 = arith.constant 0 : i32
        %get3A_1282 = arith.index_cast %get3A_1280 : i32 to index
        %get3A_1283 = arith.index_cast %get3A_1281 : i32 to index
        %get3A_1284 = arith.constant 112 : index
        %get3A_1285 = tpu.vector_load %arg8[%get3A_1282, %get3A_1283, %get3A_1284] {strides = array<i32>} : memref<2x16x256xf32, #tpu.memory_space<vmem>>, vector<1x1x16xf32>,
        %get3A_1286 = vector.shape_cast %get3A_1285 : vector<1x1x16xf32> to vector<16xf32>
        %mul3A_1287 = arith.mulf %get3A_1286, %gather3A_64 : vector<16xf32>
        %get3A_1288 = arith.constant 0 : i32
        %get3A_1289 = arith.constant 1 : i32
        %get3A_1290 = arith.index_cast %get3A_1288 : i32 to index
        %get3A_1291 = arith.index_cast %get3A_1289 : i32 to index
        %get3A_1292 = arith.constant 112 : index
        %get3A_1293 = tpu.vector_load %arg8[%get3A_1290, %get3A_1291, %get3A_1292] {strides = array<i32>} : memref<2x16x256xf32, #tpu.memory_space<vmem>>, vector<1x1x16xf32>,
        %get3A_1294 = vector.shape_cast %get3A_1293 : vector<1x1x16xf32> to vector<16xf32>
        %mul3A_1295 = arith.mulf %get3A_1294, %gather3A_76 : vector<16xf32>
        %add3A_1296 = arith.addf %mul3A_1287, %mul3A_1295 : vector<16xf32>
        %get3A_1297 = arith.constant 0 : i32
        %get3A_1298 = arith.constant 2 : i32
        %get3A_1299 = arith.index_cast %get3A_1297 : i32 to index
        %get3A_1300 = arith.index_cast %get3A_1298 : i32 to index
        %get3A_1301 = arith.constant 112 : index
        %get3A_1302 = tpu.vector_load %arg8[%get3A_1299, %get3A_1300, %get3A_1301] {strides = array<i32>} : memref<2x16x256xf32, #tpu.memory_space<vmem>>, vector<1x1x16xf32>,
        %get3A_1303 = vector.shape_cast %get3A_1302 : vector<1x1x16xf32> to vector<16xf32>
        %mul3A_1304 = arith.mulf %get3A_1303, %gather3A_88 : vector<16xf32>
        %add3A_1305 = arith.addf %add3A_1296, %mul3A_1304 : vector<16xf32>
        %get3A_1306 = arith.constant 0 : i32
        %get3A_1307 = arith.constant 3 : i32
        %get3A_1308 = arith.index_cast %get3A_1306 : i32 to index
        %get3A_1309 = arith.index_cast %get3A_1307 : i32 to index
        %get3A_1310 = arith.constant 112 : index
        %get3A_1311 = tpu.vector_load %arg8[%get3A_1308, %get3A_1309, %get3A_1310] {strides = array<i32>} : memref<2x16x256xf32, #tpu.memory_space<vmem>>, vector<1x1x16xf32>,
        %get3A_1312 = vector.shape_cast %get3A_1311 : vector<1x1x16xf32> to vector<16xf32>
        %mul3A_1313 = arith.mulf %get3A_1312, %gather3A_100 : vector<16xf32>
        %add3A_1314 = arith.addf %add3A_1305, %mul3A_1313 : vector<16xf32>
        %get3A_1315 = arith.constant 0 : i32
        %get3A_1316 = arith.constant 4 : i32
        %get3A_1317 = arith.index_cast %get3A_1315 : i32 to index
        %get3A_1318 = arith.index_cast %get3A_1316 : i32 to index
        %get3A_1319 = arith.constant 112 : index
        %get3A_1320 = tpu.vector_load %arg8[%get3A_1317, %get3A_1318, %get3A_1319] {strides = array<i32>} : memref<2x16x256xf32, #tpu.memory_space<vmem>>, vector<1x1x16xf32>,
        %get3A_1321 = vector.shape_cast %get3A_1320 : vector<1x1x16xf32> to vector<16xf32>
        %mul3A_1322 = arith.mulf %get3A_1321, %gather3A_112 : vector<16xf32>
        %add3A_1323 = arith.addf %add3A_1314, %mul3A_1322 : vector<16xf32>
        %get3A_1324 = arith.constant 0 : i32
        %get3A_1325 = arith.constant 5 : i32
        %get3A_1326 = arith.index_cast %get3A_1324 : i32 to index
        %get3A_1327 = arith.index_cast %get3A_1325 : i32 to index
        %get3A_1328 = arith.constant 112 : index
        %get3A_1329 = tpu.vector_load %arg8[%get3A_1326, %get3A_1327, %get3A_1328] {strides = array<i32>} : memref<2x16x256xf32, #tpu.memory_space<vmem>>, vector<1x1x16xf32>,
        %get3A_1330 = vector.shape_cast %get3A_1329 : vector<1x1x16xf32> to vector<16xf32>
        %mul3A_1331 = arith.mulf %get3A_1330, %gather3A_124 : vector<16xf32>
        %add3A_1332 = arith.addf %add3A_1323, %mul3A_1331 : vector<16xf32>
        %get3A_1333 = arith.constant 0 : i32
        %get3A_1334 = arith.constant 6 : i32
        %get3A_1335 = arith.index_cast %get3A_1333 : i32 to index
        %get3A_1336 = arith.index_cast %get3A_1334 : i32 to index
        %get3A_1337 = arith.constant 112 : index
        %get3A_1338 = tpu.vector_load %arg8[%get3A_1335, %get3A_1336, %get3A_1337] {strides = array<i32>} : memref<2x16x256xf32, #tpu.memory_space<vmem>>, vector<1x1x16xf32>,
        %get3A_1339 = vector.shape_cast %get3A_1338 : vector<1x1x16xf32> to vector<16xf32>
        %mul3A_1340 = arith.mulf %get3A_1339, %gather3A_136 : vector<16xf32>
        %add3A_1341 = arith.addf %add3A_1332, %mul3A_1340 : vector<16xf32>
        %get3A_1342 = arith.constant 0 : i32
        %get3A_1343 = arith.constant 7 : i32
        %get3A_1344 = arith.index_cast %get3A_1342 : i32 to index
        %get3A_1345 = arith.index_cast %get3A_1343 : i32 to index
        %get3A_1346 = arith.constant 112 : index
        %get3A_1347 = tpu.vector_load %arg8[%get3A_1344, %get3A_1345, %get3A_1346] {strides = array<i32>} : memref<2x16x256xf32, #tpu.memory_space<vmem>>, vector<1x1x16xf32>,
        %get3A_1348 = vector.shape_cast %get3A_1347 : vector<1x1x16xf32> to vector<16xf32>
        %mul3A_1349 = arith.mulf %get3A_1348, %gather3A_148 : vector<16xf32>
        %add3A_1350 = arith.addf %add3A_1341, %mul3A_1349 : vector<16xf32>
        %get3A_1351 = arith.constant 0 : i32
        %get3A_1352 = arith.constant 8 : i32
        %get3A_1353 = arith.index_cast %get3A_1351 : i32 to index
        %get3A_1354 = arith.index_cast %get3A_1352 : i32 to index
        %get3A_1355 = arith.constant 112 : index
        %get3A_1356 = tpu.vector_load %arg8[%get3A_1353, %get3A_1354, %get3A_1355] {strides = array<i32>} : memref<2x16x256xf32, #tpu.memory_space<vmem>>, vector<1x1x16xf32>,
        %get3A_1357 = vector.shape_cast %get3A_1356 : vector<1x1x16xf32> to vector<16xf32>
        %mul3A_1358 = arith.mulf %get3A_1357, %gather3A_160 : vector<16xf32>
        %add3A_1359 = arith.addf %add3A_1350, %mul3A_1358 : vector<16xf32>
        %get3A_1360 = arith.constant 0 : i32
        %get3A_1361 = arith.constant 9 : i32
        %get3A_1362 = arith.index_cast %get3A_1360 : i32 to index
        %get3A_1363 = arith.index_cast %get3A_1361 : i32 to index
        %get3A_1364 = arith.constant 112 : index
        %get3A_1365 = tpu.vector_load %arg8[%get3A_1362, %get3A_1363, %get3A_1364] {strides = array<i32>} : memref<2x16x256xf32, #tpu.memory_space<vmem>>, vector<1x1x16xf32>,
        %get3A_1366 = vector.shape_cast %get3A_1365 : vector<1x1x16xf32> to vector<16xf32>
        %mul3A_1367 = arith.mulf %get3A_1366, %gather3A_172 : vector<16xf32>
        %add3A_1368 = arith.addf %add3A_1359, %mul3A_1367 : vector<16xf32>
        %get3A_1369 = arith.constant 0 : i32
        %get3A_1370 = arith.constant 10 : i32
        %get3A_1371 = arith.index_cast %get3A_1369 : i32 to index
        %get3A_1372 = arith.index_cast %get3A_1370 : i32 to index
        %get3A_1373 = arith.constant 112 : index
        %get3A_1374 = tpu.vector_load %arg8[%get3A_1371, %get3A_1372, %get3A_1373] {strides = array<i32>} : memref<2x16x256xf32, #tpu.memory_space<vmem>>, vector<1x1x16xf32>,
        %get3A_1375 = vector.shape_cast %get3A_1374 : vector<1x1x16xf32> to vector<16xf32>
        %mul3A_1376 = arith.mulf %get3A_1375, %gather3A_184 : vector<16xf32>
        %add3A_1377 = arith.addf %add3A_1368, %mul3A_1376 : vector<16xf32>
        %get3A_1378 = arith.constant 0 : i32
        %get3A_1379 = arith.constant 11 : i32
        %get3A_1380 = arith.index_cast %get3A_1378 : i32 to index
        %get3A_1381 = arith.index_cast %get3A_1379 : i32 to index
        %get3A_1382 = arith.constant 112 : index
        %get3A_1383 = tpu.vector_load %arg8[%get3A_1380, %get3A_1381, %get3A_1382] {strides = array<i32>} : memref<2x16x256xf32, #tpu.memory_space<vmem>>, vector<1x1x16xf32>,
        %get3A_1384 = vector.shape_cast %get3A_1383 : vector<1x1x16xf32> to vector<16xf32>
        %mul3A_1385 = arith.mulf %get3A_1384, %gather3A_196 : vector<16xf32>
        %add3A_1386 = arith.addf %add3A_1377, %mul3A_1385 : vector<16xf32>
        %get3A_1387 = arith.constant 0 : i32
        %get3A_1388 = arith.constant 12 : i32
        %get3A_1389 = arith.index_cast %get3A_1387 : i32 to index
        %get3A_1390 = arith.index_cast %get3A_1388 : i32 to index
        %get3A_1391 = arith.constant 112 : index
        %get3A_1392 = tpu.vector_load %arg8[%get3A_1389, %get3A_1390, %get3A_1391] {strides = array<i32>} : memref<2x16x256xf32, #tpu.memory_space<vmem>>, vector<1x1x16xf32>,
        %get3A_1393 = vector.shape_cast %get3A_1392 : vector<1x1x16xf32> to vector<16xf32>
        %mul3A_1394 = arith.mulf %get3A_1393, %gather3A_208 : vector<16xf32>
        %add3A_1395 = arith.addf %add3A_1386, %mul3A_1394 : vector<16xf32>
        %get3A_1396 = arith.constant 0 : i32
        %get3A_1397 = arith.constant 13 : i32
        %get3A_1398 = arith.index_cast %get3A_1396 : i32 to index
        %get3A_1399 = arith.index_cast %get3A_1397 : i32 to index
        %get3A_1400 = arith.constant 112 : index
        %get3A_1401 = tpu.vector_load %arg8[%get3A_1398, %get3A_1399, %get3A_1400] {strides = array<i32>} : memref<2x16x256xf32, #tpu.memory_space<vmem>>, vector<1x1x16xf32>,
        %get3A_1402 = vector.shape_cast %get3A_1401 : vector<1x1x16xf32> to vector<16xf32>
        %mul3A_1403 = arith.mulf %get3A_1402, %gather3A_220 : vector<16xf32>
        %add3A_1404 = arith.addf %add3A_1395, %mul3A_1403 : vector<16xf32>
        %get3A_1405 = arith.constant 0 : i32
        %get3A_1406 = arith.constant 14 : i32
        %get3A_1407 = arith.index_cast %get3A_1405 : i32 to index
        %get3A_1408 = arith.index_cast %get3A_1406 : i32 to index
        %get3A_1409 = arith.constant 112 : index
        %get3A_1410 = tpu.vector_load %arg8[%get3A_1407, %get3A_1408, %get3A_1409] {strides = array<i32>} : memref<2x16x256xf32, #tpu.memory_space<vmem>>, vector<1x1x16xf32>,
        %get3A_1411 = vector.shape_cast %get3A_1410 : vector<1x1x16xf32> to vector<16xf32>
        %mul3A_1412 = arith.mulf %get3A_1411, %gather3A_232 : vector<16xf32>
        %add3A_1413 = arith.addf %add3A_1404, %mul3A_1412 : vector<16xf32>
        %get3A_1414 = arith.constant 0 : i32
        %get3A_1415 = arith.constant 15 : i32
        %get3A_1416 = arith.index_cast %get3A_1414 : i32 to index
        %get3A_1417 = arith.index_cast %get3A_1415 : i32 to index
        %get3A_1418 = arith.constant 112 : index
        %get3A_1419 = tpu.vector_load %arg8[%get3A_1416, %get3A_1417, %get3A_1418] {strides = array<i32>} : memref<2x16x256xf32, #tpu.memory_space<vmem>>, vector<1x1x16xf32>,
        %get3A_1420 = vector.shape_cast %get3A_1419 : vector<1x1x16xf32> to vector<16xf32>
        %mul3A_1421 = arith.mulf %get3A_1420, %gather3A_244 : vector<16xf32>
        %add3A_1422 = arith.addf %add3A_1413, %mul3A_1421 : vector<16xf32>
        %swap3A_1423 = arith.index_cast %add3A_51 : i32 to index
        %swap3A_1424 = arith.constant 112 : index
        %swap3A_1425 = tpu.vector_load %arg9[%swap3A_1423, %swap3A_1424] {strides = array<i32>} : memref<112x256xf32, #tpu.memory_space<vmem>>, vector<1x16xf32>,
        %swap3A_1426 = vector.shape_cast %swap3A_1425 : vector<1x16xf32> to vector<16xf32>
        %swap3A_1427 = vector.shape_cast %add3A_1422 : vector<16xf32> to vector<1x16xf32>
        tpu.vector_store %arg9[%swap3A_1423, %swap3A_1424], %swap3A_1427 {strides = array<i32>} : memref<112x256xf32, #tpu.memory_space<vmem>>, vector<1x16xf32>,
        %get3A_1428 = arith.constant 0 : i32
        %get3A_1429 = arith.constant 0 : i32
        %get3A_1430 = arith.index_cast %get3A_1428 : i32 to index
        %get3A_1431 = arith.index_cast %get3A_1429 : i32 to index
        %get3A_1432 = arith.constant 128 : index
        %get3A_1433 = tpu.vector_load %arg8[%get3A_1430, %get3A_1431, %get3A_1432] {strides = array<i32>} : memref<2x16x256xf32, #tpu.memory_space<vmem>>, vector<1x1x16xf32>,
        %get3A_1434 = vector.shape_cast %get3A_1433 : vector<1x1x16xf32> to vector<16xf32>
        %mul3A_1435 = arith.mulf %get3A_1434, %gather3A_64 : vector<16xf32>
        %get3A_1436 = arith.constant 0 : i32
        %get3A_1437 = arith.constant 1 : i32
        %get3A_1438 = arith.index_cast %get3A_1436 : i32 to index
        %get3A_1439 = arith.index_cast %get3A_1437 : i32 to index
        %get3A_1440 = arith.constant 128 : index
        %get3A_1441 = tpu.vector_load %arg8[%get3A_1438, %get3A_1439, %get3A_1440] {strides = array<i32>} : memref<2x16x256xf32, #tpu.memory_space<vmem>>, vector<1x1x16xf32>,
        %get3A_1442 = vector.shape_cast %get3A_1441 : vector<1x1x16xf32> to vector<16xf32>
        %mul3A_1443 = arith.mulf %get3A_1442, %gather3A_76 : vector<16xf32>
        %add3A_1444 = arith.addf %mul3A_1435, %mul3A_1443 : vector<16xf32>
        %get3A_1445 = arith.constant 0 : i32
        %get3A_1446 = arith.constant 2 : i32
        %get3A_1447 = arith.index_cast %get3A_1445 : i32 to index
        %get3A_1448 = arith.index_cast %get3A_1446 : i32 to index
        %get3A_1449 = arith.constant 128 : index
        %get3A_1450 = tpu.vector_load %arg8[%get3A_1447, %get3A_1448, %get3A_1449] {strides = array<i32>} : memref<2x16x256xf32, #tpu.memory_space<vmem>>, vector<1x1x16xf32>,
        %get3A_1451 = vector.shape_cast %get3A_1450 : vector<1x1x16xf32> to vector<16xf32>
        %mul3A_1452 = arith.mulf %get3A_1451, %gather3A_88 : vector<16xf32>
        %add3A_1453 = arith.addf %add3A_1444, %mul3A_1452 : vector<16xf32>
        %get3A_1454 = arith.constant 0 : i32
        %get3A_1455 = arith.constant 3 : i32
        %get3A_1456 = arith.index_cast %get3A_1454 : i32 to index
        %get3A_1457 = arith.index_cast %get3A_1455 : i32 to index
        %get3A_1458 = arith.constant 128 : index
        %get3A_1459 = tpu.vector_load %arg8[%get3A_1456, %get3A_1457, %get3A_1458] {strides = array<i32>} : memref<2x16x256xf32, #tpu.memory_space<vmem>>, vector<1x1x16xf32>,
        %get3A_1460 = vector.shape_cast %get3A_1459 : vector<1x1x16xf32> to vector<16xf32>
        %mul3A_1461 = arith.mulf %get3A_1460, %gather3A_100 : vector<16xf32>
        %add3A_1462 = arith.addf %add3A_1453, %mul3A_1461 : vector<16xf32>
        %get3A_1463 = arith.constant 0 : i32
        %get3A_1464 = arith.constant 4 : i32
        %get3A_1465 = arith.index_cast %get3A_1463 : i32 to index
        %get3A_1466 = arith.index_cast %get3A_1464 : i32 to index
        %get3A_1467 = arith.constant 128 : index
        %get3A_1468 = tpu.vector_load %arg8[%get3A_1465, %get3A_1466, %get3A_1467] {strides = array<i32>} : memref<2x16x256xf32, #tpu.memory_space<vmem>>, vector<1x1x16xf32>,
        %get3A_1469 = vector.shape_cast %get3A_1468 : vector<1x1x16xf32> to vector<16xf32>
        %mul3A_1470 = arith.mulf %get3A_1469, %gather3A_112 : vector<16xf32>
        %add3A_1471 = arith.addf %add3A_1462, %mul3A_1470 : vector<16xf32>
        %get3A_1472 = arith.constant 0 : i32
        %get3A_1473 = arith.constant 5 : i32
        %get3A_1474 = arith.index_cast %get3A_1472 : i32 to index
        %get3A_1475 = arith.index_cast %get3A_1473 : i32 to index
        %get3A_1476 = arith.constant 128 : index
        %get3A_1477 = tpu.vector_load %arg8[%get3A_1474, %get3A_1475, %get3A_1476] {strides = array<i32>} : memref<2x16x256xf32, #tpu.memory_space<vmem>>, vector<1x1x16xf32>,
        %get3A_1478 = vector.shape_cast %get3A_1477 : vector<1x1x16xf32> to vector<16xf32>
        %mul3A_1479 = arith.mulf %get3A_1478, %gather3A_124 : vector<16xf32>
        %add3A_1480 = arith.addf %add3A_1471, %mul3A_1479 : vector<16xf32>
        %get3A_1481 = arith.constant 0 : i32
        %get3A_1482 = arith.constant 6 : i32
        %get3A_1483 = arith.index_cast %get3A_1481 : i32 to index
        %get3A_1484 = arith.index_cast %get3A_1482 : i32 to index
        %get3A_1485 = arith.constant 128 : index
        %get3A_1486 = tpu.vector_load %arg8[%get3A_1483, %get3A_1484, %get3A_1485] {strides = array<i32>} : memref<2x16x256xf32, #tpu.memory_space<vmem>>, vector<1x1x16xf32>,
        %get3A_1487 = vector.shape_cast %get3A_1486 : vector<1x1x16xf32> to vector<16xf32>
        %mul3A_1488 = arith.mulf %get3A_1487, %gather3A_136 : vector<16xf32>
        %add3A_1489 = arith.addf %add3A_1480, %mul3A_1488 : vector<16xf32>
        %get3A_1490 = arith.constant 0 : i32
        %get3A_1491 = arith.constant 7 : i32
        %get3A_1492 = arith.index_cast %get3A_1490 : i32 to index
        %get3A_1493 = arith.index_cast %get3A_1491 : i32 to index
        %get3A_1494 = arith.constant 128 : index
        %get3A_1495 = tpu.vector_load %arg8[%get3A_1492, %get3A_1493, %get3A_1494] {strides = array<i32>} : memref<2x16x256xf32, #tpu.memory_space<vmem>>, vector<1x1x16xf32>,
        %get3A_1496 = vector.shape_cast %get3A_1495 : vector<1x1x16xf32> to vector<16xf32>
        %mul3A_1497 = arith.mulf %get3A_1496, %gather3A_148 : vector<16xf32>
        %add3A_1498 = arith.addf %add3A_1489, %mul3A_1497 : vector<16xf32>
        %get3A_1499 = arith.constant 0 : i32
        %get3A_1500 = arith.constant 8 : i32
        %get3A_1501 = arith.index_cast %get3A_1499 : i32 to index
        %get3A_1502 = arith.index_cast %get3A_1500 : i32 to index
        %get3A_1503 = arith.constant 128 : index
        %get3A_1504 = tpu.vector_load %arg8[%get3A_1501, %get3A_1502, %get3A_1503] {strides = array<i32>} : memref<2x16x256xf32, #tpu.memory_space<vmem>>, vector<1x1x16xf32>,
        %get3A_1505 = vector.shape_cast %get3A_1504 : vector<1x1x16xf32> to vector<16xf32>
        %mul3A_1506 = arith.mulf %get3A_1505, %gather3A_160 : vector<16xf32>
        %add3A_1507 = arith.addf %add3A_1498, %mul3A_1506 : vector<16xf32>
        %get3A_1508 = arith.constant 0 : i32
        %get3A_1509 = arith.constant 9 : i32
        %get3A_1510 = arith.index_cast %get3A_1508 : i32 to index
        %get3A_1511 = arith.index_cast %get3A_1509 : i32 to index
        %get3A_1512 = arith.constant 128 : index
        %get3A_1513 = tpu.vector_load %arg8[%get3A_1510, %get3A_1511, %get3A_1512] {strides = array<i32>} : memref<2x16x256xf32, #tpu.memory_space<vmem>>, vector<1x1x16xf32>,
        %get3A_1514 = vector.shape_cast %get3A_1513 : vector<1x1x16xf32> to vector<16xf32>
        %mul3A_1515 = arith.mulf %get3A_1514, %gather3A_172 : vector<16xf32>
        %add3A_1516 = arith.addf %add3A_1507, %mul3A_1515 : vector<16xf32>
        %get3A_1517 = arith.constant 0 : i32
        %get3A_1518 = arith.constant 10 : i32
        %get3A_1519 = arith.index_cast %get3A_1517 : i32 to index
        %get3A_1520 = arith.index_cast %get3A_1518 : i32 to index
        %get3A_1521 = arith.constant 128 : index
        %get3A_1522 = tpu.vector_load %arg8[%get3A_1519, %get3A_1520, %get3A_1521] {strides = array<i32>} : memref<2x16x256xf32, #tpu.memory_space<vmem>>, vector<1x1x16xf32>,
        %get3A_1523 = vector.shape_cast %get3A_1522 : vector<1x1x16xf32> to vector<16xf32>
        %mul3A_1524 = arith.mulf %get3A_1523, %gather3A_184 : vector<16xf32>
        %add3A_1525 = arith.addf %add3A_1516, %mul3A_1524 : vector<16xf32>
        %get3A_1526 = arith.constant 0 : i32
        %get3A_1527 = arith.constant 11 : i32
        %get3A_1528 = arith.index_cast %get3A_1526 : i32 to index
        %get3A_1529 = arith.index_cast %get3A_1527 : i32 to index
        %get3A_1530 = arith.constant 128 : index
        %get3A_1531 = tpu.vector_load %arg8[%get3A_1528, %get3A_1529, %get3A_1530] {strides = array<i32>} : memref<2x16x256xf32, #tpu.memory_space<vmem>>, vector<1x1x16xf32>,
        %get3A_1532 = vector.shape_cast %get3A_1531 : vector<1x1x16xf32> to vector<16xf32>
        %mul3A_1533 = arith.mulf %get3A_1532, %gather3A_196 : vector<16xf32>
        %add3A_1534 = arith.addf %add3A_1525, %mul3A_1533 : vector<16xf32>
        %get3A_1535 = arith.constant 0 : i32
        %get3A_1536 = arith.constant 12 : i32
        %get3A_1537 = arith.index_cast %get3A_1535 : i32 to index
        %get3A_1538 = arith.index_cast %get3A_1536 : i32 to index
        %get3A_1539 = arith.constant 128 : index
        %get3A_1540 = tpu.vector_load %arg8[%get3A_1537, %get3A_1538, %get3A_1539] {strides = array<i32>} : memref<2x16x256xf32, #tpu.memory_space<vmem>>, vector<1x1x16xf32>,
        %get3A_1541 = vector.shape_cast %get3A_1540 : vector<1x1x16xf32> to vector<16xf32>
        %mul3A_1542 = arith.mulf %get3A_1541, %gather3A_208 : vector<16xf32>
        %add3A_1543 = arith.addf %add3A_1534, %mul3A_1542 : vector<16xf32>
        %get3A_1544 = arith.constant 0 : i32
        %get3A_1545 = arith.constant 13 : i32
        %get3A_1546 = arith.index_cast %get3A_1544 : i32 to index
        %get3A_1547 = arith.index_cast %get3A_1545 : i32 to index
        %get3A_1548 = arith.constant 128 : index
        %get3A_1549 = tpu.vector_load %arg8[%get3A_1546, %get3A_1547, %get3A_1548] {strides = array<i32>} : memref<2x16x256xf32, #tpu.memory_space<vmem>>, vector<1x1x16xf32>,
        %get3A_1550 = vector.shape_cast %get3A_1549 : vector<1x1x16xf32> to vector<16xf32>
        %mul3A_1551 = arith.mulf %get3A_1550, %gather3A_220 : vector<16xf32>
        %add3A_1552 = arith.addf %add3A_1543, %mul3A_1551 : vector<16xf32>
        %get3A_1553 = arith.constant 0 : i32
        %get3A_1554 = arith.constant 14 : i32
        %get3A_1555 = arith.index_cast %get3A_1553 : i32 to index
        %get3A_1556 = arith.index_cast %get3A_1554 : i32 to index
        %get3A_1557 = arith.constant 128 : index
        %get3A_1558 = tpu.vector_load %arg8[%get3A_1555, %get3A_1556, %get3A_1557] {strides = array<i32>} : memref<2x16x256xf32, #tpu.memory_space<vmem>>, vector<1x1x16xf32>,
        %get3A_1559 = vector.shape_cast %get3A_1558 : vector<1x1x16xf32> to vector<16xf32>
        %mul3A_1560 = arith.mulf %get3A_1559, %gather3A_232 : vector<16xf32>
        %add3A_1561 = arith.addf %add3A_1552, %mul3A_1560 : vector<16xf32>
        %get3A_1562 = arith.constant 0 : i32
        %get3A_1563 = arith.constant 15 : i32
        %get3A_1564 = arith.index_cast %get3A_1562 : i32 to index
        %get3A_1565 = arith.index_cast %get3A_1563 : i32 to index
        %get3A_1566 = arith.constant 128 : index
        %get3A_1567 = tpu.vector_load %arg8[%get3A_1564, %get3A_1565, %get3A_1566] {strides = array<i32>} : memref<2x16x256xf32, #tpu.memory_space<vmem>>, vector<1x1x16xf32>,
        %get3A_1568 = vector.shape_cast %get3A_1567 : vector<1x1x16xf32> to vector<16xf32>
        %mul3A_1569 = arith.mulf %get3A_1568, %gather3A_244 : vector<16xf32>
        %add3A_1570 = arith.addf %add3A_1561, %mul3A_1569 : vector<16xf32>
        %swap3A_1571 = arith.index_cast %add3A_51 : i32 to index
        %swap3A_1572 = arith.constant 128 : index
        %swap3A_1573 = tpu.vector_load %arg9[%swap3A_1571, %swap3A_1572] {strides = array<i32>} : memref<112x256xf32, #tpu.memory_space<vmem>>, vector<1x16xf32>,
        %swap3A_1574 = vector.shape_cast %swap3A_1573 : vector<1x16xf32> to vector<16xf32>
        %swap3A_1575 = vector.shape_cast %add3A_1570 : vector<16xf32> to vector<1x16xf32>
        tpu.vector_store %arg9[%swap3A_1571, %swap3A_1572], %swap3A_1575 {strides = array<i32>} : memref<112x256xf32, #tpu.memory_space<vmem>>, vector<1x16xf32>,
        %get3A_1576 = arith.constant 0 : i32
        %get3A_1577 = arith.constant 0 : i32
        %get3A_1578 = arith.index_cast %get3A_1576 : i32 to index
        %get3A_1579 = arith.index_cast %get3A_1577 : i32 to index
        %get3A_1580 = arith.constant 144 : index
        %get3A_1581 = tpu.vector_load %arg8[%get3A_1578, %get3A_1579, %get3A_1580] {strides = array<i32>} : memref<2x16x256xf32, #tpu.memory_space<vmem>>, vector<1x1x16xf32>,
        %get3A_1582 = vector.shape_cast %get3A_1581 : vector<1x1x16xf32> to vector<16xf32>
        %mul3A_1583 = arith.mulf %get3A_1582, %gather3A_64 : vector<16xf32>
        %get3A_1584 = arith.constant 0 : i32
        %get3A_1585 = arith.constant 1 : i32
        %get3A_1586 = arith.index_cast %get3A_1584 : i32 to index
        %get3A_1587 = arith.index_cast %get3A_1585 : i32 to index
        %get3A_1588 = arith.constant 144 : index
        %get3A_1589 = tpu.vector_load %arg8[%get3A_1586, %get3A_1587, %get3A_1588] {strides = array<i32>} : memref<2x16x256xf32, #tpu.memory_space<vmem>>, vector<1x1x16xf32>,
        %get3A_1590 = vector.shape_cast %get3A_1589 : vector<1x1x16xf32> to vector<16xf32>
        %mul3A_1591 = arith.mulf %get3A_1590, %gather3A_76 : vector<16xf32>
        %add3A_1592 = arith.addf %mul3A_1583, %mul3A_1591 : vector<16xf32>
        %get3A_1593 = arith.constant 0 : i32
        %get3A_1594 = arith.constant 2 : i32
        %get3A_1595 = arith.index_cast %get3A_1593 : i32 to index
        %get3A_1596 = arith.index_cast %get3A_1594 : i32 to index
        %get3A_1597 = arith.constant 144 : index
        %get3A_1598 = tpu.vector_load %arg8[%get3A_1595, %get3A_1596, %get3A_1597] {strides = array<i32>} : memref<2x16x256xf32, #tpu.memory_space<vmem>>, vector<1x1x16xf32>,
        %get3A_1599 = vector.shape_cast %get3A_1598 : vector<1x1x16xf32> to vector<16xf32>
        %mul3A_1600 = arith.mulf %get3A_1599, %gather3A_88 : vector<16xf32>
        %add3A_1601 = arith.addf %add3A_1592, %mul3A_1600 : vector<16xf32>
        %get3A_1602 = arith.constant 0 : i32
        %get3A_1603 = arith.constant 3 : i32
        %get3A_1604 = arith.index_cast %get3A_1602 : i32 to index
        %get3A_1605 = arith.index_cast %get3A_1603 : i32 to index
        %get3A_1606 = arith.constant 144 : index
        %get3A_1607 = tpu.vector_load %arg8[%get3A_1604, %get3A_1605, %get3A_1606] {strides = array<i32>} : memref<2x16x256xf32, #tpu.memory_space<vmem>>, vector<1x1x16xf32>,
        %get3A_1608 = vector.shape_cast %get3A_1607 : vector<1x1x16xf32> to vector<16xf32>
        %mul3A_1609 = arith.mulf %get3A_1608, %gather3A_100 : vector<16xf32>
        %add3A_1610 = arith.addf %add3A_1601, %mul3A_1609 : vector<16xf32>
        %get3A_1611 = arith.constant 0 : i32
        %get3A_1612 = arith.constant 4 : i32
        %get3A_1613 = arith.index_cast %get3A_1611 : i32 to index
        %get3A_1614 = arith.index_cast %get3A_1612 : i32 to index
        %get3A_1615 = arith.constant 144 : index
        %get3A_1616 = tpu.vector_load %arg8[%get3A_1613, %get3A_1614, %get3A_1615] {strides = array<i32>} : memref<2x16x256xf32, #tpu.memory_space<vmem>>, vector<1x1x16xf32>,
        %get3A_1617 = vector.shape_cast %get3A_1616 : vector<1x1x16xf32> to vector<16xf32>
        %mul3A_1618 = arith.mulf %get3A_1617, %gather3A_112 : vector<16xf32>
        %add3A_1619 = arith.addf %add3A_1610, %mul3A_1618 : vector<16xf32>
        %get3A_1620 = arith.constant 0 : i32
        %get3A_1621 = arith.constant 5 : i32
        %get3A_1622 = arith.index_cast %get3A_1620 : i32 to index
        %get3A_1623 = arith.index_cast %get3A_1621 : i32 to index
        %get3A_1624 = arith.constant 144 : index
        %get3A_1625 = tpu.vector_load %arg8[%get3A_1622, %get3A_1623, %get3A_1624] {strides = array<i32>} : memref<2x16x256xf32, #tpu.memory_space<vmem>>, vector<1x1x16xf32>,
        %get3A_1626 = vector.shape_cast %get3A_1625 : vector<1x1x16xf32> to vector<16xf32>
        %mul3A_1627 = arith.mulf %get3A_1626, %gather3A_124 : vector<16xf32>
        %add3A_1628 = arith.addf %add3A_1619, %mul3A_1627 : vector<16xf32>
        %get3A_1629 = arith.constant 0 : i32
        %get3A_1630 = arith.constant 6 : i32
        %get3A_1631 = arith.index_cast %get3A_1629 : i32 to index
        %get3A_1632 = arith.index_cast %get3A_1630 : i32 to index
        %get3A_1633 = arith.constant 144 : index
        %get3A_1634 = tpu.vector_load %arg8[%get3A_1631, %get3A_1632, %get3A_1633] {strides = array<i32>} : memref<2x16x256xf32, #tpu.memory_space<vmem>>, vector<1x1x16xf32>,
        %get3A_1635 = vector.shape_cast %get3A_1634 : vector<1x1x16xf32> to vector<16xf32>
        %mul3A_1636 = arith.mulf %get3A_1635, %gather3A_136 : vector<16xf32>
        %add3A_1637 = arith.addf %add3A_1628, %mul3A_1636 : vector<16xf32>
        %get3A_1638 = arith.constant 0 : i32
        %get3A_1639 = arith.constant 7 : i32
        %get3A_1640 = arith.index_cast %get3A_1638 : i32 to index
        %get3A_1641 = arith.index_cast %get3A_1639 : i32 to index
        %get3A_1642 = arith.constant 144 : index
        %get3A_1643 = tpu.vector_load %arg8[%get3A_1640, %get3A_1641, %get3A_1642] {strides = array<i32>} : memref<2x16x256xf32, #tpu.memory_space<vmem>>, vector<1x1x16xf32>,
        %get3A_1644 = vector.shape_cast %get3A_1643 : vector<1x1x16xf32> to vector<16xf32>
        %mul3A_1645 = arith.mulf %get3A_1644, %gather3A_148 : vector<16xf32>
        %add3A_1646 = arith.addf %add3A_1637, %mul3A_1645 : vector<16xf32>
        %get3A_1647 = arith.constant 0 : i32
        %get3A_1648 = arith.constant 8 : i32
        %get3A_1649 = arith.index_cast %get3A_1647 : i32 to index
        %get3A_1650 = arith.index_cast %get3A_1648 : i32 to index
        %get3A_1651 = arith.constant 144 : index
        %get3A_1652 = tpu.vector_load %arg8[%get3A_1649, %get3A_1650, %get3A_1651] {strides = array<i32>} : memref<2x16x256xf32, #tpu.memory_space<vmem>>, vector<1x1x16xf32>,
        %get3A_1653 = vector.shape_cast %get3A_1652 : vector<1x1x16xf32> to vector<16xf32>
        %mul3A_1654 = arith.mulf %get3A_1653, %gather3A_160 : vector<16xf32>
        %add3A_1655 = arith.addf %add3A_1646, %mul3A_1654 : vector<16xf32>
        %get3A_1656 = arith.constant 0 : i32
        %get3A_1657 = arith.constant 9 : i32
        %get3A_1658 = arith.index_cast %get3A_1656 : i32 to index
        %get3A_1659 = arith.index_cast %get3A_1657 : i32 to index
        %get3A_1660 = arith.constant 144 : index
        %get3A_1661 = tpu.vector_load %arg8[%get3A_1658, %get3A_1659, %get3A_1660] {strides = array<i32>} : memref<2x16x256xf32, #tpu.memory_space<vmem>>, vector<1x1x16xf32>,
        %get3A_1662 = vector.shape_cast %get3A_1661 : vector<1x1x16xf32> to vector<16xf32>
        %mul3A_1663 = arith.mulf %get3A_1662, %gather3A_172 : vector<16xf32>
        %add3A_1664 = arith.addf %add3A_1655, %mul3A_1663 : vector<16xf32>
        %get3A_1665 = arith.constant 0 : i32
        %get3A_1666 = arith.constant 10 : i32
        %get3A_1667 = arith.index_cast %get3A_1665 : i32 to index
        %get3A_1668 = arith.index_cast %get3A_1666 : i32 to index
        %get3A_1669 = arith.constant 144 : index
        %get3A_1670 = tpu.vector_load %arg8[%get3A_1667, %get3A_1668, %get3A_1669] {strides = array<i32>} : memref<2x16x256xf32, #tpu.memory_space<vmem>>, vector<1x1x16xf32>,
        %get3A_1671 = vector.shape_cast %get3A_1670 : vector<1x1x16xf32> to vector<16xf32>
        %mul3A_1672 = arith.mulf %get3A_1671, %gather3A_184 : vector<16xf32>
        %add3A_1673 = arith.addf %add3A_1664, %mul3A_1672 : vector<16xf32>
        %get3A_1674 = arith.constant 0 : i32
        %get3A_1675 = arith.constant 11 : i32
        %get3A_1676 = arith.index_cast %get3A_1674 : i32 to index
        %get3A_1677 = arith.index_cast %get3A_1675 : i32 to index
        %get3A_1678 = arith.constant 144 : index
        %get3A_1679 = tpu.vector_load %arg8[%get3A_1676, %get3A_1677, %get3A_1678] {strides = array<i32>} : memref<2x16x256xf32, #tpu.memory_space<vmem>>, vector<1x1x16xf32>,
        %get3A_1680 = vector.shape_cast %get3A_1679 : vector<1x1x16xf32> to vector<16xf32>
        %mul3A_1681 = arith.mulf %get3A_1680, %gather3A_196 : vector<16xf32>
        %add3A_1682 = arith.addf %add3A_1673, %mul3A_1681 : vector<16xf32>
        %get3A_1683 = arith.constant 0 : i32
        %get3A_1684 = arith.constant 12 : i32
        %get3A_1685 = arith.index_cast %get3A_1683 : i32 to index
        %get3A_1686 = arith.index_cast %get3A_1684 : i32 to index
        %get3A_1687 = arith.constant 144 : index
        %get3A_1688 = tpu.vector_load %arg8[%get3A_1685, %get3A_1686, %get3A_1687] {strides = array<i32>} : memref<2x16x256xf32, #tpu.memory_space<vmem>>, vector<1x1x16xf32>,
        %get3A_1689 = vector.shape_cast %get3A_1688 : vector<1x1x16xf32> to vector<16xf32>
        %mul3A_1690 = arith.mulf %get3A_1689, %gather3A_208 : vector<16xf32>
        %add3A_1691 = arith.addf %add3A_1682, %mul3A_1690 : vector<16xf32>
        %get3A_1692 = arith.constant 0 : i32
        %get3A_1693 = arith.constant 13 : i32
        %get3A_1694 = arith.index_cast %get3A_1692 : i32 to index
        %get3A_1695 = arith.index_cast %get3A_1693 : i32 to index
        %get3A_1696 = arith.constant 144 : index
        %get3A_1697 = tpu.vector_load %arg8[%get3A_1694, %get3A_1695, %get3A_1696] {strides = array<i32>} : memref<2x16x256xf32, #tpu.memory_space<vmem>>, vector<1x1x16xf32>,
        %get3A_1698 = vector.shape_cast %get3A_1697 : vector<1x1x16xf32> to vector<16xf32>
        %mul3A_1699 = arith.mulf %get3A_1698, %gather3A_220 : vector<16xf32>
        %add3A_1700 = arith.addf %add3A_1691, %mul3A_1699 : vector<16xf32>
        %get3A_1701 = arith.constant 0 : i32
        %get3A_1702 = arith.constant 14 : i32
        %get3A_1703 = arith.index_cast %get3A_1701 : i32 to index
        %get3A_1704 = arith.index_cast %get3A_1702 : i32 to index
        %get3A_1705 = arith.constant 144 : index
        %get3A_1706 = tpu.vector_load %arg8[%get3A_1703, %get3A_1704, %get3A_1705] {strides = array<i32>} : memref<2x16x256xf32, #tpu.memory_space<vmem>>, vector<1x1x16xf32>,
        %get3A_1707 = vector.shape_cast %get3A_1706 : vector<1x1x16xf32> to vector<16xf32>
        %mul3A_1708 = arith.mulf %get3A_1707, %gather3A_232 : vector<16xf32>
        %add3A_1709 = arith.addf %add3A_1700, %mul3A_1708 : vector<16xf32>
        %get3A_1710 = arith.constant 0 : i32
        %get3A_1711 = arith.constant 15 : i32
        %get3A_1712 = arith.index_cast %get3A_1710 : i32 to index
        %get3A_1713 = arith.index_cast %get3A_1711 : i32 to index
        %get3A_1714 = arith.constant 144 : index
        %get3A_1715 = tpu.vector_load %arg8[%get3A_1712, %get3A_1713, %get3A_1714] {strides = array<i32>} : memref<2x16x256xf32, #tpu.memory_space<vmem>>, vector<1x1x16xf32>,
        %get3A_1716 = vector.shape_cast %get3A_1715 : vector<1x1x16xf32> to vector<16xf32>
        %mul3A_1717 = arith.mulf %get3A_1716, %gather3A_244 : vector<16xf32>
        %add3A_1718 = arith.addf %add3A_1709, %mul3A_1717 : vector<16xf32>
        %swap3A_1719 = arith.index_cast %add3A_51 : i32 to index
        %swap3A_1720 = arith.constant 144 : index
        %swap3A_1721 = tpu.vector_load %arg9[%swap3A_1719, %swap3A_1720] {strides = array<i32>} : memref<112x256xf32, #tpu.memory_space<vmem>>, vector<1x16xf32>,
        %swap3A_1722 = vector.shape_cast %swap3A_1721 : vector<1x16xf32> to vector<16xf32>
        %swap3A_1723 = vector.shape_cast %add3A_1718 : vector<16xf32> to vector<1x16xf32>
        tpu.vector_store %arg9[%swap3A_1719, %swap3A_1720], %swap3A_1723 {strides = array<i32>} : memref<112x256xf32, #tpu.memory_space<vmem>>, vector<1x16xf32>,
        %get3A_1724 = arith.constant 0 : i32
        %get3A_1725 = arith.constant 0 : i32
        %get3A_1726 = arith.index_cast %get3A_1724 : i32 to index
        %get3A_1727 = arith.index_cast %get3A_1725 : i32 to index
        %get3A_1728 = arith.constant 160 : index
        %get3A_1729 = tpu.vector_load %arg8[%get3A_1726, %get3A_1727, %get3A_1728] {strides = array<i32>} : memref<2x16x256xf32, #tpu.memory_space<vmem>>, vector<1x1x16xf32>,
        %get3A_1730 = vector.shape_cast %get3A_1729 : vector<1x1x16xf32> to vector<16xf32>
        %mul3A_1731 = arith.mulf %get3A_1730, %gather3A_64 : vector<16xf32>
        %get3A_1732 = arith.constant 0 : i32
        %get3A_1733 = arith.constant 1 : i32
        %get3A_1734 = arith.index_cast %get3A_1732 : i32 to index
        %get3A_1735 = arith.index_cast %get3A_1733 : i32 to index
        %get3A_1736 = arith.constant 160 : index
        %get3A_1737 = tpu.vector_load %arg8[%get3A_1734, %get3A_1735, %get3A_1736] {strides = array<i32>} : memref<2x16x256xf32, #tpu.memory_space<vmem>>, vector<1x1x16xf32>,
        %get3A_1738 = vector.shape_cast %get3A_1737 : vector<1x1x16xf32> to vector<16xf32>
        %mul3A_1739 = arith.mulf %get3A_1738, %gather3A_76 : vector<16xf32>
        %add3A_1740 = arith.addf %mul3A_1731, %mul3A_1739 : vector<16xf32>
        %get3A_1741 = arith.constant 0 : i32
        %get3A_1742 = arith.constant 2 : i32
        %get3A_1743 = arith.index_cast %get3A_1741 : i32 to index
        %get3A_1744 = arith.index_cast %get3A_1742 : i32 to index
        %get3A_1745 = arith.constant 160 : index
        %get3A_1746 = tpu.vector_load %arg8[%get3A_1743, %get3A_1744, %get3A_1745] {strides = array<i32>} : memref<2x16x256xf32, #tpu.memory_space<vmem>>, vector<1x1x16xf32>,
        %get3A_1747 = vector.shape_cast %get3A_1746 : vector<1x1x16xf32> to vector<16xf32>
        %mul3A_1748 = arith.mulf %get3A_1747, %gather3A_88 : vector<16xf32>
        %add3A_1749 = arith.addf %add3A_1740, %mul3A_1748 : vector<16xf32>
        %get3A_1750 = arith.constant 0 : i32
        %get3A_1751 = arith.constant 3 : i32
        %get3A_1752 = arith.index_cast %get3A_1750 : i32 to index
        %get3A_1753 = arith.index_cast %get3A_1751 : i32 to index
        %get3A_1754 = arith.constant 160 : index
        %get3A_1755 = tpu.vector_load %arg8[%get3A_1752, %get3A_1753, %get3A_1754] {strides = array<i32>} : memref<2x16x256xf32, #tpu.memory_space<vmem>>, vector<1x1x16xf32>,
        %get3A_1756 = vector.shape_cast %get3A_1755 : vector<1x1x16xf32> to vector<16xf32>
        %mul3A_1757 = arith.mulf %get3A_1756, %gather3A_100 : vector<16xf32>
        %add3A_1758 = arith.addf %add3A_1749, %mul3A_1757 : vector<16xf32>
        %get3A_1759 = arith.constant 0 : i32
        %get3A_1760 = arith.constant 4 : i32
        %get3A_1761 = arith.index_cast %get3A_1759 : i32 to index
        %get3A_1762 = arith.index_cast %get3A_1760 : i32 to index
        %get3A_1763 = arith.constant 160 : index
        %get3A_1764 = tpu.vector_load %arg8[%get3A_1761, %get3A_1762, %get3A_1763] {strides = array<i32>} : memref<2x16x256xf32, #tpu.memory_space<vmem>>, vector<1x1x16xf32>,
        %get3A_1765 = vector.shape_cast %get3A_1764 : vector<1x1x16xf32> to vector<16xf32>
        %mul3A_1766 = arith.mulf %get3A_1765, %gather3A_112 : vector<16xf32>
        %add3A_1767 = arith.addf %add3A_1758, %mul3A_1766 : vector<16xf32>
        %get3A_1768 = arith.constant 0 : i32
        %get3A_1769 = arith.constant 5 : i32
        %get3A_1770 = arith.index_cast %get3A_1768 : i32 to index
        %get3A_1771 = arith.index_cast %get3A_1769 : i32 to index
        %get3A_1772 = arith.constant 160 : index
        %get3A_1773 = tpu.vector_load %arg8[%get3A_1770, %get3A_1771, %get3A_1772] {strides = array<i32>} : memref<2x16x256xf32, #tpu.memory_space<vmem>>, vector<1x1x16xf32>,
        %get3A_1774 = vector.shape_cast %get3A_1773 : vector<1x1x16xf32> to vector<16xf32>
        %mul3A_1775 = arith.mulf %get3A_1774, %gather3A_124 : vector<16xf32>
        %add3A_1776 = arith.addf %add3A_1767, %mul3A_1775 : vector<16xf32>
        %get3A_1777 = arith.constant 0 : i32
        %get3A_1778 = arith.constant 6 : i32
        %get3A_1779 = arith.index_cast %get3A_1777 : i32 to index
        %get3A_1780 = arith.index_cast %get3A_1778 : i32 to index
        %get3A_1781 = arith.constant 160 : index
        %get3A_1782 = tpu.vector_load %arg8[%get3A_1779, %get3A_1780, %get3A_1781] {strides = array<i32>} : memref<2x16x256xf32, #tpu.memory_space<vmem>>, vector<1x1x16xf32>,
        %get3A_1783 = vector.shape_cast %get3A_1782 : vector<1x1x16xf32> to vector<16xf32>
        %mul3A_1784 = arith.mulf %get3A_1783, %gather3A_136 : vector<16xf32>
        %add3A_1785 = arith.addf %add3A_1776, %mul3A_1784 : vector<16xf32>
        %get3A_1786 = arith.constant 0 : i32
        %get3A_1787 = arith.constant 7 : i32
        %get3A_1788 = arith.index_cast %get3A_1786 : i32 to index
        %get3A_1789 = arith.index_cast %get3A_1787 : i32 to index
        %get3A_1790 = arith.constant 160 : index
        %get3A_1791 = tpu.vector_load %arg8[%get3A_1788, %get3A_1789, %get3A_1790] {strides = array<i32>} : memref<2x16x256xf32, #tpu.memory_space<vmem>>, vector<1x1x16xf32>,
        %get3A_1792 = vector.shape_cast %get3A_1791 : vector<1x1x16xf32> to vector<16xf32>
        %mul3A_1793 = arith.mulf %get3A_1792, %gather3A_148 : vector<16xf32>
        %add3A_1794 = arith.addf %add3A_1785, %mul3A_1793 : vector<16xf32>
        %get3A_1795 = arith.constant 0 : i32
        %get3A_1796 = arith.constant 8 : i32
        %get3A_1797 = arith.index_cast %get3A_1795 : i32 to index
        %get3A_1798 = arith.index_cast %get3A_1796 : i32 to index
        %get3A_1799 = arith.constant 160 : index
        %get3A_1800 = tpu.vector_load %arg8[%get3A_1797, %get3A_1798, %get3A_1799] {strides = array<i32>} : memref<2x16x256xf32, #tpu.memory_space<vmem>>, vector<1x1x16xf32>,
        %get3A_1801 = vector.shape_cast %get3A_1800 : vector<1x1x16xf32> to vector<16xf32>
        %mul3A_1802 = arith.mulf %get3A_1801, %gather3A_160 : vector<16xf32>
        %add3A_1803 = arith.addf %add3A_1794, %mul3A_1802 : vector<16xf32>
        %get3A_1804 = arith.constant 0 : i32
        %get3A_1805 = arith.constant 9 : i32
        %get3A_1806 = arith.index_cast %get3A_1804 : i32 to index
        %get3A_1807 = arith.index_cast %get3A_1805 : i32 to index
        %get3A_1808 = arith.constant 160 : index
        %get3A_1809 = tpu.vector_load %arg8[%get3A_1806, %get3A_1807, %get3A_1808] {strides = array<i32>} : memref<2x16x256xf32, #tpu.memory_space<vmem>>, vector<1x1x16xf32>,
        %get3A_1810 = vector.shape_cast %get3A_1809 : vector<1x1x16xf32> to vector<16xf32>
        %mul3A_1811 = arith.mulf %get3A_1810, %gather3A_172 : vector<16xf32>
        %add3A_1812 = arith.addf %add3A_1803, %mul3A_1811 : vector<16xf32>
        %get3A_1813 = arith.constant 0 : i32
        %get3A_1814 = arith.constant 10 : i32
        %get3A_1815 = arith.index_cast %get3A_1813 : i32 to index
        %get3A_1816 = arith.index_cast %get3A_1814 : i32 to index
        %get3A_1817 = arith.constant 160 : index
        %get3A_1818 = tpu.vector_load %arg8[%get3A_1815, %get3A_1816, %get3A_1817] {strides = array<i32>} : memref<2x16x256xf32, #tpu.memory_space<vmem>>, vector<1x1x16xf32>,
        %get3A_1819 = vector.shape_cast %get3A_1818 : vector<1x1x16xf32> to vector<16xf32>
        %mul3A_1820 = arith.mulf %get3A_1819, %gather3A_184 : vector<16xf32>
        %add3A_1821 = arith.addf %add3A_1812, %mul3A_1820 : vector<16xf32>
        %get3A_1822 = arith.constant 0 : i32
        %get3A_1823 = arith.constant 11 : i32
        %get3A_1824 = arith.index_cast %get3A_1822 : i32 to index
        %get3A_1825 = arith.index_cast %get3A_1823 : i32 to index
        %get3A_1826 = arith.constant 160 : index
        %get3A_1827 = tpu.vector_load %arg8[%get3A_1824, %get3A_1825, %get3A_1826] {strides = array<i32>} : memref<2x16x256xf32, #tpu.memory_space<vmem>>, vector<1x1x16xf32>,
        %get3A_1828 = vector.shape_cast %get3A_1827 : vector<1x1x16xf32> to vector<16xf32>
        %mul3A_1829 = arith.mulf %get3A_1828, %gather3A_196 : vector<16xf32>
        %add3A_1830 = arith.addf %add3A_1821, %mul3A_1829 : vector<16xf32>
        %get3A_1831 = arith.constant 0 : i32
        %get3A_1832 = arith.constant 12 : i32
        %get3A_1833 = arith.index_cast %get3A_1831 : i32 to index
        %get3A_1834 = arith.index_cast %get3A_1832 : i32 to index
        %get3A_1835 = arith.constant 160 : index
        %get3A_1836 = tpu.vector_load %arg8[%get3A_1833, %get3A_1834, %get3A_1835] {strides = array<i32>} : memref<2x16x256xf32, #tpu.memory_space<vmem>>, vector<1x1x16xf32>,
        %get3A_1837 = vector.shape_cast %get3A_1836 : vector<1x1x16xf32> to vector<16xf32>
        %mul3A_1838 = arith.mulf %get3A_1837, %gather3A_208 : vector<16xf32>
        %add3A_1839 = arith.addf %add3A_1830, %mul3A_1838 : vector<16xf32>
        %get3A_1840 = arith.constant 0 : i32
        %get3A_1841 = arith.constant 13 : i32
        %get3A_1842 = arith.index_cast %get3A_1840 : i32 to index
        %get3A_1843 = arith.index_cast %get3A_1841 : i32 to index
        %get3A_1844 = arith.constant 160 : index
        %get3A_1845 = tpu.vector_load %arg8[%get3A_1842, %get3A_1843, %get3A_1844] {strides = array<i32>} : memref<2x16x256xf32, #tpu.memory_space<vmem>>, vector<1x1x16xf32>,
        %get3A_1846 = vector.shape_cast %get3A_1845 : vector<1x1x16xf32> to vector<16xf32>
        %mul3A_1847 = arith.mulf %get3A_1846, %gather3A_220 : vector<16xf32>
        %add3A_1848 = arith.addf %add3A_1839, %mul3A_1847 : vector<16xf32>
        %get3A_1849 = arith.constant 0 : i32
        %get3A_1850 = arith.constant 14 : i32
        %get3A_1851 = arith.index_cast %get3A_1849 : i32 to index
        %get3A_1852 = arith.index_cast %get3A_1850 : i32 to index
        %get3A_1853 = arith.constant 160 : index
        %get3A_1854 = tpu.vector_load %arg8[%get3A_1851, %get3A_1852, %get3A_1853] {strides = array<i32>} : memref<2x16x256xf32, #tpu.memory_space<vmem>>, vector<1x1x16xf32>,
        %get3A_1855 = vector.shape_cast %get3A_1854 : vector<1x1x16xf32> to vector<16xf32>
        %mul3A_1856 = arith.mulf %get3A_1855, %gather3A_232 : vector<16xf32>
        %add3A_1857 = arith.addf %add3A_1848, %mul3A_1856 : vector<16xf32>
        %get3A_1858 = arith.constant 0 : i32
        %get3A_1859 = arith.constant 15 : i32
        %get3A_1860 = arith.index_cast %get3A_1858 : i32 to index
        %get3A_1861 = arith.index_cast %get3A_1859 : i32 to index
        %get3A_1862 = arith.constant 160 : index
        %get3A_1863 = tpu.vector_load %arg8[%get3A_1860, %get3A_1861, %get3A_1862] {strides = array<i32>} : memref<2x16x256xf32, #tpu.memory_space<vmem>>, vector<1x1x16xf32>,
        %get3A_1864 = vector.shape_cast %get3A_1863 : vector<1x1x16xf32> to vector<16xf32>
        %mul3A_1865 = arith.mulf %get3A_1864, %gather3A_244 : vector<16xf32>
        %add3A_1866 = arith.addf %add3A_1857, %mul3A_1865 : vector<16xf32>
        %swap3A_1867 = arith.index_cast %add3A_51 : i32 to index
        %swap3A_1868 = arith.constant 160 : index
        %swap3A_1869 = tpu.vector_load %arg9[%swap3A_1867, %swap3A_1868] {strides = array<i32>} : memref<112x256xf32, #tpu.memory_space<vmem>>, vector<1x16xf32>,
        %swap3A_1870 = vector.shape_cast %swap3A_1869 : vector<1x16xf32> to vector<16xf32>
        %swap3A_1871 = vector.shape_cast %add3A_1866 : vector<16xf32> to vector<1x16xf32>
        tpu.vector_store %arg9[%swap3A_1867, %swap3A_1868], %swap3A_1871 {strides = array<i32>} : memref<112x256xf32, #tpu.memory_space<vmem>>, vector<1x16xf32>,
        %get3A_1872 = arith.constant 0 : i32
        %get3A_1873 = arith.constant 0 : i32
        %get3A_1874 = arith.index_cast %get3A_1872 : i32 to index
        %get3A_1875 = arith.index_cast %get3A_1873 : i32 to index
        %get3A_1876 = arith.constant 176 : index
        %get3A_1877 = tpu.vector_load %arg8[%get3A_1874, %get3A_1875, %get3A_1876] {strides = array<i32>} : memref<2x16x256xf32, #tpu.memory_space<vmem>>, vector<1x1x16xf32>,
        %get3A_1878 = vector.shape_cast %get3A_1877 : vector<1x1x16xf32> to vector<16xf32>
        %mul3A_1879 = arith.mulf %get3A_1878, %gather3A_64 : vector<16xf32>
        %get3A_1880 = arith.constant 0 : i32
        %get3A_1881 = arith.constant 1 : i32
        %get3A_1882 = arith.index_cast %get3A_1880 : i32 to index
        %get3A_1883 = arith.index_cast %get3A_1881 : i32 to index
        %get3A_1884 = arith.constant 176 : index
        %get3A_1885 = tpu.vector_load %arg8[%get3A_1882, %get3A_1883, %get3A_1884] {strides = array<i32>} : memref<2x16x256xf32, #tpu.memory_space<vmem>>, vector<1x1x16xf32>,
        %get3A_1886 = vector.shape_cast %get3A_1885 : vector<1x1x16xf32> to vector<16xf32>
        %mul3A_1887 = arith.mulf %get3A_1886, %gather3A_76 : vector<16xf32>
        %add3A_1888 = arith.addf %mul3A_1879, %mul3A_1887 : vector<16xf32>
        %get3A_1889 = arith.constant 0 : i32
        %get3A_1890 = arith.constant 2 : i32
        %get3A_1891 = arith.index_cast %get3A_1889 : i32 to index
        %get3A_1892 = arith.index_cast %get3A_1890 : i32 to index
        %get3A_1893 = arith.constant 176 : index
        %get3A_1894 = tpu.vector_load %arg8[%get3A_1891, %get3A_1892, %get3A_1893] {strides = array<i32>} : memref<2x16x256xf32, #tpu.memory_space<vmem>>, vector<1x1x16xf32>,
        %get3A_1895 = vector.shape_cast %get3A_1894 : vector<1x1x16xf32> to vector<16xf32>
        %mul3A_1896 = arith.mulf %get3A_1895, %gather3A_88 : vector<16xf32>
        %add3A_1897 = arith.addf %add3A_1888, %mul3A_1896 : vector<16xf32>
        %get3A_1898 = arith.constant 0 : i32
        %get3A_1899 = arith.constant 3 : i32
        %get3A_1900 = arith.index_cast %get3A_1898 : i32 to index
        %get3A_1901 = arith.index_cast %get3A_1899 : i32 to index
        %get3A_1902 = arith.constant 176 : index
        %get3A_1903 = tpu.vector_load %arg8[%get3A_1900, %get3A_1901, %get3A_1902] {strides = array<i32>} : memref<2x16x256xf32, #tpu.memory_space<vmem>>, vector<1x1x16xf32>,
        %get3A_1904 = vector.shape_cast %get3A_1903 : vector<1x1x16xf32> to vector<16xf32>
        %mul3A_1905 = arith.mulf %get3A_1904, %gather3A_100 : vector<16xf32>
        %add3A_1906 = arith.addf %add3A_1897, %mul3A_1905 : vector<16xf32>
        %get3A_1907 = arith.constant 0 : i32
        %get3A_1908 = arith.constant 4 : i32
        %get3A_1909 = arith.index_cast %get3A_1907 : i32 to index
        %get3A_1910 = arith.index_cast %get3A_1908 : i32 to index
        %get3A_1911 = arith.constant 176 : index
        %get3A_1912 = tpu.vector_load %arg8[%get3A_1909, %get3A_1910, %get3A_1911] {strides = array<i32>} : memref<2x16x256xf32, #tpu.memory_space<vmem>>, vector<1x1x16xf32>,
        %get3A_1913 = vector.shape_cast %get3A_1912 : vector<1x1x16xf32> to vector<16xf32>
        %mul3A_1914 = arith.mulf %get3A_1913, %gather3A_112 : vector<16xf32>
        %add3A_1915 = arith.addf %add3A_1906, %mul3A_1914 : vector<16xf32>
        %get3A_1916 = arith.constant 0 : i32
        %get3A_1917 = arith.constant 5 : i32
        %get3A_1918 = arith.index_cast %get3A_1916 : i32 to index
        %get3A_1919 = arith.index_cast %get3A_1917 : i32 to index
        %get3A_1920 = arith.constant 176 : index
        %get3A_1921 = tpu.vector_load %arg8[%get3A_1918, %get3A_1919, %get3A_1920] {strides = array<i32>} : memref<2x16x256xf32, #tpu.memory_space<vmem>>, vector<1x1x16xf32>,
        %get3A_1922 = vector.shape_cast %get3A_1921 : vector<1x1x16xf32> to vector<16xf32>
        %mul3A_1923 = arith.mulf %get3A_1922, %gather3A_124 : vector<16xf32>
        %add3A_1924 = arith.addf %add3A_1915, %mul3A_1923 : vector<16xf32>
        %get3A_1925 = arith.constant 0 : i32
        %get3A_1926 = arith.constant 6 : i32
        %get3A_1927 = arith.index_cast %get3A_1925 : i32 to index
        %get3A_1928 = arith.index_cast %get3A_1926 : i32 to index
        %get3A_1929 = arith.constant 176 : index
        %get3A_1930 = tpu.vector_load %arg8[%get3A_1927, %get3A_1928, %get3A_1929] {strides = array<i32>} : memref<2x16x256xf32, #tpu.memory_space<vmem>>, vector<1x1x16xf32>,
        %get3A_1931 = vector.shape_cast %get3A_1930 : vector<1x1x16xf32> to vector<16xf32>
        %mul3A_1932 = arith.mulf %get3A_1931, %gather3A_136 : vector<16xf32>
        %add3A_1933 = arith.addf %add3A_1924, %mul3A_1932 : vector<16xf32>
        %get3A_1934 = arith.constant 0 : i32
        %get3A_1935 = arith.constant 7 : i32
        %get3A_1936 = arith.index_cast %get3A_1934 : i32 to index
        %get3A_1937 = arith.index_cast %get3A_1935 : i32 to index
        %get3A_1938 = arith.constant 176 : index
        %get3A_1939 = tpu.vector_load %arg8[%get3A_1936, %get3A_1937, %get3A_1938] {strides = array<i32>} : memref<2x16x256xf32, #tpu.memory_space<vmem>>, vector<1x1x16xf32>,
        %get3A_1940 = vector.shape_cast %get3A_1939 : vector<1x1x16xf32> to vector<16xf32>
        %mul3A_1941 = arith.mulf %get3A_1940, %gather3A_148 : vector<16xf32>
        %add3A_1942 = arith.addf %add3A_1933, %mul3A_1941 : vector<16xf32>
        %get3A_1943 = arith.constant 0 : i32
        %get3A_1944 = arith.constant 8 : i32
        %get3A_1945 = arith.index_cast %get3A_1943 : i32 to index
        %get3A_1946 = arith.index_cast %get3A_1944 : i32 to index
        %get3A_1947 = arith.constant 176 : index
        %get3A_1948 = tpu.vector_load %arg8[%get3A_1945, %get3A_1946, %get3A_1947] {strides = array<i32>} : memref<2x16x256xf32, #tpu.memory_space<vmem>>, vector<1x1x16xf32>,
        %get3A_1949 = vector.shape_cast %get3A_1948 : vector<1x1x16xf32> to vector<16xf32>
        %mul3A_1950 = arith.mulf %get3A_1949, %gather3A_160 : vector<16xf32>
        %add3A_1951 = arith.addf %add3A_1942, %mul3A_1950 : vector<16xf32>
        %get3A_1952 = arith.constant 0 : i32
        %get3A_1953 = arith.constant 9 : i32
        %get3A_1954 = arith.index_cast %get3A_1952 : i32 to index
        %get3A_1955 = arith.index_cast %get3A_1953 : i32 to index
        %get3A_1956 = arith.constant 176 : index
        %get3A_1957 = tpu.vector_load %arg8[%get3A_1954, %get3A_1955, %get3A_1956] {strides = array<i32>} : memref<2x16x256xf32, #tpu.memory_space<vmem>>, vector<1x1x16xf32>,
        %get3A_1958 = vector.shape_cast %get3A_1957 : vector<1x1x16xf32> to vector<16xf32>
        %mul3A_1959 = arith.mulf %get3A_1958, %gather3A_172 : vector<16xf32>
        %add3A_1960 = arith.addf %add3A_1951, %mul3A_1959 : vector<16xf32>
        %get3A_1961 = arith.constant 0 : i32
        %get3A_1962 = arith.constant 10 : i32
        %get3A_1963 = arith.index_cast %get3A_1961 : i32 to index
        %get3A_1964 = arith.index_cast %get3A_1962 : i32 to index
        %get3A_1965 = arith.constant 176 : index
        %get3A_1966 = tpu.vector_load %arg8[%get3A_1963, %get3A_1964, %get3A_1965] {strides = array<i32>} : memref<2x16x256xf32, #tpu.memory_space<vmem>>, vector<1x1x16xf32>,
        %get3A_1967 = vector.shape_cast %get3A_1966 : vector<1x1x16xf32> to vector<16xf32>
        %mul3A_1968 = arith.mulf %get3A_1967, %gather3A_184 : vector<16xf32>
        %add3A_1969 = arith.addf %add3A_1960, %mul3A_1968 : vector<16xf32>
        %get3A_1970 = arith.constant 0 : i32
        %get3A_1971 = arith.constant 11 : i32
        %get3A_1972 = arith.index_cast %get3A_1970 : i32 to index
        %get3A_1973 = arith.index_cast %get3A_1971 : i32 to index
        %get3A_1974 = arith.constant 176 : index
        %get3A_1975 = tpu.vector_load %arg8[%get3A_1972, %get3A_1973, %get3A_1974] {strides = array<i32>} : memref<2x16x256xf32, #tpu.memory_space<vmem>>, vector<1x1x16xf32>,
        %get3A_1976 = vector.shape_cast %get3A_1975 : vector<1x1x16xf32> to vector<16xf32>
        %mul3A_1977 = arith.mulf %get3A_1976, %gather3A_196 : vector<16xf32>
        %add3A_1978 = arith.addf %add3A_1969, %mul3A_1977 : vector<16xf32>
        %get3A_1979 = arith.constant 0 : i32
        %get3A_1980 = arith.constant 12 : i32
        %get3A_1981 = arith.index_cast %get3A_1979 : i32 to index
        %get3A_1982 = arith.index_cast %get3A_1980 : i32 to index
        %get3A_1983 = arith.constant 176 : index
        %get3A_1984 = tpu.vector_load %arg8[%get3A_1981, %get3A_1982, %get3A_1983] {strides = array<i32>} : memref<2x16x256xf32, #tpu.memory_space<vmem>>, vector<1x1x16xf32>,
        %get3A_1985 = vector.shape_cast %get3A_1984 : vector<1x1x16xf32> to vector<16xf32>
        %mul3A_1986 = arith.mulf %get3A_1985, %gather3A_208 : vector<16xf32>
        %add3A_1987 = arith.addf %add3A_1978, %mul3A_1986 : vector<16xf32>
        %get3A_1988 = arith.constant 0 : i32
        %get3A_1989 = arith.constant 13 : i32
        %get3A_1990 = arith.index_cast %get3A_1988 : i32 to index
        %get3A_1991 = arith.index_cast %get3A_1989 : i32 to index
        %get3A_1992 = arith.constant 176 : index
        %get3A_1993 = tpu.vector_load %arg8[%get3A_1990, %get3A_1991, %get3A_1992] {strides = array<i32>} : memref<2x16x256xf32, #tpu.memory_space<vmem>>, vector<1x1x16xf32>,
        %get3A_1994 = vector.shape_cast %get3A_1993 : vector<1x1x16xf32> to vector<16xf32>
        %mul3A_1995 = arith.mulf %get3A_1994, %gather3A_220 : vector<16xf32>
        %add3A_1996 = arith.addf %add3A_1987, %mul3A_1995 : vector<16xf32>
        %get3A_1997 = arith.constant 0 : i32
        %get3A_1998 = arith.constant 14 : i32
        %get3A_1999 = arith.index_cast %get3A_1997 : i32 to index
        %get3A_2000 = arith.index_cast %get3A_1998 : i32 to index
        %get3A_2001 = arith.constant 176 : index
        %get3A_2002 = tpu.vector_load %arg8[%get3A_1999, %get3A_2000, %get3A_2001] {strides = array<i32>} : memref<2x16x256xf32, #tpu.memory_space<vmem>>, vector<1x1x16xf32>,
        %get3A_2003 = vector.shape_cast %get3A_2002 : vector<1x1x16xf32> to vector<16xf32>
        %mul3A_2004 = arith.mulf %get3A_2003, %gather3A_232 : vector<16xf32>
        %add3A_2005 = arith.addf %add3A_1996, %mul3A_2004 : vector<16xf32>
        %get3A_2006 = arith.constant 0 : i32
        %get3A_2007 = arith.constant 15 : i32
        %get3A_2008 = arith.index_cast %get3A_2006 : i32 to index
        %get3A_2009 = arith.index_cast %get3A_2007 : i32 to index
        %get3A_2010 = arith.constant 176 : index
        %get3A_2011 = tpu.vector_load %arg8[%get3A_2008, %get3A_2009, %get3A_2010] {strides = array<i32>} : memref<2x16x256xf32, #tpu.memory_space<vmem>>, vector<1x1x16xf32>,
        %get3A_2012 = vector.shape_cast %get3A_2011 : vector<1x1x16xf32> to vector<16xf32>
        %mul3A_2013 = arith.mulf %get3A_2012, %gather3A_244 : vector<16xf32>
        %add3A_2014 = arith.addf %add3A_2005, %mul3A_2013 : vector<16xf32>
        %swap3A_2015 = arith.index_cast %add3A_51 : i32 to index
        %swap3A_2016 = arith.constant 176 : index
        %swap3A_2017 = tpu.vector_load %arg9[%swap3A_2015, %swap3A_2016] {strides = array<i32>} : memref<112x256xf32, #tpu.memory_space<vmem>>, vector<1x16xf32>,
        %swap3A_2018 = vector.shape_cast %swap3A_2017 : vector<1x16xf32> to vector<16xf32>
        %swap3A_2019 = vector.shape_cast %add3A_2014 : vector<16xf32> to vector<1x16xf32>
        tpu.vector_store %arg9[%swap3A_2015, %swap3A_2016], %swap3A_2019 {strides = array<i32>} : memref<112x256xf32, #tpu.memory_space<vmem>>, vector<1x16xf32>,
        %get3A_2020 = arith.constant 0 : i32
        %get3A_2021 = arith.constant 0 : i32
        %get3A_2022 = arith.index_cast %get3A_2020 : i32 to index
        %get3A_2023 = arith.index_cast %get3A_2021 : i32 to index
        %get3A_2024 = arith.constant 192 : index
        %get3A_2025 = tpu.vector_load %arg8[%get3A_2022, %get3A_2023, %get3A_2024] {strides = array<i32>} : memref<2x16x256xf32, #tpu.memory_space<vmem>>, vector<1x1x16xf32>,
        %get3A_2026 = vector.shape_cast %get3A_2025 : vector<1x1x16xf32> to vector<16xf32>
        %mul3A_2027 = arith.mulf %get3A_2026, %gather3A_64 : vector<16xf32>
        %get3A_2028 = arith.constant 0 : i32
        %get3A_2029 = arith.constant 1 : i32
        %get3A_2030 = arith.index_cast %get3A_2028 : i32 to index
        %get3A_2031 = arith.index_cast %get3A_2029 : i32 to index
        %get3A_2032 = arith.constant 192 : index
        %get3A_2033 = tpu.vector_load %arg8[%get3A_2030, %get3A_2031, %get3A_2032] {strides = array<i32>} : memref<2x16x256xf32, #tpu.memory_space<vmem>>, vector<1x1x16xf32>,
        %get3A_2034 = vector.shape_cast %get3A_2033 : vector<1x1x16xf32> to vector<16xf32>
        %mul3A_2035 = arith.mulf %get3A_2034, %gather3A_76 : vector<16xf32>
        %add3A_2036 = arith.addf %mul3A_2027, %mul3A_2035 : vector<16xf32>
        %get3A_2037 = arith.constant 0 : i32
        %get3A_2038 = arith.constant 2 : i32
        %get3A_2039 = arith.index_cast %get3A_2037 : i32 to index
        %get3A_2040 = arith.index_cast %get3A_2038 : i32 to index
        %get3A_2041 = arith.constant 192 : index
        %get3A_2042 = tpu.vector_load %arg8[%get3A_2039, %get3A_2040, %get3A_2041] {strides = array<i32>} : memref<2x16x256xf32, #tpu.memory_space<vmem>>, vector<1x1x16xf32>,
        %get3A_2043 = vector.shape_cast %get3A_2042 : vector<1x1x16xf32> to vector<16xf32>
        %mul3A_2044 = arith.mulf %get3A_2043, %gather3A_88 : vector<16xf32>
        %add3A_2045 = arith.addf %add3A_2036, %mul3A_2044 : vector<16xf32>
        %get3A_2046 = arith.constant 0 : i32
        %get3A_2047 = arith.constant 3 : i32
        %get3A_2048 = arith.index_cast %get3A_2046 : i32 to index
        %get3A_2049 = arith.index_cast %get3A_2047 : i32 to index
        %get3A_2050 = arith.constant 192 : index
        %get3A_2051 = tpu.vector_load %arg8[%get3A_2048, %get3A_2049, %get3A_2050] {strides = array<i32>} : memref<2x16x256xf32, #tpu.memory_space<vmem>>, vector<1x1x16xf32>,
        %get3A_2052 = vector.shape_cast %get3A_2051 : vector<1x1x16xf32> to vector<16xf32>
        %mul3A_2053 = arith.mulf %get3A_2052, %gather3A_100 : vector<16xf32>
        %add3A_2054 = arith.addf %add3A_2045, %mul3A_2053 : vector<16xf32>
        %get3A_2055 = arith.constant 0 : i32
        %get3A_2056 = arith.constant 4 : i32
        %get3A_2057 = arith.index_cast %get3A_2055 : i32 to index
        %get3A_2058 = arith.index_cast %get3A_2056 : i32 to index
        %get3A_2059 = arith.constant 192 : index
        %get3A_2060 = tpu.vector_load %arg8[%get3A_2057, %get3A_2058, %get3A_2059] {strides = array<i32>} : memref<2x16x256xf32, #tpu.memory_space<vmem>>, vector<1x1x16xf32>,
        %get3A_2061 = vector.shape_cast %get3A_2060 : vector<1x1x16xf32> to vector<16xf32>
        %mul3A_2062 = arith.mulf %get3A_2061, %gather3A_112 : vector<16xf32>
        %add3A_2063 = arith.addf %add3A_2054, %mul3A_2062 : vector<16xf32>
        %get3A_2064 = arith.constant 0 : i32
        %get3A_2065 = arith.constant 5 : i32
        %get3A_2066 = arith.index_cast %get3A_2064 : i32 to index
        %get3A_2067 = arith.index_cast %get3A_2065 : i32 to index
        %get3A_2068 = arith.constant 192 : index
        %get3A_2069 = tpu.vector_load %arg8[%get3A_2066, %get3A_2067, %get3A_2068] {strides = array<i32>} : memref<2x16x256xf32, #tpu.memory_space<vmem>>, vector<1x1x16xf32>,
        %get3A_2070 = vector.shape_cast %get3A_2069 : vector<1x1x16xf32> to vector<16xf32>
        %mul3A_2071 = arith.mulf %get3A_2070, %gather3A_124 : vector<16xf32>
        %add3A_2072 = arith.addf %add3A_2063, %mul3A_2071 : vector<16xf32>
        %get3A_2073 = arith.constant 0 : i32
        %get3A_2074 = arith.constant 6 : i32
        %get3A_2075 = arith.index_cast %get3A_2073 : i32 to index
        %get3A_2076 = arith.index_cast %get3A_2074 : i32 to index
        %get3A_2077 = arith.constant 192 : index
        %get3A_2078 = tpu.vector_load %arg8[%get3A_2075, %get3A_2076, %get3A_2077] {strides = array<i32>} : memref<2x16x256xf32, #tpu.memory_space<vmem>>, vector<1x1x16xf32>,
        %get3A_2079 = vector.shape_cast %get3A_2078 : vector<1x1x16xf32> to vector<16xf32>
        %mul3A_2080 = arith.mulf %get3A_2079, %gather3A_136 : vector<16xf32>
        %add3A_2081 = arith.addf %add3A_2072, %mul3A_2080 : vector<16xf32>
        %get3A_2082 = arith.constant 0 : i32
        %get3A_2083 = arith.constant 7 : i32
        %get3A_2084 = arith.index_cast %get3A_2082 : i32 to index
        %get3A_2085 = arith.index_cast %get3A_2083 : i32 to index
        %get3A_2086 = arith.constant 192 : index
        %get3A_2087 = tpu.vector_load %arg8[%get3A_2084, %get3A_2085, %get3A_2086] {strides = array<i32>} : memref<2x16x256xf32, #tpu.memory_space<vmem>>, vector<1x1x16xf32>,
        %get3A_2088 = vector.shape_cast %get3A_2087 : vector<1x1x16xf32> to vector<16xf32>
        %mul3A_2089 = arith.mulf %get3A_2088, %gather3A_148 : vector<16xf32>
        %add3A_2090 = arith.addf %add3A_2081, %mul3A_2089 : vector<16xf32>
        %get3A_2091 = arith.constant 0 : i32
        %get3A_2092 = arith.constant 8 : i32
        %get3A_2093 = arith.index_cast %get3A_2091 : i32 to index
        %get3A_2094 = arith.index_cast %get3A_2092 : i32 to index
        %get3A_2095 = arith.constant 192 : index
        %get3A_2096 = tpu.vector_load %arg8[%get3A_2093, %get3A_2094, %get3A_2095] {strides = array<i32>} : memref<2x16x256xf32, #tpu.memory_space<vmem>>, vector<1x1x16xf32>,
        %get3A_2097 = vector.shape_cast %get3A_2096 : vector<1x1x16xf32> to vector<16xf32>
        %mul3A_2098 = arith.mulf %get3A_2097, %gather3A_160 : vector<16xf32>
        %add3A_2099 = arith.addf %add3A_2090, %mul3A_2098 : vector<16xf32>
        %get3A_2100 = arith.constant 0 : i32
        %get3A_2101 = arith.constant 9 : i32
        %get3A_2102 = arith.index_cast %get3A_2100 : i32 to index
        %get3A_2103 = arith.index_cast %get3A_2101 : i32 to index
        %get3A_2104 = arith.constant 192 : index
        %get3A_2105 = tpu.vector_load %arg8[%get3A_2102, %get3A_2103, %get3A_2104] {strides = array<i32>} : memref<2x16x256xf32, #tpu.memory_space<vmem>>, vector<1x1x16xf32>,
        %get3A_2106 = vector.shape_cast %get3A_2105 : vector<1x1x16xf32> to vector<16xf32>
        %mul3A_2107 = arith.mulf %get3A_2106, %gather3A_172 : vector<16xf32>
        %add3A_2108 = arith.addf %add3A_2099, %mul3A_2107 : vector<16xf32>
        %get3A_2109 = arith.constant 0 : i32
        %get3A_2110 = arith.constant 10 : i32
        %get3A_2111 = arith.index_cast %get3A_2109 : i32 to index
        %get3A_2112 = arith.index_cast %get3A_2110 : i32 to index
        %get3A_2113 = arith.constant 192 : index
        %get3A_2114 = tpu.vector_load %arg8[%get3A_2111, %get3A_2112, %get3A_2113] {strides = array<i32>} : memref<2x16x256xf32, #tpu.memory_space<vmem>>, vector<1x1x16xf32>,
        %get3A_2115 = vector.shape_cast %get3A_2114 : vector<1x1x16xf32> to vector<16xf32>
        %mul3A_2116 = arith.mulf %get3A_2115, %gather3A_184 : vector<16xf32>
        %add3A_2117 = arith.addf %add3A_2108, %mul3A_2116 : vector<16xf32>
        %get3A_2118 = arith.constant 0 : i32
        %get3A_2119 = arith.constant 11 : i32
        %get3A_2120 = arith.index_cast %get3A_2118 : i32 to index
        %get3A_2121 = arith.index_cast %get3A_2119 : i32 to index
        %get3A_2122 = arith.constant 192 : index
        %get3A_2123 = tpu.vector_load %arg8[%get3A_2120, %get3A_2121, %get3A_2122] {strides = array<i32>} : memref<2x16x256xf32, #tpu.memory_space<vmem>>, vector<1x1x16xf32>,
        %get3A_2124 = vector.shape_cast %get3A_2123 : vector<1x1x16xf32> to vector<16xf32>
        %mul3A_2125 = arith.mulf %get3A_2124, %gather3A_196 : vector<16xf32>
        %add3A_2126 = arith.addf %add3A_2117, %mul3A_2125 : vector<16xf32>
        %get3A_2127 = arith.constant 0 : i32
        %get3A_2128 = arith.constant 12 : i32
        %get3A_2129 = arith.index_cast %get3A_2127 : i32 to index
        %get3A_2130 = arith.index_cast %get3A_2128 : i32 to index
        %get3A_2131 = arith.constant 192 : index
        %get3A_2132 = tpu.vector_load %arg8[%get3A_2129, %get3A_2130, %get3A_2131] {strides = array<i32>} : memref<2x16x256xf32, #tpu.memory_space<vmem>>, vector<1x1x16xf32>,
        %get3A_2133 = vector.shape_cast %get3A_2132 : vector<1x1x16xf32> to vector<16xf32>
        %mul3A_2134 = arith.mulf %get3A_2133, %gather3A_208 : vector<16xf32>
        %add3A_2135 = arith.addf %add3A_2126, %mul3A_2134 : vector<16xf32>
        %get3A_2136 = arith.constant 0 : i32
        %get3A_2137 = arith.constant 13 : i32
        %get3A_2138 = arith.index_cast %get3A_2136 : i32 to index
        %get3A_2139 = arith.index_cast %get3A_2137 : i32 to index
        %get3A_2140 = arith.constant 192 : index
        %get3A_2141 = tpu.vector_load %arg8[%get3A_2138, %get3A_2139, %get3A_2140] {strides = array<i32>} : memref<2x16x256xf32, #tpu.memory_space<vmem>>, vector<1x1x16xf32>,
        %get3A_2142 = vector.shape_cast %get3A_2141 : vector<1x1x16xf32> to vector<16xf32>
        %mul3A_2143 = arith.mulf %get3A_2142, %gather3A_220 : vector<16xf32>
        %add3A_2144 = arith.addf %add3A_2135, %mul3A_2143 : vector<16xf32>
        %get3A_2145 = arith.constant 0 : i32
        %get3A_2146 = arith.constant 14 : i32
        %get3A_2147 = arith.index_cast %get3A_2145 : i32 to index
        %get3A_2148 = arith.index_cast %get3A_2146 : i32 to index
        %get3A_2149 = arith.constant 192 : index
        %get3A_2150 = tpu.vector_load %arg8[%get3A_2147, %get3A_2148, %get3A_2149] {strides = array<i32>} : memref<2x16x256xf32, #tpu.memory_space<vmem>>, vector<1x1x16xf32>,
        %get3A_2151 = vector.shape_cast %get3A_2150 : vector<1x1x16xf32> to vector<16xf32>
        %mul3A_2152 = arith.mulf %get3A_2151, %gather3A_232 : vector<16xf32>
        %add3A_2153 = arith.addf %add3A_2144, %mul3A_2152 : vector<16xf32>
        %get3A_2154 = arith.constant 0 : i32
        %get3A_2155 = arith.constant 15 : i32
        %get3A_2156 = arith.index_cast %get3A_2154 : i32 to index
        %get3A_2157 = arith.index_cast %get3A_2155 : i32 to index
        %get3A_2158 = arith.constant 192 : index
        %get3A_2159 = tpu.vector_load %arg8[%get3A_2156, %get3A_2157, %get3A_2158] {strides = array<i32>} : memref<2x16x256xf32, #tpu.memory_space<vmem>>, vector<1x1x16xf32>,
        %get3A_2160 = vector.shape_cast %get3A_2159 : vector<1x1x16xf32> to vector<16xf32>
        %mul3A_2161 = arith.mulf %get3A_2160, %gather3A_244 : vector<16xf32>
        %add3A_2162 = arith.addf %add3A_2153, %mul3A_2161 : vector<16xf32>
        %swap3A_2163 = arith.index_cast %add3A_51 : i32 to index
        %swap3A_2164 = arith.constant 192 : index
        %swap3A_2165 = tpu.vector_load %arg9[%swap3A_2163, %swap3A_2164] {strides = array<i32>} : memref<112x256xf32, #tpu.memory_space<vmem>>, vector<1x16xf32>,
        %swap3A_2166 = vector.shape_cast %swap3A_2165 : vector<1x16xf32> to vector<16xf32>
        %swap3A_2167 = vector.shape_cast %add3A_2162 : vector<16xf32> to vector<1x16xf32>
        tpu.vector_store %arg9[%swap3A_2163, %swap3A_2164], %swap3A_2167 {strides = array<i32>} : memref<112x256xf32, #tpu.memory_space<vmem>>, vector<1x16xf32>,
        %get3A_2168 = arith.constant 0 : i32
        %get3A_2169 = arith.constant 0 : i32
        %get3A_2170 = arith.index_cast %get3A_2168 : i32 to index
        %get3A_2171 = arith.index_cast %get3A_2169 : i32 to index
        %get3A_2172 = arith.constant 208 : index
        %get3A_2173 = tpu.vector_load %arg8[%get3A_2170, %get3A_2171, %get3A_2172] {strides = array<i32>} : memref<2x16x256xf32, #tpu.memory_space<vmem>>, vector<1x1x16xf32>,
        %get3A_2174 = vector.shape_cast %get3A_2173 : vector<1x1x16xf32> to vector<16xf32>
        %mul3A_2175 = arith.mulf %get3A_2174, %gather3A_64 : vector<16xf32>
        %get3A_2176 = arith.constant 0 : i32
        %get3A_2177 = arith.constant 1 : i32
        %get3A_2178 = arith.index_cast %get3A_2176 : i32 to index
        %get3A_2179 = arith.index_cast %get3A_2177 : i32 to index
        %get3A_2180 = arith.constant 208 : index
        %get3A_2181 = tpu.vector_load %arg8[%get3A_2178, %get3A_2179, %get3A_2180] {strides = array<i32>} : memref<2x16x256xf32, #tpu.memory_space<vmem>>, vector<1x1x16xf32>,
        %get3A_2182 = vector.shape_cast %get3A_2181 : vector<1x1x16xf32> to vector<16xf32>
        %mul3A_2183 = arith.mulf %get3A_2182, %gather3A_76 : vector<16xf32>
        %add3A_2184 = arith.addf %mul3A_2175, %mul3A_2183 : vector<16xf32>
        %get3A_2185 = arith.constant 0 : i32
        %get3A_2186 = arith.constant 2 : i32
        %get3A_2187 = arith.index_cast %get3A_2185 : i32 to index
        %get3A_2188 = arith.index_cast %get3A_2186 : i32 to index
        %get3A_2189 = arith.constant 208 : index
        %get3A_2190 = tpu.vector_load %arg8[%get3A_2187, %get3A_2188, %get3A_2189] {strides = array<i32>} : memref<2x16x256xf32, #tpu.memory_space<vmem>>, vector<1x1x16xf32>,
        %get3A_2191 = vector.shape_cast %get3A_2190 : vector<1x1x16xf32> to vector<16xf32>
        %mul3A_2192 = arith.mulf %get3A_2191, %gather3A_88 : vector<16xf32>
        %add3A_2193 = arith.addf %add3A_2184, %mul3A_2192 : vector<16xf32>
        %get3A_2194 = arith.constant 0 : i32
        %get3A_2195 = arith.constant 3 : i32
        %get3A_2196 = arith.index_cast %get3A_2194 : i32 to index
        %get3A_2197 = arith.index_cast %get3A_2195 : i32 to index
        %get3A_2198 = arith.constant 208 : index
        %get3A_2199 = tpu.vector_load %arg8[%get3A_2196, %get3A_2197, %get3A_2198] {strides = array<i32>} : memref<2x16x256xf32, #tpu.memory_space<vmem>>, vector<1x1x16xf32>,
        %get3A_2200 = vector.shape_cast %get3A_2199 : vector<1x1x16xf32> to vector<16xf32>
        %mul3A_2201 = arith.mulf %get3A_2200, %gather3A_100 : vector<16xf32>
        %add3A_2202 = arith.addf %add3A_2193, %mul3A_2201 : vector<16xf32>
        %get3A_2203 = arith.constant 0 : i32
        %get3A_2204 = arith.constant 4 : i32
        %get3A_2205 = arith.index_cast %get3A_2203 : i32 to index
        %get3A_2206 = arith.index_cast %get3A_2204 : i32 to index
        %get3A_2207 = arith.constant 208 : index
        %get3A_2208 = tpu.vector_load %arg8[%get3A_2205, %get3A_2206, %get3A_2207] {strides = array<i32>} : memref<2x16x256xf32, #tpu.memory_space<vmem>>, vector<1x1x16xf32>,
        %get3A_2209 = vector.shape_cast %get3A_2208 : vector<1x1x16xf32> to vector<16xf32>
        %mul3A_2210 = arith.mulf %get3A_2209, %gather3A_112 : vector<16xf32>
        %add3A_2211 = arith.addf %add3A_2202, %mul3A_2210 : vector<16xf32>
        %get3A_2212 = arith.constant 0 : i32
        %get3A_2213 = arith.constant 5 : i32
        %get3A_2214 = arith.index_cast %get3A_2212 : i32 to index
        %get3A_2215 = arith.index_cast %get3A_2213 : i32 to index
        %get3A_2216 = arith.constant 208 : index
        %get3A_2217 = tpu.vector_load %arg8[%get3A_2214, %get3A_2215, %get3A_2216] {strides = array<i32>} : memref<2x16x256xf32, #tpu.memory_space<vmem>>, vector<1x1x16xf32>,
        %get3A_2218 = vector.shape_cast %get3A_2217 : vector<1x1x16xf32> to vector<16xf32>
        %mul3A_2219 = arith.mulf %get3A_2218, %gather3A_124 : vector<16xf32>
        %add3A_2220 = arith.addf %add3A_2211, %mul3A_2219 : vector<16xf32>
        %get3A_2221 = arith.constant 0 : i32
        %get3A_2222 = arith.constant 6 : i32
        %get3A_2223 = arith.index_cast %get3A_2221 : i32 to index
        %get3A_2224 = arith.index_cast %get3A_2222 : i32 to index
        %get3A_2225 = arith.constant 208 : index
        %get3A_2226 = tpu.vector_load %arg8[%get3A_2223, %get3A_2224, %get3A_2225] {strides = array<i32>} : memref<2x16x256xf32, #tpu.memory_space<vmem>>, vector<1x1x16xf32>,
        %get3A_2227 = vector.shape_cast %get3A_2226 : vector<1x1x16xf32> to vector<16xf32>
        %mul3A_2228 = arith.mulf %get3A_2227, %gather3A_136 : vector<16xf32>
        %add3A_2229 = arith.addf %add3A_2220, %mul3A_2228 : vector<16xf32>
        %get3A_2230 = arith.constant 0 : i32
        %get3A_2231 = arith.constant 7 : i32
        %get3A_2232 = arith.index_cast %get3A_2230 : i32 to index
        %get3A_2233 = arith.index_cast %get3A_2231 : i32 to index
        %get3A_2234 = arith.constant 208 : index
        %get3A_2235 = tpu.vector_load %arg8[%get3A_2232, %get3A_2233, %get3A_2234] {strides = array<i32>} : memref<2x16x256xf32, #tpu.memory_space<vmem>>, vector<1x1x16xf32>,
        %get3A_2236 = vector.shape_cast %get3A_2235 : vector<1x1x16xf32> to vector<16xf32>
        %mul3A_2237 = arith.mulf %get3A_2236, %gather3A_148 : vector<16xf32>
        %add3A_2238 = arith.addf %add3A_2229, %mul3A_2237 : vector<16xf32>
        %get3A_2239 = arith.constant 0 : i32
        %get3A_2240 = arith.constant 8 : i32
        %get3A_2241 = arith.index_cast %get3A_2239 : i32 to index
        %get3A_2242 = arith.index_cast %get3A_2240 : i32 to index
        %get3A_2243 = arith.constant 208 : index
        %get3A_2244 = tpu.vector_load %arg8[%get3A_2241, %get3A_2242, %get3A_2243] {strides = array<i32>} : memref<2x16x256xf32, #tpu.memory_space<vmem>>, vector<1x1x16xf32>,
        %get3A_2245 = vector.shape_cast %get3A_2244 : vector<1x1x16xf32> to vector<16xf32>
        %mul3A_2246 = arith.mulf %get3A_2245, %gather3A_160 : vector<16xf32>
        %add3A_2247 = arith.addf %add3A_2238, %mul3A_2246 : vector<16xf32>
        %get3A_2248 = arith.constant 0 : i32
        %get3A_2249 = arith.constant 9 : i32
        %get3A_2250 = arith.index_cast %get3A_2248 : i32 to index
        %get3A_2251 = arith.index_cast %get3A_2249 : i32 to index
        %get3A_2252 = arith.constant 208 : index
        %get3A_2253 = tpu.vector_load %arg8[%get3A_2250, %get3A_2251, %get3A_2252] {strides = array<i32>} : memref<2x16x256xf32, #tpu.memory_space<vmem>>, vector<1x1x16xf32>,
        %get3A_2254 = vector.shape_cast %get3A_2253 : vector<1x1x16xf32> to vector<16xf32>
        %mul3A_2255 = arith.mulf %get3A_2254, %gather3A_172 : vector<16xf32>
        %add3A_2256 = arith.addf %add3A_2247, %mul3A_2255 : vector<16xf32>
        %get3A_2257 = arith.constant 0 : i32
        %get3A_2258 = arith.constant 10 : i32
        %get3A_2259 = arith.index_cast %get3A_2257 : i32 to index
        %get3A_2260 = arith.index_cast %get3A_2258 : i32 to index
        %get3A_2261 = arith.constant 208 : index
        %get3A_2262 = tpu.vector_load %arg8[%get3A_2259, %get3A_2260, %get3A_2261] {strides = array<i32>} : memref<2x16x256xf32, #tpu.memory_space<vmem>>, vector<1x1x16xf32>,
        %get3A_2263 = vector.shape_cast %get3A_2262 : vector<1x1x16xf32> to vector<16xf32>
        %mul3A_2264 = arith.mulf %get3A_2263, %gather3A_184 : vector<16xf32>
        %add3A_2265 = arith.addf %add3A_2256, %mul3A_2264 : vector<16xf32>
        %get3A_2266 = arith.constant 0 : i32
        %get3A_2267 = arith.constant 11 : i32
        %get3A_2268 = arith.index_cast %get3A_2266 : i32 to index
        %get3A_2269 = arith.index_cast %get3A_2267 : i32 to index
        %get3A_2270 = arith.constant 208 : index
        %get3A_2271 = tpu.vector_load %arg8[%get3A_2268, %get3A_2269, %get3A_2270] {strides = array<i32>} : memref<2x16x256xf32, #tpu.memory_space<vmem>>, vector<1x1x16xf32>,
        %get3A_2272 = vector.shape_cast %get3A_2271 : vector<1x1x16xf32> to vector<16xf32>
        %mul3A_2273 = arith.mulf %get3A_2272, %gather3A_196 : vector<16xf32>
        %add3A_2274 = arith.addf %add3A_2265, %mul3A_2273 : vector<16xf32>
        %get3A_2275 = arith.constant 0 : i32
        %get3A_2276 = arith.constant 12 : i32
        %get3A_2277 = arith.index_cast %get3A_2275 : i32 to index
        %get3A_2278 = arith.index_cast %get3A_2276 : i32 to index
        %get3A_2279 = arith.constant 208 : index
        %get3A_2280 = tpu.vector_load %arg8[%get3A_2277, %get3A_2278, %get3A_2279] {strides = array<i32>} : memref<2x16x256xf32, #tpu.memory_space<vmem>>, vector<1x1x16xf32>,
        %get3A_2281 = vector.shape_cast %get3A_2280 : vector<1x1x16xf32> to vector<16xf32>
        %mul3A_2282 = arith.mulf %get3A_2281, %gather3A_208 : vector<16xf32>
        %add3A_2283 = arith.addf %add3A_2274, %mul3A_2282 : vector<16xf32>
        %get3A_2284 = arith.constant 0 : i32
        %get3A_2285 = arith.constant 13 : i32
        %get3A_2286 = arith.index_cast %get3A_2284 : i32 to index
        %get3A_2287 = arith.index_cast %get3A_2285 : i32 to index
        %get3A_2288 = arith.constant 208 : index
        %get3A_2289 = tpu.vector_load %arg8[%get3A_2286, %get3A_2287, %get3A_2288] {strides = array<i32>} : memref<2x16x256xf32, #tpu.memory_space<vmem>>, vector<1x1x16xf32>,
        %get3A_2290 = vector.shape_cast %get3A_2289 : vector<1x1x16xf32> to vector<16xf32>
        %mul3A_2291 = arith.mulf %get3A_2290, %gather3A_220 : vector<16xf32>
        %add3A_2292 = arith.addf %add3A_2283, %mul3A_2291 : vector<16xf32>
        %get3A_2293 = arith.constant 0 : i32
        %get3A_2294 = arith.constant 14 : i32
        %get3A_2295 = arith.index_cast %get3A_2293 : i32 to index
        %get3A_2296 = arith.index_cast %get3A_2294 : i32 to index
        %get3A_2297 = arith.constant 208 : index
        %get3A_2298 = tpu.vector_load %arg8[%get3A_2295, %get3A_2296, %get3A_2297] {strides = array<i32>} : memref<2x16x256xf32, #tpu.memory_space<vmem>>, vector<1x1x16xf32>,
        %get3A_2299 = vector.shape_cast %get3A_2298 : vector<1x1x16xf32> to vector<16xf32>
        %mul3A_2300 = arith.mulf %get3A_2299, %gather3A_232 : vector<16xf32>
        %add3A_2301 = arith.addf %add3A_2292, %mul3A_2300 : vector<16xf32>
        %get3A_2302 = arith.constant 0 : i32
        %get3A_2303 = arith.constant 15 : i32
        %get3A_2304 = arith.index_cast %get3A_2302 : i32 to index
        %get3A_2305 = arith.index_cast %get3A_2303 : i32 to index
        %get3A_2306 = arith.constant 208 : index
        %get3A_2307 = tpu.vector_load %arg8[%get3A_2304, %get3A_2305, %get3A_2306] {strides = array<i32>} : memref<2x16x256xf32, #tpu.memory_space<vmem>>, vector<1x1x16xf32>,
        %get3A_2308 = vector.shape_cast %get3A_2307 : vector<1x1x16xf32> to vector<16xf32>
        %mul3A_2309 = arith.mulf %get3A_2308, %gather3A_244 : vector<16xf32>
        %add3A_2310 = arith.addf %add3A_2301, %mul3A_2309 : vector<16xf32>
        %swap3A_2311 = arith.index_cast %add3A_51 : i32 to index
        %swap3A_2312 = arith.constant 208 : index
        %swap3A_2313 = tpu.vector_load %arg9[%swap3A_2311, %swap3A_2312] {strides = array<i32>} : memref<112x256xf32, #tpu.memory_space<vmem>>, vector<1x16xf32>,
        %swap3A_2314 = vector.shape_cast %swap3A_2313 : vector<1x16xf32> to vector<16xf32>
        %swap3A_2315 = vector.shape_cast %add3A_2310 : vector<16xf32> to vector<1x16xf32>
        tpu.vector_store %arg9[%swap3A_2311, %swap3A_2312], %swap3A_2315 {strides = array<i32>} : memref<112x256xf32, #tpu.memory_space<vmem>>, vector<1x16xf32>,
        %get3A_2316 = arith.constant 0 : i32
        %get3A_2317 = arith.constant 0 : i32
        %get3A_2318 = arith.index_cast %get3A_2316 : i32 to index
        %get3A_2319 = arith.index_cast %get3A_2317 : i32 to index
        %get3A_2320 = arith.constant 224 : index
        %get3A_2321 = tpu.vector_load %arg8[%get3A_2318, %get3A_2319, %get3A_2320] {strides = array<i32>} : memref<2x16x256xf32, #tpu.memory_space<vmem>>, vector<1x1x16xf32>,
        %get3A_2322 = vector.shape_cast %get3A_2321 : vector<1x1x16xf32> to vector<16xf32>
        %mul3A_2323 = arith.mulf %get3A_2322, %gather3A_64 : vector<16xf32>
        %get3A_2324 = arith.constant 0 : i32
        %get3A_2325 = arith.constant 1 : i32
        %get3A_2326 = arith.index_cast %get3A_2324 : i32 to index
        %get3A_2327 = arith.index_cast %get3A_2325 : i32 to index
        %get3A_2328 = arith.constant 224 : index
        %get3A_2329 = tpu.vector_load %arg8[%get3A_2326, %get3A_2327, %get3A_2328] {strides = array<i32>} : memref<2x16x256xf32, #tpu.memory_space<vmem>>, vector<1x1x16xf32>,
        %get3A_2330 = vector.shape_cast %get3A_2329 : vector<1x1x16xf32> to vector<16xf32>
        %mul3A_2331 = arith.mulf %get3A_2330, %gather3A_76 : vector<16xf32>
        %add3A_2332 = arith.addf %mul3A_2323, %mul3A_2331 : vector<16xf32>
        %get3A_2333 = arith.constant 0 : i32
        %get3A_2334 = arith.constant 2 : i32
        %get3A_2335 = arith.index_cast %get3A_2333 : i32 to index
        %get3A_2336 = arith.index_cast %get3A_2334 : i32 to index
        %get3A_2337 = arith.constant 224 : index
        %get3A_2338 = tpu.vector_load %arg8[%get3A_2335, %get3A_2336, %get3A_2337] {strides = array<i32>} : memref<2x16x256xf32, #tpu.memory_space<vmem>>, vector<1x1x16xf32>,
        %get3A_2339 = vector.shape_cast %get3A_2338 : vector<1x1x16xf32> to vector<16xf32>
        %mul3A_2340 = arith.mulf %get3A_2339, %gather3A_88 : vector<16xf32>
        %add3A_2341 = arith.addf %add3A_2332, %mul3A_2340 : vector<16xf32>
        %get3A_2342 = arith.constant 0 : i32
        %get3A_2343 = arith.constant 3 : i32
        %get3A_2344 = arith.index_cast %get3A_2342 : i32 to index
        %get3A_2345 = arith.index_cast %get3A_2343 : i32 to index
        %get3A_2346 = arith.constant 224 : index
        %get3A_2347 = tpu.vector_load %arg8[%get3A_2344, %get3A_2345, %get3A_2346] {strides = array<i32>} : memref<2x16x256xf32, #tpu.memory_space<vmem>>, vector<1x1x16xf32>,
        %get3A_2348 = vector.shape_cast %get3A_2347 : vector<1x1x16xf32> to vector<16xf32>
        %mul3A_2349 = arith.mulf %get3A_2348, %gather3A_100 : vector<16xf32>
        %add3A_2350 = arith.addf %add3A_2341, %mul3A_2349 : vector<16xf32>
        %get3A_2351 = arith.constant 0 : i32
        %get3A_2352 = arith.constant 4 : i32
        %get3A_2353 = arith.index_cast %get3A_2351 : i32 to index
        %get3A_2354 = arith.index_cast %get3A_2352 : i32 to index
        %get3A_2355 = arith.constant 224 : index
        %get3A_2356 = tpu.vector_load %arg8[%get3A_2353, %get3A_2354, %get3A_2355] {strides = array<i32>} : memref<2x16x256xf32, #tpu.memory_space<vmem>>, vector<1x1x16xf32>,
        %get3A_2357 = vector.shape_cast %get3A_2356 : vector<1x1x16xf32> to vector<16xf32>
        %mul3A_2358 = arith.mulf %get3A_2357, %gather3A_112 : vector<16xf32>
        %add3A_2359 = arith.addf %add3A_2350, %mul3A_2358 : vector<16xf32>
        %get3A_2360 = arith.constant 0 : i32
        %get3A_2361 = arith.constant 5 : i32
        %get3A_2362 = arith.index_cast %get3A_2360 : i32 to index
        %get3A_2363 = arith.index_cast %get3A_2361 : i32 to index
        %get3A_2364 = arith.constant 224 : index
        %get3A_2365 = tpu.vector_load %arg8[%get3A_2362, %get3A_2363, %get3A_2364] {strides = array<i32>} : memref<2x16x256xf32, #tpu.memory_space<vmem>>, vector<1x1x16xf32>,
        %get3A_2366 = vector.shape_cast %get3A_2365 : vector<1x1x16xf32> to vector<16xf32>
        %mul3A_2367 = arith.mulf %get3A_2366, %gather3A_124 : vector<16xf32>
        %add3A_2368 = arith.addf %add3A_2359, %mul3A_2367 : vector<16xf32>
        %get3A_2369 = arith.constant 0 : i32
        %get3A_2370 = arith.constant 6 : i32
        %get3A_2371 = arith.index_cast %get3A_2369 : i32 to index
        %get3A_2372 = arith.index_cast %get3A_2370 : i32 to index
        %get3A_2373 = arith.constant 224 : index
        %get3A_2374 = tpu.vector_load %arg8[%get3A_2371, %get3A_2372, %get3A_2373] {strides = array<i32>} : memref<2x16x256xf32, #tpu.memory_space<vmem>>, vector<1x1x16xf32>,
        %get3A_2375 = vector.shape_cast %get3A_2374 : vector<1x1x16xf32> to vector<16xf32>
        %mul3A_2376 = arith.mulf %get3A_2375, %gather3A_136 : vector<16xf32>
        %add3A_2377 = arith.addf %add3A_2368, %mul3A_2376 : vector<16xf32>
        %get3A_2378 = arith.constant 0 : i32
        %get3A_2379 = arith.constant 7 : i32
        %get3A_2380 = arith.index_cast %get3A_2378 : i32 to index
        %get3A_2381 = arith.index_cast %get3A_2379 : i32 to index
        %get3A_2382 = arith.constant 224 : index
        %get3A_2383 = tpu.vector_load %arg8[%get3A_2380, %get3A_2381, %get3A_2382] {strides = array<i32>} : memref<2x16x256xf32, #tpu.memory_space<vmem>>, vector<1x1x16xf32>,
        %get3A_2384 = vector.shape_cast %get3A_2383 : vector<1x1x16xf32> to vector<16xf32>
        %mul3A_2385 = arith.mulf %get3A_2384, %gather3A_148 : vector<16xf32>
        %add3A_2386 = arith.addf %add3A_2377, %mul3A_2385 : vector<16xf32>
        %get3A_2387 = arith.constant 0 : i32
        %get3A_2388 = arith.constant 8 : i32
        %get3A_2389 = arith.index_cast %get3A_2387 : i32 to index
        %get3A_2390 = arith.index_cast %get3A_2388 : i32 to index
        %get3A_2391 = arith.constant 224 : index
        %get3A_2392 = tpu.vector_load %arg8[%get3A_2389, %get3A_2390, %get3A_2391] {strides = array<i32>} : memref<2x16x256xf32, #tpu.memory_space<vmem>>, vector<1x1x16xf32>,
        %get3A_2393 = vector.shape_cast %get3A_2392 : vector<1x1x16xf32> to vector<16xf32>
        %mul3A_2394 = arith.mulf %get3A_2393, %gather3A_160 : vector<16xf32>
        %add3A_2395 = arith.addf %add3A_2386, %mul3A_2394 : vector<16xf32>
        %get3A_2396 = arith.constant 0 : i32
        %get3A_2397 = arith.constant 9 : i32
        %get3A_2398 = arith.index_cast %get3A_2396 : i32 to index
        %get3A_2399 = arith.index_cast %get3A_2397 : i32 to index
        %get3A_2400 = arith.constant 224 : index
        %get3A_2401 = tpu.vector_load %arg8[%get3A_2398, %get3A_2399, %get3A_2400] {strides = array<i32>} : memref<2x16x256xf32, #tpu.memory_space<vmem>>, vector<1x1x16xf32>,
        %get3A_2402 = vector.shape_cast %get3A_2401 : vector<1x1x16xf32> to vector<16xf32>
        %mul3A_2403 = arith.mulf %get3A_2402, %gather3A_172 : vector<16xf32>
        %add3A_2404 = arith.addf %add3A_2395, %mul3A_2403 : vector<16xf32>
        %get3A_2405 = arith.constant 0 : i32
        %get3A_2406 = arith.constant 10 : i32
        %get3A_2407 = arith.index_cast %get3A_2405 : i32 to index
        %get3A_2408 = arith.index_cast %get3A_2406 : i32 to index
        %get3A_2409 = arith.constant 224 : index
        %get3A_2410 = tpu.vector_load %arg8[%get3A_2407, %get3A_2408, %get3A_2409] {strides = array<i32>} : memref<2x16x256xf32, #tpu.memory_space<vmem>>, vector<1x1x16xf32>,
        %get3A_2411 = vector.shape_cast %get3A_2410 : vector<1x1x16xf32> to vector<16xf32>
        %mul3A_2412 = arith.mulf %get3A_2411, %gather3A_184 : vector<16xf32>
        %add3A_2413 = arith.addf %add3A_2404, %mul3A_2412 : vector<16xf32>
        %get3A_2414 = arith.constant 0 : i32
        %get3A_2415 = arith.constant 11 : i32
        %get3A_2416 = arith.index_cast %get3A_2414 : i32 to index
        %get3A_2417 = arith.index_cast %get3A_2415 : i32 to index
        %get3A_2418 = arith.constant 224 : index
        %get3A_2419 = tpu.vector_load %arg8[%get3A_2416, %get3A_2417, %get3A_2418] {strides = array<i32>} : memref<2x16x256xf32, #tpu.memory_space<vmem>>, vector<1x1x16xf32>,
        %get3A_2420 = vector.shape_cast %get3A_2419 : vector<1x1x16xf32> to vector<16xf32>
        %mul3A_2421 = arith.mulf %get3A_2420, %gather3A_196 : vector<16xf32>
        %add3A_2422 = arith.addf %add3A_2413, %mul3A_2421 : vector<16xf32>
        %get3A_2423 = arith.constant 0 : i32
        %get3A_2424 = arith.constant 12 : i32
        %get3A_2425 = arith.index_cast %get3A_2423 : i32 to index
        %get3A_2426 = arith.index_cast %get3A_2424 : i32 to index
        %get3A_2427 = arith.constant 224 : index
        %get3A_2428 = tpu.vector_load %arg8[%get3A_2425, %get3A_2426, %get3A_2427] {strides = array<i32>} : memref<2x16x256xf32, #tpu.memory_space<vmem>>, vector<1x1x16xf32>,
        %get3A_2429 = vector.shape_cast %get3A_2428 : vector<1x1x16xf32> to vector<16xf32>
        %mul3A_2430 = arith.mulf %get3A_2429, %gather3A_208 : vector<16xf32>
        %add3A_2431 = arith.addf %add3A_2422, %mul3A_2430 : vector<16xf32>
        %get3A_2432 = arith.constant 0 : i32
        %get3A_2433 = arith.constant 13 : i32
        %get3A_2434 = arith.index_cast %get3A_2432 : i32 to index
        %get3A_2435 = arith.index_cast %get3A_2433 : i32 to index
        %get3A_2436 = arith.constant 224 : index
        %get3A_2437 = tpu.vector_load %arg8[%get3A_2434, %get3A_2435, %get3A_2436] {strides = array<i32>} : memref<2x16x256xf32, #tpu.memory_space<vmem>>, vector<1x1x16xf32>,
        %get3A_2438 = vector.shape_cast %get3A_2437 : vector<1x1x16xf32> to vector<16xf32>
        %mul3A_2439 = arith.mulf %get3A_2438, %gather3A_220 : vector<16xf32>
        %add3A_2440 = arith.addf %add3A_2431, %mul3A_2439 : vector<16xf32>
        %get3A_2441 = arith.constant 0 : i32
        %get3A_2442 = arith.constant 14 : i32
        %get3A_2443 = arith.index_cast %get3A_2441 : i32 to index
        %get3A_2444 = arith.index_cast %get3A_2442 : i32 to index
        %get3A_2445 = arith.constant 224 : index
        %get3A_2446 = tpu.vector_load %arg8[%get3A_2443, %get3A_2444, %get3A_2445] {strides = array<i32>} : memref<2x16x256xf32, #tpu.memory_space<vmem>>, vector<1x1x16xf32>,
        %get3A_2447 = vector.shape_cast %get3A_2446 : vector<1x1x16xf32> to vector<16xf32>
        %mul3A_2448 = arith.mulf %get3A_2447, %gather3A_232 : vector<16xf32>
        %add3A_2449 = arith.addf %add3A_2440, %mul3A_2448 : vector<16xf32>
        %get3A_2450 = arith.constant 0 : i32
        %get3A_2451 = arith.constant 15 : i32
        %get3A_2452 = arith.index_cast %get3A_2450 : i32 to index
        %get3A_2453 = arith.index_cast %get3A_2451 : i32 to index
        %get3A_2454 = arith.constant 224 : index
        %get3A_2455 = tpu.vector_load %arg8[%get3A_2452, %get3A_2453, %get3A_2454] {strides = array<i32>} : memref<2x16x256xf32, #tpu.memory_space<vmem>>, vector<1x1x16xf32>,
        %get3A_2456 = vector.shape_cast %get3A_2455 : vector<1x1x16xf32> to vector<16xf32>
        %mul3A_2457 = arith.mulf %get3A_2456, %gather3A_244 : vector<16xf32>
        %add3A_2458 = arith.addf %add3A_2449, %mul3A_2457 : vector<16xf32>
        %swap3A_2459 = arith.index_cast %add3A_51 : i32 to index
        %swap3A_2460 = arith.constant 224 : index
        %swap3A_2461 = tpu.vector_load %arg9[%swap3A_2459, %swap3A_2460] {strides = array<i32>} : memref<112x256xf32, #tpu.memory_space<vmem>>, vector<1x16xf32>,
        %swap3A_2462 = vector.shape_cast %swap3A_2461 : vector<1x16xf32> to vector<16xf32>
        %swap3A_2463 = vector.shape_cast %add3A_2458 : vector<16xf32> to vector<1x16xf32>
        tpu.vector_store %arg9[%swap3A_2459, %swap3A_2460], %swap3A_2463 {strides = array<i32>} : memref<112x256xf32, #tpu.memory_space<vmem>>, vector<1x16xf32>,
        %get3A_2464 = arith.constant 0 : i32
        %get3A_2465 = arith.constant 0 : i32
        %get3A_2466 = arith.index_cast %get3A_2464 : i32 to index
        %get3A_2467 = arith.index_cast %get3A_2465 : i32 to index
        %get3A_2468 = arith.constant 240 : index
        %get3A_2469 = tpu.vector_load %arg8[%get3A_2466, %get3A_2467, %get3A_2468] {strides = array<i32>} : memref<2x16x256xf32, #tpu.memory_space<vmem>>, vector<1x1x16xf32>,
        %get3A_2470 = vector.shape_cast %get3A_2469 : vector<1x1x16xf32> to vector<16xf32>
        %mul3A_2471 = arith.mulf %get3A_2470, %gather3A_64 : vector<16xf32>
        %get3A_2472 = arith.constant 0 : i32
        %get3A_2473 = arith.constant 1 : i32
        %get3A_2474 = arith.index_cast %get3A_2472 : i32 to index
        %get3A_2475 = arith.index_cast %get3A_2473 : i32 to index
        %get3A_2476 = arith.constant 240 : index
        %get3A_2477 = tpu.vector_load %arg8[%get3A_2474, %get3A_2475, %get3A_2476] {strides = array<i32>} : memref<2x16x256xf32, #tpu.memory_space<vmem>>, vector<1x1x16xf32>,
        %get3A_2478 = vector.shape_cast %get3A_2477 : vector<1x1x16xf32> to vector<16xf32>
        %mul3A_2479 = arith.mulf %get3A_2478, %gather3A_76 : vector<16xf32>
        %add3A_2480 = arith.addf %mul3A_2471, %mul3A_2479 : vector<16xf32>
        %get3A_2481 = arith.constant 0 : i32
        %get3A_2482 = arith.constant 2 : i32
        %get3A_2483 = arith.index_cast %get3A_2481 : i32 to index
        %get3A_2484 = arith.index_cast %get3A_2482 : i32 to index
        %get3A_2485 = arith.constant 240 : index
        %get3A_2486 = tpu.vector_load %arg8[%get3A_2483, %get3A_2484, %get3A_2485] {strides = array<i32>} : memref<2x16x256xf32, #tpu.memory_space<vmem>>, vector<1x1x16xf32>,
        %get3A_2487 = vector.shape_cast %get3A_2486 : vector<1x1x16xf32> to vector<16xf32>
        %mul3A_2488 = arith.mulf %get3A_2487, %gather3A_88 : vector<16xf32>
        %add3A_2489 = arith.addf %add3A_2480, %mul3A_2488 : vector<16xf32>
        %get3A_2490 = arith.constant 0 : i32
        %get3A_2491 = arith.constant 3 : i32
        %get3A_2492 = arith.index_cast %get3A_2490 : i32 to index
        %get3A_2493 = arith.index_cast %get3A_2491 : i32 to index
        %get3A_2494 = arith.constant 240 : index
        %get3A_2495 = tpu.vector_load %arg8[%get3A_2492, %get3A_2493, %get3A_2494] {strides = array<i32>} : memref<2x16x256xf32, #tpu.memory_space<vmem>>, vector<1x1x16xf32>,
        %get3A_2496 = vector.shape_cast %get3A_2495 : vector<1x1x16xf32> to vector<16xf32>
        %mul3A_2497 = arith.mulf %get3A_2496, %gather3A_100 : vector<16xf32>
        %add3A_2498 = arith.addf %add3A_2489, %mul3A_2497 : vector<16xf32>
        %get3A_2499 = arith.constant 0 : i32
        %get3A_2500 = arith.constant 4 : i32
        %get3A_2501 = arith.index_cast %get3A_2499 : i32 to index
        %get3A_2502 = arith.index_cast %get3A_2500 : i32 to index
        %get3A_2503 = arith.constant 240 : index
        %get3A_2504 = tpu.vector_load %arg8[%get3A_2501, %get3A_2502, %get3A_2503] {strides = array<i32>} : memref<2x16x256xf32, #tpu.memory_space<vmem>>, vector<1x1x16xf32>,
        %get3A_2505 = vector.shape_cast %get3A_2504 : vector<1x1x16xf32> to vector<16xf32>
        %mul3A_2506 = arith.mulf %get3A_2505, %gather3A_112 : vector<16xf32>
        %add3A_2507 = arith.addf %add3A_2498, %mul3A_2506 : vector<16xf32>
        %get3A_2508 = arith.constant 0 : i32
        %get3A_2509 = arith.constant 5 : i32
        %get3A_2510 = arith.index_cast %get3A_2508 : i32 to index
        %get3A_2511 = arith.index_cast %get3A_2509 : i32 to index
        %get3A_2512 = arith.constant 240 : index
        %get3A_2513 = tpu.vector_load %arg8[%get3A_2510, %get3A_2511, %get3A_2512] {strides = array<i32>} : memref<2x16x256xf32, #tpu.memory_space<vmem>>, vector<1x1x16xf32>,
        %get3A_2514 = vector.shape_cast %get3A_2513 : vector<1x1x16xf32> to vector<16xf32>
        %mul3A_2515 = arith.mulf %get3A_2514, %gather3A_124 : vector<16xf32>
        %add3A_2516 = arith.addf %add3A_2507, %mul3A_2515 : vector<16xf32>
        %get3A_2517 = arith.constant 0 : i32
        %get3A_2518 = arith.constant 6 : i32
        %get3A_2519 = arith.index_cast %get3A_2517 : i32 to index
        %get3A_2520 = arith.index_cast %get3A_2518 : i32 to index
        %get3A_2521 = arith.constant 240 : index
        %get3A_2522 = tpu.vector_load %arg8[%get3A_2519, %get3A_2520, %get3A_2521] {strides = array<i32>} : memref<2x16x256xf32, #tpu.memory_space<vmem>>, vector<1x1x16xf32>,
        %get3A_2523 = vector.shape_cast %get3A_2522 : vector<1x1x16xf32> to vector<16xf32>
        %mul3A_2524 = arith.mulf %get3A_2523, %gather3A_136 : vector<16xf32>
        %add3A_2525 = arith.addf %add3A_2516, %mul3A_2524 : vector<16xf32>
        %get3A_2526 = arith.constant 0 : i32
        %get3A_2527 = arith.constant 7 : i32
        %get3A_2528 = arith.index_cast %get3A_2526 : i32 to index
        %get3A_2529 = arith.index_cast %get3A_2527 : i32 to index
        %get3A_2530 = arith.constant 240 : index
        %get3A_2531 = tpu.vector_load %arg8[%get3A_2528, %get3A_2529, %get3A_2530] {strides = array<i32>} : memref<2x16x256xf32, #tpu.memory_space<vmem>>, vector<1x1x16xf32>,
        %get3A_2532 = vector.shape_cast %get3A_2531 : vector<1x1x16xf32> to vector<16xf32>
        %mul3A_2533 = arith.mulf %get3A_2532, %gather3A_148 : vector<16xf32>
        %add3A_2534 = arith.addf %add3A_2525, %mul3A_2533 : vector<16xf32>
        %get3A_2535 = arith.constant 0 : i32
        %get3A_2536 = arith.constant 8 : i32
        %get3A_2537 = arith.index_cast %get3A_2535 : i32 to index
        %get3A_2538 = arith.index_cast %get3A_2536 : i32 to index
        %get3A_2539 = arith.constant 240 : index
        %get3A_2540 = tpu.vector_load %arg8[%get3A_2537, %get3A_2538, %get3A_2539] {strides = array<i32>} : memref<2x16x256xf32, #tpu.memory_space<vmem>>, vector<1x1x16xf32>,
        %get3A_2541 = vector.shape_cast %get3A_2540 : vector<1x1x16xf32> to vector<16xf32>
        %mul3A_2542 = arith.mulf %get3A_2541, %gather3A_160 : vector<16xf32>
        %add3A_2543 = arith.addf %add3A_2534, %mul3A_2542 : vector<16xf32>
        %get3A_2544 = arith.constant 0 : i32
        %get3A_2545 = arith.constant 9 : i32
        %get3A_2546 = arith.index_cast %get3A_2544 : i32 to index
        %get3A_2547 = arith.index_cast %get3A_2545 : i32 to index
        %get3A_2548 = arith.constant 240 : index
        %get3A_2549 = tpu.vector_load %arg8[%get3A_2546, %get3A_2547, %get3A_2548] {strides = array<i32>} : memref<2x16x256xf32, #tpu.memory_space<vmem>>, vector<1x1x16xf32>,
        %get3A_2550 = vector.shape_cast %get3A_2549 : vector<1x1x16xf32> to vector<16xf32>
        %mul3A_2551 = arith.mulf %get3A_2550, %gather3A_172 : vector<16xf32>
        %add3A_2552 = arith.addf %add3A_2543, %mul3A_2551 : vector<16xf32>
        %get3A_2553 = arith.constant 0 : i32
        %get3A_2554 = arith.constant 10 : i32
        %get3A_2555 = arith.index_cast %get3A_2553 : i32 to index
        %get3A_2556 = arith.index_cast %get3A_2554 : i32 to index
        %get3A_2557 = arith.constant 240 : index
        %get3A_2558 = tpu.vector_load %arg8[%get3A_2555, %get3A_2556, %get3A_2557] {strides = array<i32>} : memref<2x16x256xf32, #tpu.memory_space<vmem>>, vector<1x1x16xf32>,
        %get3A_2559 = vector.shape_cast %get3A_2558 : vector<1x1x16xf32> to vector<16xf32>
        %mul3A_2560 = arith.mulf %get3A_2559, %gather3A_184 : vector<16xf32>
        %add3A_2561 = arith.addf %add3A_2552, %mul3A_2560 : vector<16xf32>
        %get3A_2562 = arith.constant 0 : i32
        %get3A_2563 = arith.constant 11 : i32
        %get3A_2564 = arith.index_cast %get3A_2562 : i32 to index
        %get3A_2565 = arith.index_cast %get3A_2563 : i32 to index
        %get3A_2566 = arith.constant 240 : index
        %get3A_2567 = tpu.vector_load %arg8[%get3A_2564, %get3A_2565, %get3A_2566] {strides = array<i32>} : memref<2x16x256xf32, #tpu.memory_space<vmem>>, vector<1x1x16xf32>,
        %get3A_2568 = vector.shape_cast %get3A_2567 : vector<1x1x16xf32> to vector<16xf32>
        %mul3A_2569 = arith.mulf %get3A_2568, %gather3A_196 : vector<16xf32>
        %add3A_2570 = arith.addf %add3A_2561, %mul3A_2569 : vector<16xf32>
        %get3A_2571 = arith.constant 0 : i32
        %get3A_2572 = arith.constant 12 : i32
        %get3A_2573 = arith.index_cast %get3A_2571 : i32 to index
        %get3A_2574 = arith.index_cast %get3A_2572 : i32 to index
        %get3A_2575 = arith.constant 240 : index
        %get3A_2576 = tpu.vector_load %arg8[%get3A_2573, %get3A_2574, %get3A_2575] {strides = array<i32>} : memref<2x16x256xf32, #tpu.memory_space<vmem>>, vector<1x1x16xf32>,
        %get3A_2577 = vector.shape_cast %get3A_2576 : vector<1x1x16xf32> to vector<16xf32>
        %mul3A_2578 = arith.mulf %get3A_2577, %gather3A_208 : vector<16xf32>
        %add3A_2579 = arith.addf %add3A_2570, %mul3A_2578 : vector<16xf32>
        %get3A_2580 = arith.constant 0 : i32
        %get3A_2581 = arith.constant 13 : i32
        %get3A_2582 = arith.index_cast %get3A_2580 : i32 to index
        %get3A_2583 = arith.index_cast %get3A_2581 : i32 to index
        %get3A_2584 = arith.constant 240 : index
        %get3A_2585 = tpu.vector_load %arg8[%get3A_2582, %get3A_2583, %get3A_2584] {strides = array<i32>} : memref<2x16x256xf32, #tpu.memory_space<vmem>>, vector<1x1x16xf32>,
        %get3A_2586 = vector.shape_cast %get3A_2585 : vector<1x1x16xf32> to vector<16xf32>
        %mul3A_2587 = arith.mulf %get3A_2586, %gather3A_220 : vector<16xf32>
        %add3A_2588 = arith.addf %add3A_2579, %mul3A_2587 : vector<16xf32>
        %get3A_2589 = arith.constant 0 : i32
        %get3A_2590 = arith.constant 14 : i32
        %get3A_2591 = arith.index_cast %get3A_2589 : i32 to index
        %get3A_2592 = arith.index_cast %get3A_2590 : i32 to index
        %get3A_2593 = arith.constant 240 : index
        %get3A_2594 = tpu.vector_load %arg8[%get3A_2591, %get3A_2592, %get3A_2593] {strides = array<i32>} : memref<2x16x256xf32, #tpu.memory_space<vmem>>, vector<1x1x16xf32>,
        %get3A_2595 = vector.shape_cast %get3A_2594 : vector<1x1x16xf32> to vector<16xf32>
        %mul3A_2596 = arith.mulf %get3A_2595, %gather3A_232 : vector<16xf32>
        %add3A_2597 = arith.addf %add3A_2588, %mul3A_2596 : vector<16xf32>
        %get3A_2598 = arith.constant 0 : i32
        %get3A_2599 = arith.constant 15 : i32
        %get3A_2600 = arith.index_cast %get3A_2598 : i32 to index
        %get3A_2601 = arith.index_cast %get3A_2599 : i32 to index
        %get3A_2602 = arith.constant 240 : index
        %get3A_2603 = tpu.vector_load %arg8[%get3A_2600, %get3A_2601, %get3A_2602] {strides = array<i32>} : memref<2x16x256xf32, #tpu.memory_space<vmem>>, vector<1x1x16xf32>,
        %get3A_2604 = vector.shape_cast %get3A_2603 : vector<1x1x16xf32> to vector<16xf32>
        %mul3A_2605 = arith.mulf %get3A_2604, %gather3A_244 : vector<16xf32>
        %add3A_2606 = arith.addf %add3A_2597, %mul3A_2605 : vector<16xf32>
        %swap3A_2607 = arith.index_cast %add3A_51 : i32 to index
        %swap3A_2608 = arith.constant 240 : index
        %swap3A_2609 = tpu.vector_load %arg9[%swap3A_2607, %swap3A_2608] {strides = array<i32>} : memref<112x256xf32, #tpu.memory_space<vmem>>, vector<1x16xf32>,
        %swap3A_2610 = vector.shape_cast %swap3A_2609 : vector<1x16xf32> to vector<16xf32>
        %swap3A_2611 = vector.shape_cast %add3A_2606 : vector<16xf32> to vector<1x16xf32>
        tpu.vector_store %arg9[%swap3A_2607, %swap3A_2608], %swap3A_2611 {strides = array<i32>} : memref<112x256xf32, #tpu.memory_space<vmem>>, vector<1x16xf32>,
        %mul3A_2612 = arith.constant 2 : i32
        %mul3A_2613 = arith.muli %scan3A_29, %mul3A_2612 : i32
        %add3A_2614 = arith.addi %mul3A_22, %mul3A_2613 : i32
        %add3A_2615 = arith.constant 1 : i32
        %add3A_2616 = arith.addi %add3A_2614, %add3A_2615 : i32
        %add3A_2617 = arith.constant 1 : i32
        %add3A_2618 = arith.addi %add3A_2616, %add3A_2617 : i32
        %lt3A_2619 = arith.constant 784 : i32
        %lt3A_2620 = arith.cmpi slt, %add3A_2618, %lt3A_2619 : i32
        %convert_element_type3A_2621 = arith.extui %lt3A_2620 : i1 to i32
        %cond3A_2622 = arith.constant 0 : i32
        %cond3A_2623 = arith.cmpi ne, %convert_element_type3A_2621, %cond3A_2622 : i32
        scf.if %cond3A_2623 {
          %mul3A_5203 = arith.constant 16 : i32
          %mul3A_5204 = arith.muli %add3A_2618, %mul3A_5203 : i32
          %dma_start3A_5205 = arith.constant 0 : i32
          %dma_start3A_5206 = arith.constant 0 : i32
          %dma_start3A_5207 = arith.constant 0 : i32
          %dma_start3A_5208 = tpu.memref_slice %arg8[%dma_start3A_5205, %dma_start3A_5206, %dma_start3A_5207] : memref<2x16x256xf32, #tpu.memory_space<vmem>> -> memref<1x16x256xf32, #tpu.memory_space<vmem>>
          %dma_start3A_5209 = tpu.memref_squeeze %dma_start3A_5208 : memref<1x16x256xf32, #tpu.memory_space<vmem>> -> memref<16x256xf32, #tpu.memory_space<vmem>>
          %dma_start3A_5210 = tpu.memref_slice %arg6[%mul3A_5204] : memref<12544xi32, #tpu.memory_space<vmem>> -> memref<16xi32, #tpu.memory_space<vmem>>
          %dma_start3A_5211 = arith.constant 0 : i32
          %dma_start3A_5212 = arith.constant 0 : i32
          %dma_start3A_5213 = tpu.memref_slice %arg2[%dma_start3A_5211, %dma_start3A_5212] : memref<33024x256xf32, #tpu.memory_space<hbm>> -> memref<33024x256xf32, #tpu.memory_space<hbm>>
          tpu.enqueue_indirect_dma source(%dma_start3A_5213 : memref<33024x256xf32, #tpu.memory_space<hbm>>) target(%dma_start3A_5209 : memref<16x256xf32, #tpu.memory_space<vmem>>) offsets(%dma_start3A_5210 : memref<16xi32, #tpu.memory_space<vmem>>) semaphore(%arg10 : memref<!tpu.dma_semaphore, #tpu.memory_space<semaphore_mem>>)
        } else {
        }
        %dma_wait3A_2624 = arith.constant 1 : i32
        %dma_wait3A_2625 = arith.constant 0 : i32
        %dma_wait3A_2626 = arith.constant 0 : i32
        %dma_wait3A_2627 = tpu.memref_slice %arg8[%dma_wait3A_2624, %dma_wait3A_2625, %dma_wait3A_2626] : memref<2x16x256xf32, #tpu.memory_space<vmem>> -> memref<1x16x256xf32, #tpu.memory_space<vmem>>
        %dma_wait3A_2628 = tpu.memref_squeeze %dma_wait3A_2627 : memref<1x16x256xf32, #tpu.memory_space<vmem>> -> memref<16x256xf32, #tpu.memory_space<vmem>>
        %dma_wait3A_2629 = arith.constant 0 : i32
        %dma_wait3A_2630 = tpu.memref_slice %arg6[%dma_wait3A_2629] : memref<12544xi32, #tpu.memory_space<vmem>> -> memref<16xi32, #tpu.memory_space<vmem>>
        %dma_wait3A_2631 = arith.constant 0 : i32
        %dma_wait3A_2632 = arith.constant 0 : i32
        %dma_wait3A_2633 = tpu.memref_slice %arg2[%dma_wait3A_2631, %dma_wait3A_2632] : memref<33024x256xf32, #tpu.memory_space<hbm>> -> memref<33024x256xf32, #tpu.memory_space<hbm>>
        tpu.wait_indirect_dma semaphore(%arg11 : memref<!tpu.dma_semaphore, #tpu.memory_space<semaphore_mem>>) src(%dma_wait3A_2633 : memref<33024x256xf32, #tpu.memory_space<hbm>>) dst(%dma_wait3A_2628 : memref<16x256xf32, #tpu.memory_space<vmem>>)
        %mul3A_2634 = arith.constant 2 : i32
        %mul3A_2635 = arith.muli %scan3A_29, %mul3A_2634 : i32
        %add3A_2636 = arith.constant 1 : i32
        %add3A_2637 = arith.addi %mul3A_2635, %add3A_2636 : i32
        %mul3A_2638 = arith.constant 16 : i32
        %mul3A_2639 = arith.muli %add3A_2616, %mul3A_2638 : i32
        %get3A_2640 = arith.index_cast %mul3A_2639 : i32 to index
        %get3A_2641 = tpu.vector_load %arg7[%get3A_2640] {strides = array<i32>} : memref<12544xf32, #tpu.memory_space<vmem>>, vector<16xf32>,
        %get3A_2642 = vector.shape_cast %get3A_2641 : vector<16xf32> to vector<16xf32>
        %broadcast_in_dim3A_2643 = arith.constant 0 : i32
        %broadcast_in_dim3A_2644 = vector.broadcast %broadcast_in_dim3A_2643 : i32 to vector<16xi32>
        %lt3A_2645 = arith.constant 0 : i32
        %lt3A_2646 = vector.broadcast %lt3A_2645 : i32 to vector<16xi32>
        %lt3A_2647 = arith.cmpi slt, %broadcast_in_dim3A_2644, %lt3A_2646 : vector<16xi32>
        %add3A_2648 = arith.constant 16 : i32
        %add3A_2649 = vector.broadcast %add3A_2648 : i32 to vector<16xi32>
        %add3A_2650 = arith.addi %broadcast_in_dim3A_2644, %add3A_2649 : vector<16xi32>
        %select_n3A_2651 = arith.select %lt3A_2647, %add3A_2650, %broadcast_in_dim3A_2644 : vector<16xi1>, vector<16xi32>
        %broadcast_in_dim3A_2652 = vector.shape_cast %select_n3A_2651 : vector<16xi32> to vector<16x1xi32>
        %gather3A_2653 = vector.shape_cast %broadcast_in_dim3A_2652 : vector<16x1xi32> to vector<16xi32>
        %gather3A_2654 = tpu.dynamic_gather %get3A_2642[%gather3A_2653] in [0] : vector<16xf32>, vector<16xi32> -> vector<16xf32>
        %broadcast_in_dim3A_2655 = arith.constant 1 : i32
        %broadcast_in_dim3A_2656 = vector.broadcast %broadcast_in_dim3A_2655 : i32 to vector<16xi32>
        %lt3A_2657 = arith.constant 0 : i32
        %lt3A_2658 = vector.broadcast %lt3A_2657 : i32 to vector<16xi32>
        %lt3A_2659 = arith.cmpi slt, %broadcast_in_dim3A_2656, %lt3A_2658 : vector<16xi32>
        %add3A_2660 = arith.constant 16 : i32
        %add3A_2661 = vector.broadcast %add3A_2660 : i32 to vector<16xi32>
        %add3A_2662 = arith.addi %broadcast_in_dim3A_2656, %add3A_2661 : vector<16xi32>
        %select_n3A_2663 = arith.select %lt3A_2659, %add3A_2662, %broadcast_in_dim3A_2656 : vector<16xi1>, vector<16xi32>
        %broadcast_in_dim3A_2664 = vector.shape_cast %select_n3A_2663 : vector<16xi32> to vector<16x1xi32>
        %gather3A_2665 = vector.shape_cast %broadcast_in_dim3A_2664 : vector<16x1xi32> to vector<16xi32>
        %gather3A_2666 = tpu.dynamic_gather %get3A_2642[%gather3A_2665] in [0] : vector<16xf32>, vector<16xi32> -> vector<16xf32>
        %broadcast_in_dim3A_2667 = arith.constant 2 : i32
        %broadcast_in_dim3A_2668 = vector.broadcast %broadcast_in_dim3A_2667 : i32 to vector<16xi32>
        %lt3A_2669 = arith.constant 0 : i32
        %lt3A_2670 = vector.broadcast %lt3A_2669 : i32 to vector<16xi32>
        %lt3A_2671 = arith.cmpi slt, %broadcast_in_dim3A_2668, %lt3A_2670 : vector<16xi32>
        %add3A_2672 = arith.constant 16 : i32
        %add3A_2673 = vector.broadcast %add3A_2672 : i32 to vector<16xi32>
        %add3A_2674 = arith.addi %broadcast_in_dim3A_2668, %add3A_2673 : vector<16xi32>
        %select_n3A_2675 = arith.select %lt3A_2671, %add3A_2674, %broadcast_in_dim3A_2668 : vector<16xi1>, vector<16xi32>
        %broadcast_in_dim3A_2676 = vector.shape_cast %select_n3A_2675 : vector<16xi32> to vector<16x1xi32>
        %gather3A_2677 = vector.shape_cast %broadcast_in_dim3A_2676 : vector<16x1xi32> to vector<16xi32>
        %gather3A_2678 = tpu.dynamic_gather %get3A_2642[%gather3A_2677] in [0] : vector<16xf32>, vector<16xi32> -> vector<16xf32>
        %broadcast_in_dim3A_2679 = arith.constant 3 : i32
        %broadcast_in_dim3A_2680 = vector.broadcast %broadcast_in_dim3A_2679 : i32 to vector<16xi32>
        %lt3A_2681 = arith.constant 0 : i32
        %lt3A_2682 = vector.broadcast %lt3A_2681 : i32 to vector<16xi32>
        %lt3A_2683 = arith.cmpi slt, %broadcast_in_dim3A_2680, %lt3A_2682 : vector<16xi32>
        %add3A_2684 = arith.constant 16 : i32
        %add3A_2685 = vector.broadcast %add3A_2684 : i32 to vector<16xi32>
        %add3A_2686 = arith.addi %broadcast_in_dim3A_2680, %add3A_2685 : vector<16xi32>
        %select_n3A_2687 = arith.select %lt3A_2683, %add3A_2686, %broadcast_in_dim3A_2680 : vector<16xi1>, vector<16xi32>
        %broadcast_in_dim3A_2688 = vector.shape_cast %select_n3A_2687 : vector<16xi32> to vector<16x1xi32>
        %gather3A_2689 = vector.shape_cast %broadcast_in_dim3A_2688 : vector<16x1xi32> to vector<16xi32>
        %gather3A_2690 = tpu.dynamic_gather %get3A_2642[%gather3A_2689] in [0] : vector<16xf32>, vector<16xi32> -> vector<16xf32>
        %broadcast_in_dim3A_2691 = arith.constant 4 : i32
        %broadcast_in_dim3A_2692 = vector.broadcast %broadcast_in_dim3A_2691 : i32 to vector<16xi32>
        %lt3A_2693 = arith.constant 0 : i32
        %lt3A_2694 = vector.broadcast %lt3A_2693 : i32 to vector<16xi32>
        %lt3A_2695 = arith.cmpi slt, %broadcast_in_dim3A_2692, %lt3A_2694 : vector<16xi32>
        %add3A_2696 = arith.constant 16 : i32
        %add3A_2697 = vector.broadcast %add3A_2696 : i32 to vector<16xi32>
        %add3A_2698 = arith.addi %broadcast_in_dim3A_2692, %add3A_2697 : vector<16xi32>
        %select_n3A_2699 = arith.select %lt3A_2695, %add3A_2698, %broadcast_in_dim3A_2692 : vector<16xi1>, vector<16xi32>
        %broadcast_in_dim3A_2700 = vector.shape_cast %select_n3A_2699 : vector<16xi32> to vector<16x1xi32>
        %gather3A_2701 = vector.shape_cast %broadcast_in_dim3A_2700 : vector<16x1xi32> to vector<16xi32>
        %gather3A_2702 = tpu.dynamic_gather %get3A_2642[%gather3A_2701] in [0] : vector<16xf32>, vector<16xi32> -> vector<16xf32>
        %broadcast_in_dim3A_2703 = arith.constant 5 : i32
        %broadcast_in_dim3A_2704 = vector.broadcast %broadcast_in_dim3A_2703 : i32 to vector<16xi32>
        %lt3A_2705 = arith.constant 0 : i32
        %lt3A_2706 = vector.broadcast %lt3A_2705 : i32 to vector<16xi32>
        %lt3A_2707 = arith.cmpi slt, %broadcast_in_dim3A_2704, %lt3A_2706 : vector<16xi32>
        %add3A_2708 = arith.constant 16 : i32
        %add3A_2709 = vector.broadcast %add3A_2708 : i32 to vector<16xi32>
        %add3A_2710 = arith.addi %broadcast_in_dim3A_2704, %add3A_2709 : vector<16xi32>
        %select_n3A_2711 = arith.select %lt3A_2707, %add3A_2710, %broadcast_in_dim3A_2704 : vector<16xi1>, vector<16xi32>
        %broadcast_in_dim3A_2712 = vector.shape_cast %select_n3A_2711 : vector<16xi32> to vector<16x1xi32>
        %gather3A_2713 = vector.shape_cast %broadcast_in_dim3A_2712 : vector<16x1xi32> to vector<16xi32>
        %gather3A_2714 = tpu.dynamic_gather %get3A_2642[%gather3A_2713] in [0] : vector<16xf32>, vector<16xi32> -> vector<16xf32>
        %broadcast_in_dim3A_2715 = arith.constant 6 : i32
        %broadcast_in_dim3A_2716 = vector.broadcast %broadcast_in_dim3A_2715 : i32 to vector<16xi32>
        %lt3A_2717 = arith.constant 0 : i32
        %lt3A_2718 = vector.broadcast %lt3A_2717 : i32 to vector<16xi32>
        %lt3A_2719 = arith.cmpi slt, %broadcast_in_dim3A_2716, %lt3A_2718 : vector<16xi32>
        %add3A_2720 = arith.constant 16 : i32
        %add3A_2721 = vector.broadcast %add3A_2720 : i32 to vector<16xi32>
        %add3A_2722 = arith.addi %broadcast_in_dim3A_2716, %add3A_2721 : vector<16xi32>
        %select_n3A_2723 = arith.select %lt3A_2719, %add3A_2722, %broadcast_in_dim3A_2716 : vector<16xi1>, vector<16xi32>
        %broadcast_in_dim3A_2724 = vector.shape_cast %select_n3A_2723 : vector<16xi32> to vector<16x1xi32>
        %gather3A_2725 = vector.shape_cast %broadcast_in_dim3A_2724 : vector<16x1xi32> to vector<16xi32>
        %gather3A_2726 = tpu.dynamic_gather %get3A_2642[%gather3A_2725] in [0] : vector<16xf32>, vector<16xi32> -> vector<16xf32>
        %broadcast_in_dim3A_2727 = arith.constant 7 : i32
        %broadcast_in_dim3A_2728 = vector.broadcast %broadcast_in_dim3A_2727 : i32 to vector<16xi32>
        %lt3A_2729 = arith.constant 0 : i32
        %lt3A_2730 = vector.broadcast %lt3A_2729 : i32 to vector<16xi32>
        %lt3A_2731 = arith.cmpi slt, %broadcast_in_dim3A_2728, %lt3A_2730 : vector<16xi32>
        %add3A_2732 = arith.constant 16 : i32
        %add3A_2733 = vector.broadcast %add3A_2732 : i32 to vector<16xi32>
        %add3A_2734 = arith.addi %broadcast_in_dim3A_2728, %add3A_2733 : vector<16xi32>
        %select_n3A_2735 = arith.select %lt3A_2731, %add3A_2734, %broadcast_in_dim3A_2728 : vector<16xi1>, vector<16xi32>
        %broadcast_in_dim3A_2736 = vector.shape_cast %select_n3A_2735 : vector<16xi32> to vector<16x1xi32>
        %gather3A_2737 = vector.shape_cast %broadcast_in_dim3A_2736 : vector<16x1xi32> to vector<16xi32>
        %gather3A_2738 = tpu.dynamic_gather %get3A_2642[%gather3A_2737] in [0] : vector<16xf32>, vector<16xi32> -> vector<16xf32>
        %broadcast_in_dim3A_2739 = arith.constant 8 : i32
        %broadcast_in_dim3A_2740 = vector.broadcast %broadcast_in_dim3A_2739 : i32 to vector<16xi32>
        %lt3A_2741 = arith.constant 0 : i32
        %lt3A_2742 = vector.broadcast %lt3A_2741 : i32 to vector<16xi32>
        %lt3A_2743 = arith.cmpi slt, %broadcast_in_dim3A_2740, %lt3A_2742 : vector<16xi32>
        %add3A_2744 = arith.constant 16 : i32
        %add3A_2745 = vector.broadcast %add3A_2744 : i32 to vector<16xi32>
        %add3A_2746 = arith.addi %broadcast_in_dim3A_2740, %add3A_2745 : vector<16xi32>
        %select_n3A_2747 = arith.select %lt3A_2743, %add3A_2746, %broadcast_in_dim3A_2740 : vector<16xi1>, vector<16xi32>
        %broadcast_in_dim3A_2748 = vector.shape_cast %select_n3A_2747 : vector<16xi32> to vector<16x1xi32>
        %gather3A_2749 = vector.shape_cast %broadcast_in_dim3A_2748 : vector<16x1xi32> to vector<16xi32>
        %gather3A_2750 = tpu.dynamic_gather %get3A_2642[%gather3A_2749] in [0] : vector<16xf32>, vector<16xi32> -> vector<16xf32>
        %broadcast_in_dim3A_2751 = arith.constant 9 : i32
        %broadcast_in_dim3A_2752 = vector.broadcast %broadcast_in_dim3A_2751 : i32 to vector<16xi32>
        %lt3A_2753 = arith.constant 0 : i32
        %lt3A_2754 = vector.broadcast %lt3A_2753 : i32 to vector<16xi32>
        %lt3A_2755 = arith.cmpi slt, %broadcast_in_dim3A_2752, %lt3A_2754 : vector<16xi32>
        %add3A_2756 = arith.constant 16 : i32
        %add3A_2757 = vector.broadcast %add3A_2756 : i32 to vector<16xi32>
        %add3A_2758 = arith.addi %broadcast_in_dim3A_2752, %add3A_2757 : vector<16xi32>
        %select_n3A_2759 = arith.select %lt3A_2755, %add3A_2758, %broadcast_in_dim3A_2752 : vector<16xi1>, vector<16xi32>
        %broadcast_in_dim3A_2760 = vector.shape_cast %select_n3A_2759 : vector<16xi32> to vector<16x1xi32>
        %gather3A_2761 = vector.shape_cast %broadcast_in_dim3A_2760 : vector<16x1xi32> to vector<16xi32>
        %gather3A_2762 = tpu.dynamic_gather %get3A_2642[%gather3A_2761] in [0] : vector<16xf32>, vector<16xi32> -> vector<16xf32>
        %broadcast_in_dim3A_2763 = arith.constant 10 : i32
        %broadcast_in_dim3A_2764 = vector.broadcast %broadcast_in_dim3A_2763 : i32 to vector<16xi32>
        %lt3A_2765 = arith.constant 0 : i32
        %lt3A_2766 = vector.broadcast %lt3A_2765 : i32 to vector<16xi32>
        %lt3A_2767 = arith.cmpi slt, %broadcast_in_dim3A_2764, %lt3A_2766 : vector<16xi32>
        %add3A_2768 = arith.constant 16 : i32
        %add3A_2769 = vector.broadcast %add3A_2768 : i32 to vector<16xi32>
        %add3A_2770 = arith.addi %broadcast_in_dim3A_2764, %add3A_2769 : vector<16xi32>
        %select_n3A_2771 = arith.select %lt3A_2767, %add3A_2770, %broadcast_in_dim3A_2764 : vector<16xi1>, vector<16xi32>
        %broadcast_in_dim3A_2772 = vector.shape_cast %select_n3A_2771 : vector<16xi32> to vector<16x1xi32>
        %gather3A_2773 = vector.shape_cast %broadcast_in_dim3A_2772 : vector<16x1xi32> to vector<16xi32>
        %gather3A_2774 = tpu.dynamic_gather %get3A_2642[%gather3A_2773] in [0] : vector<16xf32>, vector<16xi32> -> vector<16xf32>
        %broadcast_in_dim3A_2775 = arith.constant 11 : i32
        %broadcast_in_dim3A_2776 = vector.broadcast %broadcast_in_dim3A_2775 : i32 to vector<16xi32>
        %lt3A_2777 = arith.constant 0 : i32
        %lt3A_2778 = vector.broadcast %lt3A_2777 : i32 to vector<16xi32>
        %lt3A_2779 = arith.cmpi slt, %broadcast_in_dim3A_2776, %lt3A_2778 : vector<16xi32>
        %add3A_2780 = arith.constant 16 : i32
        %add3A_2781 = vector.broadcast %add3A_2780 : i32 to vector<16xi32>
        %add3A_2782 = arith.addi %broadcast_in_dim3A_2776, %add3A_2781 : vector<16xi32>
        %select_n3A_2783 = arith.select %lt3A_2779, %add3A_2782, %broadcast_in_dim3A_2776 : vector<16xi1>, vector<16xi32>
        %broadcast_in_dim3A_2784 = vector.shape_cast %select_n3A_2783 : vector<16xi32> to vector<16x1xi32>
        %gather3A_2785 = vector.shape_cast %broadcast_in_dim3A_2784 : vector<16x1xi32> to vector<16xi32>
        %gather3A_2786 = tpu.dynamic_gather %get3A_2642[%gather3A_2785] in [0] : vector<16xf32>, vector<16xi32> -> vector<16xf32>
        %broadcast_in_dim3A_2787 = arith.constant 12 : i32
        %broadcast_in_dim3A_2788 = vector.broadcast %broadcast_in_dim3A_2787 : i32 to vector<16xi32>
        %lt3A_2789 = arith.constant 0 : i32
        %lt3A_2790 = vector.broadcast %lt3A_2789 : i32 to vector<16xi32>
        %lt3A_2791 = arith.cmpi slt, %broadcast_in_dim3A_2788, %lt3A_2790 : vector<16xi32>
        %add3A_2792 = arith.constant 16 : i32
        %add3A_2793 = vector.broadcast %add3A_2792 : i32 to vector<16xi32>
        %add3A_2794 = arith.addi %broadcast_in_dim3A_2788, %add3A_2793 : vector<16xi32>
        %select_n3A_2795 = arith.select %lt3A_2791, %add3A_2794, %broadcast_in_dim3A_2788 : vector<16xi1>, vector<16xi32>
        %broadcast_in_dim3A_2796 = vector.shape_cast %select_n3A_2795 : vector<16xi32> to vector<16x1xi32>
        %gather3A_2797 = vector.shape_cast %broadcast_in_dim3A_2796 : vector<16x1xi32> to vector<16xi32>
        %gather3A_2798 = tpu.dynamic_gather %get3A_2642[%gather3A_2797] in [0] : vector<16xf32>, vector<16xi32> -> vector<16xf32>
        %broadcast_in_dim3A_2799 = arith.constant 13 : i32
        %broadcast_in_dim3A_2800 = vector.broadcast %broadcast_in_dim3A_2799 : i32 to vector<16xi32>
        %lt3A_2801 = arith.constant 0 : i32
        %lt3A_2802 = vector.broadcast %lt3A_2801 : i32 to vector<16xi32>
        %lt3A_2803 = arith.cmpi slt, %broadcast_in_dim3A_2800, %lt3A_2802 : vector<16xi32>
        %add3A_2804 = arith.constant 16 : i32
        %add3A_2805 = vector.broadcast %add3A_2804 : i32 to vector<16xi32>
        %add3A_2806 = arith.addi %broadcast_in_dim3A_2800, %add3A_2805 : vector<16xi32>
        %select_n3A_2807 = arith.select %lt3A_2803, %add3A_2806, %broadcast_in_dim3A_2800 : vector<16xi1>, vector<16xi32>
        %broadcast_in_dim3A_2808 = vector.shape_cast %select_n3A_2807 : vector<16xi32> to vector<16x1xi32>
        %gather3A_2809 = vector.shape_cast %broadcast_in_dim3A_2808 : vector<16x1xi32> to vector<16xi32>
        %gather3A_2810 = tpu.dynamic_gather %get3A_2642[%gather3A_2809] in [0] : vector<16xf32>, vector<16xi32> -> vector<16xf32>
        %broadcast_in_dim3A_2811 = arith.constant 14 : i32
        %broadcast_in_dim3A_2812 = vector.broadcast %broadcast_in_dim3A_2811 : i32 to vector<16xi32>
        %lt3A_2813 = arith.constant 0 : i32
        %lt3A_2814 = vector.broadcast %lt3A_2813 : i32 to vector<16xi32>
        %lt3A_2815 = arith.cmpi slt, %broadcast_in_dim3A_2812, %lt3A_2814 : vector<16xi32>
        %add3A_2816 = arith.constant 16 : i32
        %add3A_2817 = vector.broadcast %add3A_2816 : i32 to vector<16xi32>
        %add3A_2818 = arith.addi %broadcast_in_dim3A_2812, %add3A_2817 : vector<16xi32>
        %select_n3A_2819 = arith.select %lt3A_2815, %add3A_2818, %broadcast_in_dim3A_2812 : vector<16xi1>, vector<16xi32>
        %broadcast_in_dim3A_2820 = vector.shape_cast %select_n3A_2819 : vector<16xi32> to vector<16x1xi32>
        %gather3A_2821 = vector.shape_cast %broadcast_in_dim3A_2820 : vector<16x1xi32> to vector<16xi32>
        %gather3A_2822 = tpu.dynamic_gather %get3A_2642[%gather3A_2821] in [0] : vector<16xf32>, vector<16xi32> -> vector<16xf32>
        %broadcast_in_dim3A_2823 = arith.constant 15 : i32
        %broadcast_in_dim3A_2824 = vector.broadcast %broadcast_in_dim3A_2823 : i32 to vector<16xi32>
        %lt3A_2825 = arith.constant 0 : i32
        %lt3A_2826 = vector.broadcast %lt3A_2825 : i32 to vector<16xi32>
        %lt3A_2827 = arith.cmpi slt, %broadcast_in_dim3A_2824, %lt3A_2826 : vector<16xi32>
        %add3A_2828 = arith.constant 16 : i32
        %add3A_2829 = vector.broadcast %add3A_2828 : i32 to vector<16xi32>
        %add3A_2830 = arith.addi %broadcast_in_dim3A_2824, %add3A_2829 : vector<16xi32>
        %select_n3A_2831 = arith.select %lt3A_2827, %add3A_2830, %broadcast_in_dim3A_2824 : vector<16xi1>, vector<16xi32>
        %broadcast_in_dim3A_2832 = vector.shape_cast %select_n3A_2831 : vector<16xi32> to vector<16x1xi32>
        %gather3A_2833 = vector.shape_cast %broadcast_in_dim3A_2832 : vector<16x1xi32> to vector<16xi32>
        %gather3A_2834 = tpu.dynamic_gather %get3A_2642[%gather3A_2833] in [0] : vector<16xf32>, vector<16xi32> -> vector<16xf32>
        %get3A_2835 = arith.constant 1 : i32
        %get3A_2836 = arith.constant 0 : i32
        %get3A_2837 = arith.index_cast %get3A_2835 : i32 to index
        %get3A_2838 = arith.index_cast %get3A_2836 : i32 to index
        %get3A_2839 = arith.constant 0 : index
        %get3A_2840 = tpu.vector_load %arg8[%get3A_2837, %get3A_2838, %get3A_2839] {strides = array<i32>} : memref<2x16x256xf32, #tpu.memory_space<vmem>>, vector<1x1x16xf32>,
        %get3A_2841 = vector.shape_cast %get3A_2840 : vector<1x1x16xf32> to vector<16xf32>
        %mul3A_2842 = arith.mulf %get3A_2841, %gather3A_2654 : vector<16xf32>
        %get3A_2843 = arith.constant 1 : i32
        %get3A_2844 = arith.constant 1 : i32
        %get3A_2845 = arith.index_cast %get3A_2843 : i32 to index
        %get3A_2846 = arith.index_cast %get3A_2844 : i32 to index
        %get3A_2847 = arith.constant 0 : index
        %get3A_2848 = tpu.vector_load %arg8[%get3A_2845, %get3A_2846, %get3A_2847] {strides = array<i32>} : memref<2x16x256xf32, #tpu.memory_space<vmem>>, vector<1x1x16xf32>,
        %get3A_2849 = vector.shape_cast %get3A_2848 : vector<1x1x16xf32> to vector<16xf32>
        %mul3A_2850 = arith.mulf %get3A_2849, %gather3A_2666 : vector<16xf32>
        %add3A_2851 = arith.addf %mul3A_2842, %mul3A_2850 : vector<16xf32>
        %get3A_2852 = arith.constant 1 : i32
        %get3A_2853 = arith.constant 2 : i32
        %get3A_2854 = arith.index_cast %get3A_2852 : i32 to index
        %get3A_2855 = arith.index_cast %get3A_2853 : i32 to index
        %get3A_2856 = arith.constant 0 : index
        %get3A_2857 = tpu.vector_load %arg8[%get3A_2854, %get3A_2855, %get3A_2856] {strides = array<i32>} : memref<2x16x256xf32, #tpu.memory_space<vmem>>, vector<1x1x16xf32>,
        %get3A_2858 = vector.shape_cast %get3A_2857 : vector<1x1x16xf32> to vector<16xf32>
        %mul3A_2859 = arith.mulf %get3A_2858, %gather3A_2678 : vector<16xf32>
        %add3A_2860 = arith.addf %add3A_2851, %mul3A_2859 : vector<16xf32>
        %get3A_2861 = arith.constant 1 : i32
        %get3A_2862 = arith.constant 3 : i32
        %get3A_2863 = arith.index_cast %get3A_2861 : i32 to index
        %get3A_2864 = arith.index_cast %get3A_2862 : i32 to index
        %get3A_2865 = arith.constant 0 : index
        %get3A_2866 = tpu.vector_load %arg8[%get3A_2863, %get3A_2864, %get3A_2865] {strides = array<i32>} : memref<2x16x256xf32, #tpu.memory_space<vmem>>, vector<1x1x16xf32>,
        %get3A_2867 = vector.shape_cast %get3A_2866 : vector<1x1x16xf32> to vector<16xf32>
        %mul3A_2868 = arith.mulf %get3A_2867, %gather3A_2690 : vector<16xf32>
        %add3A_2869 = arith.addf %add3A_2860, %mul3A_2868 : vector<16xf32>
        %get3A_2870 = arith.constant 1 : i32
        %get3A_2871 = arith.constant 4 : i32
        %get3A_2872 = arith.index_cast %get3A_2870 : i32 to index
        %get3A_2873 = arith.index_cast %get3A_2871 : i32 to index
        %get3A_2874 = arith.constant 0 : index
        %get3A_2875 = tpu.vector_load %arg8[%get3A_2872, %get3A_2873, %get3A_2874] {strides = array<i32>} : memref<2x16x256xf32, #tpu.memory_space<vmem>>, vector<1x1x16xf32>,
        %get3A_2876 = vector.shape_cast %get3A_2875 : vector<1x1x16xf32> to vector<16xf32>
        %mul3A_2877 = arith.mulf %get3A_2876, %gather3A_2702 : vector<16xf32>
        %add3A_2878 = arith.addf %add3A_2869, %mul3A_2877 : vector<16xf32>
        %get3A_2879 = arith.constant 1 : i32
        %get3A_2880 = arith.constant 5 : i32
        %get3A_2881 = arith.index_cast %get3A_2879 : i32 to index
        %get3A_2882 = arith.index_cast %get3A_2880 : i32 to index
        %get3A_2883 = arith.constant 0 : index
        %get3A_2884 = tpu.vector_load %arg8[%get3A_2881, %get3A_2882, %get3A_2883] {strides = array<i32>} : memref<2x16x256xf32, #tpu.memory_space<vmem>>, vector<1x1x16xf32>,
        %get3A_2885 = vector.shape_cast %get3A_2884 : vector<1x1x16xf32> to vector<16xf32>
        %mul3A_2886 = arith.mulf %get3A_2885, %gather3A_2714 : vector<16xf32>
        %add3A_2887 = arith.addf %add3A_2878, %mul3A_2886 : vector<16xf32>
        %get3A_2888 = arith.constant 1 : i32
        %get3A_2889 = arith.constant 6 : i32
        %get3A_2890 = arith.index_cast %get3A_2888 : i32 to index
        %get3A_2891 = arith.index_cast %get3A_2889 : i32 to index
        %get3A_2892 = arith.constant 0 : index
        %get3A_2893 = tpu.vector_load %arg8[%get3A_2890, %get3A_2891, %get3A_2892] {strides = array<i32>} : memref<2x16x256xf32, #tpu.memory_space<vmem>>, vector<1x1x16xf32>,
        %get3A_2894 = vector.shape_cast %get3A_2893 : vector<1x1x16xf32> to vector<16xf32>
        %mul3A_2895 = arith.mulf %get3A_2894, %gather3A_2726 : vector<16xf32>
        %add3A_2896 = arith.addf %add3A_2887, %mul3A_2895 : vector<16xf32>
        %get3A_2897 = arith.constant 1 : i32
        %get3A_2898 = arith.constant 7 : i32
        %get3A_2899 = arith.index_cast %get3A_2897 : i32 to index
        %get3A_2900 = arith.index_cast %get3A_2898 : i32 to index
        %get3A_2901 = arith.constant 0 : index
        %get3A_2902 = tpu.vector_load %arg8[%get3A_2899, %get3A_2900, %get3A_2901] {strides = array<i32>} : memref<2x16x256xf32, #tpu.memory_space<vmem>>, vector<1x1x16xf32>,
        %get3A_2903 = vector.shape_cast %get3A_2902 : vector<1x1x16xf32> to vector<16xf32>
        %mul3A_2904 = arith.mulf %get3A_2903, %gather3A_2738 : vector<16xf32>
        %add3A_2905 = arith.addf %add3A_2896, %mul3A_2904 : vector<16xf32>
        %get3A_2906 = arith.constant 1 : i32
        %get3A_2907 = arith.constant 8 : i32
        %get3A_2908 = arith.index_cast %get3A_2906 : i32 to index
        %get3A_2909 = arith.index_cast %get3A_2907 : i32 to index
        %get3A_2910 = arith.constant 0 : index
        %get3A_2911 = tpu.vector_load %arg8[%get3A_2908, %get3A_2909, %get3A_2910] {strides = array<i32>} : memref<2x16x256xf32, #tpu.memory_space<vmem>>, vector<1x1x16xf32>,
        %get3A_2912 = vector.shape_cast %get3A_2911 : vector<1x1x16xf32> to vector<16xf32>
        %mul3A_2913 = arith.mulf %get3A_2912, %gather3A_2750 : vector<16xf32>
        %add3A_2914 = arith.addf %add3A_2905, %mul3A_2913 : vector<16xf32>
        %get3A_2915 = arith.constant 1 : i32
        %get3A_2916 = arith.constant 9 : i32
        %get3A_2917 = arith.index_cast %get3A_2915 : i32 to index
        %get3A_2918 = arith.index_cast %get3A_2916 : i32 to index
        %get3A_2919 = arith.constant 0 : index
        %get3A_2920 = tpu.vector_load %arg8[%get3A_2917, %get3A_2918, %get3A_2919] {strides = array<i32>} : memref<2x16x256xf32, #tpu.memory_space<vmem>>, vector<1x1x16xf32>,
        %get3A_2921 = vector.shape_cast %get3A_2920 : vector<1x1x16xf32> to vector<16xf32>
        %mul3A_2922 = arith.mulf %get3A_2921, %gather3A_2762 : vector<16xf32>
        %add3A_2923 = arith.addf %add3A_2914, %mul3A_2922 : vector<16xf32>
        %get3A_2924 = arith.constant 1 : i32
        %get3A_2925 = arith.constant 10 : i32
        %get3A_2926 = arith.index_cast %get3A_2924 : i32 to index
        %get3A_2927 = arith.index_cast %get3A_2925 : i32 to index
        %get3A_2928 = arith.constant 0 : index
        %get3A_2929 = tpu.vector_load %arg8[%get3A_2926, %get3A_2927, %get3A_2928] {strides = array<i32>} : memref<2x16x256xf32, #tpu.memory_space<vmem>>, vector<1x1x16xf32>,
        %get3A_2930 = vector.shape_cast %get3A_2929 : vector<1x1x16xf32> to vector<16xf32>
        %mul3A_2931 = arith.mulf %get3A_2930, %gather3A_2774 : vector<16xf32>
        %add3A_2932 = arith.addf %add3A_2923, %mul3A_2931 : vector<16xf32>
        %get3A_2933 = arith.constant 1 : i32
        %get3A_2934 = arith.constant 11 : i32
        %get3A_2935 = arith.index_cast %get3A_2933 : i32 to index
        %get3A_2936 = arith.index_cast %get3A_2934 : i32 to index
        %get3A_2937 = arith.constant 0 : index
        %get3A_2938 = tpu.vector_load %arg8[%get3A_2935, %get3A_2936, %get3A_2937] {strides = array<i32>} : memref<2x16x256xf32, #tpu.memory_space<vmem>>, vector<1x1x16xf32>,
        %get3A_2939 = vector.shape_cast %get3A_2938 : vector<1x1x16xf32> to vector<16xf32>
        %mul3A_2940 = arith.mulf %get3A_2939, %gather3A_2786 : vector<16xf32>
        %add3A_2941 = arith.addf %add3A_2932, %mul3A_2940 : vector<16xf32>
        %get3A_2942 = arith.constant 1 : i32
        %get3A_2943 = arith.constant 12 : i32
        %get3A_2944 = arith.index_cast %get3A_2942 : i32 to index
        %get3A_2945 = arith.index_cast %get3A_2943 : i32 to index
        %get3A_2946 = arith.constant 0 : index
        %get3A_2947 = tpu.vector_load %arg8[%get3A_2944, %get3A_2945, %get3A_2946] {strides = array<i32>} : memref<2x16x256xf32, #tpu.memory_space<vmem>>, vector<1x1x16xf32>,
        %get3A_2948 = vector.shape_cast %get3A_2947 : vector<1x1x16xf32> to vector<16xf32>
        %mul3A_2949 = arith.mulf %get3A_2948, %gather3A_2798 : vector<16xf32>
        %add3A_2950 = arith.addf %add3A_2941, %mul3A_2949 : vector<16xf32>
        %get3A_2951 = arith.constant 1 : i32
        %get3A_2952 = arith.constant 13 : i32
        %get3A_2953 = arith.index_cast %get3A_2951 : i32 to index
        %get3A_2954 = arith.index_cast %get3A_2952 : i32 to index
        %get3A_2955 = arith.constant 0 : index
        %get3A_2956 = tpu.vector_load %arg8[%get3A_2953, %get3A_2954, %get3A_2955] {strides = array<i32>} : memref<2x16x256xf32, #tpu.memory_space<vmem>>, vector<1x1x16xf32>,
        %get3A_2957 = vector.shape_cast %get3A_2956 : vector<1x1x16xf32> to vector<16xf32>
        %mul3A_2958 = arith.mulf %get3A_2957, %gather3A_2810 : vector<16xf32>
        %add3A_2959 = arith.addf %add3A_2950, %mul3A_2958 : vector<16xf32>
        %get3A_2960 = arith.constant 1 : i32
        %get3A_2961 = arith.constant 14 : i32
        %get3A_2962 = arith.index_cast %get3A_2960 : i32 to index
        %get3A_2963 = arith.index_cast %get3A_2961 : i32 to index
        %get3A_2964 = arith.constant 0 : index
        %get3A_2965 = tpu.vector_load %arg8[%get3A_2962, %get3A_2963, %get3A_2964] {strides = array<i32>} : memref<2x16x256xf32, #tpu.memory_space<vmem>>, vector<1x1x16xf32>,
        %get3A_2966 = vector.shape_cast %get3A_2965 : vector<1x1x16xf32> to vector<16xf32>
        %mul3A_2967 = arith.mulf %get3A_2966, %gather3A_2822 : vector<16xf32>
        %add3A_2968 = arith.addf %add3A_2959, %mul3A_2967 : vector<16xf32>
        %get3A_2969 = arith.constant 1 : i32
        %get3A_2970 = arith.constant 15 : i32
        %get3A_2971 = arith.index_cast %get3A_2969 : i32 to index
        %get3A_2972 = arith.index_cast %get3A_2970 : i32 to index
        %get3A_2973 = arith.constant 0 : index
        %get3A_2974 = tpu.vector_load %arg8[%get3A_2971, %get3A_2972, %get3A_2973] {strides = array<i32>} : memref<2x16x256xf32, #tpu.memory_space<vmem>>, vector<1x1x16xf32>,
        %get3A_2975 = vector.shape_cast %get3A_2974 : vector<1x1x16xf32> to vector<16xf32>
        %mul3A_2976 = arith.mulf %get3A_2975, %gather3A_2834 : vector<16xf32>
        %add3A_2977 = arith.addf %add3A_2968, %mul3A_2976 : vector<16xf32>
        %swap3A_2978 = arith.index_cast %add3A_2637 : i32 to index
        %swap3A_2979 = arith.constant 0 : index
        %swap3A_2980 = tpu.vector_load %arg9[%swap3A_2978, %swap3A_2979] {strides = array<i32>} : memref<112x256xf32, #tpu.memory_space<vmem>>, vector<1x16xf32>,
        %swap3A_2981 = vector.shape_cast %swap3A_2980 : vector<1x16xf32> to vector<16xf32>
        %swap3A_2982 = vector.shape_cast %add3A_2977 : vector<16xf32> to vector<1x16xf32>
        tpu.vector_store %arg9[%swap3A_2978, %swap3A_2979], %swap3A_2982 {strides = array<i32>} : memref<112x256xf32, #tpu.memory_space<vmem>>, vector<1x16xf32>,
        %get3A_2983 = arith.constant 1 : i32
        %get3A_2984 = arith.constant 0 : i32
        %get3A_2985 = arith.index_cast %get3A_2983 : i32 to index
        %get3A_2986 = arith.index_cast %get3A_2984 : i32 to index
        %get3A_2987 = arith.constant 16 : index
        %get3A_2988 = tpu.vector_load %arg8[%get3A_2985, %get3A_2986, %get3A_2987] {strides = array<i32>} : memref<2x16x256xf32, #tpu.memory_space<vmem>>, vector<1x1x16xf32>,
        %get3A_2989 = vector.shape_cast %get3A_2988 : vector<1x1x16xf32> to vector<16xf32>
        %mul3A_2990 = arith.mulf %get3A_2989, %gather3A_2654 : vector<16xf32>
        %get3A_2991 = arith.constant 1 : i32
        %get3A_2992 = arith.constant 1 : i32
        %get3A_2993 = arith.index_cast %get3A_2991 : i32 to index
        %get3A_2994 = arith.index_cast %get3A_2992 : i32 to index
        %get3A_2995 = arith.constant 16 : index
        %get3A_2996 = tpu.vector_load %arg8[%get3A_2993, %get3A_2994, %get3A_2995] {strides = array<i32>} : memref<2x16x256xf32, #tpu.memory_space<vmem>>, vector<1x1x16xf32>,
        %get3A_2997 = vector.shape_cast %get3A_2996 : vector<1x1x16xf32> to vector<16xf32>
        %mul3A_2998 = arith.mulf %get3A_2997, %gather3A_2666 : vector<16xf32>
        %add3A_2999 = arith.addf %mul3A_2990, %mul3A_2998 : vector<16xf32>
        %get3A_3000 = arith.constant 1 : i32
        %get3A_3001 = arith.constant 2 : i32
        %get3A_3002 = arith.index_cast %get3A_3000 : i32 to index
        %get3A_3003 = arith.index_cast %get3A_3001 : i32 to index
        %get3A_3004 = arith.constant 16 : index
        %get3A_3005 = tpu.vector_load %arg8[%get3A_3002, %get3A_3003, %get3A_3004] {strides = array<i32>} : memref<2x16x256xf32, #tpu.memory_space<vmem>>, vector<1x1x16xf32>,
        %get3A_3006 = vector.shape_cast %get3A_3005 : vector<1x1x16xf32> to vector<16xf32>
        %mul3A_3007 = arith.mulf %get3A_3006, %gather3A_2678 : vector<16xf32>
        %add3A_3008 = arith.addf %add3A_2999, %mul3A_3007 : vector<16xf32>
        %get3A_3009 = arith.constant 1 : i32
        %get3A_3010 = arith.constant 3 : i32
        %get3A_3011 = arith.index_cast %get3A_3009 : i32 to index
        %get3A_3012 = arith.index_cast %get3A_3010 : i32 to index
        %get3A_3013 = arith.constant 16 : index
        %get3A_3014 = tpu.vector_load %arg8[%get3A_3011, %get3A_3012, %get3A_3013] {strides = array<i32>} : memref<2x16x256xf32, #tpu.memory_space<vmem>>, vector<1x1x16xf32>,
        %get3A_3015 = vector.shape_cast %get3A_3014 : vector<1x1x16xf32> to vector<16xf32>
        %mul3A_3016 = arith.mulf %get3A_3015, %gather3A_2690 : vector<16xf32>
        %add3A_3017 = arith.addf %add3A_3008, %mul3A_3016 : vector<16xf32>
        %get3A_3018 = arith.constant 1 : i32
        %get3A_3019 = arith.constant 4 : i32
        %get3A_3020 = arith.index_cast %get3A_3018 : i32 to index
        %get3A_3021 = arith.index_cast %get3A_3019 : i32 to index
        %get3A_3022 = arith.constant 16 : index
        %get3A_3023 = tpu.vector_load %arg8[%get3A_3020, %get3A_3021, %get3A_3022] {strides = array<i32>} : memref<2x16x256xf32, #tpu.memory_space<vmem>>, vector<1x1x16xf32>,
        %get3A_3024 = vector.shape_cast %get3A_3023 : vector<1x1x16xf32> to vector<16xf32>
        %mul3A_3025 = arith.mulf %get3A_3024, %gather3A_2702 : vector<16xf32>
        %add3A_3026 = arith.addf %add3A_3017, %mul3A_3025 : vector<16xf32>
        %get3A_3027 = arith.constant 1 : i32
        %get3A_3028 = arith.constant 5 : i32
        %get3A_3029 = arith.index_cast %get3A_3027 : i32 to index
        %get3A_3030 = arith.index_cast %get3A_3028 : i32 to index
        %get3A_3031 = arith.constant 16 : index
        %get3A_3032 = tpu.vector_load %arg8[%get3A_3029, %get3A_3030, %get3A_3031] {strides = array<i32>} : memref<2x16x256xf32, #tpu.memory_space<vmem>>, vector<1x1x16xf32>,
        %get3A_3033 = vector.shape_cast %get3A_3032 : vector<1x1x16xf32> to vector<16xf32>
        %mul3A_3034 = arith.mulf %get3A_3033, %gather3A_2714 : vector<16xf32>
        %add3A_3035 = arith.addf %add3A_3026, %mul3A_3034 : vector<16xf32>
        %get3A_3036 = arith.constant 1 : i32
        %get3A_3037 = arith.constant 6 : i32
        %get3A_3038 = arith.index_cast %get3A_3036 : i32 to index
        %get3A_3039 = arith.index_cast %get3A_3037 : i32 to index
        %get3A_3040 = arith.constant 16 : index
        %get3A_3041 = tpu.vector_load %arg8[%get3A_3038, %get3A_3039, %get3A_3040] {strides = array<i32>} : memref<2x16x256xf32, #tpu.memory_space<vmem>>, vector<1x1x16xf32>,
        %get3A_3042 = vector.shape_cast %get3A_3041 : vector<1x1x16xf32> to vector<16xf32>
        %mul3A_3043 = arith.mulf %get3A_3042, %gather3A_2726 : vector<16xf32>
        %add3A_3044 = arith.addf %add3A_3035, %mul3A_3043 : vector<16xf32>
        %get3A_3045 = arith.constant 1 : i32
        %get3A_3046 = arith.constant 7 : i32
        %get3A_3047 = arith.index_cast %get3A_3045 : i32 to index
        %get3A_3048 = arith.index_cast %get3A_3046 : i32 to index
        %get3A_3049 = arith.constant 16 : index
        %get3A_3050 = tpu.vector_load %arg8[%get3A_3047, %get3A_3048, %get3A_3049] {strides = array<i32>} : memref<2x16x256xf32, #tpu.memory_space<vmem>>, vector<1x1x16xf32>,
        %get3A_3051 = vector.shape_cast %get3A_3050 : vector<1x1x16xf32> to vector<16xf32>
        %mul3A_3052 = arith.mulf %get3A_3051, %gather3A_2738 : vector<16xf32>
        %add3A_3053 = arith.addf %add3A_3044, %mul3A_3052 : vector<16xf32>
        %get3A_3054 = arith.constant 1 : i32
        %get3A_3055 = arith.constant 8 : i32
        %get3A_3056 = arith.index_cast %get3A_3054 : i32 to index
        %get3A_3057 = arith.index_cast %get3A_3055 : i32 to index
        %get3A_3058 = arith.constant 16 : index
        %get3A_3059 = tpu.vector_load %arg8[%get3A_3056, %get3A_3057, %get3A_3058] {strides = array<i32>} : memref<2x16x256xf32, #tpu.memory_space<vmem>>, vector<1x1x16xf32>,
        %get3A_3060 = vector.shape_cast %get3A_3059 : vector<1x1x16xf32> to vector<16xf32>
        %mul3A_3061 = arith.mulf %get3A_3060, %gather3A_2750 : vector<16xf32>
        %add3A_3062 = arith.addf %add3A_3053, %mul3A_3061 : vector<16xf32>
        %get3A_3063 = arith.constant 1 : i32
        %get3A_3064 = arith.constant 9 : i32
        %get3A_3065 = arith.index_cast %get3A_3063 : i32 to index
        %get3A_3066 = arith.index_cast %get3A_3064 : i32 to index
        %get3A_3067 = arith.constant 16 : index
        %get3A_3068 = tpu.vector_load %arg8[%get3A_3065, %get3A_3066, %get3A_3067] {strides = array<i32>} : memref<2x16x256xf32, #tpu.memory_space<vmem>>, vector<1x1x16xf32>,
        %get3A_3069 = vector.shape_cast %get3A_3068 : vector<1x1x16xf32> to vector<16xf32>
        %mul3A_3070 = arith.mulf %get3A_3069, %gather3A_2762 : vector<16xf32>
        %add3A_3071 = arith.addf %add3A_3062, %mul3A_3070 : vector<16xf32>
        %get3A_3072 = arith.constant 1 : i32
        %get3A_3073 = arith.constant 10 : i32
        %get3A_3074 = arith.index_cast %get3A_3072 : i32 to index
        %get3A_3075 = arith.index_cast %get3A_3073 : i32 to index
        %get3A_3076 = arith.constant 16 : index
        %get3A_3077 = tpu.vector_load %arg8[%get3A_3074, %get3A_3075, %get3A_3076] {strides = array<i32>} : memref<2x16x256xf32, #tpu.memory_space<vmem>>, vector<1x1x16xf32>,
        %get3A_3078 = vector.shape_cast %get3A_3077 : vector<1x1x16xf32> to vector<16xf32>
        %mul3A_3079 = arith.mulf %get3A_3078, %gather3A_2774 : vector<16xf32>
        %add3A_3080 = arith.addf %add3A_3071, %mul3A_3079 : vector<16xf32>
        %get3A_3081 = arith.constant 1 : i32
        %get3A_3082 = arith.constant 11 : i32
        %get3A_3083 = arith.index_cast %get3A_3081 : i32 to index
        %get3A_3084 = arith.index_cast %get3A_3082 : i32 to index
        %get3A_3085 = arith.constant 16 : index
        %get3A_3086 = tpu.vector_load %arg8[%get3A_3083, %get3A_3084, %get3A_3085] {strides = array<i32>} : memref<2x16x256xf32, #tpu.memory_space<vmem>>, vector<1x1x16xf32>,
        %get3A_3087 = vector.shape_cast %get3A_3086 : vector<1x1x16xf32> to vector<16xf32>
        %mul3A_3088 = arith.mulf %get3A_3087, %gather3A_2786 : vector<16xf32>
        %add3A_3089 = arith.addf %add3A_3080, %mul3A_3088 : vector<16xf32>
        %get3A_3090 = arith.constant 1 : i32
        %get3A_3091 = arith.constant 12 : i32
        %get3A_3092 = arith.index_cast %get3A_3090 : i32 to index
        %get3A_3093 = arith.index_cast %get3A_3091 : i32 to index
        %get3A_3094 = arith.constant 16 : index
        %get3A_3095 = tpu.vector_load %arg8[%get3A_3092, %get3A_3093, %get3A_3094] {strides = array<i32>} : memref<2x16x256xf32, #tpu.memory_space<vmem>>, vector<1x1x16xf32>,
        %get3A_3096 = vector.shape_cast %get3A_3095 : vector<1x1x16xf32> to vector<16xf32>
        %mul3A_3097 = arith.mulf %get3A_3096, %gather3A_2798 : vector<16xf32>
        %add3A_3098 = arith.addf %add3A_3089, %mul3A_3097 : vector<16xf32>
        %get3A_3099 = arith.constant 1 : i32
        %get3A_3100 = arith.constant 13 : i32
        %get3A_3101 = arith.index_cast %get3A_3099 : i32 to index
        %get3A_3102 = arith.index_cast %get3A_3100 : i32 to index
        %get3A_3103 = arith.constant 16 : index
        %get3A_3104 = tpu.vector_load %arg8[%get3A_3101, %get3A_3102, %get3A_3103] {strides = array<i32>} : memref<2x16x256xf32, #tpu.memory_space<vmem>>, vector<1x1x16xf32>,
        %get3A_3105 = vector.shape_cast %get3A_3104 : vector<1x1x16xf32> to vector<16xf32>
        %mul3A_3106 = arith.mulf %get3A_3105, %gather3A_2810 : vector<16xf32>
        %add3A_3107 = arith.addf %add3A_3098, %mul3A_3106 : vector<16xf32>
        %get3A_3108 = arith.constant 1 : i32
        %get3A_3109 = arith.constant 14 : i32
        %get3A_3110 = arith.index_cast %get3A_3108 : i32 to index
        %get3A_3111 = arith.index_cast %get3A_3109 : i32 to index
        %get3A_3112 = arith.constant 16 : index
        %get3A_3113 = tpu.vector_load %arg8[%get3A_3110, %get3A_3111, %get3A_3112] {strides = array<i32>} : memref<2x16x256xf32, #tpu.memory_space<vmem>>, vector<1x1x16xf32>,
        %get3A_3114 = vector.shape_cast %get3A_3113 : vector<1x1x16xf32> to vector<16xf32>
        %mul3A_3115 = arith.mulf %get3A_3114, %gather3A_2822 : vector<16xf32>
        %add3A_3116 = arith.addf %add3A_3107, %mul3A_3115 : vector<16xf32>
        %get3A_3117 = arith.constant 1 : i32
        %get3A_3118 = arith.constant 15 : i32
        %get3A_3119 = arith.index_cast %get3A_3117 : i32 to index
        %get3A_3120 = arith.index_cast %get3A_3118 : i32 to index
        %get3A_3121 = arith.constant 16 : index
        %get3A_3122 = tpu.vector_load %arg8[%get3A_3119, %get3A_3120, %get3A_3121] {strides = array<i32>} : memref<2x16x256xf32, #tpu.memory_space<vmem>>, vector<1x1x16xf32>,
        %get3A_3123 = vector.shape_cast %get3A_3122 : vector<1x1x16xf32> to vector<16xf32>
        %mul3A_3124 = arith.mulf %get3A_3123, %gather3A_2834 : vector<16xf32>
        %add3A_3125 = arith.addf %add3A_3116, %mul3A_3124 : vector<16xf32>
        %swap3A_3126 = arith.index_cast %add3A_2637 : i32 to index
        %swap3A_3127 = arith.constant 16 : index
        %swap3A_3128 = tpu.vector_load %arg9[%swap3A_3126, %swap3A_3127] {strides = array<i32>} : memref<112x256xf32, #tpu.memory_space<vmem>>, vector<1x16xf32>,
        %swap3A_3129 = vector.shape_cast %swap3A_3128 : vector<1x16xf32> to vector<16xf32>
        %swap3A_3130 = vector.shape_cast %add3A_3125 : vector<16xf32> to vector<1x16xf32>
        tpu.vector_store %arg9[%swap3A_3126, %swap3A_3127], %swap3A_3130 {strides = array<i32>} : memref<112x256xf32, #tpu.memory_space<vmem>>, vector<1x16xf32>,
        %get3A_3131 = arith.constant 1 : i32
        %get3A_3132 = arith.constant 0 : i32
        %get3A_3133 = arith.index_cast %get3A_3131 : i32 to index
        %get3A_3134 = arith.index_cast %get3A_3132 : i32 to index
        %get3A_3135 = arith.constant 32 : index
        %get3A_3136 = tpu.vector_load %arg8[%get3A_3133, %get3A_3134, %get3A_3135] {strides = array<i32>} : memref<2x16x256xf32, #tpu.memory_space<vmem>>, vector<1x1x16xf32>,
        %get3A_3137 = vector.shape_cast %get3A_3136 : vector<1x1x16xf32> to vector<16xf32>
        %mul3A_3138 = arith.mulf %get3A_3137, %gather3A_2654 : vector<16xf32>
        %get3A_3139 = arith.constant 1 : i32
        %get3A_3140 = arith.constant 1 : i32
        %get3A_3141 = arith.index_cast %get3A_3139 : i32 to index
        %get3A_3142 = arith.index_cast %get3A_3140 : i32 to index
        %get3A_3143 = arith.constant 32 : index
        %get3A_3144 = tpu.vector_load %arg8[%get3A_3141, %get3A_3142, %get3A_3143] {strides = array<i32>} : memref<2x16x256xf32, #tpu.memory_space<vmem>>, vector<1x1x16xf32>,
        %get3A_3145 = vector.shape_cast %get3A_3144 : vector<1x1x16xf32> to vector<16xf32>
        %mul3A_3146 = arith.mulf %get3A_3145, %gather3A_2666 : vector<16xf32>
        %add3A_3147 = arith.addf %mul3A_3138, %mul3A_3146 : vector<16xf32>
        %get3A_3148 = arith.constant 1 : i32
        %get3A_3149 = arith.constant 2 : i32
        %get3A_3150 = arith.index_cast %get3A_3148 : i32 to index
        %get3A_3151 = arith.index_cast %get3A_3149 : i32 to index
        %get3A_3152 = arith.constant 32 : index
        %get3A_3153 = tpu.vector_load %arg8[%get3A_3150, %get3A_3151, %get3A_3152] {strides = array<i32>} : memref<2x16x256xf32, #tpu.memory_space<vmem>>, vector<1x1x16xf32>,
        %get3A_3154 = vector.shape_cast %get3A_3153 : vector<1x1x16xf32> to vector<16xf32>
        %mul3A_3155 = arith.mulf %get3A_3154, %gather3A_2678 : vector<16xf32>
        %add3A_3156 = arith.addf %add3A_3147, %mul3A_3155 : vector<16xf32>
        %get3A_3157 = arith.constant 1 : i32
        %get3A_3158 = arith.constant 3 : i32
        %get3A_3159 = arith.index_cast %get3A_3157 : i32 to index
        %get3A_3160 = arith.index_cast %get3A_3158 : i32 to index
        %get3A_3161 = arith.constant 32 : index
        %get3A_3162 = tpu.vector_load %arg8[%get3A_3159, %get3A_3160, %get3A_3161] {strides = array<i32>} : memref<2x16x256xf32, #tpu.memory_space<vmem>>, vector<1x1x16xf32>,
        %get3A_3163 = vector.shape_cast %get3A_3162 : vector<1x1x16xf32> to vector<16xf32>
        %mul3A_3164 = arith.mulf %get3A_3163, %gather3A_2690 : vector<16xf32>
        %add3A_3165 = arith.addf %add3A_3156, %mul3A_3164 : vector<16xf32>
        %get3A_3166 = arith.constant 1 : i32
        %get3A_3167 = arith.constant 4 : i32
        %get3A_3168 = arith.index_cast %get3A_3166 : i32 to index
        %get3A_3169 = arith.index_cast %get3A_3167 : i32 to index
        %get3A_3170 = arith.constant 32 : index
        %get3A_3171 = tpu.vector_load %arg8[%get3A_3168, %get3A_3169, %get3A_3170] {strides = array<i32>} : memref<2x16x256xf32, #tpu.memory_space<vmem>>, vector<1x1x16xf32>,
        %get3A_3172 = vector.shape_cast %get3A_3171 : vector<1x1x16xf32> to vector<16xf32>
        %mul3A_3173 = arith.mulf %get3A_3172, %gather3A_2702 : vector<16xf32>
        %add3A_3174 = arith.addf %add3A_3165, %mul3A_3173 : vector<16xf32>
        %get3A_3175 = arith.constant 1 : i32
        %get3A_3176 = arith.constant 5 : i32
        %get3A_3177 = arith.index_cast %get3A_3175 : i32 to index
        %get3A_3178 = arith.index_cast %get3A_3176 : i32 to index
        %get3A_3179 = arith.constant 32 : index
        %get3A_3180 = tpu.vector_load %arg8[%get3A_3177, %get3A_3178, %get3A_3179] {strides = array<i32>} : memref<2x16x256xf32, #tpu.memory_space<vmem>>, vector<1x1x16xf32>,
        %get3A_3181 = vector.shape_cast %get3A_3180 : vector<1x1x16xf32> to vector<16xf32>
        %mul3A_3182 = arith.mulf %get3A_3181, %gather3A_2714 : vector<16xf32>
        %add3A_3183 = arith.addf %add3A_3174, %mul3A_3182 : vector<16xf32>
        %get3A_3184 = arith.constant 1 : i32
        %get3A_3185 = arith.constant 6 : i32
        %get3A_3186 = arith.index_cast %get3A_3184 : i32 to index
        %get3A_3187 = arith.index_cast %get3A_3185 : i32 to index
        %get3A_3188 = arith.constant 32 : index
        %get3A_3189 = tpu.vector_load %arg8[%get3A_3186, %get3A_3187, %get3A_3188] {strides = array<i32>} : memref<2x16x256xf32, #tpu.memory_space<vmem>>, vector<1x1x16xf32>,
        %get3A_3190 = vector.shape_cast %get3A_3189 : vector<1x1x16xf32> to vector<16xf32>
        %mul3A_3191 = arith.mulf %get3A_3190, %gather3A_2726 : vector<16xf32>
        %add3A_3192 = arith.addf %add3A_3183, %mul3A_3191 : vector<16xf32>
        %get3A_3193 = arith.constant 1 : i32
        %get3A_3194 = arith.constant 7 : i32
        %get3A_3195 = arith.index_cast %get3A_3193 : i32 to index
        %get3A_3196 = arith.index_cast %get3A_3194 : i32 to index
        %get3A_3197 = arith.constant 32 : index
        %get3A_3198 = tpu.vector_load %arg8[%get3A_3195, %get3A_3196, %get3A_3197] {strides = array<i32>} : memref<2x16x256xf32, #tpu.memory_space<vmem>>, vector<1x1x16xf32>,
        %get3A_3199 = vector.shape_cast %get3A_3198 : vector<1x1x16xf32> to vector<16xf32>
        %mul3A_3200 = arith.mulf %get3A_3199, %gather3A_2738 : vector<16xf32>
        %add3A_3201 = arith.addf %add3A_3192, %mul3A_3200 : vector<16xf32>
        %get3A_3202 = arith.constant 1 : i32
        %get3A_3203 = arith.constant 8 : i32
        %get3A_3204 = arith.index_cast %get3A_3202 : i32 to index
        %get3A_3205 = arith.index_cast %get3A_3203 : i32 to index
        %get3A_3206 = arith.constant 32 : index
        %get3A_3207 = tpu.vector_load %arg8[%get3A_3204, %get3A_3205, %get3A_3206] {strides = array<i32>} : memref<2x16x256xf32, #tpu.memory_space<vmem>>, vector<1x1x16xf32>,
        %get3A_3208 = vector.shape_cast %get3A_3207 : vector<1x1x16xf32> to vector<16xf32>
        %mul3A_3209 = arith.mulf %get3A_3208, %gather3A_2750 : vector<16xf32>
        %add3A_3210 = arith.addf %add3A_3201, %mul3A_3209 : vector<16xf32>
        %get3A_3211 = arith.constant 1 : i32
        %get3A_3212 = arith.constant 9 : i32
        %get3A_3213 = arith.index_cast %get3A_3211 : i32 to index
        %get3A_3214 = arith.index_cast %get3A_3212 : i32 to index
        %get3A_3215 = arith.constant 32 : index
        %get3A_3216 = tpu.vector_load %arg8[%get3A_3213, %get3A_3214, %get3A_3215] {strides = array<i32>} : memref<2x16x256xf32, #tpu.memory_space<vmem>>, vector<1x1x16xf32>,
        %get3A_3217 = vector.shape_cast %get3A_3216 : vector<1x1x16xf32> to vector<16xf32>
        %mul3A_3218 = arith.mulf %get3A_3217, %gather3A_2762 : vector<16xf32>
        %add3A_3219 = arith.addf %add3A_3210, %mul3A_3218 : vector<16xf32>
        %get3A_3220 = arith.constant 1 : i32
        %get3A_3221 = arith.constant 10 : i32
        %get3A_3222 = arith.index_cast %get3A_3220 : i32 to index
        %get3A_3223 = arith.index_cast %get3A_3221 : i32 to index
        %get3A_3224 = arith.constant 32 : index
        %get3A_3225 = tpu.vector_load %arg8[%get3A_3222, %get3A_3223, %get3A_3224] {strides = array<i32>} : memref<2x16x256xf32, #tpu.memory_space<vmem>>, vector<1x1x16xf32>,
        %get3A_3226 = vector.shape_cast %get3A_3225 : vector<1x1x16xf32> to vector<16xf32>
        %mul3A_3227 = arith.mulf %get3A_3226, %gather3A_2774 : vector<16xf32>
        %add3A_3228 = arith.addf %add3A_3219, %mul3A_3227 : vector<16xf32>
        %get3A_3229 = arith.constant 1 : i32
        %get3A_3230 = arith.constant 11 : i32
        %get3A_3231 = arith.index_cast %get3A_3229 : i32 to index
        %get3A_3232 = arith.index_cast %get3A_3230 : i32 to index
        %get3A_3233 = arith.constant 32 : index
        %get3A_3234 = tpu.vector_load %arg8[%get3A_3231, %get3A_3232, %get3A_3233] {strides = array<i32>} : memref<2x16x256xf32, #tpu.memory_space<vmem>>, vector<1x1x16xf32>,
        %get3A_3235 = vector.shape_cast %get3A_3234 : vector<1x1x16xf32> to vector<16xf32>
        %mul3A_3236 = arith.mulf %get3A_3235, %gather3A_2786 : vector<16xf32>
        %add3A_3237 = arith.addf %add3A_3228, %mul3A_3236 : vector<16xf32>
        %get3A_3238 = arith.constant 1 : i32
        %get3A_3239 = arith.constant 12 : i32
        %get3A_3240 = arith.index_cast %get3A_3238 : i32 to index
        %get3A_3241 = arith.index_cast %get3A_3239 : i32 to index
        %get3A_3242 = arith.constant 32 : index
        %get3A_3243 = tpu.vector_load %arg8[%get3A_3240, %get3A_3241, %get3A_3242] {strides = array<i32>} : memref<2x16x256xf32, #tpu.memory_space<vmem>>, vector<1x1x16xf32>,
        %get3A_3244 = vector.shape_cast %get3A_3243 : vector<1x1x16xf32> to vector<16xf32>
        %mul3A_3245 = arith.mulf %get3A_3244, %gather3A_2798 : vector<16xf32>
        %add3A_3246 = arith.addf %add3A_3237, %mul3A_3245 : vector<16xf32>
        %get3A_3247 = arith.constant 1 : i32
        %get3A_3248 = arith.constant 13 : i32
        %get3A_3249 = arith.index_cast %get3A_3247 : i32 to index
        %get3A_3250 = arith.index_cast %get3A_3248 : i32 to index
        %get3A_3251 = arith.constant 32 : index
        %get3A_3252 = tpu.vector_load %arg8[%get3A_3249, %get3A_3250, %get3A_3251] {strides = array<i32>} : memref<2x16x256xf32, #tpu.memory_space<vmem>>, vector<1x1x16xf32>,
        %get3A_3253 = vector.shape_cast %get3A_3252 : vector<1x1x16xf32> to vector<16xf32>
        %mul3A_3254 = arith.mulf %get3A_3253, %gather3A_2810 : vector<16xf32>
        %add3A_3255 = arith.addf %add3A_3246, %mul3A_3254 : vector<16xf32>
        %get3A_3256 = arith.constant 1 : i32
        %get3A_3257 = arith.constant 14 : i32
        %get3A_3258 = arith.index_cast %get3A_3256 : i32 to index
        %get3A_3259 = arith.index_cast %get3A_3257 : i32 to index
        %get3A_3260 = arith.constant 32 : index
        %get3A_3261 = tpu.vector_load %arg8[%get3A_3258, %get3A_3259, %get3A_3260] {strides = array<i32>} : memref<2x16x256xf32, #tpu.memory_space<vmem>>, vector<1x1x16xf32>,
        %get3A_3262 = vector.shape_cast %get3A_3261 : vector<1x1x16xf32> to vector<16xf32>
        %mul3A_3263 = arith.mulf %get3A_3262, %gather3A_2822 : vector<16xf32>
        %add3A_3264 = arith.addf %add3A_3255, %mul3A_3263 : vector<16xf32>
        %get3A_3265 = arith.constant 1 : i32
        %get3A_3266 = arith.constant 15 : i32
        %get3A_3267 = arith.index_cast %get3A_3265 : i32 to index
        %get3A_3268 = arith.index_cast %get3A_3266 : i32 to index
        %get3A_3269 = arith.constant 32 : index
        %get3A_3270 = tpu.vector_load %arg8[%get3A_3267, %get3A_3268, %get3A_3269] {strides = array<i32>} : memref<2x16x256xf32, #tpu.memory_space<vmem>>, vector<1x1x16xf32>,
        %get3A_3271 = vector.shape_cast %get3A_3270 : vector<1x1x16xf32> to vector<16xf32>
        %mul3A_3272 = arith.mulf %get3A_3271, %gather3A_2834 : vector<16xf32>
        %add3A_3273 = arith.addf %add3A_3264, %mul3A_3272 : vector<16xf32>
        %swap3A_3274 = arith.index_cast %add3A_2637 : i32 to index
        %swap3A_3275 = arith.constant 32 : index
        %swap3A_3276 = tpu.vector_load %arg9[%swap3A_3274, %swap3A_3275] {strides = array<i32>} : memref<112x256xf32, #tpu.memory_space<vmem>>, vector<1x16xf32>,
        %swap3A_3277 = vector.shape_cast %swap3A_3276 : vector<1x16xf32> to vector<16xf32>
        %swap3A_3278 = vector.shape_cast %add3A_3273 : vector<16xf32> to vector<1x16xf32>
        tpu.vector_store %arg9[%swap3A_3274, %swap3A_3275], %swap3A_3278 {strides = array<i32>} : memref<112x256xf32, #tpu.memory_space<vmem>>, vector<1x16xf32>,
        %get3A_3279 = arith.constant 1 : i32
        %get3A_3280 = arith.constant 0 : i32
        %get3A_3281 = arith.index_cast %get3A_3279 : i32 to index
        %get3A_3282 = arith.index_cast %get3A_3280 : i32 to index
        %get3A_3283 = arith.constant 48 : index
        %get3A_3284 = tpu.vector_load %arg8[%get3A_3281, %get3A_3282, %get3A_3283] {strides = array<i32>} : memref<2x16x256xf32, #tpu.memory_space<vmem>>, vector<1x1x16xf32>,
        %get3A_3285 = vector.shape_cast %get3A_3284 : vector<1x1x16xf32> to vector<16xf32>
        %mul3A_3286 = arith.mulf %get3A_3285, %gather3A_2654 : vector<16xf32>
        %get3A_3287 = arith.constant 1 : i32
        %get3A_3288 = arith.constant 1 : i32
        %get3A_3289 = arith.index_cast %get3A_3287 : i32 to index
        %get3A_3290 = arith.index_cast %get3A_3288 : i32 to index
        %get3A_3291 = arith.constant 48 : index
        %get3A_3292 = tpu.vector_load %arg8[%get3A_3289, %get3A_3290, %get3A_3291] {strides = array<i32>} : memref<2x16x256xf32, #tpu.memory_space<vmem>>, vector<1x1x16xf32>,
        %get3A_3293 = vector.shape_cast %get3A_3292 : vector<1x1x16xf32> to vector<16xf32>
        %mul3A_3294 = arith.mulf %get3A_3293, %gather3A_2666 : vector<16xf32>
        %add3A_3295 = arith.addf %mul3A_3286, %mul3A_3294 : vector<16xf32>
        %get3A_3296 = arith.constant 1 : i32
        %get3A_3297 = arith.constant 2 : i32
        %get3A_3298 = arith.index_cast %get3A_3296 : i32 to index
        %get3A_3299 = arith.index_cast %get3A_3297 : i32 to index
        %get3A_3300 = arith.constant 48 : index
        %get3A_3301 = tpu.vector_load %arg8[%get3A_3298, %get3A_3299, %get3A_3300] {strides = array<i32>} : memref<2x16x256xf32, #tpu.memory_space<vmem>>, vector<1x1x16xf32>,
        %get3A_3302 = vector.shape_cast %get3A_3301 : vector<1x1x16xf32> to vector<16xf32>
        %mul3A_3303 = arith.mulf %get3A_3302, %gather3A_2678 : vector<16xf32>
        %add3A_3304 = arith.addf %add3A_3295, %mul3A_3303 : vector<16xf32>
        %get3A_3305 = arith.constant 1 : i32
        %get3A_3306 = arith.constant 3 : i32
        %get3A_3307 = arith.index_cast %get3A_3305 : i32 to index
        %get3A_3308 = arith.index_cast %get3A_3306 : i32 to index
        %get3A_3309 = arith.constant 48 : index
        %get3A_3310 = tpu.vector_load %arg8[%get3A_3307, %get3A_3308, %get3A_3309] {strides = array<i32>} : memref<2x16x256xf32, #tpu.memory_space<vmem>>, vector<1x1x16xf32>,
        %get3A_3311 = vector.shape_cast %get3A_3310 : vector<1x1x16xf32> to vector<16xf32>
        %mul3A_3312 = arith.mulf %get3A_3311, %gather3A_2690 : vector<16xf32>
        %add3A_3313 = arith.addf %add3A_3304, %mul3A_3312 : vector<16xf32>
        %get3A_3314 = arith.constant 1 : i32
        %get3A_3315 = arith.constant 4 : i32
        %get3A_3316 = arith.index_cast %get3A_3314 : i32 to index
        %get3A_3317 = arith.index_cast %get3A_3315 : i32 to index
        %get3A_3318 = arith.constant 48 : index
        %get3A_3319 = tpu.vector_load %arg8[%get3A_3316, %get3A_3317, %get3A_3318] {strides = array<i32>} : memref<2x16x256xf32, #tpu.memory_space<vmem>>, vector<1x1x16xf32>,
        %get3A_3320 = vector.shape_cast %get3A_3319 : vector<1x1x16xf32> to vector<16xf32>
        %mul3A_3321 = arith.mulf %get3A_3320, %gather3A_2702 : vector<16xf32>
        %add3A_3322 = arith.addf %add3A_3313, %mul3A_3321 : vector<16xf32>
        %get3A_3323 = arith.constant 1 : i32
        %get3A_3324 = arith.constant 5 : i32
        %get3A_3325 = arith.index_cast %get3A_3323 : i32 to index
        %get3A_3326 = arith.index_cast %get3A_3324 : i32 to index
        %get3A_3327 = arith.constant 48 : index
        %get3A_3328 = tpu.vector_load %arg8[%get3A_3325, %get3A_3326, %get3A_3327] {strides = array<i32>} : memref<2x16x256xf32, #tpu.memory_space<vmem>>, vector<1x1x16xf32>,
        %get3A_3329 = vector.shape_cast %get3A_3328 : vector<1x1x16xf32> to vector<16xf32>
        %mul3A_3330 = arith.mulf %get3A_3329, %gather3A_2714 : vector<16xf32>
        %add3A_3331 = arith.addf %add3A_3322, %mul3A_3330 : vector<16xf32>
        %get3A_3332 = arith.constant 1 : i32
        %get3A_3333 = arith.constant 6 : i32
        %get3A_3334 = arith.index_cast %get3A_3332 : i32 to index
        %get3A_3335 = arith.index_cast %get3A_3333 : i32 to index
        %get3A_3336 = arith.constant 48 : index
        %get3A_3337 = tpu.vector_load %arg8[%get3A_3334, %get3A_3335, %get3A_3336] {strides = array<i32>} : memref<2x16x256xf32, #tpu.memory_space<vmem>>, vector<1x1x16xf32>,
        %get3A_3338 = vector.shape_cast %get3A_3337 : vector<1x1x16xf32> to vector<16xf32>
        %mul3A_3339 = arith.mulf %get3A_3338, %gather3A_2726 : vector<16xf32>
        %add3A_3340 = arith.addf %add3A_3331, %mul3A_3339 : vector<16xf32>
        %get3A_3341 = arith.constant 1 : i32
        %get3A_3342 = arith.constant 7 : i32
        %get3A_3343 = arith.index_cast %get3A_3341 : i32 to index
        %get3A_3344 = arith.index_cast %get3A_3342 : i32 to index
        %get3A_3345 = arith.constant 48 : index
        %get3A_3346 = tpu.vector_load %arg8[%get3A_3343, %get3A_3344, %get3A_3345] {strides = array<i32>} : memref<2x16x256xf32, #tpu.memory_space<vmem>>, vector<1x1x16xf32>,
        %get3A_3347 = vector.shape_cast %get3A_3346 : vector<1x1x16xf32> to vector<16xf32>
        %mul3A_3348 = arith.mulf %get3A_3347, %gather3A_2738 : vector<16xf32>
        %add3A_3349 = arith.addf %add3A_3340, %mul3A_3348 : vector<16xf32>
        %get3A_3350 = arith.constant 1 : i32
        %get3A_3351 = arith.constant 8 : i32
        %get3A_3352 = arith.index_cast %get3A_3350 : i32 to index
        %get3A_3353 = arith.index_cast %get3A_3351 : i32 to index
        %get3A_3354 = arith.constant 48 : index
        %get3A_3355 = tpu.vector_load %arg8[%get3A_3352, %get3A_3353, %get3A_3354] {strides = array<i32>} : memref<2x16x256xf32, #tpu.memory_space<vmem>>, vector<1x1x16xf32>,
        %get3A_3356 = vector.shape_cast %get3A_3355 : vector<1x1x16xf32> to vector<16xf32>
        %mul3A_3357 = arith.mulf %get3A_3356, %gather3A_2750 : vector<16xf32>
        %add3A_3358 = arith.addf %add3A_3349, %mul3A_3357 : vector<16xf32>
        %get3A_3359 = arith.constant 1 : i32
        %get3A_3360 = arith.constant 9 : i32
        %get3A_3361 = arith.index_cast %get3A_3359 : i32 to index
        %get3A_3362 = arith.index_cast %get3A_3360 : i32 to index
        %get3A_3363 = arith.constant 48 : index
        %get3A_3364 = tpu.vector_load %arg8[%get3A_3361, %get3A_3362, %get3A_3363] {strides = array<i32>} : memref<2x16x256xf32, #tpu.memory_space<vmem>>, vector<1x1x16xf32>,
        %get3A_3365 = vector.shape_cast %get3A_3364 : vector<1x1x16xf32> to vector<16xf32>
        %mul3A_3366 = arith.mulf %get3A_3365, %gather3A_2762 : vector<16xf32>
        %add3A_3367 = arith.addf %add3A_3358, %mul3A_3366 : vector<16xf32>
        %get3A_3368 = arith.constant 1 : i32
        %get3A_3369 = arith.constant 10 : i32
        %get3A_3370 = arith.index_cast %get3A_3368 : i32 to index
        %get3A_3371 = arith.index_cast %get3A_3369 : i32 to index
        %get3A_3372 = arith.constant 48 : index
        %get3A_3373 = tpu.vector_load %arg8[%get3A_3370, %get3A_3371, %get3A_3372] {strides = array<i32>} : memref<2x16x256xf32, #tpu.memory_space<vmem>>, vector<1x1x16xf32>,
        %get3A_3374 = vector.shape_cast %get3A_3373 : vector<1x1x16xf32> to vector<16xf32>
        %mul3A_3375 = arith.mulf %get3A_3374, %gather3A_2774 : vector<16xf32>
        %add3A_3376 = arith.addf %add3A_3367, %mul3A_3375 : vector<16xf32>
        %get3A_3377 = arith.constant 1 : i32
        %get3A_3378 = arith.constant 11 : i32
        %get3A_3379 = arith.index_cast %get3A_3377 : i32 to index
        %get3A_3380 = arith.index_cast %get3A_3378 : i32 to index
        %get3A_3381 = arith.constant 48 : index
        %get3A_3382 = tpu.vector_load %arg8[%get3A_3379, %get3A_3380, %get3A_3381] {strides = array<i32>} : memref<2x16x256xf32, #tpu.memory_space<vmem>>, vector<1x1x16xf32>,
        %get3A_3383 = vector.shape_cast %get3A_3382 : vector<1x1x16xf32> to vector<16xf32>
        %mul3A_3384 = arith.mulf %get3A_3383, %gather3A_2786 : vector<16xf32>
        %add3A_3385 = arith.addf %add3A_3376, %mul3A_3384 : vector<16xf32>
        %get3A_3386 = arith.constant 1 : i32
        %get3A_3387 = arith.constant 12 : i32
        %get3A_3388 = arith.index_cast %get3A_3386 : i32 to index
        %get3A_3389 = arith.index_cast %get3A_3387 : i32 to index
        %get3A_3390 = arith.constant 48 : index
        %get3A_3391 = tpu.vector_load %arg8[%get3A_3388, %get3A_3389, %get3A_3390] {strides = array<i32>} : memref<2x16x256xf32, #tpu.memory_space<vmem>>, vector<1x1x16xf32>,
        %get3A_3392 = vector.shape_cast %get3A_3391 : vector<1x1x16xf32> to vector<16xf32>
        %mul3A_3393 = arith.mulf %get3A_3392, %gather3A_2798 : vector<16xf32>
        %add3A_3394 = arith.addf %add3A_3385, %mul3A_3393 : vector<16xf32>
        %get3A_3395 = arith.constant 1 : i32
        %get3A_3396 = arith.constant 13 : i32
        %get3A_3397 = arith.index_cast %get3A_3395 : i32 to index
        %get3A_3398 = arith.index_cast %get3A_3396 : i32 to index
        %get3A_3399 = arith.constant 48 : index
        %get3A_3400 = tpu.vector_load %arg8[%get3A_3397, %get3A_3398, %get3A_3399] {strides = array<i32>} : memref<2x16x256xf32, #tpu.memory_space<vmem>>, vector<1x1x16xf32>,
        %get3A_3401 = vector.shape_cast %get3A_3400 : vector<1x1x16xf32> to vector<16xf32>
        %mul3A_3402 = arith.mulf %get3A_3401, %gather3A_2810 : vector<16xf32>
        %add3A_3403 = arith.addf %add3A_3394, %mul3A_3402 : vector<16xf32>
        %get3A_3404 = arith.constant 1 : i32
        %get3A_3405 = arith.constant 14 : i32
        %get3A_3406 = arith.index_cast %get3A_3404 : i32 to index
        %get3A_3407 = arith.index_cast %get3A_3405 : i32 to index
        %get3A_3408 = arith.constant 48 : index
        %get3A_3409 = tpu.vector_load %arg8[%get3A_3406, %get3A_3407, %get3A_3408] {strides = array<i32>} : memref<2x16x256xf32, #tpu.memory_space<vmem>>, vector<1x1x16xf32>,
        %get3A_3410 = vector.shape_cast %get3A_3409 : vector<1x1x16xf32> to vector<16xf32>
        %mul3A_3411 = arith.mulf %get3A_3410, %gather3A_2822 : vector<16xf32>
        %add3A_3412 = arith.addf %add3A_3403, %mul3A_3411 : vector<16xf32>
        %get3A_3413 = arith.constant 1 : i32
        %get3A_3414 = arith.constant 15 : i32
        %get3A_3415 = arith.index_cast %get3A_3413 : i32 to index
        %get3A_3416 = arith.index_cast %get3A_3414 : i32 to index
        %get3A_3417 = arith.constant 48 : index
        %get3A_3418 = tpu.vector_load %arg8[%get3A_3415, %get3A_3416, %get3A_3417] {strides = array<i32>} : memref<2x16x256xf32, #tpu.memory_space<vmem>>, vector<1x1x16xf32>,
        %get3A_3419 = vector.shape_cast %get3A_3418 : vector<1x1x16xf32> to vector<16xf32>
        %mul3A_3420 = arith.mulf %get3A_3419, %gather3A_2834 : vector<16xf32>
        %add3A_3421 = arith.addf %add3A_3412, %mul3A_3420 : vector<16xf32>
        %swap3A_3422 = arith.index_cast %add3A_2637 : i32 to index
        %swap3A_3423 = arith.constant 48 : index
        %swap3A_3424 = tpu.vector_load %arg9[%swap3A_3422, %swap3A_3423] {strides = array<i32>} : memref<112x256xf32, #tpu.memory_space<vmem>>, vector<1x16xf32>,
        %swap3A_3425 = vector.shape_cast %swap3A_3424 : vector<1x16xf32> to vector<16xf32>
        %swap3A_3426 = vector.shape_cast %add3A_3421 : vector<16xf32> to vector<1x16xf32>
        tpu.vector_store %arg9[%swap3A_3422, %swap3A_3423], %swap3A_3426 {strides = array<i32>} : memref<112x256xf32, #tpu.memory_space<vmem>>, vector<1x16xf32>,
        %get3A_3427 = arith.constant 1 : i32
        %get3A_3428 = arith.constant 0 : i32
        %get3A_3429 = arith.index_cast %get3A_3427 : i32 to index
        %get3A_3430 = arith.index_cast %get3A_3428 : i32 to index
        %get3A_3431 = arith.constant 64 : index
        %get3A_3432 = tpu.vector_load %arg8[%get3A_3429, %get3A_3430, %get3A_3431] {strides = array<i32>} : memref<2x16x256xf32, #tpu.memory_space<vmem>>, vector<1x1x16xf32>,
        %get3A_3433 = vector.shape_cast %get3A_3432 : vector<1x1x16xf32> to vector<16xf32>
        %mul3A_3434 = arith.mulf %get3A_3433, %gather3A_2654 : vector<16xf32>
        %get3A_3435 = arith.constant 1 : i32
        %get3A_3436 = arith.constant 1 : i32
        %get3A_3437 = arith.index_cast %get3A_3435 : i32 to index
        %get3A_3438 = arith.index_cast %get3A_3436 : i32 to index
        %get3A_3439 = arith.constant 64 : index
        %get3A_3440 = tpu.vector_load %arg8[%get3A_3437, %get3A_3438, %get3A_3439] {strides = array<i32>} : memref<2x16x256xf32, #tpu.memory_space<vmem>>, vector<1x1x16xf32>,
        %get3A_3441 = vector.shape_cast %get3A_3440 : vector<1x1x16xf32> to vector<16xf32>
        %mul3A_3442 = arith.mulf %get3A_3441, %gather3A_2666 : vector<16xf32>
        %add3A_3443 = arith.addf %mul3A_3434, %mul3A_3442 : vector<16xf32>
        %get3A_3444 = arith.constant 1 : i32
        %get3A_3445 = arith.constant 2 : i32
        %get3A_3446 = arith.index_cast %get3A_3444 : i32 to index
        %get3A_3447 = arith.index_cast %get3A_3445 : i32 to index
        %get3A_3448 = arith.constant 64 : index
        %get3A_3449 = tpu.vector_load %arg8[%get3A_3446, %get3A_3447, %get3A_3448] {strides = array<i32>} : memref<2x16x256xf32, #tpu.memory_space<vmem>>, vector<1x1x16xf32>,
        %get3A_3450 = vector.shape_cast %get3A_3449 : vector<1x1x16xf32> to vector<16xf32>
        %mul3A_3451 = arith.mulf %get3A_3450, %gather3A_2678 : vector<16xf32>
        %add3A_3452 = arith.addf %add3A_3443, %mul3A_3451 : vector<16xf32>
        %get3A_3453 = arith.constant 1 : i32
        %get3A_3454 = arith.constant 3 : i32
        %get3A_3455 = arith.index_cast %get3A_3453 : i32 to index
        %get3A_3456 = arith.index_cast %get3A_3454 : i32 to index
        %get3A_3457 = arith.constant 64 : index
        %get3A_3458 = tpu.vector_load %arg8[%get3A_3455, %get3A_3456, %get3A_3457] {strides = array<i32>} : memref<2x16x256xf32, #tpu.memory_space<vmem>>, vector<1x1x16xf32>,
        %get3A_3459 = vector.shape_cast %get3A_3458 : vector<1x1x16xf32> to vector<16xf32>
        %mul3A_3460 = arith.mulf %get3A_3459, %gather3A_2690 : vector<16xf32>
        %add3A_3461 = arith.addf %add3A_3452, %mul3A_3460 : vector<16xf32>
        %get3A_3462 = arith.constant 1 : i32
        %get3A_3463 = arith.constant 4 : i32
        %get3A_3464 = arith.index_cast %get3A_3462 : i32 to index
        %get3A_3465 = arith.index_cast %get3A_3463 : i32 to index
        %get3A_3466 = arith.constant 64 : index
        %get3A_3467 = tpu.vector_load %arg8[%get3A_3464, %get3A_3465, %get3A_3466] {strides = array<i32>} : memref<2x16x256xf32, #tpu.memory_space<vmem>>, vector<1x1x16xf32>,
        %get3A_3468 = vector.shape_cast %get3A_3467 : vector<1x1x16xf32> to vector<16xf32>
        %mul3A_3469 = arith.mulf %get3A_3468, %gather3A_2702 : vector<16xf32>
        %add3A_3470 = arith.addf %add3A_3461, %mul3A_3469 : vector<16xf32>
        %get3A_3471 = arith.constant 1 : i32
        %get3A_3472 = arith.constant 5 : i32
        %get3A_3473 = arith.index_cast %get3A_3471 : i32 to index
        %get3A_3474 = arith.index_cast %get3A_3472 : i32 to index
        %get3A_3475 = arith.constant 64 : index
        %get3A_3476 = tpu.vector_load %arg8[%get3A_3473, %get3A_3474, %get3A_3475] {strides = array<i32>} : memref<2x16x256xf32, #tpu.memory_space<vmem>>, vector<1x1x16xf32>,
        %get3A_3477 = vector.shape_cast %get3A_3476 : vector<1x1x16xf32> to vector<16xf32>
        %mul3A_3478 = arith.mulf %get3A_3477, %gather3A_2714 : vector<16xf32>
        %add3A_3479 = arith.addf %add3A_3470, %mul3A_3478 : vector<16xf32>
        %get3A_3480 = arith.constant 1 : i32
        %get3A_3481 = arith.constant 6 : i32
        %get3A_3482 = arith.index_cast %get3A_3480 : i32 to index
        %get3A_3483 = arith.index_cast %get3A_3481 : i32 to index
        %get3A_3484 = arith.constant 64 : index
        %get3A_3485 = tpu.vector_load %arg8[%get3A_3482, %get3A_3483, %get3A_3484] {strides = array<i32>} : memref<2x16x256xf32, #tpu.memory_space<vmem>>, vector<1x1x16xf32>,
        %get3A_3486 = vector.shape_cast %get3A_3485 : vector<1x1x16xf32> to vector<16xf32>
        %mul3A_3487 = arith.mulf %get3A_3486, %gather3A_2726 : vector<16xf32>
        %add3A_3488 = arith.addf %add3A_3479, %mul3A_3487 : vector<16xf32>
        %get3A_3489 = arith.constant 1 : i32
        %get3A_3490 = arith.constant 7 : i32
        %get3A_3491 = arith.index_cast %get3A_3489 : i32 to index
        %get3A_3492 = arith.index_cast %get3A_3490 : i32 to index
        %get3A_3493 = arith.constant 64 : index
        %get3A_3494 = tpu.vector_load %arg8[%get3A_3491, %get3A_3492, %get3A_3493] {strides = array<i32>} : memref<2x16x256xf32, #tpu.memory_space<vmem>>, vector<1x1x16xf32>,
        %get3A_3495 = vector.shape_cast %get3A_3494 : vector<1x1x16xf32> to vector<16xf32>
        %mul3A_3496 = arith.mulf %get3A_3495, %gather3A_2738 : vector<16xf32>
        %add3A_3497 = arith.addf %add3A_3488, %mul3A_3496 : vector<16xf32>
        %get3A_3498 = arith.constant 1 : i32
        %get3A_3499 = arith.constant 8 : i32
        %get3A_3500 = arith.index_cast %get3A_3498 : i32 to index
        %get3A_3501 = arith.index_cast %get3A_3499 : i32 to index
        %get3A_3502 = arith.constant 64 : index
        %get3A_3503 = tpu.vector_load %arg8[%get3A_3500, %get3A_3501, %get3A_3502] {strides = array<i32>} : memref<2x16x256xf32, #tpu.memory_space<vmem>>, vector<1x1x16xf32>,
        %get3A_3504 = vector.shape_cast %get3A_3503 : vector<1x1x16xf32> to vector<16xf32>
        %mul3A_3505 = arith.mulf %get3A_3504, %gather3A_2750 : vector<16xf32>
        %add3A_3506 = arith.addf %add3A_3497, %mul3A_3505 : vector<16xf32>
        %get3A_3507 = arith.constant 1 : i32
        %get3A_3508 = arith.constant 9 : i32
        %get3A_3509 = arith.index_cast %get3A_3507 : i32 to index
        %get3A_3510 = arith.index_cast %get3A_3508 : i32 to index
        %get3A_3511 = arith.constant 64 : index
        %get3A_3512 = tpu.vector_load %arg8[%get3A_3509, %get3A_3510, %get3A_3511] {strides = array<i32>} : memref<2x16x256xf32, #tpu.memory_space<vmem>>, vector<1x1x16xf32>,
        %get3A_3513 = vector.shape_cast %get3A_3512 : vector<1x1x16xf32> to vector<16xf32>
        %mul3A_3514 = arith.mulf %get3A_3513, %gather3A_2762 : vector<16xf32>
        %add3A_3515 = arith.addf %add3A_3506, %mul3A_3514 : vector<16xf32>
        %get3A_3516 = arith.constant 1 : i32
        %get3A_3517 = arith.constant 10 : i32
        %get3A_3518 = arith.index_cast %get3A_3516 : i32 to index
        %get3A_3519 = arith.index_cast %get3A_3517 : i32 to index
        %get3A_3520 = arith.constant 64 : index
        %get3A_3521 = tpu.vector_load %arg8[%get3A_3518, %get3A_3519, %get3A_3520] {strides = array<i32>} : memref<2x16x256xf32, #tpu.memory_space<vmem>>, vector<1x1x16xf32>,
        %get3A_3522 = vector.shape_cast %get3A_3521 : vector<1x1x16xf32> to vector<16xf32>
        %mul3A_3523 = arith.mulf %get3A_3522, %gather3A_2774 : vector<16xf32>
        %add3A_3524 = arith.addf %add3A_3515, %mul3A_3523 : vector<16xf32>
        %get3A_3525 = arith.constant 1 : i32
        %get3A_3526 = arith.constant 11 : i32
        %get3A_3527 = arith.index_cast %get3A_3525 : i32 to index
        %get3A_3528 = arith.index_cast %get3A_3526 : i32 to index
        %get3A_3529 = arith.constant 64 : index
        %get3A_3530 = tpu.vector_load %arg8[%get3A_3527, %get3A_3528, %get3A_3529] {strides = array<i32>} : memref<2x16x256xf32, #tpu.memory_space<vmem>>, vector<1x1x16xf32>,
        %get3A_3531 = vector.shape_cast %get3A_3530 : vector<1x1x16xf32> to vector<16xf32>
        %mul3A_3532 = arith.mulf %get3A_3531, %gather3A_2786 : vector<16xf32>
        %add3A_3533 = arith.addf %add3A_3524, %mul3A_3532 : vector<16xf32>
        %get3A_3534 = arith.constant 1 : i32
        %get3A_3535 = arith.constant 12 : i32
        %get3A_3536 = arith.index_cast %get3A_3534 : i32 to index
        %get3A_3537 = arith.index_cast %get3A_3535 : i32 to index
        %get3A_3538 = arith.constant 64 : index
        %get3A_3539 = tpu.vector_load %arg8[%get3A_3536, %get3A_3537, %get3A_3538] {strides = array<i32>} : memref<2x16x256xf32, #tpu.memory_space<vmem>>, vector<1x1x16xf32>,
        %get3A_3540 = vector.shape_cast %get3A_3539 : vector<1x1x16xf32> to vector<16xf32>
        %mul3A_3541 = arith.mulf %get3A_3540, %gather3A_2798 : vector<16xf32>
        %add3A_3542 = arith.addf %add3A_3533, %mul3A_3541 : vector<16xf32>
        %get3A_3543 = arith.constant 1 : i32
        %get3A_3544 = arith.constant 13 : i32
        %get3A_3545 = arith.index_cast %get3A_3543 : i32 to index
        %get3A_3546 = arith.index_cast %get3A_3544 : i32 to index
        %get3A_3547 = arith.constant 64 : index
        %get3A_3548 = tpu.vector_load %arg8[%get3A_3545, %get3A_3546, %get3A_3547] {strides = array<i32>} : memref<2x16x256xf32, #tpu.memory_space<vmem>>, vector<1x1x16xf32>,
        %get3A_3549 = vector.shape_cast %get3A_3548 : vector<1x1x16xf32> to vector<16xf32>
        %mul3A_3550 = arith.mulf %get3A_3549, %gather3A_2810 : vector<16xf32>
        %add3A_3551 = arith.addf %add3A_3542, %mul3A_3550 : vector<16xf32>
        %get3A_3552 = arith.constant 1 : i32
        %get3A_3553 = arith.constant 14 : i32
        %get3A_3554 = arith.index_cast %get3A_3552 : i32 to index
        %get3A_3555 = arith.index_cast %get3A_3553 : i32 to index
        %get3A_3556 = arith.constant 64 : index
        %get3A_3557 = tpu.vector_load %arg8[%get3A_3554, %get3A_3555, %get3A_3556] {strides = array<i32>} : memref<2x16x256xf32, #tpu.memory_space<vmem>>, vector<1x1x16xf32>,
        %get3A_3558 = vector.shape_cast %get3A_3557 : vector<1x1x16xf32> to vector<16xf32>
        %mul3A_3559 = arith.mulf %get3A_3558, %gather3A_2822 : vector<16xf32>
        %add3A_3560 = arith.addf %add3A_3551, %mul3A_3559 : vector<16xf32>
        %get3A_3561 = arith.constant 1 : i32
        %get3A_3562 = arith.constant 15 : i32
        %get3A_3563 = arith.index_cast %get3A_3561 : i32 to index
        %get3A_3564 = arith.index_cast %get3A_3562 : i32 to index
        %get3A_3565 = arith.constant 64 : index
        %get3A_3566 = tpu.vector_load %arg8[%get3A_3563, %get3A_3564, %get3A_3565] {strides = array<i32>} : memref<2x16x256xf32, #tpu.memory_space<vmem>>, vector<1x1x16xf32>,
        %get3A_3567 = vector.shape_cast %get3A_3566 : vector<1x1x16xf32> to vector<16xf32>
        %mul3A_3568 = arith.mulf %get3A_3567, %gather3A_2834 : vector<16xf32>
        %add3A_3569 = arith.addf %add3A_3560, %mul3A_3568 : vector<16xf32>
        %swap3A_3570 = arith.index_cast %add3A_2637 : i32 to index
        %swap3A_3571 = arith.constant 64 : index
        %swap3A_3572 = tpu.vector_load %arg9[%swap3A_3570, %swap3A_3571] {strides = array<i32>} : memref<112x256xf32, #tpu.memory_space<vmem>>, vector<1x16xf32>,
        %swap3A_3573 = vector.shape_cast %swap3A_3572 : vector<1x16xf32> to vector<16xf32>
        %swap3A_3574 = vector.shape_cast %add3A_3569 : vector<16xf32> to vector<1x16xf32>
        tpu.vector_store %arg9[%swap3A_3570, %swap3A_3571], %swap3A_3574 {strides = array<i32>} : memref<112x256xf32, #tpu.memory_space<vmem>>, vector<1x16xf32>,
        %get3A_3575 = arith.constant 1 : i32
        %get3A_3576 = arith.constant 0 : i32
        %get3A_3577 = arith.index_cast %get3A_3575 : i32 to index
        %get3A_3578 = arith.index_cast %get3A_3576 : i32 to index
        %get3A_3579 = arith.constant 80 : index
        %get3A_3580 = tpu.vector_load %arg8[%get3A_3577, %get3A_3578, %get3A_3579] {strides = array<i32>} : memref<2x16x256xf32, #tpu.memory_space<vmem>>, vector<1x1x16xf32>,
        %get3A_3581 = vector.shape_cast %get3A_3580 : vector<1x1x16xf32> to vector<16xf32>
        %mul3A_3582 = arith.mulf %get3A_3581, %gather3A_2654 : vector<16xf32>
        %get3A_3583 = arith.constant 1 : i32
        %get3A_3584 = arith.constant 1 : i32
        %get3A_3585 = arith.index_cast %get3A_3583 : i32 to index
        %get3A_3586 = arith.index_cast %get3A_3584 : i32 to index
        %get3A_3587 = arith.constant 80 : index
        %get3A_3588 = tpu.vector_load %arg8[%get3A_3585, %get3A_3586, %get3A_3587] {strides = array<i32>} : memref<2x16x256xf32, #tpu.memory_space<vmem>>, vector<1x1x16xf32>,
        %get3A_3589 = vector.shape_cast %get3A_3588 : vector<1x1x16xf32> to vector<16xf32>
        %mul3A_3590 = arith.mulf %get3A_3589, %gather3A_2666 : vector<16xf32>
        %add3A_3591 = arith.addf %mul3A_3582, %mul3A_3590 : vector<16xf32>
        %get3A_3592 = arith.constant 1 : i32
        %get3A_3593 = arith.constant 2 : i32
        %get3A_3594 = arith.index_cast %get3A_3592 : i32 to index
        %get3A_3595 = arith.index_cast %get3A_3593 : i32 to index
        %get3A_3596 = arith.constant 80 : index
        %get3A_3597 = tpu.vector_load %arg8[%get3A_3594, %get3A_3595, %get3A_3596] {strides = array<i32>} : memref<2x16x256xf32, #tpu.memory_space<vmem>>, vector<1x1x16xf32>,
        %get3A_3598 = vector.shape_cast %get3A_3597 : vector<1x1x16xf32> to vector<16xf32>
        %mul3A_3599 = arith.mulf %get3A_3598, %gather3A_2678 : vector<16xf32>
        %add3A_3600 = arith.addf %add3A_3591, %mul3A_3599 : vector<16xf32>
        %get3A_3601 = arith.constant 1 : i32
        %get3A_3602 = arith.constant 3 : i32
        %get3A_3603 = arith.index_cast %get3A_3601 : i32 to index
        %get3A_3604 = arith.index_cast %get3A_3602 : i32 to index
        %get3A_3605 = arith.constant 80 : index
        %get3A_3606 = tpu.vector_load %arg8[%get3A_3603, %get3A_3604, %get3A_3605] {strides = array<i32>} : memref<2x16x256xf32, #tpu.memory_space<vmem>>, vector<1x1x16xf32>,
        %get3A_3607 = vector.shape_cast %get3A_3606 : vector<1x1x16xf32> to vector<16xf32>
        %mul3A_3608 = arith.mulf %get3A_3607, %gather3A_2690 : vector<16xf32>
        %add3A_3609 = arith.addf %add3A_3600, %mul3A_3608 : vector<16xf32>
        %get3A_3610 = arith.constant 1 : i32
        %get3A_3611 = arith.constant 4 : i32
        %get3A_3612 = arith.index_cast %get3A_3610 : i32 to index
        %get3A_3613 = arith.index_cast %get3A_3611 : i32 to index
        %get3A_3614 = arith.constant 80 : index
        %get3A_3615 = tpu.vector_load %arg8[%get3A_3612, %get3A_3613, %get3A_3614] {strides = array<i32>} : memref<2x16x256xf32, #tpu.memory_space<vmem>>, vector<1x1x16xf32>,
        %get3A_3616 = vector.shape_cast %get3A_3615 : vector<1x1x16xf32> to vector<16xf32>
        %mul3A_3617 = arith.mulf %get3A_3616, %gather3A_2702 : vector<16xf32>
        %add3A_3618 = arith.addf %add3A_3609, %mul3A_3617 : vector<16xf32>
        %get3A_3619 = arith.constant 1 : i32
        %get3A_3620 = arith.constant 5 : i32
        %get3A_3621 = arith.index_cast %get3A_3619 : i32 to index
        %get3A_3622 = arith.index_cast %get3A_3620 : i32 to index
        %get3A_3623 = arith.constant 80 : index
        %get3A_3624 = tpu.vector_load %arg8[%get3A_3621, %get3A_3622, %get3A_3623] {strides = array<i32>} : memref<2x16x256xf32, #tpu.memory_space<vmem>>, vector<1x1x16xf32>,
        %get3A_3625 = vector.shape_cast %get3A_3624 : vector<1x1x16xf32> to vector<16xf32>
        %mul3A_3626 = arith.mulf %get3A_3625, %gather3A_2714 : vector<16xf32>
        %add3A_3627 = arith.addf %add3A_3618, %mul3A_3626 : vector<16xf32>
        %get3A_3628 = arith.constant 1 : i32
        %get3A_3629 = arith.constant 6 : i32
        %get3A_3630 = arith.index_cast %get3A_3628 : i32 to index
        %get3A_3631 = arith.index_cast %get3A_3629 : i32 to index
        %get3A_3632 = arith.constant 80 : index
        %get3A_3633 = tpu.vector_load %arg8[%get3A_3630, %get3A_3631, %get3A_3632] {strides = array<i32>} : memref<2x16x256xf32, #tpu.memory_space<vmem>>, vector<1x1x16xf32>,
        %get3A_3634 = vector.shape_cast %get3A_3633 : vector<1x1x16xf32> to vector<16xf32>
        %mul3A_3635 = arith.mulf %get3A_3634, %gather3A_2726 : vector<16xf32>
        %add3A_3636 = arith.addf %add3A_3627, %mul3A_3635 : vector<16xf32>
        %get3A_3637 = arith.constant 1 : i32
        %get3A_3638 = arith.constant 7 : i32
        %get3A_3639 = arith.index_cast %get3A_3637 : i32 to index
        %get3A_3640 = arith.index_cast %get3A_3638 : i32 to index
        %get3A_3641 = arith.constant 80 : index
        %get3A_3642 = tpu.vector_load %arg8[%get3A_3639, %get3A_3640, %get3A_3641] {strides = array<i32>} : memref<2x16x256xf32, #tpu.memory_space<vmem>>, vector<1x1x16xf32>,
        %get3A_3643 = vector.shape_cast %get3A_3642 : vector<1x1x16xf32> to vector<16xf32>
        %mul3A_3644 = arith.mulf %get3A_3643, %gather3A_2738 : vector<16xf32>
        %add3A_3645 = arith.addf %add3A_3636, %mul3A_3644 : vector<16xf32>
        %get3A_3646 = arith.constant 1 : i32
        %get3A_3647 = arith.constant 8 : i32
        %get3A_3648 = arith.index_cast %get3A_3646 : i32 to index
        %get3A_3649 = arith.index_cast %get3A_3647 : i32 to index
        %get3A_3650 = arith.constant 80 : index
        %get3A_3651 = tpu.vector_load %arg8[%get3A_3648, %get3A_3649, %get3A_3650] {strides = array<i32>} : memref<2x16x256xf32, #tpu.memory_space<vmem>>, vector<1x1x16xf32>,
        %get3A_3652 = vector.shape_cast %get3A_3651 : vector<1x1x16xf32> to vector<16xf32>
        %mul3A_3653 = arith.mulf %get3A_3652, %gather3A_2750 : vector<16xf32>
        %add3A_3654 = arith.addf %add3A_3645, %mul3A_3653 : vector<16xf32>
        %get3A_3655 = arith.constant 1 : i32
        %get3A_3656 = arith.constant 9 : i32
        %get3A_3657 = arith.index_cast %get3A_3655 : i32 to index
        %get3A_3658 = arith.index_cast %get3A_3656 : i32 to index
        %get3A_3659 = arith.constant 80 : index
        %get3A_3660 = tpu.vector_load %arg8[%get3A_3657, %get3A_3658, %get3A_3659] {strides = array<i32>} : memref<2x16x256xf32, #tpu.memory_space<vmem>>, vector<1x1x16xf32>,
        %get3A_3661 = vector.shape_cast %get3A_3660 : vector<1x1x16xf32> to vector<16xf32>
        %mul3A_3662 = arith.mulf %get3A_3661, %gather3A_2762 : vector<16xf32>
        %add3A_3663 = arith.addf %add3A_3654, %mul3A_3662 : vector<16xf32>
        %get3A_3664 = arith.constant 1 : i32
        %get3A_3665 = arith.constant 10 : i32
        %get3A_3666 = arith.index_cast %get3A_3664 : i32 to index
        %get3A_3667 = arith.index_cast %get3A_3665 : i32 to index
        %get3A_3668 = arith.constant 80 : index
        %get3A_3669 = tpu.vector_load %arg8[%get3A_3666, %get3A_3667, %get3A_3668] {strides = array<i32>} : memref<2x16x256xf32, #tpu.memory_space<vmem>>, vector<1x1x16xf32>,
        %get3A_3670 = vector.shape_cast %get3A_3669 : vector<1x1x16xf32> to vector<16xf32>
        %mul3A_3671 = arith.mulf %get3A_3670, %gather3A_2774 : vector<16xf32>
        %add3A_3672 = arith.addf %add3A_3663, %mul3A_3671 : vector<16xf32>
        %get3A_3673 = arith.constant 1 : i32
        %get3A_3674 = arith.constant 11 : i32
        %get3A_3675 = arith.index_cast %get3A_3673 : i32 to index
        %get3A_3676 = arith.index_cast %get3A_3674 : i32 to index
        %get3A_3677 = arith.constant 80 : index
        %get3A_3678 = tpu.vector_load %arg8[%get3A_3675, %get3A_3676, %get3A_3677] {strides = array<i32>} : memref<2x16x256xf32, #tpu.memory_space<vmem>>, vector<1x1x16xf32>,
        %get3A_3679 = vector.shape_cast %get3A_3678 : vector<1x1x16xf32> to vector<16xf32>
        %mul3A_3680 = arith.mulf %get3A_3679, %gather3A_2786 : vector<16xf32>
        %add3A_3681 = arith.addf %add3A_3672, %mul3A_3680 : vector<16xf32>
        %get3A_3682 = arith.constant 1 : i32
        %get3A_3683 = arith.constant 12 : i32
        %get3A_3684 = arith.index_cast %get3A_3682 : i32 to index
        %get3A_3685 = arith.index_cast %get3A_3683 : i32 to index
        %get3A_3686 = arith.constant 80 : index
        %get3A_3687 = tpu.vector_load %arg8[%get3A_3684, %get3A_3685, %get3A_3686] {strides = array<i32>} : memref<2x16x256xf32, #tpu.memory_space<vmem>>, vector<1x1x16xf32>,
        %get3A_3688 = vector.shape_cast %get3A_3687 : vector<1x1x16xf32> to vector<16xf32>
        %mul3A_3689 = arith.mulf %get3A_3688, %gather3A_2798 : vector<16xf32>
        %add3A_3690 = arith.addf %add3A_3681, %mul3A_3689 : vector<16xf32>
        %get3A_3691 = arith.constant 1 : i32
        %get3A_3692 = arith.constant 13 : i32
        %get3A_3693 = arith.index_cast %get3A_3691 : i32 to index
        %get3A_3694 = arith.index_cast %get3A_3692 : i32 to index
        %get3A_3695 = arith.constant 80 : index
        %get3A_3696 = tpu.vector_load %arg8[%get3A_3693, %get3A_3694, %get3A_3695] {strides = array<i32>} : memref<2x16x256xf32, #tpu.memory_space<vmem>>, vector<1x1x16xf32>,
        %get3A_3697 = vector.shape_cast %get3A_3696 : vector<1x1x16xf32> to vector<16xf32>
        %mul3A_3698 = arith.mulf %get3A_3697, %gather3A_2810 : vector<16xf32>
        %add3A_3699 = arith.addf %add3A_3690, %mul3A_3698 : vector<16xf32>
        %get3A_3700 = arith.constant 1 : i32
        %get3A_3701 = arith.constant 14 : i32
        %get3A_3702 = arith.index_cast %get3A_3700 : i32 to index
        %get3A_3703 = arith.index_cast %get3A_3701 : i32 to index
        %get3A_3704 = arith.constant 80 : index
        %get3A_3705 = tpu.vector_load %arg8[%get3A_3702, %get3A_3703, %get3A_3704] {strides = array<i32>} : memref<2x16x256xf32, #tpu.memory_space<vmem>>, vector<1x1x16xf32>,
        %get3A_3706 = vector.shape_cast %get3A_3705 : vector<1x1x16xf32> to vector<16xf32>
        %mul3A_3707 = arith.mulf %get3A_3706, %gather3A_2822 : vector<16xf32>
        %add3A_3708 = arith.addf %add3A_3699, %mul3A_3707 : vector<16xf32>
        %get3A_3709 = arith.constant 1 : i32
        %get3A_3710 = arith.constant 15 : i32
        %get3A_3711 = arith.index_cast %get3A_3709 : i32 to index
        %get3A_3712 = arith.index_cast %get3A_3710 : i32 to index
        %get3A_3713 = arith.constant 80 : index
        %get3A_3714 = tpu.vector_load %arg8[%get3A_3711, %get3A_3712, %get3A_3713] {strides = array<i32>} : memref<2x16x256xf32, #tpu.memory_space<vmem>>, vector<1x1x16xf32>,
        %get3A_3715 = vector.shape_cast %get3A_3714 : vector<1x1x16xf32> to vector<16xf32>
        %mul3A_3716 = arith.mulf %get3A_3715, %gather3A_2834 : vector<16xf32>
        %add3A_3717 = arith.addf %add3A_3708, %mul3A_3716 : vector<16xf32>
        %swap3A_3718 = arith.index_cast %add3A_2637 : i32 to index
        %swap3A_3719 = arith.constant 80 : index
        %swap3A_3720 = tpu.vector_load %arg9[%swap3A_3718, %swap3A_3719] {strides = array<i32>} : memref<112x256xf32, #tpu.memory_space<vmem>>, vector<1x16xf32>,
        %swap3A_3721 = vector.shape_cast %swap3A_3720 : vector<1x16xf32> to vector<16xf32>
        %swap3A_3722 = vector.shape_cast %add3A_3717 : vector<16xf32> to vector<1x16xf32>
        tpu.vector_store %arg9[%swap3A_3718, %swap3A_3719], %swap3A_3722 {strides = array<i32>} : memref<112x256xf32, #tpu.memory_space<vmem>>, vector<1x16xf32>,
        %get3A_3723 = arith.constant 1 : i32
        %get3A_3724 = arith.constant 0 : i32
        %get3A_3725 = arith.index_cast %get3A_3723 : i32 to index
        %get3A_3726 = arith.index_cast %get3A_3724 : i32 to index
        %get3A_3727 = arith.constant 96 : index
        %get3A_3728 = tpu.vector_load %arg8[%get3A_3725, %get3A_3726, %get3A_3727] {strides = array<i32>} : memref<2x16x256xf32, #tpu.memory_space<vmem>>, vector<1x1x16xf32>,
        %get3A_3729 = vector.shape_cast %get3A_3728 : vector<1x1x16xf32> to vector<16xf32>
        %mul3A_3730 = arith.mulf %get3A_3729, %gather3A_2654 : vector<16xf32>
        %get3A_3731 = arith.constant 1 : i32
        %get3A_3732 = arith.constant 1 : i32
        %get3A_3733 = arith.index_cast %get3A_3731 : i32 to index
        %get3A_3734 = arith.index_cast %get3A_3732 : i32 to index
        %get3A_3735 = arith.constant 96 : index
        %get3A_3736 = tpu.vector_load %arg8[%get3A_3733, %get3A_3734, %get3A_3735] {strides = array<i32>} : memref<2x16x256xf32, #tpu.memory_space<vmem>>, vector<1x1x16xf32>,
        %get3A_3737 = vector.shape_cast %get3A_3736 : vector<1x1x16xf32> to vector<16xf32>
        %mul3A_3738 = arith.mulf %get3A_3737, %gather3A_2666 : vector<16xf32>
        %add3A_3739 = arith.addf %mul3A_3730, %mul3A_3738 : vector<16xf32>
        %get3A_3740 = arith.constant 1 : i32
        %get3A_3741 = arith.constant 2 : i32
        %get3A_3742 = arith.index_cast %get3A_3740 : i32 to index
        %get3A_3743 = arith.index_cast %get3A_3741 : i32 to index
        %get3A_3744 = arith.constant 96 : index
        %get3A_3745 = tpu.vector_load %arg8[%get3A_3742, %get3A_3743, %get3A_3744] {strides = array<i32>} : memref<2x16x256xf32, #tpu.memory_space<vmem>>, vector<1x1x16xf32>,
        %get3A_3746 = vector.shape_cast %get3A_3745 : vector<1x1x16xf32> to vector<16xf32>
        %mul3A_3747 = arith.mulf %get3A_3746, %gather3A_2678 : vector<16xf32>
        %add3A_3748 = arith.addf %add3A_3739, %mul3A_3747 : vector<16xf32>
        %get3A_3749 = arith.constant 1 : i32
        %get3A_3750 = arith.constant 3 : i32
        %get3A_3751 = arith.index_cast %get3A_3749 : i32 to index
        %get3A_3752 = arith.index_cast %get3A_3750 : i32 to index
        %get3A_3753 = arith.constant 96 : index
        %get3A_3754 = tpu.vector_load %arg8[%get3A_3751, %get3A_3752, %get3A_3753] {strides = array<i32>} : memref<2x16x256xf32, #tpu.memory_space<vmem>>, vector<1x1x16xf32>,
        %get3A_3755 = vector.shape_cast %get3A_3754 : vector<1x1x16xf32> to vector<16xf32>
        %mul3A_3756 = arith.mulf %get3A_3755, %gather3A_2690 : vector<16xf32>
        %add3A_3757 = arith.addf %add3A_3748, %mul3A_3756 : vector<16xf32>
        %get3A_3758 = arith.constant 1 : i32
        %get3A_3759 = arith.constant 4 : i32
        %get3A_3760 = arith.index_cast %get3A_3758 : i32 to index
        %get3A_3761 = arith.index_cast %get3A_3759 : i32 to index
        %get3A_3762 = arith.constant 96 : index
        %get3A_3763 = tpu.vector_load %arg8[%get3A_3760, %get3A_3761, %get3A_3762] {strides = array<i32>} : memref<2x16x256xf32, #tpu.memory_space<vmem>>, vector<1x1x16xf32>,
        %get3A_3764 = vector.shape_cast %get3A_3763 : vector<1x1x16xf32> to vector<16xf32>
        %mul3A_3765 = arith.mulf %get3A_3764, %gather3A_2702 : vector<16xf32>
        %add3A_3766 = arith.addf %add3A_3757, %mul3A_3765 : vector<16xf32>
        %get3A_3767 = arith.constant 1 : i32
        %get3A_3768 = arith.constant 5 : i32
        %get3A_3769 = arith.index_cast %get3A_3767 : i32 to index
        %get3A_3770 = arith.index_cast %get3A_3768 : i32 to index
        %get3A_3771 = arith.constant 96 : index
        %get3A_3772 = tpu.vector_load %arg8[%get3A_3769, %get3A_3770, %get3A_3771] {strides = array<i32>} : memref<2x16x256xf32, #tpu.memory_space<vmem>>, vector<1x1x16xf32>,
        %get3A_3773 = vector.shape_cast %get3A_3772 : vector<1x1x16xf32> to vector<16xf32>
        %mul3A_3774 = arith.mulf %get3A_3773, %gather3A_2714 : vector<16xf32>
        %add3A_3775 = arith.addf %add3A_3766, %mul3A_3774 : vector<16xf32>
        %get3A_3776 = arith.constant 1 : i32
        %get3A_3777 = arith.constant 6 : i32
        %get3A_3778 = arith.index_cast %get3A_3776 : i32 to index
        %get3A_3779 = arith.index_cast %get3A_3777 : i32 to index
        %get3A_3780 = arith.constant 96 : index
        %get3A_3781 = tpu.vector_load %arg8[%get3A_3778, %get3A_3779, %get3A_3780] {strides = array<i32>} : memref<2x16x256xf32, #tpu.memory_space<vmem>>, vector<1x1x16xf32>,
        %get3A_3782 = vector.shape_cast %get3A_3781 : vector<1x1x16xf32> to vector<16xf32>
        %mul3A_3783 = arith.mulf %get3A_3782, %gather3A_2726 : vector<16xf32>
        %add3A_3784 = arith.addf %add3A_3775, %mul3A_3783 : vector<16xf32>
        %get3A_3785 = arith.constant 1 : i32
        %get3A_3786 = arith.constant 7 : i32
        %get3A_3787 = arith.index_cast %get3A_3785 : i32 to index
        %get3A_3788 = arith.index_cast %get3A_3786 : i32 to index
        %get3A_3789 = arith.constant 96 : index
        %get3A_3790 = tpu.vector_load %arg8[%get3A_3787, %get3A_3788, %get3A_3789] {strides = array<i32>} : memref<2x16x256xf32, #tpu.memory_space<vmem>>, vector<1x1x16xf32>,
        %get3A_3791 = vector.shape_cast %get3A_3790 : vector<1x1x16xf32> to vector<16xf32>
        %mul3A_3792 = arith.mulf %get3A_3791, %gather3A_2738 : vector<16xf32>
        %add3A_3793 = arith.addf %add3A_3784, %mul3A_3792 : vector<16xf32>
        %get3A_3794 = arith.constant 1 : i32
        %get3A_3795 = arith.constant 8 : i32
        %get3A_3796 = arith.index_cast %get3A_3794 : i32 to index
        %get3A_3797 = arith.index_cast %get3A_3795 : i32 to index
        %get3A_3798 = arith.constant 96 : index
        %get3A_3799 = tpu.vector_load %arg8[%get3A_3796, %get3A_3797, %get3A_3798] {strides = array<i32>} : memref<2x16x256xf32, #tpu.memory_space<vmem>>, vector<1x1x16xf32>,
        %get3A_3800 = vector.shape_cast %get3A_3799 : vector<1x1x16xf32> to vector<16xf32>
        %mul3A_3801 = arith.mulf %get3A_3800, %gather3A_2750 : vector<16xf32>
        %add3A_3802 = arith.addf %add3A_3793, %mul3A_3801 : vector<16xf32>
        %get3A_3803 = arith.constant 1 : i32
        %get3A_3804 = arith.constant 9 : i32
        %get3A_3805 = arith.index_cast %get3A_3803 : i32 to index
        %get3A_3806 = arith.index_cast %get3A_3804 : i32 to index
        %get3A_3807 = arith.constant 96 : index
        %get3A_3808 = tpu.vector_load %arg8[%get3A_3805, %get3A_3806, %get3A_3807] {strides = array<i32>} : memref<2x16x256xf32, #tpu.memory_space<vmem>>, vector<1x1x16xf32>,
        %get3A_3809 = vector.shape_cast %get3A_3808 : vector<1x1x16xf32> to vector<16xf32>
        %mul3A_3810 = arith.mulf %get3A_3809, %gather3A_2762 : vector<16xf32>
        %add3A_3811 = arith.addf %add3A_3802, %mul3A_3810 : vector<16xf32>
        %get3A_3812 = arith.constant 1 : i32
        %get3A_3813 = arith.constant 10 : i32
        %get3A_3814 = arith.index_cast %get3A_3812 : i32 to index
        %get3A_3815 = arith.index_cast %get3A_3813 : i32 to index
        %get3A_3816 = arith.constant 96 : index
        %get3A_3817 = tpu.vector_load %arg8[%get3A_3814, %get3A_3815, %get3A_3816] {strides = array<i32>} : memref<2x16x256xf32, #tpu.memory_space<vmem>>, vector<1x1x16xf32>,
        %get3A_3818 = vector.shape_cast %get3A_3817 : vector<1x1x16xf32> to vector<16xf32>
        %mul3A_3819 = arith.mulf %get3A_3818, %gather3A_2774 : vector<16xf32>
        %add3A_3820 = arith.addf %add3A_3811, %mul3A_3819 : vector<16xf32>
        %get3A_3821 = arith.constant 1 : i32
        %get3A_3822 = arith.constant 11 : i32
        %get3A_3823 = arith.index_cast %get3A_3821 : i32 to index
        %get3A_3824 = arith.index_cast %get3A_3822 : i32 to index
        %get3A_3825 = arith.constant 96 : index
        %get3A_3826 = tpu.vector_load %arg8[%get3A_3823, %get3A_3824, %get3A_3825] {strides = array<i32>} : memref<2x16x256xf32, #tpu.memory_space<vmem>>, vector<1x1x16xf32>,
        %get3A_3827 = vector.shape_cast %get3A_3826 : vector<1x1x16xf32> to vector<16xf32>
        %mul3A_3828 = arith.mulf %get3A_3827, %gather3A_2786 : vector<16xf32>
        %add3A_3829 = arith.addf %add3A_3820, %mul3A_3828 : vector<16xf32>
        %get3A_3830 = arith.constant 1 : i32
        %get3A_3831 = arith.constant 12 : i32
        %get3A_3832 = arith.index_cast %get3A_3830 : i32 to index
        %get3A_3833 = arith.index_cast %get3A_3831 : i32 to index
        %get3A_3834 = arith.constant 96 : index
        %get3A_3835 = tpu.vector_load %arg8[%get3A_3832, %get3A_3833, %get3A_3834] {strides = array<i32>} : memref<2x16x256xf32, #tpu.memory_space<vmem>>, vector<1x1x16xf32>,
        %get3A_3836 = vector.shape_cast %get3A_3835 : vector<1x1x16xf32> to vector<16xf32>
        %mul3A_3837 = arith.mulf %get3A_3836, %gather3A_2798 : vector<16xf32>
        %add3A_3838 = arith.addf %add3A_3829, %mul3A_3837 : vector<16xf32>
        %get3A_3839 = arith.constant 1 : i32
        %get3A_3840 = arith.constant 13 : i32
        %get3A_3841 = arith.index_cast %get3A_3839 : i32 to index
        %get3A_3842 = arith.index_cast %get3A_3840 : i32 to index
        %get3A_3843 = arith.constant 96 : index
        %get3A_3844 = tpu.vector_load %arg8[%get3A_3841, %get3A_3842, %get3A_3843] {strides = array<i32>} : memref<2x16x256xf32, #tpu.memory_space<vmem>>, vector<1x1x16xf32>,
        %get3A_3845 = vector.shape_cast %get3A_3844 : vector<1x1x16xf32> to vector<16xf32>
        %mul3A_3846 = arith.mulf %get3A_3845, %gather3A_2810 : vector<16xf32>
        %add3A_3847 = arith.addf %add3A_3838, %mul3A_3846 : vector<16xf32>
        %get3A_3848 = arith.constant 1 : i32
        %get3A_3849 = arith.constant 14 : i32
        %get3A_3850 = arith.index_cast %get3A_3848 : i32 to index
        %get3A_3851 = arith.index_cast %get3A_3849 : i32 to index
        %get3A_3852 = arith.constant 96 : index
        %get3A_3853 = tpu.vector_load %arg8[%get3A_3850, %get3A_3851, %get3A_3852] {strides = array<i32>} : memref<2x16x256xf32, #tpu.memory_space<vmem>>, vector<1x1x16xf32>,
        %get3A_3854 = vector.shape_cast %get3A_3853 : vector<1x1x16xf32> to vector<16xf32>
        %mul3A_3855 = arith.mulf %get3A_3854, %gather3A_2822 : vector<16xf32>
        %add3A_3856 = arith.addf %add3A_3847, %mul3A_3855 : vector<16xf32>
        %get3A_3857 = arith.constant 1 : i32
        %get3A_3858 = arith.constant 15 : i32
        %get3A_3859 = arith.index_cast %get3A_3857 : i32 to index
        %get3A_3860 = arith.index_cast %get3A_3858 : i32 to index
        %get3A_3861 = arith.constant 96 : index
        %get3A_3862 = tpu.vector_load %arg8[%get3A_3859, %get3A_3860, %get3A_3861] {strides = array<i32>} : memref<2x16x256xf32, #tpu.memory_space<vmem>>, vector<1x1x16xf32>,
        %get3A_3863 = vector.shape_cast %get3A_3862 : vector<1x1x16xf32> to vector<16xf32>
        %mul3A_3864 = arith.mulf %get3A_3863, %gather3A_2834 : vector<16xf32>
        %add3A_3865 = arith.addf %add3A_3856, %mul3A_3864 : vector<16xf32>
        %swap3A_3866 = arith.index_cast %add3A_2637 : i32 to index
        %swap3A_3867 = arith.constant 96 : index
        %swap3A_3868 = tpu.vector_load %arg9[%swap3A_3866, %swap3A_3867] {strides = array<i32>} : memref<112x256xf32, #tpu.memory_space<vmem>>, vector<1x16xf32>,
        %swap3A_3869 = vector.shape_cast %swap3A_3868 : vector<1x16xf32> to vector<16xf32>
        %swap3A_3870 = vector.shape_cast %add3A_3865 : vector<16xf32> to vector<1x16xf32>
        tpu.vector_store %arg9[%swap3A_3866, %swap3A_3867], %swap3A_3870 {strides = array<i32>} : memref<112x256xf32, #tpu.memory_space<vmem>>, vector<1x16xf32>,
        %get3A_3871 = arith.constant 1 : i32
        %get3A_3872 = arith.constant 0 : i32
        %get3A_3873 = arith.index_cast %get3A_3871 : i32 to index
        %get3A_3874 = arith.index_cast %get3A_3872 : i32 to index
        %get3A_3875 = arith.constant 112 : index
        %get3A_3876 = tpu.vector_load %arg8[%get3A_3873, %get3A_3874, %get3A_3875] {strides = array<i32>} : memref<2x16x256xf32, #tpu.memory_space<vmem>>, vector<1x1x16xf32>,
        %get3A_3877 = vector.shape_cast %get3A_3876 : vector<1x1x16xf32> to vector<16xf32>
        %mul3A_3878 = arith.mulf %get3A_3877, %gather3A_2654 : vector<16xf32>
        %get3A_3879 = arith.constant 1 : i32
        %get3A_3880 = arith.constant 1 : i32
        %get3A_3881 = arith.index_cast %get3A_3879 : i32 to index
        %get3A_3882 = arith.index_cast %get3A_3880 : i32 to index
        %get3A_3883 = arith.constant 112 : index
        %get3A_3884 = tpu.vector_load %arg8[%get3A_3881, %get3A_3882, %get3A_3883] {strides = array<i32>} : memref<2x16x256xf32, #tpu.memory_space<vmem>>, vector<1x1x16xf32>,
        %get3A_3885 = vector.shape_cast %get3A_3884 : vector<1x1x16xf32> to vector<16xf32>
        %mul3A_3886 = arith.mulf %get3A_3885, %gather3A_2666 : vector<16xf32>
        %add3A_3887 = arith.addf %mul3A_3878, %mul3A_3886 : vector<16xf32>
        %get3A_3888 = arith.constant 1 : i32
        %get3A_3889 = arith.constant 2 : i32
        %get3A_3890 = arith.index_cast %get3A_3888 : i32 to index
        %get3A_3891 = arith.index_cast %get3A_3889 : i32 to index
        %get3A_3892 = arith.constant 112 : index
        %get3A_3893 = tpu.vector_load %arg8[%get3A_3890, %get3A_3891, %get3A_3892] {strides = array<i32>} : memref<2x16x256xf32, #tpu.memory_space<vmem>>, vector<1x1x16xf32>,
        %get3A_3894 = vector.shape_cast %get3A_3893 : vector<1x1x16xf32> to vector<16xf32>
        %mul3A_3895 = arith.mulf %get3A_3894, %gather3A_2678 : vector<16xf32>
        %add3A_3896 = arith.addf %add3A_3887, %mul3A_3895 : vector<16xf32>
        %get3A_3897 = arith.constant 1 : i32
        %get3A_3898 = arith.constant 3 : i32
        %get3A_3899 = arith.index_cast %get3A_3897 : i32 to index
        %get3A_3900 = arith.index_cast %get3A_3898 : i32 to index
        %get3A_3901 = arith.constant 112 : index
        %get3A_3902 = tpu.vector_load %arg8[%get3A_3899, %get3A_3900, %get3A_3901] {strides = array<i32>} : memref<2x16x256xf32, #tpu.memory_space<vmem>>, vector<1x1x16xf32>,
        %get3A_3903 = vector.shape_cast %get3A_3902 : vector<1x1x16xf32> to vector<16xf32>
        %mul3A_3904 = arith.mulf %get3A_3903, %gather3A_2690 : vector<16xf32>
        %add3A_3905 = arith.addf %add3A_3896, %mul3A_3904 : vector<16xf32>
        %get3A_3906 = arith.constant 1 : i32
        %get3A_3907 = arith.constant 4 : i32
        %get3A_3908 = arith.index_cast %get3A_3906 : i32 to index
        %get3A_3909 = arith.index_cast %get3A_3907 : i32 to index
        %get3A_3910 = arith.constant 112 : index
        %get3A_3911 = tpu.vector_load %arg8[%get3A_3908, %get3A_3909, %get3A_3910] {strides = array<i32>} : memref<2x16x256xf32, #tpu.memory_space<vmem>>, vector<1x1x16xf32>,
        %get3A_3912 = vector.shape_cast %get3A_3911 : vector<1x1x16xf32> to vector<16xf32>
        %mul3A_3913 = arith.mulf %get3A_3912, %gather3A_2702 : vector<16xf32>
        %add3A_3914 = arith.addf %add3A_3905, %mul3A_3913 : vector<16xf32>
        %get3A_3915 = arith.constant 1 : i32
        %get3A_3916 = arith.constant 5 : i32
        %get3A_3917 = arith.index_cast %get3A_3915 : i32 to index
        %get3A_3918 = arith.index_cast %get3A_3916 : i32 to index
        %get3A_3919 = arith.constant 112 : index
        %get3A_3920 = tpu.vector_load %arg8[%get3A_3917, %get3A_3918, %get3A_3919] {strides = array<i32>} : memref<2x16x256xf32, #tpu.memory_space<vmem>>, vector<1x1x16xf32>,
        %get3A_3921 = vector.shape_cast %get3A_3920 : vector<1x1x16xf32> to vector<16xf32>
        %mul3A_3922 = arith.mulf %get3A_3921, %gather3A_2714 : vector<16xf32>
        %add3A_3923 = arith.addf %add3A_3914, %mul3A_3922 : vector<16xf32>
        %get3A_3924 = arith.constant 1 : i32
        %get3A_3925 = arith.constant 6 : i32
        %get3A_3926 = arith.index_cast %get3A_3924 : i32 to index
        %get3A_3927 = arith.index_cast %get3A_3925 : i32 to index
        %get3A_3928 = arith.constant 112 : index
        %get3A_3929 = tpu.vector_load %arg8[%get3A_3926, %get3A_3927, %get3A_3928] {strides = array<i32>} : memref<2x16x256xf32, #tpu.memory_space<vmem>>, vector<1x1x16xf32>,
        %get3A_3930 = vector.shape_cast %get3A_3929 : vector<1x1x16xf32> to vector<16xf32>
        %mul3A_3931 = arith.mulf %get3A_3930, %gather3A_2726 : vector<16xf32>
        %add3A_3932 = arith.addf %add3A_3923, %mul3A_3931 : vector<16xf32>
        %get3A_3933 = arith.constant 1 : i32
        %get3A_3934 = arith.constant 7 : i32
        %get3A_3935 = arith.index_cast %get3A_3933 : i32 to index
        %get3A_3936 = arith.index_cast %get3A_3934 : i32 to index
        %get3A_3937 = arith.constant 112 : index
        %get3A_3938 = tpu.vector_load %arg8[%get3A_3935, %get3A_3936, %get3A_3937] {strides = array<i32>} : memref<2x16x256xf32, #tpu.memory_space<vmem>>, vector<1x1x16xf32>,
        %get3A_3939 = vector.shape_cast %get3A_3938 : vector<1x1x16xf32> to vector<16xf32>
        %mul3A_3940 = arith.mulf %get3A_3939, %gather3A_2738 : vector<16xf32>
        %add3A_3941 = arith.addf %add3A_3932, %mul3A_3940 : vector<16xf32>
        %get3A_3942 = arith.constant 1 : i32
        %get3A_3943 = arith.constant 8 : i32
        %get3A_3944 = arith.index_cast %get3A_3942 : i32 to index
        %get3A_3945 = arith.index_cast %get3A_3943 : i32 to index
        %get3A_3946 = arith.constant 112 : index
        %get3A_3947 = tpu.vector_load %arg8[%get3A_3944, %get3A_3945, %get3A_3946] {strides = array<i32>} : memref<2x16x256xf32, #tpu.memory_space<vmem>>, vector<1x1x16xf32>,
        %get3A_3948 = vector.shape_cast %get3A_3947 : vector<1x1x16xf32> to vector<16xf32>
        %mul3A_3949 = arith.mulf %get3A_3948, %gather3A_2750 : vector<16xf32>
        %add3A_3950 = arith.addf %add3A_3941, %mul3A_3949 : vector<16xf32>
        %get3A_3951 = arith.constant 1 : i32
        %get3A_3952 = arith.constant 9 : i32
        %get3A_3953 = arith.index_cast %get3A_3951 : i32 to index
        %get3A_3954 = arith.index_cast %get3A_3952 : i32 to index
        %get3A_3955 = arith.constant 112 : index
        %get3A_3956 = tpu.vector_load %arg8[%get3A_3953, %get3A_3954, %get3A_3955] {strides = array<i32>} : memref<2x16x256xf32, #tpu.memory_space<vmem>>, vector<1x1x16xf32>,
        %get3A_3957 = vector.shape_cast %get3A_3956 : vector<1x1x16xf32> to vector<16xf32>
        %mul3A_3958 = arith.mulf %get3A_3957, %gather3A_2762 : vector<16xf32>
        %add3A_3959 = arith.addf %add3A_3950, %mul3A_3958 : vector<16xf32>
        %get3A_3960 = arith.constant 1 : i32
        %get3A_3961 = arith.constant 10 : i32
        %get3A_3962 = arith.index_cast %get3A_3960 : i32 to index
        %get3A_3963 = arith.index_cast %get3A_3961 : i32 to index
        %get3A_3964 = arith.constant 112 : index
        %get3A_3965 = tpu.vector_load %arg8[%get3A_3962, %get3A_3963, %get3A_3964] {strides = array<i32>} : memref<2x16x256xf32, #tpu.memory_space<vmem>>, vector<1x1x16xf32>,
        %get3A_3966 = vector.shape_cast %get3A_3965 : vector<1x1x16xf32> to vector<16xf32>
        %mul3A_3967 = arith.mulf %get3A_3966, %gather3A_2774 : vector<16xf32>
        %add3A_3968 = arith.addf %add3A_3959, %mul3A_3967 : vector<16xf32>
        %get3A_3969 = arith.constant 1 : i32
        %get3A_3970 = arith.constant 11 : i32
        %get3A_3971 = arith.index_cast %get3A_3969 : i32 to index
        %get3A_3972 = arith.index_cast %get3A_3970 : i32 to index
        %get3A_3973 = arith.constant 112 : index
        %get3A_3974 = tpu.vector_load %arg8[%get3A_3971, %get3A_3972, %get3A_3973] {strides = array<i32>} : memref<2x16x256xf32, #tpu.memory_space<vmem>>, vector<1x1x16xf32>,
        %get3A_3975 = vector.shape_cast %get3A_3974 : vector<1x1x16xf32> to vector<16xf32>
        %mul3A_3976 = arith.mulf %get3A_3975, %gather3A_2786 : vector<16xf32>
        %add3A_3977 = arith.addf %add3A_3968, %mul3A_3976 : vector<16xf32>
        %get3A_3978 = arith.constant 1 : i32
        %get3A_3979 = arith.constant 12 : i32
        %get3A_3980 = arith.index_cast %get3A_3978 : i32 to index
        %get3A_3981 = arith.index_cast %get3A_3979 : i32 to index
        %get3A_3982 = arith.constant 112 : index
        %get3A_3983 = tpu.vector_load %arg8[%get3A_3980, %get3A_3981, %get3A_3982] {strides = array<i32>} : memref<2x16x256xf32, #tpu.memory_space<vmem>>, vector<1x1x16xf32>,
        %get3A_3984 = vector.shape_cast %get3A_3983 : vector<1x1x16xf32> to vector<16xf32>
        %mul3A_3985 = arith.mulf %get3A_3984, %gather3A_2798 : vector<16xf32>
        %add3A_3986 = arith.addf %add3A_3977, %mul3A_3985 : vector<16xf32>
        %get3A_3987 = arith.constant 1 : i32
        %get3A_3988 = arith.constant 13 : i32
        %get3A_3989 = arith.index_cast %get3A_3987 : i32 to index
        %get3A_3990 = arith.index_cast %get3A_3988 : i32 to index
        %get3A_3991 = arith.constant 112 : index
        %get3A_3992 = tpu.vector_load %arg8[%get3A_3989, %get3A_3990, %get3A_3991] {strides = array<i32>} : memref<2x16x256xf32, #tpu.memory_space<vmem>>, vector<1x1x16xf32>,
        %get3A_3993 = vector.shape_cast %get3A_3992 : vector<1x1x16xf32> to vector<16xf32>
        %mul3A_3994 = arith.mulf %get3A_3993, %gather3A_2810 : vector<16xf32>
        %add3A_3995 = arith.addf %add3A_3986, %mul3A_3994 : vector<16xf32>
        %get3A_3996 = arith.constant 1 : i32
        %get3A_3997 = arith.constant 14 : i32
        %get3A_3998 = arith.index_cast %get3A_3996 : i32 to index
        %get3A_3999 = arith.index_cast %get3A_3997 : i32 to index
        %get3A_4000 = arith.constant 112 : index
        %get3A_4001 = tpu.vector_load %arg8[%get3A_3998, %get3A_3999, %get3A_4000] {strides = array<i32>} : memref<2x16x256xf32, #tpu.memory_space<vmem>>, vector<1x1x16xf32>,
        %get3A_4002 = vector.shape_cast %get3A_4001 : vector<1x1x16xf32> to vector<16xf32>
        %mul3A_4003 = arith.mulf %get3A_4002, %gather3A_2822 : vector<16xf32>
        %add3A_4004 = arith.addf %add3A_3995, %mul3A_4003 : vector<16xf32>
        %get3A_4005 = arith.constant 1 : i32
        %get3A_4006 = arith.constant 15 : i32
        %get3A_4007 = arith.index_cast %get3A_4005 : i32 to index
        %get3A_4008 = arith.index_cast %get3A_4006 : i32 to index
        %get3A_4009 = arith.constant 112 : index
        %get3A_4010 = tpu.vector_load %arg8[%get3A_4007, %get3A_4008, %get3A_4009] {strides = array<i32>} : memref<2x16x256xf32, #tpu.memory_space<vmem>>, vector<1x1x16xf32>,
        %get3A_4011 = vector.shape_cast %get3A_4010 : vector<1x1x16xf32> to vector<16xf32>
        %mul3A_4012 = arith.mulf %get3A_4011, %gather3A_2834 : vector<16xf32>
        %add3A_4013 = arith.addf %add3A_4004, %mul3A_4012 : vector<16xf32>
        %swap3A_4014 = arith.index_cast %add3A_2637 : i32 to index
        %swap3A_4015 = arith.constant 112 : index
        %swap3A_4016 = tpu.vector_load %arg9[%swap3A_4014, %swap3A_4015] {strides = array<i32>} : memref<112x256xf32, #tpu.memory_space<vmem>>, vector<1x16xf32>,
        %swap3A_4017 = vector.shape_cast %swap3A_4016 : vector<1x16xf32> to vector<16xf32>
        %swap3A_4018 = vector.shape_cast %add3A_4013 : vector<16xf32> to vector<1x16xf32>
        tpu.vector_store %arg9[%swap3A_4014, %swap3A_4015], %swap3A_4018 {strides = array<i32>} : memref<112x256xf32, #tpu.memory_space<vmem>>, vector<1x16xf32>,
        %get3A_4019 = arith.constant 1 : i32
        %get3A_4020 = arith.constant 0 : i32
        %get3A_4021 = arith.index_cast %get3A_4019 : i32 to index
        %get3A_4022 = arith.index_cast %get3A_4020 : i32 to index
        %get3A_4023 = arith.constant 128 : index
        %get3A_4024 = tpu.vector_load %arg8[%get3A_4021, %get3A_4022, %get3A_4023] {strides = array<i32>} : memref<2x16x256xf32, #tpu.memory_space<vmem>>, vector<1x1x16xf32>,
        %get3A_4025 = vector.shape_cast %get3A_4024 : vector<1x1x16xf32> to vector<16xf32>
        %mul3A_4026 = arith.mulf %get3A_4025, %gather3A_2654 : vector<16xf32>
        %get3A_4027 = arith.constant 1 : i32
        %get3A_4028 = arith.constant 1 : i32
        %get3A_4029 = arith.index_cast %get3A_4027 : i32 to index
        %get3A_4030 = arith.index_cast %get3A_4028 : i32 to index
        %get3A_4031 = arith.constant 128 : index
        %get3A_4032 = tpu.vector_load %arg8[%get3A_4029, %get3A_4030, %get3A_4031] {strides = array<i32>} : memref<2x16x256xf32, #tpu.memory_space<vmem>>, vector<1x1x16xf32>,
        %get3A_4033 = vector.shape_cast %get3A_4032 : vector<1x1x16xf32> to vector<16xf32>
        %mul3A_4034 = arith.mulf %get3A_4033, %gather3A_2666 : vector<16xf32>
        %add3A_4035 = arith.addf %mul3A_4026, %mul3A_4034 : vector<16xf32>
        %get3A_4036 = arith.constant 1 : i32
        %get3A_4037 = arith.constant 2 : i32
        %get3A_4038 = arith.index_cast %get3A_4036 : i32 to index
        %get3A_4039 = arith.index_cast %get3A_4037 : i32 to index
        %get3A_4040 = arith.constant 128 : index
        %get3A_4041 = tpu.vector_load %arg8[%get3A_4038, %get3A_4039, %get3A_4040] {strides = array<i32>} : memref<2x16x256xf32, #tpu.memory_space<vmem>>, vector<1x1x16xf32>,
        %get3A_4042 = vector.shape_cast %get3A_4041 : vector<1x1x16xf32> to vector<16xf32>
        %mul3A_4043 = arith.mulf %get3A_4042, %gather3A_2678 : vector<16xf32>
        %add3A_4044 = arith.addf %add3A_4035, %mul3A_4043 : vector<16xf32>
        %get3A_4045 = arith.constant 1 : i32
        %get3A_4046 = arith.constant 3 : i32
        %get3A_4047 = arith.index_cast %get3A_4045 : i32 to index
        %get3A_4048 = arith.index_cast %get3A_4046 : i32 to index
        %get3A_4049 = arith.constant 128 : index
        %get3A_4050 = tpu.vector_load %arg8[%get3A_4047, %get3A_4048, %get3A_4049] {strides = array<i32>} : memref<2x16x256xf32, #tpu.memory_space<vmem>>, vector<1x1x16xf32>,
        %get3A_4051 = vector.shape_cast %get3A_4050 : vector<1x1x16xf32> to vector<16xf32>
        %mul3A_4052 = arith.mulf %get3A_4051, %gather3A_2690 : vector<16xf32>
        %add3A_4053 = arith.addf %add3A_4044, %mul3A_4052 : vector<16xf32>
        %get3A_4054 = arith.constant 1 : i32
        %get3A_4055 = arith.constant 4 : i32
        %get3A_4056 = arith.index_cast %get3A_4054 : i32 to index
        %get3A_4057 = arith.index_cast %get3A_4055 : i32 to index
        %get3A_4058 = arith.constant 128 : index
        %get3A_4059 = tpu.vector_load %arg8[%get3A_4056, %get3A_4057, %get3A_4058] {strides = array<i32>} : memref<2x16x256xf32, #tpu.memory_space<vmem>>, vector<1x1x16xf32>,
        %get3A_4060 = vector.shape_cast %get3A_4059 : vector<1x1x16xf32> to vector<16xf32>
        %mul3A_4061 = arith.mulf %get3A_4060, %gather3A_2702 : vector<16xf32>
        %add3A_4062 = arith.addf %add3A_4053, %mul3A_4061 : vector<16xf32>
        %get3A_4063 = arith.constant 1 : i32
        %get3A_4064 = arith.constant 5 : i32
        %get3A_4065 = arith.index_cast %get3A_4063 : i32 to index
        %get3A_4066 = arith.index_cast %get3A_4064 : i32 to index
        %get3A_4067 = arith.constant 128 : index
        %get3A_4068 = tpu.vector_load %arg8[%get3A_4065, %get3A_4066, %get3A_4067] {strides = array<i32>} : memref<2x16x256xf32, #tpu.memory_space<vmem>>, vector<1x1x16xf32>,
        %get3A_4069 = vector.shape_cast %get3A_4068 : vector<1x1x16xf32> to vector<16xf32>
        %mul3A_4070 = arith.mulf %get3A_4069, %gather3A_2714 : vector<16xf32>
        %add3A_4071 = arith.addf %add3A_4062, %mul3A_4070 : vector<16xf32>
        %get3A_4072 = arith.constant 1 : i32
        %get3A_4073 = arith.constant 6 : i32
        %get3A_4074 = arith.index_cast %get3A_4072 : i32 to index
        %get3A_4075 = arith.index_cast %get3A_4073 : i32 to index
        %get3A_4076 = arith.constant 128 : index
        %get3A_4077 = tpu.vector_load %arg8[%get3A_4074, %get3A_4075, %get3A_4076] {strides = array<i32>} : memref<2x16x256xf32, #tpu.memory_space<vmem>>, vector<1x1x16xf32>,
        %get3A_4078 = vector.shape_cast %get3A_4077 : vector<1x1x16xf32> to vector<16xf32>
        %mul3A_4079 = arith.mulf %get3A_4078, %gather3A_2726 : vector<16xf32>
        %add3A_4080 = arith.addf %add3A_4071, %mul3A_4079 : vector<16xf32>
        %get3A_4081 = arith.constant 1 : i32
        %get3A_4082 = arith.constant 7 : i32
        %get3A_4083 = arith.index_cast %get3A_4081 : i32 to index
        %get3A_4084 = arith.index_cast %get3A_4082 : i32 to index
        %get3A_4085 = arith.constant 128 : index
        %get3A_4086 = tpu.vector_load %arg8[%get3A_4083, %get3A_4084, %get3A_4085] {strides = array<i32>} : memref<2x16x256xf32, #tpu.memory_space<vmem>>, vector<1x1x16xf32>,
        %get3A_4087 = vector.shape_cast %get3A_4086 : vector<1x1x16xf32> to vector<16xf32>
        %mul3A_4088 = arith.mulf %get3A_4087, %gather3A_2738 : vector<16xf32>
        %add3A_4089 = arith.addf %add3A_4080, %mul3A_4088 : vector<16xf32>
        %get3A_4090 = arith.constant 1 : i32
        %get3A_4091 = arith.constant 8 : i32
        %get3A_4092 = arith.index_cast %get3A_4090 : i32 to index
        %get3A_4093 = arith.index_cast %get3A_4091 : i32 to index
        %get3A_4094 = arith.constant 128 : index
        %get3A_4095 = tpu.vector_load %arg8[%get3A_4092, %get3A_4093, %get3A_4094] {strides = array<i32>} : memref<2x16x256xf32, #tpu.memory_space<vmem>>, vector<1x1x16xf32>,
        %get3A_4096 = vector.shape_cast %get3A_4095 : vector<1x1x16xf32> to vector<16xf32>
        %mul3A_4097 = arith.mulf %get3A_4096, %gather3A_2750 : vector<16xf32>
        %add3A_4098 = arith.addf %add3A_4089, %mul3A_4097 : vector<16xf32>
        %get3A_4099 = arith.constant 1 : i32
        %get3A_4100 = arith.constant 9 : i32
        %get3A_4101 = arith.index_cast %get3A_4099 : i32 to index
        %get3A_4102 = arith.index_cast %get3A_4100 : i32 to index
        %get3A_4103 = arith.constant 128 : index
        %get3A_4104 = tpu.vector_load %arg8[%get3A_4101, %get3A_4102, %get3A_4103] {strides = array<i32>} : memref<2x16x256xf32, #tpu.memory_space<vmem>>, vector<1x1x16xf32>,
        %get3A_4105 = vector.shape_cast %get3A_4104 : vector<1x1x16xf32> to vector<16xf32>
        %mul3A_4106 = arith.mulf %get3A_4105, %gather3A_2762 : vector<16xf32>
        %add3A_4107 = arith.addf %add3A_4098, %mul3A_4106 : vector<16xf32>
        %get3A_4108 = arith.constant 1 : i32
        %get3A_4109 = arith.constant 10 : i32
        %get3A_4110 = arith.index_cast %get3A_4108 : i32 to index
        %get3A_4111 = arith.index_cast %get3A_4109 : i32 to index
        %get3A_4112 = arith.constant 128 : index
        %get3A_4113 = tpu.vector_load %arg8[%get3A_4110, %get3A_4111, %get3A_4112] {strides = array<i32>} : memref<2x16x256xf32, #tpu.memory_space<vmem>>, vector<1x1x16xf32>,
        %get3A_4114 = vector.shape_cast %get3A_4113 : vector<1x1x16xf32> to vector<16xf32>
        %mul3A_4115 = arith.mulf %get3A_4114, %gather3A_2774 : vector<16xf32>
        %add3A_4116 = arith.addf %add3A_4107, %mul3A_4115 : vector<16xf32>
        %get3A_4117 = arith.constant 1 : i32
        %get3A_4118 = arith.constant 11 : i32
        %get3A_4119 = arith.index_cast %get3A_4117 : i32 to index
        %get3A_4120 = arith.index_cast %get3A_4118 : i32 to index
        %get3A_4121 = arith.constant 128 : index
        %get3A_4122 = tpu.vector_load %arg8[%get3A_4119, %get3A_4120, %get3A_4121] {strides = array<i32>} : memref<2x16x256xf32, #tpu.memory_space<vmem>>, vector<1x1x16xf32>,
        %get3A_4123 = vector.shape_cast %get3A_4122 : vector<1x1x16xf32> to vector<16xf32>
        %mul3A_4124 = arith.mulf %get3A_4123, %gather3A_2786 : vector<16xf32>
        %add3A_4125 = arith.addf %add3A_4116, %mul3A_4124 : vector<16xf32>
        %get3A_4126 = arith.constant 1 : i32
        %get3A_4127 = arith.constant 12 : i32
        %get3A_4128 = arith.index_cast %get3A_4126 : i32 to index
        %get3A_4129 = arith.index_cast %get3A_4127 : i32 to index
        %get3A_4130 = arith.constant 128 : index
        %get3A_4131 = tpu.vector_load %arg8[%get3A_4128, %get3A_4129, %get3A_4130] {strides = array<i32>} : memref<2x16x256xf32, #tpu.memory_space<vmem>>, vector<1x1x16xf32>,
        %get3A_4132 = vector.shape_cast %get3A_4131 : vector<1x1x16xf32> to vector<16xf32>
        %mul3A_4133 = arith.mulf %get3A_4132, %gather3A_2798 : vector<16xf32>
        %add3A_4134 = arith.addf %add3A_4125, %mul3A_4133 : vector<16xf32>
        %get3A_4135 = arith.constant 1 : i32
        %get3A_4136 = arith.constant 13 : i32
        %get3A_4137 = arith.index_cast %get3A_4135 : i32 to index
        %get3A_4138 = arith.index_cast %get3A_4136 : i32 to index
        %get3A_4139 = arith.constant 128 : index
        %get3A_4140 = tpu.vector_load %arg8[%get3A_4137, %get3A_4138, %get3A_4139] {strides = array<i32>} : memref<2x16x256xf32, #tpu.memory_space<vmem>>, vector<1x1x16xf32>,
        %get3A_4141 = vector.shape_cast %get3A_4140 : vector<1x1x16xf32> to vector<16xf32>
        %mul3A_4142 = arith.mulf %get3A_4141, %gather3A_2810 : vector<16xf32>
        %add3A_4143 = arith.addf %add3A_4134, %mul3A_4142 : vector<16xf32>
        %get3A_4144 = arith.constant 1 : i32
        %get3A_4145 = arith.constant 14 : i32
        %get3A_4146 = arith.index_cast %get3A_4144 : i32 to index
        %get3A_4147 = arith.index_cast %get3A_4145 : i32 to index
        %get3A_4148 = arith.constant 128 : index
        %get3A_4149 = tpu.vector_load %arg8[%get3A_4146, %get3A_4147, %get3A_4148] {strides = array<i32>} : memref<2x16x256xf32, #tpu.memory_space<vmem>>, vector<1x1x16xf32>,
        %get3A_4150 = vector.shape_cast %get3A_4149 : vector<1x1x16xf32> to vector<16xf32>
        %mul3A_4151 = arith.mulf %get3A_4150, %gather3A_2822 : vector<16xf32>
        %add3A_4152 = arith.addf %add3A_4143, %mul3A_4151 : vector<16xf32>
        %get3A_4153 = arith.constant 1 : i32
        %get3A_4154 = arith.constant 15 : i32
        %get3A_4155 = arith.index_cast %get3A_4153 : i32 to index
        %get3A_4156 = arith.index_cast %get3A_4154 : i32 to index
        %get3A_4157 = arith.constant 128 : index
        %get3A_4158 = tpu.vector_load %arg8[%get3A_4155, %get3A_4156, %get3A_4157] {strides = array<i32>} : memref<2x16x256xf32, #tpu.memory_space<vmem>>, vector<1x1x16xf32>,
        %get3A_4159 = vector.shape_cast %get3A_4158 : vector<1x1x16xf32> to vector<16xf32>
        %mul3A_4160 = arith.mulf %get3A_4159, %gather3A_2834 : vector<16xf32>
        %add3A_4161 = arith.addf %add3A_4152, %mul3A_4160 : vector<16xf32>
        %swap3A_4162 = arith.index_cast %add3A_2637 : i32 to index
        %swap3A_4163 = arith.constant 128 : index
        %swap3A_4164 = tpu.vector_load %arg9[%swap3A_4162, %swap3A_4163] {strides = array<i32>} : memref<112x256xf32, #tpu.memory_space<vmem>>, vector<1x16xf32>,
        %swap3A_4165 = vector.shape_cast %swap3A_4164 : vector<1x16xf32> to vector<16xf32>
        %swap3A_4166 = vector.shape_cast %add3A_4161 : vector<16xf32> to vector<1x16xf32>
        tpu.vector_store %arg9[%swap3A_4162, %swap3A_4163], %swap3A_4166 {strides = array<i32>} : memref<112x256xf32, #tpu.memory_space<vmem>>, vector<1x16xf32>,
        %get3A_4167 = arith.constant 1 : i32
        %get3A_4168 = arith.constant 0 : i32
        %get3A_4169 = arith.index_cast %get3A_4167 : i32 to index
        %get3A_4170 = arith.index_cast %get3A_4168 : i32 to index
        %get3A_4171 = arith.constant 144 : index
        %get3A_4172 = tpu.vector_load %arg8[%get3A_4169, %get3A_4170, %get3A_4171] {strides = array<i32>} : memref<2x16x256xf32, #tpu.memory_space<vmem>>, vector<1x1x16xf32>,
        %get3A_4173 = vector.shape_cast %get3A_4172 : vector<1x1x16xf32> to vector<16xf32>
        %mul3A_4174 = arith.mulf %get3A_4173, %gather3A_2654 : vector<16xf32>
        %get3A_4175 = arith.constant 1 : i32
        %get3A_4176 = arith.constant 1 : i32
        %get3A_4177 = arith.index_cast %get3A_4175 : i32 to index
        %get3A_4178 = arith.index_cast %get3A_4176 : i32 to index
        %get3A_4179 = arith.constant 144 : index
        %get3A_4180 = tpu.vector_load %arg8[%get3A_4177, %get3A_4178, %get3A_4179] {strides = array<i32>} : memref<2x16x256xf32, #tpu.memory_space<vmem>>, vector<1x1x16xf32>,
        %get3A_4181 = vector.shape_cast %get3A_4180 : vector<1x1x16xf32> to vector<16xf32>
        %mul3A_4182 = arith.mulf %get3A_4181, %gather3A_2666 : vector<16xf32>
        %add3A_4183 = arith.addf %mul3A_4174, %mul3A_4182 : vector<16xf32>
        %get3A_4184 = arith.constant 1 : i32
        %get3A_4185 = arith.constant 2 : i32
        %get3A_4186 = arith.index_cast %get3A_4184 : i32 to index
        %get3A_4187 = arith.index_cast %get3A_4185 : i32 to index
        %get3A_4188 = arith.constant 144 : index
        %get3A_4189 = tpu.vector_load %arg8[%get3A_4186, %get3A_4187, %get3A_4188] {strides = array<i32>} : memref<2x16x256xf32, #tpu.memory_space<vmem>>, vector<1x1x16xf32>,
        %get3A_4190 = vector.shape_cast %get3A_4189 : vector<1x1x16xf32> to vector<16xf32>
        %mul3A_4191 = arith.mulf %get3A_4190, %gather3A_2678 : vector<16xf32>
        %add3A_4192 = arith.addf %add3A_4183, %mul3A_4191 : vector<16xf32>
        %get3A_4193 = arith.constant 1 : i32
        %get3A_4194 = arith.constant 3 : i32
        %get3A_4195 = arith.index_cast %get3A_4193 : i32 to index
        %get3A_4196 = arith.index_cast %get3A_4194 : i32 to index
        %get3A_4197 = arith.constant 144 : index
        %get3A_4198 = tpu.vector_load %arg8[%get3A_4195, %get3A_4196, %get3A_4197] {strides = array<i32>} : memref<2x16x256xf32, #tpu.memory_space<vmem>>, vector<1x1x16xf32>,
        %get3A_4199 = vector.shape_cast %get3A_4198 : vector<1x1x16xf32> to vector<16xf32>
        %mul3A_4200 = arith.mulf %get3A_4199, %gather3A_2690 : vector<16xf32>
        %add3A_4201 = arith.addf %add3A_4192, %mul3A_4200 : vector<16xf32>
        %get3A_4202 = arith.constant 1 : i32
        %get3A_4203 = arith.constant 4 : i32
        %get3A_4204 = arith.index_cast %get3A_4202 : i32 to index
        %get3A_4205 = arith.index_cast %get3A_4203 : i32 to index
        %get3A_4206 = arith.constant 144 : index
        %get3A_4207 = tpu.vector_load %arg8[%get3A_4204, %get3A_4205, %get3A_4206] {strides = array<i32>} : memref<2x16x256xf32, #tpu.memory_space<vmem>>, vector<1x1x16xf32>,
        %get3A_4208 = vector.shape_cast %get3A_4207 : vector<1x1x16xf32> to vector<16xf32>
        %mul3A_4209 = arith.mulf %get3A_4208, %gather3A_2702 : vector<16xf32>
        %add3A_4210 = arith.addf %add3A_4201, %mul3A_4209 : vector<16xf32>
        %get3A_4211 = arith.constant 1 : i32
        %get3A_4212 = arith.constant 5 : i32
        %get3A_4213 = arith.index_cast %get3A_4211 : i32 to index
        %get3A_4214 = arith.index_cast %get3A_4212 : i32 to index
        %get3A_4215 = arith.constant 144 : index
        %get3A_4216 = tpu.vector_load %arg8[%get3A_4213, %get3A_4214, %get3A_4215] {strides = array<i32>} : memref<2x16x256xf32, #tpu.memory_space<vmem>>, vector<1x1x16xf32>,
        %get3A_4217 = vector.shape_cast %get3A_4216 : vector<1x1x16xf32> to vector<16xf32>
        %mul3A_4218 = arith.mulf %get3A_4217, %gather3A_2714 : vector<16xf32>
        %add3A_4219 = arith.addf %add3A_4210, %mul3A_4218 : vector<16xf32>
        %get3A_4220 = arith.constant 1 : i32
        %get3A_4221 = arith.constant 6 : i32
        %get3A_4222 = arith.index_cast %get3A_4220 : i32 to index
        %get3A_4223 = arith.index_cast %get3A_4221 : i32 to index
        %get3A_4224 = arith.constant 144 : index
        %get3A_4225 = tpu.vector_load %arg8[%get3A_4222, %get3A_4223, %get3A_4224] {strides = array<i32>} : memref<2x16x256xf32, #tpu.memory_space<vmem>>, vector<1x1x16xf32>,
        %get3A_4226 = vector.shape_cast %get3A_4225 : vector<1x1x16xf32> to vector<16xf32>
        %mul3A_4227 = arith.mulf %get3A_4226, %gather3A_2726 : vector<16xf32>
        %add3A_4228 = arith.addf %add3A_4219, %mul3A_4227 : vector<16xf32>
        %get3A_4229 = arith.constant 1 : i32
        %get3A_4230 = arith.constant 7 : i32
        %get3A_4231 = arith.index_cast %get3A_4229 : i32 to index
        %get3A_4232 = arith.index_cast %get3A_4230 : i32 to index
        %get3A_4233 = arith.constant 144 : index
        %get3A_4234 = tpu.vector_load %arg8[%get3A_4231, %get3A_4232, %get3A_4233] {strides = array<i32>} : memref<2x16x256xf32, #tpu.memory_space<vmem>>, vector<1x1x16xf32>,
        %get3A_4235 = vector.shape_cast %get3A_4234 : vector<1x1x16xf32> to vector<16xf32>
        %mul3A_4236 = arith.mulf %get3A_4235, %gather3A_2738 : vector<16xf32>
        %add3A_4237 = arith.addf %add3A_4228, %mul3A_4236 : vector<16xf32>
        %get3A_4238 = arith.constant 1 : i32
        %get3A_4239 = arith.constant 8 : i32
        %get3A_4240 = arith.index_cast %get3A_4238 : i32 to index
        %get3A_4241 = arith.index_cast %get3A_4239 : i32 to index
        %get3A_4242 = arith.constant 144 : index
        %get3A_4243 = tpu.vector_load %arg8[%get3A_4240, %get3A_4241, %get3A_4242] {strides = array<i32>} : memref<2x16x256xf32, #tpu.memory_space<vmem>>, vector<1x1x16xf32>,
        %get3A_4244 = vector.shape_cast %get3A_4243 : vector<1x1x16xf32> to vector<16xf32>
        %mul3A_4245 = arith.mulf %get3A_4244, %gather3A_2750 : vector<16xf32>
        %add3A_4246 = arith.addf %add3A_4237, %mul3A_4245 : vector<16xf32>
        %get3A_4247 = arith.constant 1 : i32
        %get3A_4248 = arith.constant 9 : i32
        %get3A_4249 = arith.index_cast %get3A_4247 : i32 to index
        %get3A_4250 = arith.index_cast %get3A_4248 : i32 to index
        %get3A_4251 = arith.constant 144 : index
        %get3A_4252 = tpu.vector_load %arg8[%get3A_4249, %get3A_4250, %get3A_4251] {strides = array<i32>} : memref<2x16x256xf32, #tpu.memory_space<vmem>>, vector<1x1x16xf32>,
        %get3A_4253 = vector.shape_cast %get3A_4252 : vector<1x1x16xf32> to vector<16xf32>
        %mul3A_4254 = arith.mulf %get3A_4253, %gather3A_2762 : vector<16xf32>
        %add3A_4255 = arith.addf %add3A_4246, %mul3A_4254 : vector<16xf32>
        %get3A_4256 = arith.constant 1 : i32
        %get3A_4257 = arith.constant 10 : i32
        %get3A_4258 = arith.index_cast %get3A_4256 : i32 to index
        %get3A_4259 = arith.index_cast %get3A_4257 : i32 to index
        %get3A_4260 = arith.constant 144 : index
        %get3A_4261 = tpu.vector_load %arg8[%get3A_4258, %get3A_4259, %get3A_4260] {strides = array<i32>} : memref<2x16x256xf32, #tpu.memory_space<vmem>>, vector<1x1x16xf32>,
        %get3A_4262 = vector.shape_cast %get3A_4261 : vector<1x1x16xf32> to vector<16xf32>
        %mul3A_4263 = arith.mulf %get3A_4262, %gather3A_2774 : vector<16xf32>
        %add3A_4264 = arith.addf %add3A_4255, %mul3A_4263 : vector<16xf32>
        %get3A_4265 = arith.constant 1 : i32
        %get3A_4266 = arith.constant 11 : i32
        %get3A_4267 = arith.index_cast %get3A_4265 : i32 to index
        %get3A_4268 = arith.index_cast %get3A_4266 : i32 to index
        %get3A_4269 = arith.constant 144 : index
        %get3A_4270 = tpu.vector_load %arg8[%get3A_4267, %get3A_4268, %get3A_4269] {strides = array<i32>} : memref<2x16x256xf32, #tpu.memory_space<vmem>>, vector<1x1x16xf32>,
        %get3A_4271 = vector.shape_cast %get3A_4270 : vector<1x1x16xf32> to vector<16xf32>
        %mul3A_4272 = arith.mulf %get3A_4271, %gather3A_2786 : vector<16xf32>
        %add3A_4273 = arith.addf %add3A_4264, %mul3A_4272 : vector<16xf32>
        %get3A_4274 = arith.constant 1 : i32
        %get3A_4275 = arith.constant 12 : i32
        %get3A_4276 = arith.index_cast %get3A_4274 : i32 to index
        %get3A_4277 = arith.index_cast %get3A_4275 : i32 to index
        %get3A_4278 = arith.constant 144 : index
        %get3A_4279 = tpu.vector_load %arg8[%get3A_4276, %get3A_4277, %get3A_4278] {strides = array<i32>} : memref<2x16x256xf32, #tpu.memory_space<vmem>>, vector<1x1x16xf32>,
        %get3A_4280 = vector.shape_cast %get3A_4279 : vector<1x1x16xf32> to vector<16xf32>
        %mul3A_4281 = arith.mulf %get3A_4280, %gather3A_2798 : vector<16xf32>
        %add3A_4282 = arith.addf %add3A_4273, %mul3A_4281 : vector<16xf32>
        %get3A_4283 = arith.constant 1 : i32
        %get3A_4284 = arith.constant 13 : i32
        %get3A_4285 = arith.index_cast %get3A_4283 : i32 to index
        %get3A_4286 = arith.index_cast %get3A_4284 : i32 to index
        %get3A_4287 = arith.constant 144 : index
        %get3A_4288 = tpu.vector_load %arg8[%get3A_4285, %get3A_4286, %get3A_4287] {strides = array<i32>} : memref<2x16x256xf32, #tpu.memory_space<vmem>>, vector<1x1x16xf32>,
        %get3A_4289 = vector.shape_cast %get3A_4288 : vector<1x1x16xf32> to vector<16xf32>
        %mul3A_4290 = arith.mulf %get3A_4289, %gather3A_2810 : vector<16xf32>
        %add3A_4291 = arith.addf %add3A_4282, %mul3A_4290 : vector<16xf32>
        %get3A_4292 = arith.constant 1 : i32
        %get3A_4293 = arith.constant 14 : i32
        %get3A_4294 = arith.index_cast %get3A_4292 : i32 to index
        %get3A_4295 = arith.index_cast %get3A_4293 : i32 to index
        %get3A_4296 = arith.constant 144 : index
        %get3A_4297 = tpu.vector_load %arg8[%get3A_4294, %get3A_4295, %get3A_4296] {strides = array<i32>} : memref<2x16x256xf32, #tpu.memory_space<vmem>>, vector<1x1x16xf32>,
        %get3A_4298 = vector.shape_cast %get3A_4297 : vector<1x1x16xf32> to vector<16xf32>
        %mul3A_4299 = arith.mulf %get3A_4298, %gather3A_2822 : vector<16xf32>
        %add3A_4300 = arith.addf %add3A_4291, %mul3A_4299 : vector<16xf32>
        %get3A_4301 = arith.constant 1 : i32
        %get3A_4302 = arith.constant 15 : i32
        %get3A_4303 = arith.index_cast %get3A_4301 : i32 to index
        %get3A_4304 = arith.index_cast %get3A_4302 : i32 to index
        %get3A_4305 = arith.constant 144 : index
        %get3A_4306 = tpu.vector_load %arg8[%get3A_4303, %get3A_4304, %get3A_4305] {strides = array<i32>} : memref<2x16x256xf32, #tpu.memory_space<vmem>>, vector<1x1x16xf32>,
        %get3A_4307 = vector.shape_cast %get3A_4306 : vector<1x1x16xf32> to vector<16xf32>
        %mul3A_4308 = arith.mulf %get3A_4307, %gather3A_2834 : vector<16xf32>
        %add3A_4309 = arith.addf %add3A_4300, %mul3A_4308 : vector<16xf32>
        %swap3A_4310 = arith.index_cast %add3A_2637 : i32 to index
        %swap3A_4311 = arith.constant 144 : index
        %swap3A_4312 = tpu.vector_load %arg9[%swap3A_4310, %swap3A_4311] {strides = array<i32>} : memref<112x256xf32, #tpu.memory_space<vmem>>, vector<1x16xf32>,
        %swap3A_4313 = vector.shape_cast %swap3A_4312 : vector<1x16xf32> to vector<16xf32>
        %swap3A_4314 = vector.shape_cast %add3A_4309 : vector<16xf32> to vector<1x16xf32>
        tpu.vector_store %arg9[%swap3A_4310, %swap3A_4311], %swap3A_4314 {strides = array<i32>} : memref<112x256xf32, #tpu.memory_space<vmem>>, vector<1x16xf32>,
        %get3A_4315 = arith.constant 1 : i32
        %get3A_4316 = arith.constant 0 : i32
        %get3A_4317 = arith.index_cast %get3A_4315 : i32 to index
        %get3A_4318 = arith.index_cast %get3A_4316 : i32 to index
        %get3A_4319 = arith.constant 160 : index
        %get3A_4320 = tpu.vector_load %arg8[%get3A_4317, %get3A_4318, %get3A_4319] {strides = array<i32>} : memref<2x16x256xf32, #tpu.memory_space<vmem>>, vector<1x1x16xf32>,
        %get3A_4321 = vector.shape_cast %get3A_4320 : vector<1x1x16xf32> to vector<16xf32>
        %mul3A_4322 = arith.mulf %get3A_4321, %gather3A_2654 : vector<16xf32>
        %get3A_4323 = arith.constant 1 : i32
        %get3A_4324 = arith.constant 1 : i32
        %get3A_4325 = arith.index_cast %get3A_4323 : i32 to index
        %get3A_4326 = arith.index_cast %get3A_4324 : i32 to index
        %get3A_4327 = arith.constant 160 : index
        %get3A_4328 = tpu.vector_load %arg8[%get3A_4325, %get3A_4326, %get3A_4327] {strides = array<i32>} : memref<2x16x256xf32, #tpu.memory_space<vmem>>, vector<1x1x16xf32>,
        %get3A_4329 = vector.shape_cast %get3A_4328 : vector<1x1x16xf32> to vector<16xf32>
        %mul3A_4330 = arith.mulf %get3A_4329, %gather3A_2666 : vector<16xf32>
        %add3A_4331 = arith.addf %mul3A_4322, %mul3A_4330 : vector<16xf32>
        %get3A_4332 = arith.constant 1 : i32
        %get3A_4333 = arith.constant 2 : i32
        %get3A_4334 = arith.index_cast %get3A_4332 : i32 to index
        %get3A_4335 = arith.index_cast %get3A_4333 : i32 to index
        %get3A_4336 = arith.constant 160 : index
        %get3A_4337 = tpu.vector_load %arg8[%get3A_4334, %get3A_4335, %get3A_4336] {strides = array<i32>} : memref<2x16x256xf32, #tpu.memory_space<vmem>>, vector<1x1x16xf32>,
        %get3A_4338 = vector.shape_cast %get3A_4337 : vector<1x1x16xf32> to vector<16xf32>
        %mul3A_4339 = arith.mulf %get3A_4338, %gather3A_2678 : vector<16xf32>
        %add3A_4340 = arith.addf %add3A_4331, %mul3A_4339 : vector<16xf32>
        %get3A_4341 = arith.constant 1 : i32
        %get3A_4342 = arith.constant 3 : i32
        %get3A_4343 = arith.index_cast %get3A_4341 : i32 to index
        %get3A_4344 = arith.index_cast %get3A_4342 : i32 to index
        %get3A_4345 = arith.constant 160 : index
        %get3A_4346 = tpu.vector_load %arg8[%get3A_4343, %get3A_4344, %get3A_4345] {strides = array<i32>} : memref<2x16x256xf32, #tpu.memory_space<vmem>>, vector<1x1x16xf32>,
        %get3A_4347 = vector.shape_cast %get3A_4346 : vector<1x1x16xf32> to vector<16xf32>
        %mul3A_4348 = arith.mulf %get3A_4347, %gather3A_2690 : vector<16xf32>
        %add3A_4349 = arith.addf %add3A_4340, %mul3A_4348 : vector<16xf32>
        %get3A_4350 = arith.constant 1 : i32
        %get3A_4351 = arith.constant 4 : i32
        %get3A_4352 = arith.index_cast %get3A_4350 : i32 to index
        %get3A_4353 = arith.index_cast %get3A_4351 : i32 to index
        %get3A_4354 = arith.constant 160 : index
        %get3A_4355 = tpu.vector_load %arg8[%get3A_4352, %get3A_4353, %get3A_4354] {strides = array<i32>} : memref<2x16x256xf32, #tpu.memory_space<vmem>>, vector<1x1x16xf32>,
        %get3A_4356 = vector.shape_cast %get3A_4355 : vector<1x1x16xf32> to vector<16xf32>
        %mul3A_4357 = arith.mulf %get3A_4356, %gather3A_2702 : vector<16xf32>
        %add3A_4358 = arith.addf %add3A_4349, %mul3A_4357 : vector<16xf32>
        %get3A_4359 = arith.constant 1 : i32
        %get3A_4360 = arith.constant 5 : i32
        %get3A_4361 = arith.index_cast %get3A_4359 : i32 to index
        %get3A_4362 = arith.index_cast %get3A_4360 : i32 to index
        %get3A_4363 = arith.constant 160 : index
        %get3A_4364 = tpu.vector_load %arg8[%get3A_4361, %get3A_4362, %get3A_4363] {strides = array<i32>} : memref<2x16x256xf32, #tpu.memory_space<vmem>>, vector<1x1x16xf32>,
        %get3A_4365 = vector.shape_cast %get3A_4364 : vector<1x1x16xf32> to vector<16xf32>
        %mul3A_4366 = arith.mulf %get3A_4365, %gather3A_2714 : vector<16xf32>
        %add3A_4367 = arith.addf %add3A_4358, %mul3A_4366 : vector<16xf32>
        %get3A_4368 = arith.constant 1 : i32
        %get3A_4369 = arith.constant 6 : i32
        %get3A_4370 = arith.index_cast %get3A_4368 : i32 to index
        %get3A_4371 = arith.index_cast %get3A_4369 : i32 to index
        %get3A_4372 = arith.constant 160 : index
        %get3A_4373 = tpu.vector_load %arg8[%get3A_4370, %get3A_4371, %get3A_4372] {strides = array<i32>} : memref<2x16x256xf32, #tpu.memory_space<vmem>>, vector<1x1x16xf32>,
        %get3A_4374 = vector.shape_cast %get3A_4373 : vector<1x1x16xf32> to vector<16xf32>
        %mul3A_4375 = arith.mulf %get3A_4374, %gather3A_2726 : vector<16xf32>
        %add3A_4376 = arith.addf %add3A_4367, %mul3A_4375 : vector<16xf32>
        %get3A_4377 = arith.constant 1 : i32
        %get3A_4378 = arith.constant 7 : i32
        %get3A_4379 = arith.index_cast %get3A_4377 : i32 to index
        %get3A_4380 = arith.index_cast %get3A_4378 : i32 to index
        %get3A_4381 = arith.constant 160 : index
        %get3A_4382 = tpu.vector_load %arg8[%get3A_4379, %get3A_4380, %get3A_4381] {strides = array<i32>} : memref<2x16x256xf32, #tpu.memory_space<vmem>>, vector<1x1x16xf32>,
        %get3A_4383 = vector.shape_cast %get3A_4382 : vector<1x1x16xf32> to vector<16xf32>
        %mul3A_4384 = arith.mulf %get3A_4383, %gather3A_2738 : vector<16xf32>
        %add3A_4385 = arith.addf %add3A_4376, %mul3A_4384 : vector<16xf32>
        %get3A_4386 = arith.constant 1 : i32
        %get3A_4387 = arith.constant 8 : i32
        %get3A_4388 = arith.index_cast %get3A_4386 : i32 to index
        %get3A_4389 = arith.index_cast %get3A_4387 : i32 to index
        %get3A_4390 = arith.constant 160 : index
        %get3A_4391 = tpu.vector_load %arg8[%get3A_4388, %get3A_4389, %get3A_4390] {strides = array<i32>} : memref<2x16x256xf32, #tpu.memory_space<vmem>>, vector<1x1x16xf32>,
        %get3A_4392 = vector.shape_cast %get3A_4391 : vector<1x1x16xf32> to vector<16xf32>
        %mul3A_4393 = arith.mulf %get3A_4392, %gather3A_2750 : vector<16xf32>
        %add3A_4394 = arith.addf %add3A_4385, %mul3A_4393 : vector<16xf32>
        %get3A_4395 = arith.constant 1 : i32
        %get3A_4396 = arith.constant 9 : i32
        %get3A_4397 = arith.index_cast %get3A_4395 : i32 to index
        %get3A_4398 = arith.index_cast %get3A_4396 : i32 to index
        %get3A_4399 = arith.constant 160 : index
        %get3A_4400 = tpu.vector_load %arg8[%get3A_4397, %get3A_4398, %get3A_4399] {strides = array<i32>} : memref<2x16x256xf32, #tpu.memory_space<vmem>>, vector<1x1x16xf32>,
        %get3A_4401 = vector.shape_cast %get3A_4400 : vector<1x1x16xf32> to vector<16xf32>
        %mul3A_4402 = arith.mulf %get3A_4401, %gather3A_2762 : vector<16xf32>
        %add3A_4403 = arith.addf %add3A_4394, %mul3A_4402 : vector<16xf32>
        %get3A_4404 = arith.constant 1 : i32
        %get3A_4405 = arith.constant 10 : i32
        %get3A_4406 = arith.index_cast %get3A_4404 : i32 to index
        %get3A_4407 = arith.index_cast %get3A_4405 : i32 to index
        %get3A_4408 = arith.constant 160 : index
        %get3A_4409 = tpu.vector_load %arg8[%get3A_4406, %get3A_4407, %get3A_4408] {strides = array<i32>} : memref<2x16x256xf32, #tpu.memory_space<vmem>>, vector<1x1x16xf32>,
        %get3A_4410 = vector.shape_cast %get3A_4409 : vector<1x1x16xf32> to vector<16xf32>
        %mul3A_4411 = arith.mulf %get3A_4410, %gather3A_2774 : vector<16xf32>
        %add3A_4412 = arith.addf %add3A_4403, %mul3A_4411 : vector<16xf32>
        %get3A_4413 = arith.constant 1 : i32
        %get3A_4414 = arith.constant 11 : i32
        %get3A_4415 = arith.index_cast %get3A_4413 : i32 to index
        %get3A_4416 = arith.index_cast %get3A_4414 : i32 to index
        %get3A_4417 = arith.constant 160 : index
        %get3A_4418 = tpu.vector_load %arg8[%get3A_4415, %get3A_4416, %get3A_4417] {strides = array<i32>} : memref<2x16x256xf32, #tpu.memory_space<vmem>>, vector<1x1x16xf32>,
        %get3A_4419 = vector.shape_cast %get3A_4418 : vector<1x1x16xf32> to vector<16xf32>
        %mul3A_4420 = arith.mulf %get3A_4419, %gather3A_2786 : vector<16xf32>
        %add3A_4421 = arith.addf %add3A_4412, %mul3A_4420 : vector<16xf32>
        %get3A_4422 = arith.constant 1 : i32
        %get3A_4423 = arith.constant 12 : i32
        %get3A_4424 = arith.index_cast %get3A_4422 : i32 to index
        %get3A_4425 = arith.index_cast %get3A_4423 : i32 to index
        %get3A_4426 = arith.constant 160 : index
        %get3A_4427 = tpu.vector_load %arg8[%get3A_4424, %get3A_4425, %get3A_4426] {strides = array<i32>} : memref<2x16x256xf32, #tpu.memory_space<vmem>>, vector<1x1x16xf32>,
        %get3A_4428 = vector.shape_cast %get3A_4427 : vector<1x1x16xf32> to vector<16xf32>
        %mul3A_4429 = arith.mulf %get3A_4428, %gather3A_2798 : vector<16xf32>
        %add3A_4430 = arith.addf %add3A_4421, %mul3A_4429 : vector<16xf32>
        %get3A_4431 = arith.constant 1 : i32
        %get3A_4432 = arith.constant 13 : i32
        %get3A_4433 = arith.index_cast %get3A_4431 : i32 to index
        %get3A_4434 = arith.index_cast %get3A_4432 : i32 to index
        %get3A_4435 = arith.constant 160 : index
        %get3A_4436 = tpu.vector_load %arg8[%get3A_4433, %get3A_4434, %get3A_4435] {strides = array<i32>} : memref<2x16x256xf32, #tpu.memory_space<vmem>>, vector<1x1x16xf32>,
        %get3A_4437 = vector.shape_cast %get3A_4436 : vector<1x1x16xf32> to vector<16xf32>
        %mul3A_4438 = arith.mulf %get3A_4437, %gather3A_2810 : vector<16xf32>
        %add3A_4439 = arith.addf %add3A_4430, %mul3A_4438 : vector<16xf32>
        %get3A_4440 = arith.constant 1 : i32
        %get3A_4441 = arith.constant 14 : i32
        %get3A_4442 = arith.index_cast %get3A_4440 : i32 to index
        %get3A_4443 = arith.index_cast %get3A_4441 : i32 to index
        %get3A_4444 = arith.constant 160 : index
        %get3A_4445 = tpu.vector_load %arg8[%get3A_4442, %get3A_4443, %get3A_4444] {strides = array<i32>} : memref<2x16x256xf32, #tpu.memory_space<vmem>>, vector<1x1x16xf32>,
        %get3A_4446 = vector.shape_cast %get3A_4445 : vector<1x1x16xf32> to vector<16xf32>
        %mul3A_4447 = arith.mulf %get3A_4446, %gather3A_2822 : vector<16xf32>
        %add3A_4448 = arith.addf %add3A_4439, %mul3A_4447 : vector<16xf32>
        %get3A_4449 = arith.constant 1 : i32
        %get3A_4450 = arith.constant 15 : i32
        %get3A_4451 = arith.index_cast %get3A_4449 : i32 to index
        %get3A_4452 = arith.index_cast %get3A_4450 : i32 to index
        %get3A_4453 = arith.constant 160 : index
        %get3A_4454 = tpu.vector_load %arg8[%get3A_4451, %get3A_4452, %get3A_4453] {strides = array<i32>} : memref<2x16x256xf32, #tpu.memory_space<vmem>>, vector<1x1x16xf32>,
        %get3A_4455 = vector.shape_cast %get3A_4454 : vector<1x1x16xf32> to vector<16xf32>
        %mul3A_4456 = arith.mulf %get3A_4455, %gather3A_2834 : vector<16xf32>
        %add3A_4457 = arith.addf %add3A_4448, %mul3A_4456 : vector<16xf32>
        %swap3A_4458 = arith.index_cast %add3A_2637 : i32 to index
        %swap3A_4459 = arith.constant 160 : index
        %swap3A_4460 = tpu.vector_load %arg9[%swap3A_4458, %swap3A_4459] {strides = array<i32>} : memref<112x256xf32, #tpu.memory_space<vmem>>, vector<1x16xf32>,
        %swap3A_4461 = vector.shape_cast %swap3A_4460 : vector<1x16xf32> to vector<16xf32>
        %swap3A_4462 = vector.shape_cast %add3A_4457 : vector<16xf32> to vector<1x16xf32>
        tpu.vector_store %arg9[%swap3A_4458, %swap3A_4459], %swap3A_4462 {strides = array<i32>} : memref<112x256xf32, #tpu.memory_space<vmem>>, vector<1x16xf32>,
        %get3A_4463 = arith.constant 1 : i32
        %get3A_4464 = arith.constant 0 : i32
        %get3A_4465 = arith.index_cast %get3A_4463 : i32 to index
        %get3A_4466 = arith.index_cast %get3A_4464 : i32 to index
        %get3A_4467 = arith.constant 176 : index
        %get3A_4468 = tpu.vector_load %arg8[%get3A_4465, %get3A_4466, %get3A_4467] {strides = array<i32>} : memref<2x16x256xf32, #tpu.memory_space<vmem>>, vector<1x1x16xf32>,
        %get3A_4469 = vector.shape_cast %get3A_4468 : vector<1x1x16xf32> to vector<16xf32>
        %mul3A_4470 = arith.mulf %get3A_4469, %gather3A_2654 : vector<16xf32>
        %get3A_4471 = arith.constant 1 : i32
        %get3A_4472 = arith.constant 1 : i32
        %get3A_4473 = arith.index_cast %get3A_4471 : i32 to index
        %get3A_4474 = arith.index_cast %get3A_4472 : i32 to index
        %get3A_4475 = arith.constant 176 : index
        %get3A_4476 = tpu.vector_load %arg8[%get3A_4473, %get3A_4474, %get3A_4475] {strides = array<i32>} : memref<2x16x256xf32, #tpu.memory_space<vmem>>, vector<1x1x16xf32>,
        %get3A_4477 = vector.shape_cast %get3A_4476 : vector<1x1x16xf32> to vector<16xf32>
        %mul3A_4478 = arith.mulf %get3A_4477, %gather3A_2666 : vector<16xf32>
        %add3A_4479 = arith.addf %mul3A_4470, %mul3A_4478 : vector<16xf32>
        %get3A_4480 = arith.constant 1 : i32
        %get3A_4481 = arith.constant 2 : i32
        %get3A_4482 = arith.index_cast %get3A_4480 : i32 to index
        %get3A_4483 = arith.index_cast %get3A_4481 : i32 to index
        %get3A_4484 = arith.constant 176 : index
        %get3A_4485 = tpu.vector_load %arg8[%get3A_4482, %get3A_4483, %get3A_4484] {strides = array<i32>} : memref<2x16x256xf32, #tpu.memory_space<vmem>>, vector<1x1x16xf32>,
        %get3A_4486 = vector.shape_cast %get3A_4485 : vector<1x1x16xf32> to vector<16xf32>
        %mul3A_4487 = arith.mulf %get3A_4486, %gather3A_2678 : vector<16xf32>
        %add3A_4488 = arith.addf %add3A_4479, %mul3A_4487 : vector<16xf32>
        %get3A_4489 = arith.constant 1 : i32
        %get3A_4490 = arith.constant 3 : i32
        %get3A_4491 = arith.index_cast %get3A_4489 : i32 to index
        %get3A_4492 = arith.index_cast %get3A_4490 : i32 to index
        %get3A_4493 = arith.constant 176 : index
        %get3A_4494 = tpu.vector_load %arg8[%get3A_4491, %get3A_4492, %get3A_4493] {strides = array<i32>} : memref<2x16x256xf32, #tpu.memory_space<vmem>>, vector<1x1x16xf32>,
        %get3A_4495 = vector.shape_cast %get3A_4494 : vector<1x1x16xf32> to vector<16xf32>
        %mul3A_4496 = arith.mulf %get3A_4495, %gather3A_2690 : vector<16xf32>
        %add3A_4497 = arith.addf %add3A_4488, %mul3A_4496 : vector<16xf32>
        %get3A_4498 = arith.constant 1 : i32
        %get3A_4499 = arith.constant 4 : i32
        %get3A_4500 = arith.index_cast %get3A_4498 : i32 to index
        %get3A_4501 = arith.index_cast %get3A_4499 : i32 to index
        %get3A_4502 = arith.constant 176 : index
        %get3A_4503 = tpu.vector_load %arg8[%get3A_4500, %get3A_4501, %get3A_4502] {strides = array<i32>} : memref<2x16x256xf32, #tpu.memory_space<vmem>>, vector<1x1x16xf32>,
        %get3A_4504 = vector.shape_cast %get3A_4503 : vector<1x1x16xf32> to vector<16xf32>
        %mul3A_4505 = arith.mulf %get3A_4504, %gather3A_2702 : vector<16xf32>
        %add3A_4506 = arith.addf %add3A_4497, %mul3A_4505 : vector<16xf32>
        %get3A_4507 = arith.constant 1 : i32
        %get3A_4508 = arith.constant 5 : i32
        %get3A_4509 = arith.index_cast %get3A_4507 : i32 to index
        %get3A_4510 = arith.index_cast %get3A_4508 : i32 to index
        %get3A_4511 = arith.constant 176 : index
        %get3A_4512 = tpu.vector_load %arg8[%get3A_4509, %get3A_4510, %get3A_4511] {strides = array<i32>} : memref<2x16x256xf32, #tpu.memory_space<vmem>>, vector<1x1x16xf32>,
        %get3A_4513 = vector.shape_cast %get3A_4512 : vector<1x1x16xf32> to vector<16xf32>
        %mul3A_4514 = arith.mulf %get3A_4513, %gather3A_2714 : vector<16xf32>
        %add3A_4515 = arith.addf %add3A_4506, %mul3A_4514 : vector<16xf32>
        %get3A_4516 = arith.constant 1 : i32
        %get3A_4517 = arith.constant 6 : i32
        %get3A_4518 = arith.index_cast %get3A_4516 : i32 to index
        %get3A_4519 = arith.index_cast %get3A_4517 : i32 to index
        %get3A_4520 = arith.constant 176 : index
        %get3A_4521 = tpu.vector_load %arg8[%get3A_4518, %get3A_4519, %get3A_4520] {strides = array<i32>} : memref<2x16x256xf32, #tpu.memory_space<vmem>>, vector<1x1x16xf32>,
        %get3A_4522 = vector.shape_cast %get3A_4521 : vector<1x1x16xf32> to vector<16xf32>
        %mul3A_4523 = arith.mulf %get3A_4522, %gather3A_2726 : vector<16xf32>
        %add3A_4524 = arith.addf %add3A_4515, %mul3A_4523 : vector<16xf32>
        %get3A_4525 = arith.constant 1 : i32
        %get3A_4526 = arith.constant 7 : i32
        %get3A_4527 = arith.index_cast %get3A_4525 : i32 to index
        %get3A_4528 = arith.index_cast %get3A_4526 : i32 to index
        %get3A_4529 = arith.constant 176 : index
        %get3A_4530 = tpu.vector_load %arg8[%get3A_4527, %get3A_4528, %get3A_4529] {strides = array<i32>} : memref<2x16x256xf32, #tpu.memory_space<vmem>>, vector<1x1x16xf32>,
        %get3A_4531 = vector.shape_cast %get3A_4530 : vector<1x1x16xf32> to vector<16xf32>
        %mul3A_4532 = arith.mulf %get3A_4531, %gather3A_2738 : vector<16xf32>
        %add3A_4533 = arith.addf %add3A_4524, %mul3A_4532 : vector<16xf32>
        %get3A_4534 = arith.constant 1 : i32
        %get3A_4535 = arith.constant 8 : i32
        %get3A_4536 = arith.index_cast %get3A_4534 : i32 to index
        %get3A_4537 = arith.index_cast %get3A_4535 : i32 to index
        %get3A_4538 = arith.constant 176 : index
        %get3A_4539 = tpu.vector_load %arg8[%get3A_4536, %get3A_4537, %get3A_4538] {strides = array<i32>} : memref<2x16x256xf32, #tpu.memory_space<vmem>>, vector<1x1x16xf32>,
        %get3A_4540 = vector.shape_cast %get3A_4539 : vector<1x1x16xf32> to vector<16xf32>
        %mul3A_4541 = arith.mulf %get3A_4540, %gather3A_2750 : vector<16xf32>
        %add3A_4542 = arith.addf %add3A_4533, %mul3A_4541 : vector<16xf32>
        %get3A_4543 = arith.constant 1 : i32
        %get3A_4544 = arith.constant 9 : i32
        %get3A_4545 = arith.index_cast %get3A_4543 : i32 to index
        %get3A_4546 = arith.index_cast %get3A_4544 : i32 to index
        %get3A_4547 = arith.constant 176 : index
        %get3A_4548 = tpu.vector_load %arg8[%get3A_4545, %get3A_4546, %get3A_4547] {strides = array<i32>} : memref<2x16x256xf32, #tpu.memory_space<vmem>>, vector<1x1x16xf32>,
        %get3A_4549 = vector.shape_cast %get3A_4548 : vector<1x1x16xf32> to vector<16xf32>
        %mul3A_4550 = arith.mulf %get3A_4549, %gather3A_2762 : vector<16xf32>
        %add3A_4551 = arith.addf %add3A_4542, %mul3A_4550 : vector<16xf32>
        %get3A_4552 = arith.constant 1 : i32
        %get3A_4553 = arith.constant 10 : i32
        %get3A_4554 = arith.index_cast %get3A_4552 : i32 to index
        %get3A_4555 = arith.index_cast %get3A_4553 : i32 to index
        %get3A_4556 = arith.constant 176 : index
        %get3A_4557 = tpu.vector_load %arg8[%get3A_4554, %get3A_4555, %get3A_4556] {strides = array<i32>} : memref<2x16x256xf32, #tpu.memory_space<vmem>>, vector<1x1x16xf32>,
        %get3A_4558 = vector.shape_cast %get3A_4557 : vector<1x1x16xf32> to vector<16xf32>
        %mul3A_4559 = arith.mulf %get3A_4558, %gather3A_2774 : vector<16xf32>
        %add3A_4560 = arith.addf %add3A_4551, %mul3A_4559 : vector<16xf32>
        %get3A_4561 = arith.constant 1 : i32
        %get3A_4562 = arith.constant 11 : i32
        %get3A_4563 = arith.index_cast %get3A_4561 : i32 to index
        %get3A_4564 = arith.index_cast %get3A_4562 : i32 to index
        %get3A_4565 = arith.constant 176 : index
        %get3A_4566 = tpu.vector_load %arg8[%get3A_4563, %get3A_4564, %get3A_4565] {strides = array<i32>} : memref<2x16x256xf32, #tpu.memory_space<vmem>>, vector<1x1x16xf32>,
        %get3A_4567 = vector.shape_cast %get3A_4566 : vector<1x1x16xf32> to vector<16xf32>
        %mul3A_4568 = arith.mulf %get3A_4567, %gather3A_2786 : vector<16xf32>
        %add3A_4569 = arith.addf %add3A_4560, %mul3A_4568 : vector<16xf32>
        %get3A_4570 = arith.constant 1 : i32
        %get3A_4571 = arith.constant 12 : i32
        %get3A_4572 = arith.index_cast %get3A_4570 : i32 to index
        %get3A_4573 = arith.index_cast %get3A_4571 : i32 to index
        %get3A_4574 = arith.constant 176 : index
        %get3A_4575 = tpu.vector_load %arg8[%get3A_4572, %get3A_4573, %get3A_4574] {strides = array<i32>} : memref<2x16x256xf32, #tpu.memory_space<vmem>>, vector<1x1x16xf32>,
        %get3A_4576 = vector.shape_cast %get3A_4575 : vector<1x1x16xf32> to vector<16xf32>
        %mul3A_4577 = arith.mulf %get3A_4576, %gather3A_2798 : vector<16xf32>
        %add3A_4578 = arith.addf %add3A_4569, %mul3A_4577 : vector<16xf32>
        %get3A_4579 = arith.constant 1 : i32
        %get3A_4580 = arith.constant 13 : i32
        %get3A_4581 = arith.index_cast %get3A_4579 : i32 to index
        %get3A_4582 = arith.index_cast %get3A_4580 : i32 to index
        %get3A_4583 = arith.constant 176 : index
        %get3A_4584 = tpu.vector_load %arg8[%get3A_4581, %get3A_4582, %get3A_4583] {strides = array<i32>} : memref<2x16x256xf32, #tpu.memory_space<vmem>>, vector<1x1x16xf32>,
        %get3A_4585 = vector.shape_cast %get3A_4584 : vector<1x1x16xf32> to vector<16xf32>
        %mul3A_4586 = arith.mulf %get3A_4585, %gather3A_2810 : vector<16xf32>
        %add3A_4587 = arith.addf %add3A_4578, %mul3A_4586 : vector<16xf32>
        %get3A_4588 = arith.constant 1 : i32
        %get3A_4589 = arith.constant 14 : i32
        %get3A_4590 = arith.index_cast %get3A_4588 : i32 to index
        %get3A_4591 = arith.index_cast %get3A_4589 : i32 to index
        %get3A_4592 = arith.constant 176 : index
        %get3A_4593 = tpu.vector_load %arg8[%get3A_4590, %get3A_4591, %get3A_4592] {strides = array<i32>} : memref<2x16x256xf32, #tpu.memory_space<vmem>>, vector<1x1x16xf32>,
        %get3A_4594 = vector.shape_cast %get3A_4593 : vector<1x1x16xf32> to vector<16xf32>
        %mul3A_4595 = arith.mulf %get3A_4594, %gather3A_2822 : vector<16xf32>
        %add3A_4596 = arith.addf %add3A_4587, %mul3A_4595 : vector<16xf32>
        %get3A_4597 = arith.constant 1 : i32
        %get3A_4598 = arith.constant 15 : i32
        %get3A_4599 = arith.index_cast %get3A_4597 : i32 to index
        %get3A_4600 = arith.index_cast %get3A_4598 : i32 to index
        %get3A_4601 = arith.constant 176 : index
        %get3A_4602 = tpu.vector_load %arg8[%get3A_4599, %get3A_4600, %get3A_4601] {strides = array<i32>} : memref<2x16x256xf32, #tpu.memory_space<vmem>>, vector<1x1x16xf32>,
        %get3A_4603 = vector.shape_cast %get3A_4602 : vector<1x1x16xf32> to vector<16xf32>
        %mul3A_4604 = arith.mulf %get3A_4603, %gather3A_2834 : vector<16xf32>
        %add3A_4605 = arith.addf %add3A_4596, %mul3A_4604 : vector<16xf32>
        %swap3A_4606 = arith.index_cast %add3A_2637 : i32 to index
        %swap3A_4607 = arith.constant 176 : index
        %swap3A_4608 = tpu.vector_load %arg9[%swap3A_4606, %swap3A_4607] {strides = array<i32>} : memref<112x256xf32, #tpu.memory_space<vmem>>, vector<1x16xf32>,
        %swap3A_4609 = vector.shape_cast %swap3A_4608 : vector<1x16xf32> to vector<16xf32>
        %swap3A_4610 = vector.shape_cast %add3A_4605 : vector<16xf32> to vector<1x16xf32>
        tpu.vector_store %arg9[%swap3A_4606, %swap3A_4607], %swap3A_4610 {strides = array<i32>} : memref<112x256xf32, #tpu.memory_space<vmem>>, vector<1x16xf32>,
        %get3A_4611 = arith.constant 1 : i32
        %get3A_4612 = arith.constant 0 : i32
        %get3A_4613 = arith.index_cast %get3A_4611 : i32 to index
        %get3A_4614 = arith.index_cast %get3A_4612 : i32 to index
        %get3A_4615 = arith.constant 192 : index
        %get3A_4616 = tpu.vector_load %arg8[%get3A_4613, %get3A_4614, %get3A_4615] {strides = array<i32>} : memref<2x16x256xf32, #tpu.memory_space<vmem>>, vector<1x1x16xf32>,
        %get3A_4617 = vector.shape_cast %get3A_4616 : vector<1x1x16xf32> to vector<16xf32>
        %mul3A_4618 = arith.mulf %get3A_4617, %gather3A_2654 : vector<16xf32>
        %get3A_4619 = arith.constant 1 : i32
        %get3A_4620 = arith.constant 1 : i32
        %get3A_4621 = arith.index_cast %get3A_4619 : i32 to index
        %get3A_4622 = arith.index_cast %get3A_4620 : i32 to index
        %get3A_4623 = arith.constant 192 : index
        %get3A_4624 = tpu.vector_load %arg8[%get3A_4621, %get3A_4622, %get3A_4623] {strides = array<i32>} : memref<2x16x256xf32, #tpu.memory_space<vmem>>, vector<1x1x16xf32>,
        %get3A_4625 = vector.shape_cast %get3A_4624 : vector<1x1x16xf32> to vector<16xf32>
        %mul3A_4626 = arith.mulf %get3A_4625, %gather3A_2666 : vector<16xf32>
        %add3A_4627 = arith.addf %mul3A_4618, %mul3A_4626 : vector<16xf32>
        %get3A_4628 = arith.constant 1 : i32
        %get3A_4629 = arith.constant 2 : i32
        %get3A_4630 = arith.index_cast %get3A_4628 : i32 to index
        %get3A_4631 = arith.index_cast %get3A_4629 : i32 to index
        %get3A_4632 = arith.constant 192 : index
        %get3A_4633 = tpu.vector_load %arg8[%get3A_4630, %get3A_4631, %get3A_4632] {strides = array<i32>} : memref<2x16x256xf32, #tpu.memory_space<vmem>>, vector<1x1x16xf32>,
        %get3A_4634 = vector.shape_cast %get3A_4633 : vector<1x1x16xf32> to vector<16xf32>
        %mul3A_4635 = arith.mulf %get3A_4634, %gather3A_2678 : vector<16xf32>
        %add3A_4636 = arith.addf %add3A_4627, %mul3A_4635 : vector<16xf32>
        %get3A_4637 = arith.constant 1 : i32
        %get3A_4638 = arith.constant 3 : i32
        %get3A_4639 = arith.index_cast %get3A_4637 : i32 to index
        %get3A_4640 = arith.index_cast %get3A_4638 : i32 to index
        %get3A_4641 = arith.constant 192 : index
        %get3A_4642 = tpu.vector_load %arg8[%get3A_4639, %get3A_4640, %get3A_4641] {strides = array<i32>} : memref<2x16x256xf32, #tpu.memory_space<vmem>>, vector<1x1x16xf32>,
        %get3A_4643 = vector.shape_cast %get3A_4642 : vector<1x1x16xf32> to vector<16xf32>
        %mul3A_4644 = arith.mulf %get3A_4643, %gather3A_2690 : vector<16xf32>
        %add3A_4645 = arith.addf %add3A_4636, %mul3A_4644 : vector<16xf32>
        %get3A_4646 = arith.constant 1 : i32
        %get3A_4647 = arith.constant 4 : i32
        %get3A_4648 = arith.index_cast %get3A_4646 : i32 to index
        %get3A_4649 = arith.index_cast %get3A_4647 : i32 to index
        %get3A_4650 = arith.constant 192 : index
        %get3A_4651 = tpu.vector_load %arg8[%get3A_4648, %get3A_4649, %get3A_4650] {strides = array<i32>} : memref<2x16x256xf32, #tpu.memory_space<vmem>>, vector<1x1x16xf32>,
        %get3A_4652 = vector.shape_cast %get3A_4651 : vector<1x1x16xf32> to vector<16xf32>
        %mul3A_4653 = arith.mulf %get3A_4652, %gather3A_2702 : vector<16xf32>
        %add3A_4654 = arith.addf %add3A_4645, %mul3A_4653 : vector<16xf32>
        %get3A_4655 = arith.constant 1 : i32
        %get3A_4656 = arith.constant 5 : i32
        %get3A_4657 = arith.index_cast %get3A_4655 : i32 to index
        %get3A_4658 = arith.index_cast %get3A_4656 : i32 to index
        %get3A_4659 = arith.constant 192 : index
        %get3A_4660 = tpu.vector_load %arg8[%get3A_4657, %get3A_4658, %get3A_4659] {strides = array<i32>} : memref<2x16x256xf32, #tpu.memory_space<vmem>>, vector<1x1x16xf32>,
        %get3A_4661 = vector.shape_cast %get3A_4660 : vector<1x1x16xf32> to vector<16xf32>
        %mul3A_4662 = arith.mulf %get3A_4661, %gather3A_2714 : vector<16xf32>
        %add3A_4663 = arith.addf %add3A_4654, %mul3A_4662 : vector<16xf32>
        %get3A_4664 = arith.constant 1 : i32
        %get3A_4665 = arith.constant 6 : i32
        %get3A_4666 = arith.index_cast %get3A_4664 : i32 to index
        %get3A_4667 = arith.index_cast %get3A_4665 : i32 to index
        %get3A_4668 = arith.constant 192 : index
        %get3A_4669 = tpu.vector_load %arg8[%get3A_4666, %get3A_4667, %get3A_4668] {strides = array<i32>} : memref<2x16x256xf32, #tpu.memory_space<vmem>>, vector<1x1x16xf32>,
        %get3A_4670 = vector.shape_cast %get3A_4669 : vector<1x1x16xf32> to vector<16xf32>
        %mul3A_4671 = arith.mulf %get3A_4670, %gather3A_2726 : vector<16xf32>
        %add3A_4672 = arith.addf %add3A_4663, %mul3A_4671 : vector<16xf32>
        %get3A_4673 = arith.constant 1 : i32
        %get3A_4674 = arith.constant 7 : i32
        %get3A_4675 = arith.index_cast %get3A_4673 : i32 to index
        %get3A_4676 = arith.index_cast %get3A_4674 : i32 to index
        %get3A_4677 = arith.constant 192 : index
        %get3A_4678 = tpu.vector_load %arg8[%get3A_4675, %get3A_4676, %get3A_4677] {strides = array<i32>} : memref<2x16x256xf32, #tpu.memory_space<vmem>>, vector<1x1x16xf32>,
        %get3A_4679 = vector.shape_cast %get3A_4678 : vector<1x1x16xf32> to vector<16xf32>
        %mul3A_4680 = arith.mulf %get3A_4679, %gather3A_2738 : vector<16xf32>
        %add3A_4681 = arith.addf %add3A_4672, %mul3A_4680 : vector<16xf32>
        %get3A_4682 = arith.constant 1 : i32
        %get3A_4683 = arith.constant 8 : i32
        %get3A_4684 = arith.index_cast %get3A_4682 : i32 to index
        %get3A_4685 = arith.index_cast %get3A_4683 : i32 to index
        %get3A_4686 = arith.constant 192 : index
        %get3A_4687 = tpu.vector_load %arg8[%get3A_4684, %get3A_4685, %get3A_4686] {strides = array<i32>} : memref<2x16x256xf32, #tpu.memory_space<vmem>>, vector<1x1x16xf32>,
        %get3A_4688 = vector.shape_cast %get3A_4687 : vector<1x1x16xf32> to vector<16xf32>
        %mul3A_4689 = arith.mulf %get3A_4688, %gather3A_2750 : vector<16xf32>
        %add3A_4690 = arith.addf %add3A_4681, %mul3A_4689 : vector<16xf32>
        %get3A_4691 = arith.constant 1 : i32
        %get3A_4692 = arith.constant 9 : i32
        %get3A_4693 = arith.index_cast %get3A_4691 : i32 to index
        %get3A_4694 = arith.index_cast %get3A_4692 : i32 to index
        %get3A_4695 = arith.constant 192 : index
        %get3A_4696 = tpu.vector_load %arg8[%get3A_4693, %get3A_4694, %get3A_4695] {strides = array<i32>} : memref<2x16x256xf32, #tpu.memory_space<vmem>>, vector<1x1x16xf32>,
        %get3A_4697 = vector.shape_cast %get3A_4696 : vector<1x1x16xf32> to vector<16xf32>
        %mul3A_4698 = arith.mulf %get3A_4697, %gather3A_2762 : vector<16xf32>
        %add3A_4699 = arith.addf %add3A_4690, %mul3A_4698 : vector<16xf32>
        %get3A_4700 = arith.constant 1 : i32
        %get3A_4701 = arith.constant 10 : i32
        %get3A_4702 = arith.index_cast %get3A_4700 : i32 to index
        %get3A_4703 = arith.index_cast %get3A_4701 : i32 to index
        %get3A_4704 = arith.constant 192 : index
        %get3A_4705 = tpu.vector_load %arg8[%get3A_4702, %get3A_4703, %get3A_4704] {strides = array<i32>} : memref<2x16x256xf32, #tpu.memory_space<vmem>>, vector<1x1x16xf32>,
        %get3A_4706 = vector.shape_cast %get3A_4705 : vector<1x1x16xf32> to vector<16xf32>
        %mul3A_4707 = arith.mulf %get3A_4706, %gather3A_2774 : vector<16xf32>
        %add3A_4708 = arith.addf %add3A_4699, %mul3A_4707 : vector<16xf32>
        %get3A_4709 = arith.constant 1 : i32
        %get3A_4710 = arith.constant 11 : i32
        %get3A_4711 = arith.index_cast %get3A_4709 : i32 to index
        %get3A_4712 = arith.index_cast %get3A_4710 : i32 to index
        %get3A_4713 = arith.constant 192 : index
        %get3A_4714 = tpu.vector_load %arg8[%get3A_4711, %get3A_4712, %get3A_4713] {strides = array<i32>} : memref<2x16x256xf32, #tpu.memory_space<vmem>>, vector<1x1x16xf32>,
        %get3A_4715 = vector.shape_cast %get3A_4714 : vector<1x1x16xf32> to vector<16xf32>
        %mul3A_4716 = arith.mulf %get3A_4715, %gather3A_2786 : vector<16xf32>
        %add3A_4717 = arith.addf %add3A_4708, %mul3A_4716 : vector<16xf32>
        %get3A_4718 = arith.constant 1 : i32
        %get3A_4719 = arith.constant 12 : i32
        %get3A_4720 = arith.index_cast %get3A_4718 : i32 to index
        %get3A_4721 = arith.index_cast %get3A_4719 : i32 to index
        %get3A_4722 = arith.constant 192 : index
        %get3A_4723 = tpu.vector_load %arg8[%get3A_4720, %get3A_4721, %get3A_4722] {strides = array<i32>} : memref<2x16x256xf32, #tpu.memory_space<vmem>>, vector<1x1x16xf32>,
        %get3A_4724 = vector.shape_cast %get3A_4723 : vector<1x1x16xf32> to vector<16xf32>
        %mul3A_4725 = arith.mulf %get3A_4724, %gather3A_2798 : vector<16xf32>
        %add3A_4726 = arith.addf %add3A_4717, %mul3A_4725 : vector<16xf32>
        %get3A_4727 = arith.constant 1 : i32
        %get3A_4728 = arith.constant 13 : i32
        %get3A_4729 = arith.index_cast %get3A_4727 : i32 to index
        %get3A_4730 = arith.index_cast %get3A_4728 : i32 to index
        %get3A_4731 = arith.constant 192 : index
        %get3A_4732 = tpu.vector_load %arg8[%get3A_4729, %get3A_4730, %get3A_4731] {strides = array<i32>} : memref<2x16x256xf32, #tpu.memory_space<vmem>>, vector<1x1x16xf32>,
        %get3A_4733 = vector.shape_cast %get3A_4732 : vector<1x1x16xf32> to vector<16xf32>
        %mul3A_4734 = arith.mulf %get3A_4733, %gather3A_2810 : vector<16xf32>
        %add3A_4735 = arith.addf %add3A_4726, %mul3A_4734 : vector<16xf32>
        %get3A_4736 = arith.constant 1 : i32
        %get3A_4737 = arith.constant 14 : i32
        %get3A_4738 = arith.index_cast %get3A_4736 : i32 to index
        %get3A_4739 = arith.index_cast %get3A_4737 : i32 to index
        %get3A_4740 = arith.constant 192 : index
        %get3A_4741 = tpu.vector_load %arg8[%get3A_4738, %get3A_4739, %get3A_4740] {strides = array<i32>} : memref<2x16x256xf32, #tpu.memory_space<vmem>>, vector<1x1x16xf32>,
        %get3A_4742 = vector.shape_cast %get3A_4741 : vector<1x1x16xf32> to vector<16xf32>
        %mul3A_4743 = arith.mulf %get3A_4742, %gather3A_2822 : vector<16xf32>
        %add3A_4744 = arith.addf %add3A_4735, %mul3A_4743 : vector<16xf32>
        %get3A_4745 = arith.constant 1 : i32
        %get3A_4746 = arith.constant 15 : i32
        %get3A_4747 = arith.index_cast %get3A_4745 : i32 to index
        %get3A_4748 = arith.index_cast %get3A_4746 : i32 to index
        %get3A_4749 = arith.constant 192 : index
        %get3A_4750 = tpu.vector_load %arg8[%get3A_4747, %get3A_4748, %get3A_4749] {strides = array<i32>} : memref<2x16x256xf32, #tpu.memory_space<vmem>>, vector<1x1x16xf32>,
        %get3A_4751 = vector.shape_cast %get3A_4750 : vector<1x1x16xf32> to vector<16xf32>
        %mul3A_4752 = arith.mulf %get3A_4751, %gather3A_2834 : vector<16xf32>
        %add3A_4753 = arith.addf %add3A_4744, %mul3A_4752 : vector<16xf32>
        %swap3A_4754 = arith.index_cast %add3A_2637 : i32 to index
        %swap3A_4755 = arith.constant 192 : index
        %swap3A_4756 = tpu.vector_load %arg9[%swap3A_4754, %swap3A_4755] {strides = array<i32>} : memref<112x256xf32, #tpu.memory_space<vmem>>, vector<1x16xf32>,
        %swap3A_4757 = vector.shape_cast %swap3A_4756 : vector<1x16xf32> to vector<16xf32>
        %swap3A_4758 = vector.shape_cast %add3A_4753 : vector<16xf32> to vector<1x16xf32>
        tpu.vector_store %arg9[%swap3A_4754, %swap3A_4755], %swap3A_4758 {strides = array<i32>} : memref<112x256xf32, #tpu.memory_space<vmem>>, vector<1x16xf32>,
        %get3A_4759 = arith.constant 1 : i32
        %get3A_4760 = arith.constant 0 : i32
        %get3A_4761 = arith.index_cast %get3A_4759 : i32 to index
        %get3A_4762 = arith.index_cast %get3A_4760 : i32 to index
        %get3A_4763 = arith.constant 208 : index
        %get3A_4764 = tpu.vector_load %arg8[%get3A_4761, %get3A_4762, %get3A_4763] {strides = array<i32>} : memref<2x16x256xf32, #tpu.memory_space<vmem>>, vector<1x1x16xf32>,
        %get3A_4765 = vector.shape_cast %get3A_4764 : vector<1x1x16xf32> to vector<16xf32>
        %mul3A_4766 = arith.mulf %get3A_4765, %gather3A_2654 : vector<16xf32>
        %get3A_4767 = arith.constant 1 : i32
        %get3A_4768 = arith.constant 1 : i32
        %get3A_4769 = arith.index_cast %get3A_4767 : i32 to index
        %get3A_4770 = arith.index_cast %get3A_4768 : i32 to index
        %get3A_4771 = arith.constant 208 : index
        %get3A_4772 = tpu.vector_load %arg8[%get3A_4769, %get3A_4770, %get3A_4771] {strides = array<i32>} : memref<2x16x256xf32, #tpu.memory_space<vmem>>, vector<1x1x16xf32>,
        %get3A_4773 = vector.shape_cast %get3A_4772 : vector<1x1x16xf32> to vector<16xf32>
        %mul3A_4774 = arith.mulf %get3A_4773, %gather3A_2666 : vector<16xf32>
        %add3A_4775 = arith.addf %mul3A_4766, %mul3A_4774 : vector<16xf32>
        %get3A_4776 = arith.constant 1 : i32
        %get3A_4777 = arith.constant 2 : i32
        %get3A_4778 = arith.index_cast %get3A_4776 : i32 to index
        %get3A_4779 = arith.index_cast %get3A_4777 : i32 to index
        %get3A_4780 = arith.constant 208 : index
        %get3A_4781 = tpu.vector_load %arg8[%get3A_4778, %get3A_4779, %get3A_4780] {strides = array<i32>} : memref<2x16x256xf32, #tpu.memory_space<vmem>>, vector<1x1x16xf32>,
        %get3A_4782 = vector.shape_cast %get3A_4781 : vector<1x1x16xf32> to vector<16xf32>
        %mul3A_4783 = arith.mulf %get3A_4782, %gather3A_2678 : vector<16xf32>
        %add3A_4784 = arith.addf %add3A_4775, %mul3A_4783 : vector<16xf32>
        %get3A_4785 = arith.constant 1 : i32
        %get3A_4786 = arith.constant 3 : i32
        %get3A_4787 = arith.index_cast %get3A_4785 : i32 to index
        %get3A_4788 = arith.index_cast %get3A_4786 : i32 to index
        %get3A_4789 = arith.constant 208 : index
        %get3A_4790 = tpu.vector_load %arg8[%get3A_4787, %get3A_4788, %get3A_4789] {strides = array<i32>} : memref<2x16x256xf32, #tpu.memory_space<vmem>>, vector<1x1x16xf32>,
        %get3A_4791 = vector.shape_cast %get3A_4790 : vector<1x1x16xf32> to vector<16xf32>
        %mul3A_4792 = arith.mulf %get3A_4791, %gather3A_2690 : vector<16xf32>
        %add3A_4793 = arith.addf %add3A_4784, %mul3A_4792 : vector<16xf32>
        %get3A_4794 = arith.constant 1 : i32
        %get3A_4795 = arith.constant 4 : i32
        %get3A_4796 = arith.index_cast %get3A_4794 : i32 to index
        %get3A_4797 = arith.index_cast %get3A_4795 : i32 to index
        %get3A_4798 = arith.constant 208 : index
        %get3A_4799 = tpu.vector_load %arg8[%get3A_4796, %get3A_4797, %get3A_4798] {strides = array<i32>} : memref<2x16x256xf32, #tpu.memory_space<vmem>>, vector<1x1x16xf32>,
        %get3A_4800 = vector.shape_cast %get3A_4799 : vector<1x1x16xf32> to vector<16xf32>
        %mul3A_4801 = arith.mulf %get3A_4800, %gather3A_2702 : vector<16xf32>
        %add3A_4802 = arith.addf %add3A_4793, %mul3A_4801 : vector<16xf32>
        %get3A_4803 = arith.constant 1 : i32
        %get3A_4804 = arith.constant 5 : i32
        %get3A_4805 = arith.index_cast %get3A_4803 : i32 to index
        %get3A_4806 = arith.index_cast %get3A_4804 : i32 to index
        %get3A_4807 = arith.constant 208 : index
        %get3A_4808 = tpu.vector_load %arg8[%get3A_4805, %get3A_4806, %get3A_4807] {strides = array<i32>} : memref<2x16x256xf32, #tpu.memory_space<vmem>>, vector<1x1x16xf32>,
        %get3A_4809 = vector.shape_cast %get3A_4808 : vector<1x1x16xf32> to vector<16xf32>
        %mul3A_4810 = arith.mulf %get3A_4809, %gather3A_2714 : vector<16xf32>
        %add3A_4811 = arith.addf %add3A_4802, %mul3A_4810 : vector<16xf32>
        %get3A_4812 = arith.constant 1 : i32
        %get3A_4813 = arith.constant 6 : i32
        %get3A_4814 = arith.index_cast %get3A_4812 : i32 to index
        %get3A_4815 = arith.index_cast %get3A_4813 : i32 to index
        %get3A_4816 = arith.constant 208 : index
        %get3A_4817 = tpu.vector_load %arg8[%get3A_4814, %get3A_4815, %get3A_4816] {strides = array<i32>} : memref<2x16x256xf32, #tpu.memory_space<vmem>>, vector<1x1x16xf32>,
        %get3A_4818 = vector.shape_cast %get3A_4817 : vector<1x1x16xf32> to vector<16xf32>
        %mul3A_4819 = arith.mulf %get3A_4818, %gather3A_2726 : vector<16xf32>
        %add3A_4820 = arith.addf %add3A_4811, %mul3A_4819 : vector<16xf32>
        %get3A_4821 = arith.constant 1 : i32
        %get3A_4822 = arith.constant 7 : i32
        %get3A_4823 = arith.index_cast %get3A_4821 : i32 to index
        %get3A_4824 = arith.index_cast %get3A_4822 : i32 to index
        %get3A_4825 = arith.constant 208 : index
        %get3A_4826 = tpu.vector_load %arg8[%get3A_4823, %get3A_4824, %get3A_4825] {strides = array<i32>} : memref<2x16x256xf32, #tpu.memory_space<vmem>>, vector<1x1x16xf32>,
        %get3A_4827 = vector.shape_cast %get3A_4826 : vector<1x1x16xf32> to vector<16xf32>
        %mul3A_4828 = arith.mulf %get3A_4827, %gather3A_2738 : vector<16xf32>
        %add3A_4829 = arith.addf %add3A_4820, %mul3A_4828 : vector<16xf32>
        %get3A_4830 = arith.constant 1 : i32
        %get3A_4831 = arith.constant 8 : i32
        %get3A_4832 = arith.index_cast %get3A_4830 : i32 to index
        %get3A_4833 = arith.index_cast %get3A_4831 : i32 to index
        %get3A_4834 = arith.constant 208 : index
        %get3A_4835 = tpu.vector_load %arg8[%get3A_4832, %get3A_4833, %get3A_4834] {strides = array<i32>} : memref<2x16x256xf32, #tpu.memory_space<vmem>>, vector<1x1x16xf32>,
        %get3A_4836 = vector.shape_cast %get3A_4835 : vector<1x1x16xf32> to vector<16xf32>
        %mul3A_4837 = arith.mulf %get3A_4836, %gather3A_2750 : vector<16xf32>
        %add3A_4838 = arith.addf %add3A_4829, %mul3A_4837 : vector<16xf32>
        %get3A_4839 = arith.constant 1 : i32
        %get3A_4840 = arith.constant 9 : i32
        %get3A_4841 = arith.index_cast %get3A_4839 : i32 to index
        %get3A_4842 = arith.index_cast %get3A_4840 : i32 to index
        %get3A_4843 = arith.constant 208 : index
        %get3A_4844 = tpu.vector_load %arg8[%get3A_4841, %get3A_4842, %get3A_4843] {strides = array<i32>} : memref<2x16x256xf32, #tpu.memory_space<vmem>>, vector<1x1x16xf32>,
        %get3A_4845 = vector.shape_cast %get3A_4844 : vector<1x1x16xf32> to vector<16xf32>
        %mul3A_4846 = arith.mulf %get3A_4845, %gather3A_2762 : vector<16xf32>
        %add3A_4847 = arith.addf %add3A_4838, %mul3A_4846 : vector<16xf32>
        %get3A_4848 = arith.constant 1 : i32
        %get3A_4849 = arith.constant 10 : i32
        %get3A_4850 = arith.index_cast %get3A_4848 : i32 to index
        %get3A_4851 = arith.index_cast %get3A_4849 : i32 to index
        %get3A_4852 = arith.constant 208 : index
        %get3A_4853 = tpu.vector_load %arg8[%get3A_4850, %get3A_4851, %get3A_4852] {strides = array<i32>} : memref<2x16x256xf32, #tpu.memory_space<vmem>>, vector<1x1x16xf32>,
        %get3A_4854 = vector.shape_cast %get3A_4853 : vector<1x1x16xf32> to vector<16xf32>
        %mul3A_4855 = arith.mulf %get3A_4854, %gather3A_2774 : vector<16xf32>
        %add3A_4856 = arith.addf %add3A_4847, %mul3A_4855 : vector<16xf32>
        %get3A_4857 = arith.constant 1 : i32
        %get3A_4858 = arith.constant 11 : i32
        %get3A_4859 = arith.index_cast %get3A_4857 : i32 to index
        %get3A_4860 = arith.index_cast %get3A_4858 : i32 to index
        %get3A_4861 = arith.constant 208 : index
        %get3A_4862 = tpu.vector_load %arg8[%get3A_4859, %get3A_4860, %get3A_4861] {strides = array<i32>} : memref<2x16x256xf32, #tpu.memory_space<vmem>>, vector<1x1x16xf32>,
        %get3A_4863 = vector.shape_cast %get3A_4862 : vector<1x1x16xf32> to vector<16xf32>
        %mul3A_4864 = arith.mulf %get3A_4863, %gather3A_2786 : vector<16xf32>
        %add3A_4865 = arith.addf %add3A_4856, %mul3A_4864 : vector<16xf32>
        %get3A_4866 = arith.constant 1 : i32
        %get3A_4867 = arith.constant 12 : i32
        %get3A_4868 = arith.index_cast %get3A_4866 : i32 to index
        %get3A_4869 = arith.index_cast %get3A_4867 : i32 to index
        %get3A_4870 = arith.constant 208 : index
        %get3A_4871 = tpu.vector_load %arg8[%get3A_4868, %get3A_4869, %get3A_4870] {strides = array<i32>} : memref<2x16x256xf32, #tpu.memory_space<vmem>>, vector<1x1x16xf32>,
        %get3A_4872 = vector.shape_cast %get3A_4871 : vector<1x1x16xf32> to vector<16xf32>
        %mul3A_4873 = arith.mulf %get3A_4872, %gather3A_2798 : vector<16xf32>
        %add3A_4874 = arith.addf %add3A_4865, %mul3A_4873 : vector<16xf32>
        %get3A_4875 = arith.constant 1 : i32
        %get3A_4876 = arith.constant 13 : i32
        %get3A_4877 = arith.index_cast %get3A_4875 : i32 to index
        %get3A_4878 = arith.index_cast %get3A_4876 : i32 to index
        %get3A_4879 = arith.constant 208 : index
        %get3A_4880 = tpu.vector_load %arg8[%get3A_4877, %get3A_4878, %get3A_4879] {strides = array<i32>} : memref<2x16x256xf32, #tpu.memory_space<vmem>>, vector<1x1x16xf32>,
        %get3A_4881 = vector.shape_cast %get3A_4880 : vector<1x1x16xf32> to vector<16xf32>
        %mul3A_4882 = arith.mulf %get3A_4881, %gather3A_2810 : vector<16xf32>
        %add3A_4883 = arith.addf %add3A_4874, %mul3A_4882 : vector<16xf32>
        %get3A_4884 = arith.constant 1 : i32
        %get3A_4885 = arith.constant 14 : i32
        %get3A_4886 = arith.index_cast %get3A_4884 : i32 to index
        %get3A_4887 = arith.index_cast %get3A_4885 : i32 to index
        %get3A_4888 = arith.constant 208 : index
        %get3A_4889 = tpu.vector_load %arg8[%get3A_4886, %get3A_4887, %get3A_4888] {strides = array<i32>} : memref<2x16x256xf32, #tpu.memory_space<vmem>>, vector<1x1x16xf32>,
        %get3A_4890 = vector.shape_cast %get3A_4889 : vector<1x1x16xf32> to vector<16xf32>
        %mul3A_4891 = arith.mulf %get3A_4890, %gather3A_2822 : vector<16xf32>
        %add3A_4892 = arith.addf %add3A_4883, %mul3A_4891 : vector<16xf32>
        %get3A_4893 = arith.constant 1 : i32
        %get3A_4894 = arith.constant 15 : i32
        %get3A_4895 = arith.index_cast %get3A_4893 : i32 to index
        %get3A_4896 = arith.index_cast %get3A_4894 : i32 to index
        %get3A_4897 = arith.constant 208 : index
        %get3A_4898 = tpu.vector_load %arg8[%get3A_4895, %get3A_4896, %get3A_4897] {strides = array<i32>} : memref<2x16x256xf32, #tpu.memory_space<vmem>>, vector<1x1x16xf32>,
        %get3A_4899 = vector.shape_cast %get3A_4898 : vector<1x1x16xf32> to vector<16xf32>
        %mul3A_4900 = arith.mulf %get3A_4899, %gather3A_2834 : vector<16xf32>
        %add3A_4901 = arith.addf %add3A_4892, %mul3A_4900 : vector<16xf32>
        %swap3A_4902 = arith.index_cast %add3A_2637 : i32 to index
        %swap3A_4903 = arith.constant 208 : index
        %swap3A_4904 = tpu.vector_load %arg9[%swap3A_4902, %swap3A_4903] {strides = array<i32>} : memref<112x256xf32, #tpu.memory_space<vmem>>, vector<1x16xf32>,
        %swap3A_4905 = vector.shape_cast %swap3A_4904 : vector<1x16xf32> to vector<16xf32>
        %swap3A_4906 = vector.shape_cast %add3A_4901 : vector<16xf32> to vector<1x16xf32>
        tpu.vector_store %arg9[%swap3A_4902, %swap3A_4903], %swap3A_4906 {strides = array<i32>} : memref<112x256xf32, #tpu.memory_space<vmem>>, vector<1x16xf32>,
        %get3A_4907 = arith.constant 1 : i32
        %get3A_4908 = arith.constant 0 : i32
        %get3A_4909 = arith.index_cast %get3A_4907 : i32 to index
        %get3A_4910 = arith.index_cast %get3A_4908 : i32 to index
        %get3A_4911 = arith.constant 224 : index
        %get3A_4912 = tpu.vector_load %arg8[%get3A_4909, %get3A_4910, %get3A_4911] {strides = array<i32>} : memref<2x16x256xf32, #tpu.memory_space<vmem>>, vector<1x1x16xf32>,
        %get3A_4913 = vector.shape_cast %get3A_4912 : vector<1x1x16xf32> to vector<16xf32>
        %mul3A_4914 = arith.mulf %get3A_4913, %gather3A_2654 : vector<16xf32>
        %get3A_4915 = arith.constant 1 : i32
        %get3A_4916 = arith.constant 1 : i32
        %get3A_4917 = arith.index_cast %get3A_4915 : i32 to index
        %get3A_4918 = arith.index_cast %get3A_4916 : i32 to index
        %get3A_4919 = arith.constant 224 : index
        %get3A_4920 = tpu.vector_load %arg8[%get3A_4917, %get3A_4918, %get3A_4919] {strides = array<i32>} : memref<2x16x256xf32, #tpu.memory_space<vmem>>, vector<1x1x16xf32>,
        %get3A_4921 = vector.shape_cast %get3A_4920 : vector<1x1x16xf32> to vector<16xf32>
        %mul3A_4922 = arith.mulf %get3A_4921, %gather3A_2666 : vector<16xf32>
        %add3A_4923 = arith.addf %mul3A_4914, %mul3A_4922 : vector<16xf32>
        %get3A_4924 = arith.constant 1 : i32
        %get3A_4925 = arith.constant 2 : i32
        %get3A_4926 = arith.index_cast %get3A_4924 : i32 to index
        %get3A_4927 = arith.index_cast %get3A_4925 : i32 to index
        %get3A_4928 = arith.constant 224 : index
        %get3A_4929 = tpu.vector_load %arg8[%get3A_4926, %get3A_4927, %get3A_4928] {strides = array<i32>} : memref<2x16x256xf32, #tpu.memory_space<vmem>>, vector<1x1x16xf32>,
        %get3A_4930 = vector.shape_cast %get3A_4929 : vector<1x1x16xf32> to vector<16xf32>
        %mul3A_4931 = arith.mulf %get3A_4930, %gather3A_2678 : vector<16xf32>
        %add3A_4932 = arith.addf %add3A_4923, %mul3A_4931 : vector<16xf32>
        %get3A_4933 = arith.constant 1 : i32
        %get3A_4934 = arith.constant 3 : i32
        %get3A_4935 = arith.index_cast %get3A_4933 : i32 to index
        %get3A_4936 = arith.index_cast %get3A_4934 : i32 to index
        %get3A_4937 = arith.constant 224 : index
        %get3A_4938 = tpu.vector_load %arg8[%get3A_4935, %get3A_4936, %get3A_4937] {strides = array<i32>} : memref<2x16x256xf32, #tpu.memory_space<vmem>>, vector<1x1x16xf32>,
        %get3A_4939 = vector.shape_cast %get3A_4938 : vector<1x1x16xf32> to vector<16xf32>
        %mul3A_4940 = arith.mulf %get3A_4939, %gather3A_2690 : vector<16xf32>
        %add3A_4941 = arith.addf %add3A_4932, %mul3A_4940 : vector<16xf32>
        %get3A_4942 = arith.constant 1 : i32
        %get3A_4943 = arith.constant 4 : i32
        %get3A_4944 = arith.index_cast %get3A_4942 : i32 to index
        %get3A_4945 = arith.index_cast %get3A_4943 : i32 to index
        %get3A_4946 = arith.constant 224 : index
        %get3A_4947 = tpu.vector_load %arg8[%get3A_4944, %get3A_4945, %get3A_4946] {strides = array<i32>} : memref<2x16x256xf32, #tpu.memory_space<vmem>>, vector<1x1x16xf32>,
        %get3A_4948 = vector.shape_cast %get3A_4947 : vector<1x1x16xf32> to vector<16xf32>
        %mul3A_4949 = arith.mulf %get3A_4948, %gather3A_2702 : vector<16xf32>
        %add3A_4950 = arith.addf %add3A_4941, %mul3A_4949 : vector<16xf32>
        %get3A_4951 = arith.constant 1 : i32
        %get3A_4952 = arith.constant 5 : i32
        %get3A_4953 = arith.index_cast %get3A_4951 : i32 to index
        %get3A_4954 = arith.index_cast %get3A_4952 : i32 to index
        %get3A_4955 = arith.constant 224 : index
        %get3A_4956 = tpu.vector_load %arg8[%get3A_4953, %get3A_4954, %get3A_4955] {strides = array<i32>} : memref<2x16x256xf32, #tpu.memory_space<vmem>>, vector<1x1x16xf32>,
        %get3A_4957 = vector.shape_cast %get3A_4956 : vector<1x1x16xf32> to vector<16xf32>
        %mul3A_4958 = arith.mulf %get3A_4957, %gather3A_2714 : vector<16xf32>
        %add3A_4959 = arith.addf %add3A_4950, %mul3A_4958 : vector<16xf32>
        %get3A_4960 = arith.constant 1 : i32
        %get3A_4961 = arith.constant 6 : i32
        %get3A_4962 = arith.index_cast %get3A_4960 : i32 to index
        %get3A_4963 = arith.index_cast %get3A_4961 : i32 to index
        %get3A_4964 = arith.constant 224 : index
        %get3A_4965 = tpu.vector_load %arg8[%get3A_4962, %get3A_4963, %get3A_4964] {strides = array<i32>} : memref<2x16x256xf32, #tpu.memory_space<vmem>>, vector<1x1x16xf32>,
        %get3A_4966 = vector.shape_cast %get3A_4965 : vector<1x1x16xf32> to vector<16xf32>
        %mul3A_4967 = arith.mulf %get3A_4966, %gather3A_2726 : vector<16xf32>
        %add3A_4968 = arith.addf %add3A_4959, %mul3A_4967 : vector<16xf32>
        %get3A_4969 = arith.constant 1 : i32
        %get3A_4970 = arith.constant 7 : i32
        %get3A_4971 = arith.index_cast %get3A_4969 : i32 to index
        %get3A_4972 = arith.index_cast %get3A_4970 : i32 to index
        %get3A_4973 = arith.constant 224 : index
        %get3A_4974 = tpu.vector_load %arg8[%get3A_4971, %get3A_4972, %get3A_4973] {strides = array<i32>} : memref<2x16x256xf32, #tpu.memory_space<vmem>>, vector<1x1x16xf32>,
        %get3A_4975 = vector.shape_cast %get3A_4974 : vector<1x1x16xf32> to vector<16xf32>
        %mul3A_4976 = arith.mulf %get3A_4975, %gather3A_2738 : vector<16xf32>
        %add3A_4977 = arith.addf %add3A_4968, %mul3A_4976 : vector<16xf32>
        %get3A_4978 = arith.constant 1 : i32
        %get3A_4979 = arith.constant 8 : i32
        %get3A_4980 = arith.index_cast %get3A_4978 : i32 to index
        %get3A_4981 = arith.index_cast %get3A_4979 : i32 to index
        %get3A_4982 = arith.constant 224 : index
        %get3A_4983 = tpu.vector_load %arg8[%get3A_4980, %get3A_4981, %get3A_4982] {strides = array<i32>} : memref<2x16x256xf32, #tpu.memory_space<vmem>>, vector<1x1x16xf32>,
        %get3A_4984 = vector.shape_cast %get3A_4983 : vector<1x1x16xf32> to vector<16xf32>
        %mul3A_4985 = arith.mulf %get3A_4984, %gather3A_2750 : vector<16xf32>
        %add3A_4986 = arith.addf %add3A_4977, %mul3A_4985 : vector<16xf32>
        %get3A_4987 = arith.constant 1 : i32
        %get3A_4988 = arith.constant 9 : i32
        %get3A_4989 = arith.index_cast %get3A_4987 : i32 to index
        %get3A_4990 = arith.index_cast %get3A_4988 : i32 to index
        %get3A_4991 = arith.constant 224 : index
        %get3A_4992 = tpu.vector_load %arg8[%get3A_4989, %get3A_4990, %get3A_4991] {strides = array<i32>} : memref<2x16x256xf32, #tpu.memory_space<vmem>>, vector<1x1x16xf32>,
        %get3A_4993 = vector.shape_cast %get3A_4992 : vector<1x1x16xf32> to vector<16xf32>
        %mul3A_4994 = arith.mulf %get3A_4993, %gather3A_2762 : vector<16xf32>
        %add3A_4995 = arith.addf %add3A_4986, %mul3A_4994 : vector<16xf32>
        %get3A_4996 = arith.constant 1 : i32
        %get3A_4997 = arith.constant 10 : i32
        %get3A_4998 = arith.index_cast %get3A_4996 : i32 to index
        %get3A_4999 = arith.index_cast %get3A_4997 : i32 to index
        %get3A_5000 = arith.constant 224 : index
        %get3A_5001 = tpu.vector_load %arg8[%get3A_4998, %get3A_4999, %get3A_5000] {strides = array<i32>} : memref<2x16x256xf32, #tpu.memory_space<vmem>>, vector<1x1x16xf32>,
        %get3A_5002 = vector.shape_cast %get3A_5001 : vector<1x1x16xf32> to vector<16xf32>
        %mul3A_5003 = arith.mulf %get3A_5002, %gather3A_2774 : vector<16xf32>
        %add3A_5004 = arith.addf %add3A_4995, %mul3A_5003 : vector<16xf32>
        %get3A_5005 = arith.constant 1 : i32
        %get3A_5006 = arith.constant 11 : i32
        %get3A_5007 = arith.index_cast %get3A_5005 : i32 to index
        %get3A_5008 = arith.index_cast %get3A_5006 : i32 to index
        %get3A_5009 = arith.constant 224 : index
        %get3A_5010 = tpu.vector_load %arg8[%get3A_5007, %get3A_5008, %get3A_5009] {strides = array<i32>} : memref<2x16x256xf32, #tpu.memory_space<vmem>>, vector<1x1x16xf32>,
        %get3A_5011 = vector.shape_cast %get3A_5010 : vector<1x1x16xf32> to vector<16xf32>
        %mul3A_5012 = arith.mulf %get3A_5011, %gather3A_2786 : vector<16xf32>
        %add3A_5013 = arith.addf %add3A_5004, %mul3A_5012 : vector<16xf32>
        %get3A_5014 = arith.constant 1 : i32
        %get3A_5015 = arith.constant 12 : i32
        %get3A_5016 = arith.index_cast %get3A_5014 : i32 to index
        %get3A_5017 = arith.index_cast %get3A_5015 : i32 to index
        %get3A_5018 = arith.constant 224 : index
        %get3A_5019 = tpu.vector_load %arg8[%get3A_5016, %get3A_5017, %get3A_5018] {strides = array<i32>} : memref<2x16x256xf32, #tpu.memory_space<vmem>>, vector<1x1x16xf32>,
        %get3A_5020 = vector.shape_cast %get3A_5019 : vector<1x1x16xf32> to vector<16xf32>
        %mul3A_5021 = arith.mulf %get3A_5020, %gather3A_2798 : vector<16xf32>
        %add3A_5022 = arith.addf %add3A_5013, %mul3A_5021 : vector<16xf32>
        %get3A_5023 = arith.constant 1 : i32
        %get3A_5024 = arith.constant 13 : i32
        %get3A_5025 = arith.index_cast %get3A_5023 : i32 to index
        %get3A_5026 = arith.index_cast %get3A_5024 : i32 to index
        %get3A_5027 = arith.constant 224 : index
        %get3A_5028 = tpu.vector_load %arg8[%get3A_5025, %get3A_5026, %get3A_5027] {strides = array<i32>} : memref<2x16x256xf32, #tpu.memory_space<vmem>>, vector<1x1x16xf32>,
        %get3A_5029 = vector.shape_cast %get3A_5028 : vector<1x1x16xf32> to vector<16xf32>
        %mul3A_5030 = arith.mulf %get3A_5029, %gather3A_2810 : vector<16xf32>
        %add3A_5031 = arith.addf %add3A_5022, %mul3A_5030 : vector<16xf32>
        %get3A_5032 = arith.constant 1 : i32
        %get3A_5033 = arith.constant 14 : i32
        %get3A_5034 = arith.index_cast %get3A_5032 : i32 to index
        %get3A_5035 = arith.index_cast %get3A_5033 : i32 to index
        %get3A_5036 = arith.constant 224 : index
        %get3A_5037 = tpu.vector_load %arg8[%get3A_5034, %get3A_5035, %get3A_5036] {strides = array<i32>} : memref<2x16x256xf32, #tpu.memory_space<vmem>>, vector<1x1x16xf32>,
        %get3A_5038 = vector.shape_cast %get3A_5037 : vector<1x1x16xf32> to vector<16xf32>
        %mul3A_5039 = arith.mulf %get3A_5038, %gather3A_2822 : vector<16xf32>
        %add3A_5040 = arith.addf %add3A_5031, %mul3A_5039 : vector<16xf32>
        %get3A_5041 = arith.constant 1 : i32
        %get3A_5042 = arith.constant 15 : i32
        %get3A_5043 = arith.index_cast %get3A_5041 : i32 to index
        %get3A_5044 = arith.index_cast %get3A_5042 : i32 to index
        %get3A_5045 = arith.constant 224 : index
        %get3A_5046 = tpu.vector_load %arg8[%get3A_5043, %get3A_5044, %get3A_5045] {strides = array<i32>} : memref<2x16x256xf32, #tpu.memory_space<vmem>>, vector<1x1x16xf32>,
        %get3A_5047 = vector.shape_cast %get3A_5046 : vector<1x1x16xf32> to vector<16xf32>
        %mul3A_5048 = arith.mulf %get3A_5047, %gather3A_2834 : vector<16xf32>
        %add3A_5049 = arith.addf %add3A_5040, %mul3A_5048 : vector<16xf32>
        %swap3A_5050 = arith.index_cast %add3A_2637 : i32 to index
        %swap3A_5051 = arith.constant 224 : index
        %swap3A_5052 = tpu.vector_load %arg9[%swap3A_5050, %swap3A_5051] {strides = array<i32>} : memref<112x256xf32, #tpu.memory_space<vmem>>, vector<1x16xf32>,
        %swap3A_5053 = vector.shape_cast %swap3A_5052 : vector<1x16xf32> to vector<16xf32>
        %swap3A_5054 = vector.shape_cast %add3A_5049 : vector<16xf32> to vector<1x16xf32>
        tpu.vector_store %arg9[%swap3A_5050, %swap3A_5051], %swap3A_5054 {strides = array<i32>} : memref<112x256xf32, #tpu.memory_space<vmem>>, vector<1x16xf32>,
        %get3A_5055 = arith.constant 1 : i32
        %get3A_5056 = arith.constant 0 : i32
        %get3A_5057 = arith.index_cast %get3A_5055 : i32 to index
        %get3A_5058 = arith.index_cast %get3A_5056 : i32 to index
        %get3A_5059 = arith.constant 240 : index
        %get3A_5060 = tpu.vector_load %arg8[%get3A_5057, %get3A_5058, %get3A_5059] {strides = array<i32>} : memref<2x16x256xf32, #tpu.memory_space<vmem>>, vector<1x1x16xf32>,
        %get3A_5061 = vector.shape_cast %get3A_5060 : vector<1x1x16xf32> to vector<16xf32>
        %mul3A_5062 = arith.mulf %get3A_5061, %gather3A_2654 : vector<16xf32>
        %get3A_5063 = arith.constant 1 : i32
        %get3A_5064 = arith.constant 1 : i32
        %get3A_5065 = arith.index_cast %get3A_5063 : i32 to index
        %get3A_5066 = arith.index_cast %get3A_5064 : i32 to index
        %get3A_5067 = arith.constant 240 : index
        %get3A_5068 = tpu.vector_load %arg8[%get3A_5065, %get3A_5066, %get3A_5067] {strides = array<i32>} : memref<2x16x256xf32, #tpu.memory_space<vmem>>, vector<1x1x16xf32>,
        %get3A_5069 = vector.shape_cast %get3A_5068 : vector<1x1x16xf32> to vector<16xf32>
        %mul3A_5070 = arith.mulf %get3A_5069, %gather3A_2666 : vector<16xf32>
        %add3A_5071 = arith.addf %mul3A_5062, %mul3A_5070 : vector<16xf32>
        %get3A_5072 = arith.constant 1 : i32
        %get3A_5073 = arith.constant 2 : i32
        %get3A_5074 = arith.index_cast %get3A_5072 : i32 to index
        %get3A_5075 = arith.index_cast %get3A_5073 : i32 to index
        %get3A_5076 = arith.constant 240 : index
        %get3A_5077 = tpu.vector_load %arg8[%get3A_5074, %get3A_5075, %get3A_5076] {strides = array<i32>} : memref<2x16x256xf32, #tpu.memory_space<vmem>>, vector<1x1x16xf32>,
        %get3A_5078 = vector.shape_cast %get3A_5077 : vector<1x1x16xf32> to vector<16xf32>
        %mul3A_5079 = arith.mulf %get3A_5078, %gather3A_2678 : vector<16xf32>
        %add3A_5080 = arith.addf %add3A_5071, %mul3A_5079 : vector<16xf32>
        %get3A_5081 = arith.constant 1 : i32
        %get3A_5082 = arith.constant 3 : i32
        %get3A_5083 = arith.index_cast %get3A_5081 : i32 to index
        %get3A_5084 = arith.index_cast %get3A_5082 : i32 to index
        %get3A_5085 = arith.constant 240 : index
        %get3A_5086 = tpu.vector_load %arg8[%get3A_5083, %get3A_5084, %get3A_5085] {strides = array<i32>} : memref<2x16x256xf32, #tpu.memory_space<vmem>>, vector<1x1x16xf32>,
        %get3A_5087 = vector.shape_cast %get3A_5086 : vector<1x1x16xf32> to vector<16xf32>
        %mul3A_5088 = arith.mulf %get3A_5087, %gather3A_2690 : vector<16xf32>
        %add3A_5089 = arith.addf %add3A_5080, %mul3A_5088 : vector<16xf32>
        %get3A_5090 = arith.constant 1 : i32
        %get3A_5091 = arith.constant 4 : i32
        %get3A_5092 = arith.index_cast %get3A_5090 : i32 to index
        %get3A_5093 = arith.index_cast %get3A_5091 : i32 to index
        %get3A_5094 = arith.constant 240 : index
        %get3A_5095 = tpu.vector_load %arg8[%get3A_5092, %get3A_5093, %get3A_5094] {strides = array<i32>} : memref<2x16x256xf32, #tpu.memory_space<vmem>>, vector<1x1x16xf32>,
        %get3A_5096 = vector.shape_cast %get3A_5095 : vector<1x1x16xf32> to vector<16xf32>
        %mul3A_5097 = arith.mulf %get3A_5096, %gather3A_2702 : vector<16xf32>
        %add3A_5098 = arith.addf %add3A_5089, %mul3A_5097 : vector<16xf32>
        %get3A_5099 = arith.constant 1 : i32
        %get3A_5100 = arith.constant 5 : i32
        %get3A_5101 = arith.index_cast %get3A_5099 : i32 to index
        %get3A_5102 = arith.index_cast %get3A_5100 : i32 to index
        %get3A_5103 = arith.constant 240 : index
        %get3A_5104 = tpu.vector_load %arg8[%get3A_5101, %get3A_5102, %get3A_5103] {strides = array<i32>} : memref<2x16x256xf32, #tpu.memory_space<vmem>>, vector<1x1x16xf32>,
        %get3A_5105 = vector.shape_cast %get3A_5104 : vector<1x1x16xf32> to vector<16xf32>
        %mul3A_5106 = arith.mulf %get3A_5105, %gather3A_2714 : vector<16xf32>
        %add3A_5107 = arith.addf %add3A_5098, %mul3A_5106 : vector<16xf32>
        %get3A_5108 = arith.constant 1 : i32
        %get3A_5109 = arith.constant 6 : i32
        %get3A_5110 = arith.index_cast %get3A_5108 : i32 to index
        %get3A_5111 = arith.index_cast %get3A_5109 : i32 to index
        %get3A_5112 = arith.constant 240 : index
        %get3A_5113 = tpu.vector_load %arg8[%get3A_5110, %get3A_5111, %get3A_5112] {strides = array<i32>} : memref<2x16x256xf32, #tpu.memory_space<vmem>>, vector<1x1x16xf32>,
        %get3A_5114 = vector.shape_cast %get3A_5113 : vector<1x1x16xf32> to vector<16xf32>
        %mul3A_5115 = arith.mulf %get3A_5114, %gather3A_2726 : vector<16xf32>
        %add3A_5116 = arith.addf %add3A_5107, %mul3A_5115 : vector<16xf32>
        %get3A_5117 = arith.constant 1 : i32
        %get3A_5118 = arith.constant 7 : i32
        %get3A_5119 = arith.index_cast %get3A_5117 : i32 to index
        %get3A_5120 = arith.index_cast %get3A_5118 : i32 to index
        %get3A_5121 = arith.constant 240 : index
        %get3A_5122 = tpu.vector_load %arg8[%get3A_5119, %get3A_5120, %get3A_5121] {strides = array<i32>} : memref<2x16x256xf32, #tpu.memory_space<vmem>>, vector<1x1x16xf32>,
        %get3A_5123 = vector.shape_cast %get3A_5122 : vector<1x1x16xf32> to vector<16xf32>
        %mul3A_5124 = arith.mulf %get3A_5123, %gather3A_2738 : vector<16xf32>
        %add3A_5125 = arith.addf %add3A_5116, %mul3A_5124 : vector<16xf32>
        %get3A_5126 = arith.constant 1 : i32
        %get3A_5127 = arith.constant 8 : i32
        %get3A_5128 = arith.index_cast %get3A_5126 : i32 to index
        %get3A_5129 = arith.index_cast %get3A_5127 : i32 to index
        %get3A_5130 = arith.constant 240 : index
        %get3A_5131 = tpu.vector_load %arg8[%get3A_5128, %get3A_5129, %get3A_5130] {strides = array<i32>} : memref<2x16x256xf32, #tpu.memory_space<vmem>>, vector<1x1x16xf32>,
        %get3A_5132 = vector.shape_cast %get3A_5131 : vector<1x1x16xf32> to vector<16xf32>
        %mul3A_5133 = arith.mulf %get3A_5132, %gather3A_2750 : vector<16xf32>
        %add3A_5134 = arith.addf %add3A_5125, %mul3A_5133 : vector<16xf32>
        %get3A_5135 = arith.constant 1 : i32
        %get3A_5136 = arith.constant 9 : i32
        %get3A_5137 = arith.index_cast %get3A_5135 : i32 to index
        %get3A_5138 = arith.index_cast %get3A_5136 : i32 to index
        %get3A_5139 = arith.constant 240 : index
        %get3A_5140 = tpu.vector_load %arg8[%get3A_5137, %get3A_5138, %get3A_5139] {strides = array<i32>} : memref<2x16x256xf32, #tpu.memory_space<vmem>>, vector<1x1x16xf32>,
        %get3A_5141 = vector.shape_cast %get3A_5140 : vector<1x1x16xf32> to vector<16xf32>
        %mul3A_5142 = arith.mulf %get3A_5141, %gather3A_2762 : vector<16xf32>
        %add3A_5143 = arith.addf %add3A_5134, %mul3A_5142 : vector<16xf32>
        %get3A_5144 = arith.constant 1 : i32
        %get3A_5145 = arith.constant 10 : i32
        %get3A_5146 = arith.index_cast %get3A_5144 : i32 to index
        %get3A_5147 = arith.index_cast %get3A_5145 : i32 to index
        %get3A_5148 = arith.constant 240 : index
        %get3A_5149 = tpu.vector_load %arg8[%get3A_5146, %get3A_5147, %get3A_5148] {strides = array<i32>} : memref<2x16x256xf32, #tpu.memory_space<vmem>>, vector<1x1x16xf32>,
        %get3A_5150 = vector.shape_cast %get3A_5149 : vector<1x1x16xf32> to vector<16xf32>
        %mul3A_5151 = arith.mulf %get3A_5150, %gather3A_2774 : vector<16xf32>
        %add3A_5152 = arith.addf %add3A_5143, %mul3A_5151 : vector<16xf32>
        %get3A_5153 = arith.constant 1 : i32
        %get3A_5154 = arith.constant 11 : i32
        %get3A_5155 = arith.index_cast %get3A_5153 : i32 to index
        %get3A_5156 = arith.index_cast %get3A_5154 : i32 to index
        %get3A_5157 = arith.constant 240 : index
        %get3A_5158 = tpu.vector_load %arg8[%get3A_5155, %get3A_5156, %get3A_5157] {strides = array<i32>} : memref<2x16x256xf32, #tpu.memory_space<vmem>>, vector<1x1x16xf32>,
        %get3A_5159 = vector.shape_cast %get3A_5158 : vector<1x1x16xf32> to vector<16xf32>
        %mul3A_5160 = arith.mulf %get3A_5159, %gather3A_2786 : vector<16xf32>
        %add3A_5161 = arith.addf %add3A_5152, %mul3A_5160 : vector<16xf32>
        %get3A_5162 = arith.constant 1 : i32
        %get3A_5163 = arith.constant 12 : i32
        %get3A_5164 = arith.index_cast %get3A_5162 : i32 to index
        %get3A_5165 = arith.index_cast %get3A_5163 : i32 to index
        %get3A_5166 = arith.constant 240 : index
        %get3A_5167 = tpu.vector_load %arg8[%get3A_5164, %get3A_5165, %get3A_5166] {strides = array<i32>} : memref<2x16x256xf32, #tpu.memory_space<vmem>>, vector<1x1x16xf32>,
        %get3A_5168 = vector.shape_cast %get3A_5167 : vector<1x1x16xf32> to vector<16xf32>
        %mul3A_5169 = arith.mulf %get3A_5168, %gather3A_2798 : vector<16xf32>
        %add3A_5170 = arith.addf %add3A_5161, %mul3A_5169 : vector<16xf32>
        %get3A_5171 = arith.constant 1 : i32
        %get3A_5172 = arith.constant 13 : i32
        %get3A_5173 = arith.index_cast %get3A_5171 : i32 to index
        %get3A_5174 = arith.index_cast %get3A_5172 : i32 to index
        %get3A_5175 = arith.constant 240 : index
        %get3A_5176 = tpu.vector_load %arg8[%get3A_5173, %get3A_5174, %get3A_5175] {strides = array<i32>} : memref<2x16x256xf32, #tpu.memory_space<vmem>>, vector<1x1x16xf32>,
        %get3A_5177 = vector.shape_cast %get3A_5176 : vector<1x1x16xf32> to vector<16xf32>
        %mul3A_5178 = arith.mulf %get3A_5177, %gather3A_2810 : vector<16xf32>
        %add3A_5179 = arith.addf %add3A_5170, %mul3A_5178 : vector<16xf32>
        %get3A_5180 = arith.constant 1 : i32
        %get3A_5181 = arith.constant 14 : i32
        %get3A_5182 = arith.index_cast %get3A_5180 : i32 to index
        %get3A_5183 = arith.index_cast %get3A_5181 : i32 to index
        %get3A_5184 = arith.constant 240 : index
        %get3A_5185 = tpu.vector_load %arg8[%get3A_5182, %get3A_5183, %get3A_5184] {strides = array<i32>} : memref<2x16x256xf32, #tpu.memory_space<vmem>>, vector<1x1x16xf32>,
        %get3A_5186 = vector.shape_cast %get3A_5185 : vector<1x1x16xf32> to vector<16xf32>
        %mul3A_5187 = arith.mulf %get3A_5186, %gather3A_2822 : vector<16xf32>
        %add3A_5188 = arith.addf %add3A_5179, %mul3A_5187 : vector<16xf32>
        %get3A_5189 = arith.constant 1 : i32
        %get3A_5190 = arith.constant 15 : i32
        %get3A_5191 = arith.index_cast %get3A_5189 : i32 to index
        %get3A_5192 = arith.index_cast %get3A_5190 : i32 to index
        %get3A_5193 = arith.constant 240 : index
        %get3A_5194 = tpu.vector_load %arg8[%get3A_5191, %get3A_5192, %get3A_5193] {strides = array<i32>} : memref<2x16x256xf32, #tpu.memory_space<vmem>>, vector<1x1x16xf32>,
        %get3A_5195 = vector.shape_cast %get3A_5194 : vector<1x1x16xf32> to vector<16xf32>
        %mul3A_5196 = arith.mulf %get3A_5195, %gather3A_2834 : vector<16xf32>
        %add3A_5197 = arith.addf %add3A_5188, %mul3A_5196 : vector<16xf32>
        %swap3A_5198 = arith.index_cast %add3A_2637 : i32 to index
        %swap3A_5199 = arith.constant 240 : index
        %swap3A_5200 = tpu.vector_load %arg9[%swap3A_5198, %swap3A_5199] {strides = array<i32>} : memref<112x256xf32, #tpu.memory_space<vmem>>, vector<1x16xf32>,
        %swap3A_5201 = vector.shape_cast %swap3A_5200 : vector<1x16xf32> to vector<16xf32>
        %swap3A_5202 = vector.shape_cast %add3A_5197 : vector<16xf32> to vector<1x16xf32>
        tpu.vector_store %arg9[%swap3A_5198, %swap3A_5199], %swap3A_5202 {strides = array<i32>} : memref<112x256xf32, #tpu.memory_space<vmem>>, vector<1x16xf32>,
      }
      %scan3A_27 = arith.constant 56 : i32
      %add3A_28 = arith.addi %mul3A_2, %mul3A_22 : i32
      "tpu.region"() ({
        %run_scoped3A = tpu.sem_alloc : memref<!tpu.dma_semaphore, #tpu.memory_space<semaphore_mem>>
        %dma_start3A_29 = arith.constant 0 : i32
        %dma_start3A_30 = tpu.memref_slice %arg5[%add3A_28, %dma_start3A_29] : memref<25088x256xf32, #tpu.memory_space<hbm>> -> memref<112x256xf32, #tpu.memory_space<hbm>>
        %dma_start3A_31 = arith.constant 0 : i32
        %dma_start3A_32 = tpu.memref_slice %arg5[%add3A_28, %dma_start3A_31] : memref<25088x256xf32, #tpu.memory_space<hbm>> -> memref<112x256xf32, #tpu.memory_space<hbm>>
        tpu.enqueue_dma source(%arg9 : memref<112x256xf32, #tpu.memory_space<vmem>>) target(%dma_start3A_32 : memref<112x256xf32, #tpu.memory_space<hbm>>) target_semaphore(%run_scoped3A : memref<!tpu.dma_semaphore, #tpu.memory_space<semaphore_mem>>)
        %dma_wait3A = arith.constant 0 : i32
        %dma_wait3A_33 = tpu.memref_slice %arg5[%add3A_28, %dma_wait3A] : memref<25088x256xf32, #tpu.memory_space<hbm>> -> memref<112x256xf32, #tpu.memory_space<hbm>>
        %dma_wait3A_34 = arith.constant 0 : i32
        %dma_wait3A_35 = tpu.memref_slice %arg5[%add3A_28, %dma_wait3A_34] : memref<25088x256xf32, #tpu.memory_space<hbm>> -> memref<112x256xf32, #tpu.memory_space<hbm>>
        tpu.wait_dma2 semaphore(%run_scoped3A : memref<!tpu.dma_semaphore, #tpu.memory_space<semaphore_mem>>) src(%arg9 : memref<112x256xf32, #tpu.memory_space<vmem>>) dst(%dma_wait3A_35 : memref<112x256xf32, #tpu.memory_space<hbm>>)
        tpu.yield
      }) : () -> ()
    }
    %scan3A_19 = arith.constant 7 : i32
    return
  }
}

module attributes {stable_mosaic.version = 14 : i64} {
  func.func @_coord_body(%arg0: memref<512x6xf32, #tpu.memory_space<vmem>>, %arg1: memref<4x784xf32, #tpu.memory_space<vmem>>, %arg2: memref<512x784xi32, #tpu.memory_space<vmem>>, %arg3: memref<512x784xf32, #tpu.memory_space<vmem>>) attributes {dimension_semantics = [], scalar_prefetch = 0 : i64, scratch_operands = 0 : i64, tpu.core_type = #tpu.core_type<tc>} {
    %get3A = arith.constant 0 : index
    %get3A_0 = arith.constant 0 : index
    %get3A_1 = vector.load %arg0[%get3A, %get3A_0] : memref<512x6xf32, #tpu.memory_space<vmem>>, vector<512x1xf32>
    %get3A_2 = arith.constant 0 : index
    %get3A_3 = arith.constant 1 : index
    %get3A_4 = vector.load %arg0[%get3A_2, %get3A_3] : memref<512x6xf32, #tpu.memory_space<vmem>>, vector<512x1xf32>
    %mul3A = arith.constant 1.250000e-01 : f32
    %mul3A_5 = vector.broadcast %mul3A : f32 to vector<512x1xf32>
    %mul3A_6 = arith.mulf %get3A_4, %mul3A_5 : vector<512x1xf32>
    %get3A_7 = arith.constant 0 : index
    %get3A_8 = arith.constant 2 : index
    %get3A_9 = vector.load %arg0[%get3A_7, %get3A_8] : memref<512x6xf32, #tpu.memory_space<vmem>>, vector<512x1xf32>
    %mul3A_10 = arith.constant 1.250000e-01 : f32
    %mul3A_11 = vector.broadcast %mul3A_10 : f32 to vector<512x1xf32>
    %mul3A_12 = arith.mulf %get3A_9, %mul3A_11 : vector<512x1xf32>
    %get3A_13 = arith.constant 0 : index
    %get3A_14 = arith.constant 3 : index
    %get3A_15 = vector.load %arg0[%get3A_13, %get3A_14] : memref<512x6xf32, #tpu.memory_space<vmem>>, vector<512x1xf32>
    %mul3A_16 = arith.constant 1.250000e-01 : f32
    %mul3A_17 = vector.broadcast %mul3A_16 : f32 to vector<512x1xf32>
    %mul3A_18 = arith.mulf %get3A_15, %mul3A_17 : vector<512x1xf32>
    %max3A = arith.constant 1.000000e+00 : f32
    %max3A_19 = vector.broadcast %max3A : f32 to vector<512x1xf32>
    %max3A_20 = arith.maximumf %mul3A_18, %max3A_19 : vector<512x1xf32>
    %get3A_21 = arith.constant 0 : index
    %get3A_22 = arith.constant 4 : index
    %get3A_23 = vector.load %arg0[%get3A_21, %get3A_22] : memref<512x6xf32, #tpu.memory_space<vmem>>, vector<512x1xf32>
    %mul3A_24 = arith.constant 1.250000e-01 : f32
    %mul3A_25 = vector.broadcast %mul3A_24 : f32 to vector<512x1xf32>
    %mul3A_26 = arith.mulf %get3A_23, %mul3A_25 : vector<512x1xf32>
    %max3A_27 = arith.constant 1.000000e+00 : f32
    %max3A_28 = vector.broadcast %max3A_27 : f32 to vector<512x1xf32>
    %max3A_29 = arith.maximumf %mul3A_26, %max3A_28 : vector<512x1xf32>
    %get3A_30 = arith.constant 0 : index
    %get3A_31 = arith.constant 5 : index
    %get3A_32 = vector.load %arg0[%get3A_30, %get3A_31] : memref<512x6xf32, #tpu.memory_space<vmem>>, vector<512x1xf32>
    %cos3A = math.cos %get3A_32 : vector<512x1xf32>
    %sin3A = math.sin %get3A_32 : vector<512x1xf32>
    %get3A_33 = arith.constant 0 : index
    %get3A_34 = arith.constant 0 : index
    %get3A_35 = vector.load %arg1[%get3A_33, %get3A_34] : memref<4x784xf32, #tpu.memory_space<vmem>>, vector<1x784xf32>
    %get3A_36 = arith.constant 1 : index
    %get3A_37 = arith.constant 0 : index
    %get3A_38 = vector.load %arg1[%get3A_36, %get3A_37] : memref<4x784xf32, #tpu.memory_space<vmem>>, vector<1x784xf32>
    %get3A_39 = arith.constant 2 : index
    %get3A_40 = arith.constant 0 : index
    %get3A_41 = vector.load %arg1[%get3A_39, %get3A_40] : memref<4x784xf32, #tpu.memory_space<vmem>>, vector<1x784xf32>
    %get3A_42 = arith.constant 3 : index
    %get3A_43 = arith.constant 0 : index
    %get3A_44 = vector.load %arg1[%get3A_42, %get3A_43] : memref<4x784xf32, #tpu.memory_space<vmem>>, vector<1x784xf32>
    %mul3A_45 = vector.broadcast %max3A_20 : vector<512x1xf32> to vector<512x784xf32>
    %mul3A_46 = vector.broadcast %get3A_35 : vector<1x784xf32> to vector<512x784xf32>
    %mul3A_47 = arith.mulf %mul3A_45, %mul3A_46 : vector<512x784xf32>
    %mul3A_48 = vector.broadcast %max3A_29 : vector<512x1xf32> to vector<512x784xf32>
    %mul3A_49 = vector.broadcast %get3A_38 : vector<1x784xf32> to vector<512x784xf32>
    %mul3A_50 = arith.mulf %mul3A_48, %mul3A_49 : vector<512x784xf32>
    %mul3A_51 = vector.broadcast %cos3A : vector<512x1xf32> to vector<512x784xf32>
    %mul3A_52 = arith.mulf %mul3A_47, %mul3A_51 : vector<512x784xf32>
    %mul3A_53 = vector.broadcast %sin3A : vector<512x1xf32> to vector<512x784xf32>
    %mul3A_54 = arith.mulf %mul3A_50, %mul3A_53 : vector<512x784xf32>
    %sub3A = arith.subf %mul3A_52, %mul3A_54 : vector<512x784xf32>
    %add3A = vector.broadcast %mul3A_6 : vector<512x1xf32> to vector<512x784xf32>
    %add3A_55 = arith.addf %sub3A, %add3A : vector<512x784xf32>
    %mul3A_56 = vector.broadcast %sin3A : vector<512x1xf32> to vector<512x784xf32>
    %mul3A_57 = arith.mulf %mul3A_47, %mul3A_56 : vector<512x784xf32>
    %mul3A_58 = vector.broadcast %cos3A : vector<512x1xf32> to vector<512x784xf32>
    %mul3A_59 = arith.mulf %mul3A_50, %mul3A_58 : vector<512x784xf32>
    %add3A_60 = arith.addf %mul3A_57, %mul3A_59 : vector<512x784xf32>
    %add3A_61 = vector.broadcast %mul3A_12 : vector<512x1xf32> to vector<512x784xf32>
    %add3A_62 = arith.addf %add3A_60, %add3A_61 : vector<512x784xf32>
    %gt3A = arith.constant -1.000000e+00 : f32
    %gt3A_63 = vector.broadcast %gt3A : f32 to vector<512x784xf32>
    %gt3A_64 = arith.cmpf ogt, %add3A_62, %gt3A_63 : vector<512x784xf32>
    %lt3A = arith.constant 1.280000e+02 : f32
    %lt3A_65 = vector.broadcast %lt3A : f32 to vector<512x784xf32>
    %lt3A_66 = arith.cmpf olt, %add3A_62, %lt3A_65 : vector<512x784xf32>
    %and3A = arith.andi %gt3A_64, %lt3A_66 : vector<512x784xi1>
    %gt3A_67 = arith.constant -1.000000e+00 : f32
    %gt3A_68 = vector.broadcast %gt3A_67 : f32 to vector<512x784xf32>
    %gt3A_69 = arith.cmpf ogt, %add3A_55, %gt3A_68 : vector<512x784xf32>
    %and3A_70 = arith.andi %and3A, %gt3A_69 : vector<512x784xi1>
    %lt3A_71 = arith.constant 1.280000e+02 : f32
    %lt3A_72 = vector.broadcast %lt3A_71 : f32 to vector<512x784xf32>
    %lt3A_73 = arith.cmpf olt, %add3A_55, %lt3A_72 : vector<512x784xf32>
    %and3A_74 = arith.andi %and3A_70, %lt3A_73 : vector<512x784xi1>
    %jit3A = arith.constant 0.000000e+00 : f32
    %jit3A_75 = arith.constant 1.270000e+02 : f32
    %max3A_76 = vector.broadcast %jit3A : f32 to vector<512x784xf32>
    %max3A_77 = arith.maximumf %max3A_76, %add3A_55 : vector<512x784xf32>
    %min3A = vector.broadcast %jit3A_75 : f32 to vector<512x784xf32>
    %min3A_78 = arith.minimumf %min3A, %max3A_77 : vector<512x784xf32>
    %jit3A_79 = arith.constant 0.000000e+00 : f32
    %jit3A_80 = arith.constant 1.270000e+02 : f32
    %max3A_81 = vector.broadcast %jit3A_79 : f32 to vector<512x784xf32>
    %max3A_82 = arith.maximumf %max3A_81, %add3A_62 : vector<512x784xf32>
    %min3A_83 = vector.broadcast %jit3A_80 : f32 to vector<512x784xf32>
    %min3A_84 = arith.minimumf %min3A_83, %max3A_82 : vector<512x784xf32>
    %floor3A = math.floor %min3A_78 : vector<512x784xf32>
    %floor3A_85 = math.floor %min3A_84 : vector<512x784xf32>
    %sub3A_86 = arith.subf %min3A_78, %floor3A : vector<512x784xf32>
    %sub3A_87 = arith.subf %min3A_84, %floor3A_85 : vector<512x784xf32>
    %gt3A_88 = arith.constant 5.000000e-01 : f32
    %gt3A_89 = vector.broadcast %gt3A_88 : f32 to vector<1x784xf32>
    %gt3A_90 = arith.cmpf ogt, %get3A_41, %gt3A_89 : vector<1x784xf32>
    %sub3A_91 = arith.constant 1.000000e+00 : f32
    %sub3A_92 = vector.broadcast %sub3A_91 : f32 to vector<512x784xf32>
    %sub3A_93 = arith.subf %sub3A_92, %sub3A_86 : vector<512x784xf32>
    %broadcast_in_dim3A = vector.shape_cast %gt3A_90 : vector<1x784xi1> to vector<1x784xi1>
    %broadcast_in_dim3A_94 = vector.broadcast %broadcast_in_dim3A : vector<1x784xi1> to vector<512x784xi1>
    %select_n3A = arith.select %broadcast_in_dim3A_94, %sub3A_86, %sub3A_93 : vector<512x784xi1>, vector<512x784xf32>
    %gt3A_95 = arith.constant 5.000000e-01 : f32
    %gt3A_96 = vector.broadcast %gt3A_95 : f32 to vector<1x784xf32>
    %gt3A_97 = arith.cmpf ogt, %get3A_44, %gt3A_96 : vector<1x784xf32>
    %sub3A_98 = arith.constant 1.000000e+00 : f32
    %sub3A_99 = vector.broadcast %sub3A_98 : f32 to vector<512x784xf32>
    %sub3A_100 = arith.subf %sub3A_99, %sub3A_87 : vector<512x784xf32>
    %broadcast_in_dim3A_101 = vector.shape_cast %gt3A_97 : vector<1x784xi1> to vector<1x784xi1>
    %broadcast_in_dim3A_102 = vector.broadcast %broadcast_in_dim3A_101 : vector<1x784xi1> to vector<512x784xi1>
    %select_n3A_103 = arith.select %broadcast_in_dim3A_102, %sub3A_87, %sub3A_100 : vector<512x784xi1>, vector<512x784xf32>
    %mul3A_104 = arith.mulf %select_n3A, %select_n3A_103 : vector<512x784xf32>
    %mul3A_105 = arith.constant 2.500000e-01 : f32
    %mul3A_106 = vector.broadcast %mul3A_105 : f32 to vector<512x784xf32>
    %mul3A_107 = arith.mulf %mul3A_104, %mul3A_106 : vector<512x784xf32>
    %jit3A_108 = arith.constant 0.000000e+00 : f32
    %broadcast_in_dim3A_109 = vector.broadcast %jit3A_108 : f32 to vector<512x784xf32>
    %select_n3A_110 = arith.select %and3A_74, %mul3A_107, %broadcast_in_dim3A_109 : vector<512x784xi1>, vector<512x784xf32>
    %swap3A = arith.constant 0 : index
    %swap3A_111 = arith.constant 0 : index
    %swap3A_112 = vector.load %arg3[%swap3A, %swap3A_111] : memref<512x784xf32, #tpu.memory_space<vmem>>, vector<512x784xf32>
    tpu.vector_store %arg3[%swap3A, %swap3A_111], %select_n3A_110 {strides = array<i32>} : memref<512x784xf32, #tpu.memory_space<vmem>>, vector<512x784xf32>,
    %mul3A_113 = arith.constant 1.280000e+02 : f32
    %mul3A_114 = vector.broadcast %mul3A_113 : f32 to vector<512x1xf32>
    %mul3A_115 = arith.mulf %get3A_1, %mul3A_114 : vector<512x1xf32>
    %add3A_116 = vector.broadcast %mul3A_115 : vector<512x1xf32> to vector<512x784xf32>
    %add3A_117 = arith.addf %add3A_116, %floor3A_85 : vector<512x784xf32>
    %mul3A_118 = arith.constant 1.280000e+02 : f32
    %mul3A_119 = vector.broadcast %mul3A_118 : f32 to vector<512x784xf32>
    %mul3A_120 = arith.mulf %add3A_117, %mul3A_119 : vector<512x784xf32>
    %add3A_121 = arith.addf %mul3A_120, %floor3A : vector<512x784xf32>
    %add3A_122 = vector.broadcast %get3A_41 : vector<1x784xf32> to vector<512x784xf32>
    %add3A_123 = arith.addf %add3A_121, %add3A_122 : vector<512x784xf32>
    %mul3A_124 = arith.constant 1.280000e+02 : f32
    %mul3A_125 = vector.broadcast %mul3A_124 : f32 to vector<1x784xf32>
    %mul3A_126 = arith.mulf %get3A_44, %mul3A_125 : vector<1x784xf32>
    %add3A_127 = vector.broadcast %mul3A_126 : vector<1x784xf32> to vector<512x784xf32>
    %add3A_128 = arith.addf %add3A_123, %add3A_127 : vector<512x784xf32>
    %convert_element_type3A = arith.fptosi %add3A_128 : vector<512x784xf32> to vector<512x784xi32>
    %swap3A_129 = arith.constant 0 : index
    %swap3A_130 = arith.constant 0 : index
    %swap3A_131 = vector.load %arg2[%swap3A_129, %swap3A_130] : memref<512x784xi32, #tpu.memory_space<vmem>>, vector<512x784xi32>
    tpu.vector_store %arg2[%swap3A_129, %swap3A_130], %convert_element_type3A {strides = array<i32>} : memref<512x784xi32, #tpu.memory_space<vmem>>, vector<512x784xi32>,
    return
  }
}

</mosaic_0001>

<sc_bundles>
// kernel: kernel.4.cloned.1.call-start
scs
__scs_entry_jumppad:
0x0: {  	(pc) =	sbr.rel $0x88, $3  }
0x1: {  	(tag) =	ssettag $0x0;
	lr =	simm.s32 $0x1  }
0x2: {  	[smem:$0x3F9F] =	sst lr;
	_ =	strace $0xD0000000  }
0x3: {  	_ = 	snop  }
0x4: {  	_ = 	snop  }
0x5: {  	_ = 	snop  }
0x6: {  	_ = 	snop  }
0x7: {  	_ = 	snop  }
__scs_overlays_trampoline_lowered:
0x8: {  	[smem:$0x3FAE] =	sst s0  }
0x9: {  	[smem:$0x3FAF] =	sst s1  }
0xa: {  	[smem:$0x3FB0] =	sst s2  }
0xb: {  	[smem:$0x3FB1] =	sst s3  }
0xc: {  	[smem:$0x3FB2] =	sst s4  }
0xd: {  	[smem:$0x3FB3] =	sst s5  }
0xe: {  	[smem:$0x3FB4] =	sst s6  }
0xf: {  	[smem:$0x3FB5] =	sst s7  }
0x10: {  	[smem:$0x3FB6] =	sst s8  }
0x11: {  	[smem:$0x3FB7] =	sst s9;
	s0 =	simm.s32 @!p0 $0x0  }
0x12: {  	s1 =	sld [smem:$0x3F9D];
	s0 =	simm.s32 @p0 $0x1  }
0x13: {  	[smem:$0x3FB8] =	sst s0;
	s0 =	simm.s32 @!p1 $0x0  }
0x14: {  	s2 =	sld [smem:$0x3F9C];
	s0 =	simm.s32 @p1 $0x1  }
0x15: {  	[smem:$0x3FB9] =	sst s0;
	s0 =	simm.s32 @!p2 $0x0  }
0x16: {  	s3 =	sld [smem:$0x3FDB];
	s0 =	simm.s32 @p2 $0x1  }
0x17: {  	s4 =	simm.s32 $0x1BF5;
	[smem:$0x3FBB] =	sst s0  }
0x18: {  	s0 =	sld [smem:$0x3F9E];
	_ =	swait.ge [sflag:s4], $0x0  }
0x19: {  	s7 =	sld [smem:$0x3F9F]  }
0x1a: {  	s8 =	sadd.s32 $0xFFFFE003, lr  }
0x1b: {  	s9 =	sadd.s32 $0xFFFFFEF7, lr;
	s5 =	simm.s32 $0xFFFFFFFF;
	p2 =	slt.u32 s8, $0xFFFFF086  }
0x1c: {  	p1 =	slt.u32 s9, $0xF7A;
	s5 =	simm.s32 @!p2 $0x0  }
0x1d: {  	s5 =	simm.s32 @p1 $0x1;
	p0 =	seq.s32 s7, s2  }
0x1e: {  	s7 =	smul.u32 @!p0 $0xF7A, s2;
	p2 =	seq.s32 @!p0 s5, $0x0  }
0x1f: {  	s9 =	smul.u32 $0xF7A, s1;
	s8 =	simm.s32 @!p0 $0x1BF5;
	p2 =	por !p2, p0  }
0x20: {  	[sflag:s8] =	ssyncset.s32 @!p0 $0xFFFFF086;
	s6 =	sadd.s32 @!p0 s3, s7;
	s7 =	simm.s32 @!p0 $0x108  }
0x21: {  	s3 =	sadd.s32 s3, s9;
	s6 =	sadd.s32 @!p0 $0x88, s6;
	s7 =	simm.s32 @p2 $0x1082  }
0x22: {  	[simem:s7], [sflag:s8] =	dma.local @!p0 [hbm:s6], $0xF7A  }
0x23: {  	s9 =	sor.u32 $0xD0000000, s2;
	s6 =	simm.s32 $0x108;
	_ =	swait.ge @!p0 [sflag:s8], $0x0  }
0x24: {  	s3 =	sadd.s32 $0x88, s3;
	s6 =	simm.s32 @!p1 $0x1082;
	[sflag:s4] =	ssyncset.s32 $0xFFFFF086  }
0x25: {  	[simem:s6], [sflag:s4] =	dma.local [hbm:s3], $0xF7A  }
0x26: {  	[smem:$0x3F9F] =	sst s1;
	(tag) =	ssettag s2;
	_ =	strace s9  }
0x27: {  	s1 =	sld [smem:$0x3FAF]  }
0x28: {  	s2 =	sld [smem:$0x3FB0]  }
0x29: {  	s4 =	sld [smem:$0x3FB2]  }
0x2a: {  	p0 =	seq.s32 s5, $0x0;
	s5 =	sld [smem:$0x3FB3]  }
0x2b: {  	s6 =	sld [smem:$0x3FB4]  }
0x2c: {  	s7 =	sld [smem:$0x3FB5]  }
0x2d: {  	s3 =	simm.s32 $0x108;
	s8 =	sld [smem:$0x3FB6]  }
0x2e: {  	s3 =	simm.s32 @!p0 $0x1082;
	s9 =	sld [smem:$0x3FB7]  }
0x2f: {  	lr =	sadd.s32 s0, s3;
	s0 =	sld [smem:$0x3FAE]  }
0x30: {  	s3 =	sld [smem:$0x3FB1]  }
0x31: {  	[smem:$0x3FBA] =	sst s10  }
0x32: {  	s10 =	sld [smem:$0x3FB8];
	_ =	sdelay $0x3  }
0x33: {  	p0 =	seq.s32 s10, $0x1;
	s10 =	sld [smem:$0x3FBA];
	_ =	sdelay $0x3  }
0x34: {  	[smem:$0x3FBA] =	sst s10  }
0x35: {  	s10 =	sld [smem:$0x3FB9];
	_ =	sdelay $0x3  }
0x36: {  	p1 =	seq.s32 s10, $0x1;
	s10 =	sld [smem:$0x3FBA];
	_ =	sdelay $0x3  }
0x37: {  	[smem:$0x3FBA] =	sst s10  }
0x38: {  	s10 =	sld [smem:$0x3FBB]  }
0x39: {  	_ = 	snop;
	(pc) =	sbr.ind lr, $3  }
0x3a: {  	_ = 	snop  }
0x3b: {  	_ = 	snop  }
0x3c: {  	p2 =	seq.s32 s10, $0x1;
	s10 =	sld [smem:$0x3FBA]  }
0x3d: {  	_ =	shalt  }
0x3e: {  	_ =	shalt  }
0x3f: {  	_ =	shalt  }
0x40: {  	_ =	shalt  }
0x41: {  	_ =	shalt  }
0x42: {  	_ =	shalt  }
0x43: {  	_ =	shalt  }
0x44: {  	_ =	shalt  }
0x45: {  	_ =	shalt  }
0x46: {  	_ =	shalt  }
0x47: {  	_ =	shalt  }
0x48: {  	_ =	shalt  }
0x49: {  	_ =	shalt  }
0x4a: {  	_ =	shalt  }
0x4b: {  	_ =	shalt  }
0x4c: {  	_ =	shalt  }
0x4d: {  	_ =	shalt  }
0x4e: {  	_ =	shalt  }
0x4f: {  	_ =	shalt  }
0x50: {  	_ =	shalt  }
0x51: {  	_ =	shalt  }
0x52: {  	_ =	shalt  }
0x53: {  	_ =	shalt  }
0x54: {  	_ =	shalt  }
0x55: {  	_ =	shalt  }
0x56: {  	_ =	shalt  }
0x57: {  	_ =	shalt  }
0x58: {  	_ =	shalt  }
0x59: {  	_ =	shalt  }
0x5a: {  	_ =	shalt  }
0x5b: {  	_ =	shalt  }
0x5c: {  	_ =	shalt  }
0x5d: {  	_ =	shalt  }
0x5e: {  	_ =	shalt  }
0x5f: {  	_ =	shalt  }
0x60: {  	_ =	shalt  }
0x61: {  	_ =	shalt  }
0x62: {  	_ =	shalt  }
0x63: {  	_ =	shalt  }
0x64: {  	_ =	shalt  }
0x65: {  	_ =	shalt  }
0x66: {  	_ =	shalt  }
0x67: {  	_ =	shalt  }
0x68: {  	_ =	shalt  }
0x69: {  	_ =	shalt  }
0x6a: {  	_ =	shalt  }
0x6b: {  	_ =	shalt  }
0x6c: {  	_ =	shalt  }
0x6d: {  	_ =	shalt  }
0x6e: {  	_ =	shalt  }
0x6f: {  	_ =	shalt  }
0x70: {  	_ =	shalt  }
0x71: {  	_ =	shalt  }
0x72: {  	_ =	shalt  }
0x73: {  	_ =	shalt  }
0x74: {  	_ =	shalt  }
0x75: {  	_ =	shalt  }
0x76: {  	_ =	shalt  }
0x77: {  	_ =	shalt  }
0x78: {  	_ =	shalt  }
0x79: {  	_ =	shalt  }
0x7a: {  	_ =	shalt  }
0x7b: {  	_ =	shalt  }
0x7c: {  	_ =	shalt  }
0x7d: {  	_ =	shalt  }
0x7e: {  	_ =	shalt  }
0x7f: {  	_ =	shalt  }
0x80: {  	_ =	shalt  }
0x81: {  	_ =	shalt  }
0x82: {  	_ =	shalt  }
0x83: {  	_ =	shalt  }
0x84: {  	_ =	shalt  }
0x85: {  	_ =	shalt  }
0x86: {  	_ =	shalt  }
0x87: {  	_ =	shalt  }
.Lfunc_end0:
.L_simem_size_0:
called_computation.1_lowered:
.L_overlay_start_0:
0x88: {  	s2 =	sld [smem:$0x3FD9]  }
0x89: {  	s3 =	sld [smem:$0x3FFE];
	_ =	sdelay $0x1  }
0x8a: {  	s1 =	srdreg.scid  }
0x8b: {  	s0 =	sand.u32 $0x1, s1  }
0x8c: {  	s17 =	sshll.u32 s0, $0xA;
	s2 =	sadd.s32 s3, s2  }
0x8d: {  	s2 =	sadd.s32 s2, s17  }
0x8e: {  	[smem:$0x3FC6] =	sst s2  }
0x8f: {  	_ = 	snop  }
0x90: {  	s2 =	sld [smem:$0x3FD0];
	(tm) =	ssettm $0x1  }
0x91: {  	s18 =	sld [smem:$0x3FFB];
	_ =	sdelay $0x3  }
0x92: {  	_ =	strace s18  }
0x93: {  	s3 =	sld [smem:$0x3FFC];
	_ =	sdelay $0x3  }
0x94: {  	_ =	strace s3  }
0x95: {  	s3 =	sld [smem:$0x3FFD];
	_ =	sdelay $0x3  }
0x96: {  	_ =	strace s3  }
0x97: {  	_ =	strace $0x8FFFFFFF  }
0x98: {  	s19 =	sld [smem:$0x3FDB];
	_ =	sdelay $0x1  }
0x99: {  	s4 =	simm.s32 $_scs_section_size  }
0x9a: {  	s5 =	simm.s32 $_size__tile_overlayer_lowered;
	s6 =	simm.s32 $_tile_overlayer_lowered  }
0x9b: {  	s22 =	simm.s32 $0x1BFF;
	s21 =	sshll.u32 s6, $0x1;
	s3 =	sadd.s32 s4, s19  }
0x9c: {  	s7 =	simm.s32 $0x0;
	s20 =	sshll.u32 s5, $0x1;
	s5 =	sadd.s32 s21, s3  }
0x9d: {  	[timem:s7], [sflag:s22] =	dma.local [hbm:s5], s20  }
0x9e: {  	_ =	swait.ge [sflag:s22], s20  }
0x9f: {  	s4 =	ssub.s32 $0x0, s20;
	[sflag:s22] =	ssyncset.done $0x0  }
0xa0: {  	[sflag:s22] =	ssyncadd.s32 s4;
	_ =	sdelay $0x1  }
0xa1: {  	s23 =	simm.s32 $0x1B8B  }
0xa2: {  	_ =	swait.ge [sflag:s23], $0x1  }
0xa3: {  	[sflag:s23] =	ssyncset.done $0x0  }
0xa4: {  	s25 =	simm.s32 $0x1B8E;
	s24 =	sld [smem:$0x3FFE];
	[sflag:s23] =	ssyncadd.s32 $0xFFFFFFFF  }
0xa5: {  	s26 =	simm.s32 $execute0_lowered;
	[smem:$0x3FD2] =	sst s25  }
0xa6: {  	s5 =	sshll.u32 s26, $0x1;
	_ =	strace $0x80000049;
	[dreg:$0x1] =	wrdreg $0xFFFFFFFF  }
0xa7: {  	s28 =	simm.s32 $_size_execute0_lowered;
	s3 =	sadd.s32 s3, s5;
	[dreg:$0x0] =	wrdreg $0x0  }
0xa8: {  	s5 =	sshll.u32 s28, $0x1;
	[dreg:$0x2] =	wrdreg s3  }
0xa9: {  	[dreg:$0x3] =	wrdreg s5  }
0xaa: {  	[dreg:$0x4] =	wrdreg $0xC0  }
0xab: {  	_ =	task [dreg:s7], $0x5FFFF  }
0xac: {  	[dreg:$0x1] =	wrdreg $0xFFFFFFFF  }
0xad: {  	[dreg:$0x0] =	wrdreg $0x60  }
0xae: {  	[dreg:$0x2] =	wrdreg s24  }
0xaf: {  	[dreg:$0x3] =	wrdreg s2  }
0xb0: {  	[dreg:$0x4] =	wrdreg $0x9  }
0xb1: {  	_ =	task.clear_ibuf [dreg:s7], $0x5FFFF;
	_ =	strace $0x90000049  }
0xb2: {  	s29 =	simm.s32 $0x9;
	_ =	strace $0x8000004B  }
0xb3: {  	_ =	swait.ge [sflag:s29], $0x1  }
0xb4: {  	[sflag:s29] =	ssyncadd.s32 $0xFFFFFFFF  }
0xb5: {  	_ =	strace $0x9000004B  }
0xb6: {  	_ =	sfence  }
0xb7: {  	s30 =	sld [smem:$0x0];
	_ =	sdelay $0x2  }
0xb8: {  	s31 =	sshll.u32 s1, $0xD;
	s1 =	sshrl.u32 s1, $0x2  }
0xb9: {  	s3 =	sand.u32 $0x4000, s31;
	s1 =	sadd.s32 s1, s30  }
0xba: {  	s0 =	sor.u32 s3, s0;
	s1 =	sshll.u32 s1, $0x11  }
0xbb: {  	s0 =	sor.u32 s1, s0  }
0xbc: {  	s0 =	sadd.s32 $0x8F2B, s0  }
0xbd: {  	[sflag:s0] =	ssyncadd.remote.s32 $0x1  }
0xbe: {  	_ =	sfence.sel $0xFFFF  }
0xbf: {  	[dreg:$0x0] =	wrdreg $0xFFFFFFFF;
	(pc) =	sbr.abs _section_cstart, $3  }
0xc0: {  	[dreg:$0x1] =	wrdreg $0xFFFFFFFF  }
0xc1: {  	_ =	task.clear_ibuf [dreg:s7], $0x2FFFF;
	_ =	strace $0x9FFFFFFF  }
0xc2: {  	(tm) =	ssettm $0x7FFFFFFF  }
0xc3: {  	_ =	shalt  }
tec
execute0_lowered:
.L_overlay_start_1:
0x0: {  	(tag) =	ssettag $0x1  }
0x1: {  	s5 =	rddreg [dreg:$0x0]  }
0x2: {  	s1 =	srdreg.scid;
	s0 =	stileid.u32  }
0x3: {  	s2 =	rddreg [dreg:$0x1];
	s3 =	simm.s32 $0x0;
	s9 =	simm.s32 $0x3  }
0x4: {  	v2 =	vlaneseq.u32;
	s10 =	simm.s32 $0x3100;
	s11 =	simm.s32 $0x6200;
	s12 =	simm.s32 $0x6A00  }
0x5: {  	vm0 =	vmmov $0xffff;
	v3 =	vimm.s32 $0x1;
	v4 =	vimm.s32 $0x7;
	s13 =	simm.s32 $0x7200;
	s14 =	simm.s32 $0x7A00;
	s15 =	simm.s32 $0x1  }
0x6: {  	v5 =	vimm.s32 $0x0;
	v6 =	vimm.s32 $0x2;
	v7 =	vimm.s32 $0x3;
	s16 =	simm.s32 $0x2;
	s4 =	sand.u32 $0x1, s1;
	s6 =	sshll.u32 s0, $0x1  }
0x7: {  	v8 =	vimm.s32 $0x4;
	v9 =	vimm.s32 $0x5;
	v10 =	vimm.s32 $0x6;
	s17 =	simm.s32 $0x8200;
	s18 =	simm.s32 $0x0;
	s6 =	sor.u32 s4, s6  }
0x8: {  	v12 =	vimm.s32 $0x9;
	v13 =	vimm.s32 $0xA;
	v14 =	vimm.s32 $0xB;
	[smem:$0x7FF] =	sst s3;
	s8 =	ssub.s32 $0x2, s4;
	s7 =	smul.u32 $0x620, s6  }
0x9: {  	v11 =	vimm.s32 $0x8;
	v15 =	vimm.s32 $0xC;
	v16 =	vimm.s32 $0xD;
	_ =	strace $0x8000004A;
	s4 =	sadd.s32 $0x119600, s5;
	s31 =	sshrl.u32 s8, $0x1  }
0xa: {  	v17 =	vimm.s32 $0xE;
	v18 =	vimm.s32 $0xF;
	v1 =	vshrl.u32 v2, $0x3;
	s8 =	ssub.s32 s8, s31;
	s7 =	sadd.s32 s7, s5;
	s5 =	smul.u32 $0x310, s6  }
0xb: {  	v0 =	vand.u32 $0x7, v2;
	v2 =	vor.u32 $0x8, v2;
	v1 =	vmul.u32 $0x8, v1;
	s8 =	smax.u32 s8, $0x1;
	s6 =	sadd.s32 $0x100E00, s7;
	s7 =	sadd.s32 $0x10D200, s7  }
.LBB2_1:
0xc: {  	[tilespmem:s3], [sflag:$0x3] =	stream.linear.gather [hbm4b:s6+s3], $0x3100, $0x38;
	[tilespmem:$0xF200] =	vst v63  }
0xd: {  	_ =	swait.ge [sflag:s9], $0x3100  }
0xe: {  	[sflag:s9] =	ssyncset.done $0x0  }
0xf: {  	[sflag:s9] =	ssyncadd.s32 $0xFFFFCF00  }
0x10: {  	[tilespmem:s10], [sflag:$0x3] =	stream.linear.gather [hbm4b:s7+s3], $0x3100, $0x38;
	[tilespmem:$0xF200] =	vst v63  }
0x11: {  	_ =	swait.ge [sflag:s9], $0x3100  }
0x12: {  	[sflag:s9] =	ssyncset.done $0x0  }
0x13: {  	[sflag:s9] =	ssyncadd.s32 $0xFFFFCF00  }
0x14: {  	v19 =	vld [tilespmem:$0x0];
	_ =	sdelay $0x4  }
0x15: {  	v20 =	vshll.u32 v19, $0x1  }
0x16: {  	v19 =	vand.u32 $0x7, v19;
	v20 =	vand.u32 $0xFFFFFFF0, v20  }
0x17: {  	v19 =	vor.u32 v19, v20  }
0x18: {  	v20 =	vperm.xlane v19, v0;
	_ =	sdelay $0x1  }
0x19: {  	v19 =	vperm.xlane v19, v2;
	v20 =	vadd.s32 v1, v20;
	_ =	sdelay $0x1  }
0x1a: {  	v19 =	vadd.s32 v1, v19;
	_ =	sdelay $0x1  }
0x1b: {  	s19 =	simm.s32 $0x3110  }
0x1c: {  	[tilespmem:s11], [sflag:$0x1] =	stream.indirect_vreg.gather [hbm4b:s4+s3], $0x80, v20, vm0, $0xb8;
	[tilespmem:$0xF200] =	vst v63  }
0x1d: {  	s20 =	simm.s32 $0x20;
	s21 =	simm.s32 $0x0;
	s22 =	simm.s32 $0x0  }
0x1e: {  	[tilespmem:s12], [sflag:$0x1] =	stream.indirect_vreg.gather [hbm4b:s4+s3], $0x80, v19, vm0, $0xb8;
	[tilespmem:$0xF200] =	vst v63  }
.LBB2_2:
0x1f: {  	s23 =	smul.u32 $0x70, s22;
	s24 =	simm.s32 $0x0;
	s25 =	smov.u32 s20  }
0x20: {  	s26 =	smov.u32 s19;
	s28 =	smov.u32 s21;
	s29 =	simm.s32 $0x0  }
.LBB2_3:
0x21: {  	v19 =	vld [tilespmem:s25+$0xFFFFFFF0];
	_ =	sdelay $0x4  }
0x22: {  	v20 =	vshll.u32 v19, $0x1  }
0x23: {  	v19 =	vand.u32 $0x7, v19;
	v20 =	vand.u32 $0xFFFFFFF0, v20  }
0x24: {  	v19 =	vor.u32 v19, v20  }
0x25: {  	v20 =	vperm.xlane v19, v0;
	_ =	sdelay $0x1  }
0x26: {  	v19 =	vperm.xlane v19, v2;
	v20 =	vadd.s32 v1, v20;
	_ =	sdelay $0x1  }
0x27: {  	v19 =	vadd.s32 v1, v19;
	_ =	sdelay $0x2  }
0x28: {  	[tilespmem:s13], [sflag:$0x2] =	stream.indirect_vreg.gather [hbm4b:s4+s3], $0x80, v20, vm0, $0xb8;
	[tilespmem:$0xF200] =	vst v63  }
0x29: {  	_ = 	snop  }
0x2a: {  	[tilespmem:s14], [sflag:$0x2] =	stream.indirect_vreg.gather [hbm4b:s4+s3], $0x80, v19, vm0, $0xb8;
	[tilespmem:$0xF200] =	vst v63  }
0x2b: {  	_ =	swait.ge [sflag:s15], $0x1000  }
0x2c: {  	[sflag:s15] =	ssyncset.done $0x0  }
0x2d: {  	[sflag:s15] =	ssyncadd.s32 $0xFFFFF000  }
0x2e: {  	v34 =	vld [tilespmem:s26+$0xFFFFFFF0]  }
0x2f: {  	v22 =	vld [tilespmem:$0x6200]  }
0x30: {  	v23 =	vld [tilespmem:$0x6280];
	_ =	sdelay $0x1  }
0x31: {  	v24 =	vld [tilespmem:$0x6300]  }
0x32: {  	v20 =	vperm.xlane v34, v5;
	v21 =	vperm.xlane v34, v3  }
0x33: {  	v25 =	vld [tilespmem:$0x6380];
	v19 =	vperm.xlane v34, v6  }
0x34: {  	v26 =	vmul.f32 v22, v20;
	v23 =	vmul.f32 v23, v21  }
0x35: {  	v27 =	vld [tilespmem:$0x6400]  }
0x36: {  	v22 =	vperm.xlane v34, v7;
	v24 =	vmul.f32 v24, v19;
	v26 =	vadd.f32 v23, v26  }
0x37: {  	v28 =	vld [tilespmem:$0x6480]  }
0x38: {  	v23 =	vperm.xlane v34, v8;
	v25 =	vmul.f32 v25, v22;
	v26 =	vadd.f32 v24, v26  }
0x39: {  	v29 =	vld [tilespmem:$0x6500]  }
0x3a: {  	v24 =	vperm.xlane v34, v9;
	v27 =	vmul.f32 v27, v23;
	v26 =	vadd.f32 v25, v26  }
0x3b: {  	v30 =	vld [tilespmem:$0x6580]  }
0x3c: {  	v25 =	vperm.xlane v34, v10;
	v28 =	vmul.f32 v28, v24;
	v27 =	vadd.f32 v27, v26  }
0x3d: {  	v31 =	vld [tilespmem:$0x6A00]  }
0x3e: {  	v26 =	vperm.xlane v34, v4;
	v29 =	vmul.f32 v29, v25;
	v28 =	vadd.f32 v28, v27  }
0x3f: {  	v32 =	vld [tilespmem:$0x6A80]  }
0x40: {  	v27 =	vperm.xlane v34, v11;
	v30 =	vmul.f32 v30, v26;
	v29 =	vadd.f32 v29, v28  }
0x41: {  	v33 =	vld [tilespmem:$0x6B00]  }
0x42: {  	v28 =	vperm.xlane v34, v12;
	v31 =	vmul.f32 v31, v27;
	v30 =	vadd.f32 v30, v29  }
0x43: {  	v35 =	vld [tilespmem:$0x6B80]  }
0x44: {  	v29 =	vperm.xlane v34, v13;
	v32 =	vmul.f32 v32, v28;
	v31 =	vadd.f32 v31, v30  }
0x45: {  	v36 =	vld [tilespmem:$0x6C00]  }
0x46: {  	v30 =	vperm.xlane v34, v14;
	v33 =	vmul.f32 v33, v29;
	v32 =	vadd.f32 v32, v31  }
0x47: {  	v37 =	vld [tilespmem:$0x6C80]  }
0x48: {  	v31 =	vperm.xlane v34, v15;
	v35 =	vmul.f32 v35, v30;
	v33 =	vadd.f32 v33, v32  }
0x49: {  	v38 =	vld [tilespmem:$0x6D00]  }
0x4a: {  	v32 =	vperm.xlane v34, v16;
	v36 =	vmul.f32 v36, v31;
	v35 =	vadd.f32 v35, v33  }
0x4b: {  	v39 =	vld [tilespmem:$0x6D80]  }
0x4c: {  	v33 =	vperm.xlane v34, v17;
	v57 =	vmul.f32 v37, v32;
	v35 =	vadd.f32 v36, v35;
	_ =	sdelay $0x1  }
0x4d: {  	v34 =	vperm.xlane v34, v18;
	v58 =	vmul.f32 v38, v33;
	v35 =	vadd.f32 v57, v35;
	_ =	sdelay $0x1  }
0x4e: {  	v59 =	vmul.f32 v39, v34;
	v35 =	vadd.f32 v58, v35;
	_ =	sdelay $0x1  }
0x4f: {  	s30 =	sand.u32 $0x7800, s29;
	s31 =	sand.u32 $0x300, s24;
	v35 =	vadd.f32 v59, v35  }
0x50: {  	s30 =	sor.u32 s31, s30  }
0x51: {  	[tilespmem:s30+$0x8200] =	vst v35  }
0x52: {  	v35 =	vld [tilespmem:$0x6210]  }
0x53: {  	v60 =	vld [tilespmem:$0x6290];
	_ =	sdelay $0x1  }
0x54: {  	v61 =	vld [tilespmem:$0x6310];
	_ =	sdelay $0x1  }
0x55: {  	v62 =	vld [tilespmem:$0x6390]  }
0x56: {  	v35 =	vmul.f32 v35, v20;
	v36 =	vmul.f32 v60, v21  }
0x57: {  	v63 =	vld [tilespmem:$0x6410]  }
0x58: {  	v41 =	vmul.f32 v61, v19;
	v35 =	vadd.f32 v36, v35  }
0x59: {  	v42 =	vld [tilespmem:$0x6490]  }
0x5a: {  	v43 =	vmul.f32 v62, v22;
	v35 =	vadd.f32 v41, v35  }
0x5b: {  	v44 =	vld [tilespmem:$0x6510]  }
0x5c: {  	v45 =	vmul.f32 v63, v23;
	v35 =	vadd.f32 v43, v35  }
0x5d: {  	v46 =	vld [tilespmem:$0x6590]  }
0x5e: {  	v47 =	vmul.f32 v42, v24;
	v35 =	vadd.f32 v45, v35  }
0x5f: {  	v48 =	vld [tilespmem:$0x6A10]  }
0x60: {  	v49 =	vmul.f32 v44, v25;
	v35 =	vadd.f32 v47, v35  }
0x61: {  	v50 =	vld [tilespmem:$0x6A90]  }
0x62: {  	v51 =	vmul.f32 v46, v26;
	v35 =	vadd.f32 v49, v35  }
0x63: {  	v52 =	vld [tilespmem:$0x6B10]  }
0x64: {  	v53 =	vmul.f32 v48, v27;
	v35 =	vadd.f32 v51, v35  }
0x65: {  	v54 =	vld [tilespmem:$0x6B90]  }
0x66: {  	v55 =	vmul.f32 v50, v28;
	v35 =	vadd.f32 v53, v35  }
0x67: {  	v56 =	vld [tilespmem:$0x6C10]  }
0x68: {  	v57 =	vmul.f32 v52, v29;
	v35 =	vadd.f32 v55, v35  }
0x69: {  	v58 =	vld [tilespmem:$0x6C90]  }
0x6a: {  	v59 =	vmul.f32 v54, v30;
	v35 =	vadd.f32 v57, v35  }
0x6b: {  	v60 =	vld [tilespmem:$0x6D10]  }
0x6c: {  	v61 =	vmul.f32 v56, v31;
	v35 =	vadd.f32 v59, v35  }
0x6d: {  	v62 =	vld [tilespmem:$0x6D90]  }
0x6e: {  	v63 =	vmul.f32 v58, v32;
	v35 =	vadd.f32 v61, v35;
	_ =	sdelay $0x1  }
0x6f: {  	v40 =	vmul.f32 v60, v33;
	v35 =	vadd.f32 v63, v35;
	_ =	sdelay $0x1  }
0x70: {  	v41 =	vmul.f32 v62, v34;
	v35 =	vadd.f32 v40, v35;
	_ =	sdelay $0x1  }
0x71: {  	v35 =	vadd.f32 v41, v35;
	_ =	sdelay $0x1  }
0x72: {  	[tilespmem:s30+$0x8210] =	vst v35  }
0x73: {  	v35 =	vld [tilespmem:$0x6220]  }
0x74: {  	v42 =	vld [tilespmem:$0x62A0];
	_ =	sdelay $0x1  }
0x75: {  	v43 =	vld [tilespmem:$0x6320];
	_ =	sdelay $0x1  }
0x76: {  	v44 =	vld [tilespmem:$0x63A0]  }
0x77: {  	v35 =	vmul.f32 v35, v20;
	v36 =	vmul.f32 v42, v21  }
0x78: {  	v45 =	vld [tilespmem:$0x6420]  }
0x79: {  	v46 =	vmul.f32 v43, v19;
	v35 =	vadd.f32 v36, v35  }
0x7a: {  	v47 =	vld [tilespmem:$0x64A0]  }
0x7b: {  	v48 =	vmul.f32 v44, v22;
	v35 =	vadd.f32 v46, v35  }
0x7c: {  	v49 =	vld [tilespmem:$0x6520]  }
0x7d: {  	v50 =	vmul.f32 v45, v23;
	v35 =	vadd.f32 v48, v35  }
0x7e: {  	v51 =	vld [tilespmem:$0x65A0]  }
0x7f: {  	v52 =	vmul.f32 v47, v24;
	v35 =	vadd.f32 v50, v35  }
0x80: {  	v53 =	vld [tilespmem:$0x6A20]  }
0x81: {  	v54 =	vmul.f32 v49, v25;
	v35 =	vadd.f32 v52, v35  }
0x82: {  	v55 =	vld [tilespmem:$0x6AA0]  }
0x83: {  	v56 =	vmul.f32 v51, v26;
	v35 =	vadd.f32 v54, v35  }
0x84: {  	v57 =	vld [tilespmem:$0x6B20]  }
0x85: {  	v58 =	vmul.f32 v53, v27;
	v35 =	vadd.f32 v56, v35  }
0x86: {  	v59 =	vld [tilespmem:$0x6BA0]  }
0x87: {  	v60 =	vmul.f32 v55, v28;
	v35 =	vadd.f32 v58, v35  }
0x88: {  	v61 =	vld [tilespmem:$0x6C20]  }
0x89: {  	v62 =	vmul.f32 v57, v29;
	v35 =	vadd.f32 v60, v35  }
0x8a: {  	v63 =	vld [tilespmem:$0x6CA0]  }
0x8b: {  	v41 =	vmul.f32 v59, v30;
	v35 =	vadd.f32 v62, v35  }
0x8c: {  	v42 =	vld [tilespmem:$0x6D20]  }
0x8d: {  	v43 =	vmul.f32 v61, v31;
	v35 =	vadd.f32 v41, v35  }
0x8e: {  	v44 =	vld [tilespmem:$0x6DA0]  }
0x8f: {  	v45 =	vmul.f32 v63, v32;
	v35 =	vadd.f32 v43, v35;
	_ =	sdelay $0x1  }
0x90: {  	v46 =	vmul.f32 v42, v33;
	v35 =	vadd.f32 v45, v35;
	_ =	sdelay $0x1  }
0x91: {  	v47 =	vmul.f32 v44, v34;
	v35 =	vadd.f32 v46, v35;
	_ =	sdelay $0x1  }
0x92: {  	v35 =	vadd.f32 v47, v35;
	_ =	sdelay $0x1  }
0x93: {  	[tilespmem:s30+$0x8220] =	vst v35  }
0x94: {  	v35 =	vld [tilespmem:$0x6230]  }
0x95: {  	v48 =	vld [tilespmem:$0x62B0];
	_ =	sdelay $0x1  }
0x96: {  	v49 =	vld [tilespmem:$0x6330];
	_ =	sdelay $0x1  }
0x97: {  	v50 =	vld [tilespmem:$0x63B0]  }
0x98: {  	v35 =	vmul.f32 v35, v20;
	v36 =	vmul.f32 v48, v21  }
0x99: {  	v51 =	vld [tilespmem:$0x6430]  }
0x9a: {  	v52 =	vmul.f32 v49, v19;
	v35 =	vadd.f32 v36, v35  }
0x9b: {  	v53 =	vld [tilespmem:$0x64B0]  }
0x9c: {  	v54 =	vmul.f32 v50, v22;
	v35 =	vadd.f32 v52, v35  }
0x9d: {  	v55 =	vld [tilespmem:$0x6530]  }
0x9e: {  	v56 =	vmul.f32 v51, v23;
	v35 =	vadd.f32 v54, v35  }
0x9f: {  	v57 =	vld [tilespmem:$0x65B0]  }
0xa0: {  	v58 =	vmul.f32 v53, v24;
	v35 =	vadd.f32 v56, v35  }
0xa1: {  	v59 =	vld [tilespmem:$0x6A30]  }
0xa2: {  	v60 =	vmul.f32 v55, v25;
	v35 =	vadd.f32 v58, v35  }
0xa3: {  	v61 =	vld [tilespmem:$0x6AB0]  }
0xa4: {  	v62 =	vmul.f32 v57, v26;
	v35 =	vadd.f32 v60, v35  }
0xa5: {  	v63 =	vld [tilespmem:$0x6B30]  }
0xa6: {  	v41 =	vmul.f32 v59, v27;
	v35 =	vadd.f32 v62, v35  }
0xa7: {  	v42 =	vld [tilespmem:$0x6BB0]  }
0xa8: {  	v43 =	vmul.f32 v61, v28;
	v35 =	vadd.f32 v41, v35  }
0xa9: {  	v44 =	vld [tilespmem:$0x6C30]  }
0xaa: {  	v45 =	vmul.f32 v63, v29;
	v35 =	vadd.f32 v43, v35  }
0xab: {  	v46 =	vld [tilespmem:$0x6CB0]  }
0xac: {  	v47 =	vmul.f32 v42, v30;
	v35 =	vadd.f32 v45, v35  }
0xad: {  	v48 =	vld [tilespmem:$0x6D30]  }
0xae: {  	v49 =	vmul.f32 v44, v31;
	v35 =	vadd.f32 v47, v35  }
0xaf: {  	v50 =	vld [tilespmem:$0x6DB0]  }
0xb0: {  	v51 =	vmul.f32 v46, v32;
	v35 =	vadd.f32 v49, v35;
	_ =	sdelay $0x1  }
0xb1: {  	v52 =	vmul.f32 v48, v33;
	v35 =	vadd.f32 v51, v35;
	_ =	sdelay $0x1  }
0xb2: {  	v53 =	vmul.f32 v50, v34;
	v35 =	vadd.f32 v52, v35;
	_ =	sdelay $0x1  }
0xb3: {  	v35 =	vadd.f32 v53, v35;
	_ =	sdelay $0x1  }
0xb4: {  	[tilespmem:s30+$0x8230] =	vst v35  }
0xb5: {  	v35 =	vld [tilespmem:$0x6240]  }
0xb6: {  	v54 =	vld [tilespmem:$0x62C0];
	_ =	sdelay $0x1  }
0xb7: {  	v55 =	vld [tilespmem:$0x6340];
	_ =	sdelay $0x1  }
0xb8: {  	v56 =	vld [tilespmem:$0x63C0]  }
0xb9: {  	v35 =	vmul.f32 v35, v20;
	v36 =	vmul.f32 v54, v21  }
0xba: {  	v57 =	vld [tilespmem:$0x6440]  }
0xbb: {  	v58 =	vmul.f32 v55, v19;
	v35 =	vadd.f32 v36, v35  }
0xbc: {  	v59 =	vld [tilespmem:$0x64C0]  }
0xbd: {  	v60 =	vmul.f32 v56, v22;
	v35 =	vadd.f32 v58, v35  }
0xbe: {  	v61 =	vld [tilespmem:$0x6540]  }
0xbf: {  	v62 =	vmul.f32 v57, v23;
	v35 =	vadd.f32 v60, v35  }
0xc0: {  	v63 =	vld [tilespmem:$0x65C0]  }
0xc1: {  	v41 =	vmul.f32 v59, v24;
	v35 =	vadd.f32 v62, v35  }
0xc2: {  	v42 =	vld [tilespmem:$0x6A40]  }
0xc3: {  	v43 =	vmul.f32 v61, v25;
	v35 =	vadd.f32 v41, v35  }
0xc4: {  	v44 =	vld [tilespmem:$0x6AC0]  }
0xc5: {  	v45 =	vmul.f32 v63, v26;
	v35 =	vadd.f32 v43, v35  }
0xc6: {  	v46 =	vld [tilespmem:$0x6B40]  }
0xc7: {  	v47 =	vmul.f32 v42, v27;
	v35 =	vadd.f32 v45, v35  }
0xc8: {  	v48 =	vld [tilespmem:$0x6BC0]  }
0xc9: {  	v49 =	vmul.f32 v44, v28;
	v35 =	vadd.f32 v47, v35  }
0xca: {  	v50 =	vld [tilespmem:$0x6C40]  }
0xcb: {  	v51 =	vmul.f32 v46, v29;
	v35 =	vadd.f32 v49, v35  }
0xcc: {  	v52 =	vld [tilespmem:$0x6CC0]  }
0xcd: {  	v53 =	vmul.f32 v48, v30;
	v35 =	vadd.f32 v51, v35  }
0xce: {  	v54 =	vld [tilespmem:$0x6D40]  }
0xcf: {  	v55 =	vmul.f32 v50, v31;
	v35 =	vadd.f32 v53, v35  }
0xd0: {  	v56 =	vld [tilespmem:$0x6DC0]  }
0xd1: {  	v57 =	vmul.f32 v52, v32;
	v35 =	vadd.f32 v55, v35;
	_ =	sdelay $0x1  }
0xd2: {  	v58 =	vmul.f32 v54, v33;
	v35 =	vadd.f32 v57, v35;
	_ =	sdelay $0x1  }
0xd3: {  	v59 =	vmul.f32 v56, v34;
	v35 =	vadd.f32 v58, v35;
	_ =	sdelay $0x1  }
0xd4: {  	v35 =	vadd.f32 v59, v35;
	_ =	sdelay $0x1  }
0xd5: {  	[tilespmem:s30+$0x8240] =	vst v35  }
0xd6: {  	v35 =	vld [tilespmem:$0x6250]  }
0xd7: {  	v60 =	vld [tilespmem:$0x62D0];
	_ =	sdelay $0x1  }
0xd8: {  	v61 =	vld [tilespmem:$0x6350];
	_ =	sdelay $0x1  }
0xd9: {  	v62 =	vld [tilespmem:$0x63D0]  }
0xda: {  	v35 =	vmul.f32 v35, v20;
	v36 =	vmul.f32 v60, v21  }
0xdb: {  	v63 =	vld [tilespmem:$0x6450]  }
0xdc: {  	v41 =	vmul.f32 v61, v19;
	v35 =	vadd.f32 v36, v35  }
0xdd: {  	v42 =	vld [tilespmem:$0x64D0]  }
0xde: {  	v43 =	vmul.f32 v62, v22;
	v35 =	vadd.f32 v41, v35  }
0xdf: {  	v44 =	vld [tilespmem:$0x6550]  }
0xe0: {  	v45 =	vmul.f32 v63, v23;
	v35 =	vadd.f32 v43, v35  }
0xe1: {  	v46 =	vld [tilespmem:$0x65D0]  }
0xe2: {  	v47 =	vmul.f32 v42, v24;
	v35 =	vadd.f32 v45, v35  }
0xe3: {  	v48 =	vld [tilespmem:$0x6A50]  }
0xe4: {  	v49 =	vmul.f32 v44, v25;
	v35 =	vadd.f32 v47, v35  }
0xe5: {  	v50 =	vld [tilespmem:$0x6AD0]  }
0xe6: {  	v51 =	vmul.f32 v46, v26;
	v35 =	vadd.f32 v49, v35  }
0xe7: {  	v52 =	vld [tilespmem:$0x6B50]  }
0xe8: {  	v53 =	vmul.f32 v48, v27;
	v35 =	vadd.f32 v51, v35  }
0xe9: {  	v54 =	vld [tilespmem:$0x6BD0]  }
0xea: {  	v55 =	vmul.f32 v50, v28;
	v35 =	vadd.f32 v53, v35  }
0xeb: {  	v56 =	vld [tilespmem:$0x6C50]  }
0xec: {  	v57 =	vmul.f32 v52, v29;
	v35 =	vadd.f32 v55, v35  }
0xed: {  	v58 =	vld [tilespmem:$0x6CD0]  }
0xee: {  	v59 =	vmul.f32 v54, v30;
	v35 =	vadd.f32 v57, v35  }
0xef: {  	v60 =	vld [tilespmem:$0x6D50]  }
0xf0: {  	v61 =	vmul.f32 v56, v31;
	v35 =	vadd.f32 v59, v35  }
0xf1: {  	v62 =	vld [tilespmem:$0x6DD0]  }
0xf2: {  	v63 =	vmul.f32 v58, v32;
	v35 =	vadd.f32 v61, v35;
	_ =	sdelay $0x1  }
0xf3: {  	v40 =	vmul.f32 v60, v33;
	v35 =	vadd.f32 v63, v35;
	_ =	sdelay $0x1  }
0xf4: {  	v41 =	vmul.f32 v62, v34;
	v35 =	vadd.f32 v40, v35;
	_ =	sdelay $0x1  }
0xf5: {  	v35 =	vadd.f32 v41, v35;
	_ =	sdelay $0x1  }
0xf6: {  	[tilespmem:s30+$0x8250] =	vst v35  }
0xf7: {  	v35 =	vld [tilespmem:$0x6260]  }
0xf8: {  	v42 =	vld [tilespmem:$0x62E0];
	_ =	sdelay $0x1  }
0xf9: {  	v43 =	vld [tilespmem:$0x6360];
	_ =	sdelay $0x1  }
0xfa: {  	v44 =	vld [tilespmem:$0x63E0]  }
0xfb: {  	v35 =	vmul.f32 v35, v20;
	v36 =	vmul.f32 v42, v21  }
0xfc: {  	v45 =	vld [tilespmem:$0x6460]  }
0xfd: {  	v46 =	vmul.f32 v43, v19;
	v35 =	vadd.f32 v36, v35  }
0xfe: {  	v47 =	vld [tilespmem:$0x64E0]  }
0xff: {  	v48 =	vmul.f32 v44, v22;
	v35 =	vadd.f32 v46, v35  }
0x100: {  	v49 =	vld [tilespmem:$0x6560]  }
0x101: {  	v50 =	vmul.f32 v45, v23;
	v35 =	vadd.f32 v48, v35  }
0x102: {  	v51 =	vld [tilespmem:$0x65E0]  }
0x103: {  	v52 =	vmul.f32 v47, v24;
	v35 =	vadd.f32 v50, v35  }
0x104: {  	v53 =	vld [tilespmem:$0x6A60]  }
0x105: {  	v54 =	vmul.f32 v49, v25;
	v35 =	vadd.f32 v52, v35  }
0x106: {  	v55 =	vld [tilespmem:$0x6AE0]  }
0x107: {  	v56 =	vmul.f32 v51, v26;
	v35 =	vadd.f32 v54, v35  }
0x108: {  	v57 =	vld [tilespmem:$0x6B60]  }
0x109: {  	v58 =	vmul.f32 v53, v27;
	v35 =	vadd.f32 v56, v35  }
0x10a: {  	v59 =	vld [tilespmem:$0x6BE0]  }
0x10b: {  	v60 =	vmul.f32 v55, v28;
	v35 =	vadd.f32 v58, v35  }
0x10c: {  	v61 =	vld [tilespmem:$0x6C60]  }
0x10d: {  	v62 =	vmul.f32 v57, v29;
	v35 =	vadd.f32 v60, v35  }
0x10e: {  	v63 =	vld [tilespmem:$0x6CE0]  }
0x10f: {  	v41 =	vmul.f32 v59, v30;
	v35 =	vadd.f32 v62, v35  }
0x110: {  	v42 =	vld [tilespmem:$0x6D60]  }
0x111: {  	v43 =	vmul.f32 v61, v31;
	v35 =	vadd.f32 v41, v35  }
0x112: {  	v44 =	vld [tilespmem:$0x6DE0]  }
0x113: {  	v45 =	vmul.f32 v63, v32;
	v35 =	vadd.f32 v43, v35;
	_ =	sdelay $0x1  }
0x114: {  	v46 =	vmul.f32 v42, v33;
	v35 =	vadd.f32 v45, v35;
	_ =	sdelay $0x1  }
0x115: {  	v47 =	vmul.f32 v44, v34;
	v35 =	vadd.f32 v46, v35;
	_ =	sdelay $0x1  }
0x116: {  	v35 =	vadd.f32 v47, v35;
	_ =	sdelay $0x1  }
0x117: {  	[tilespmem:s30+$0x8260] =	vst v35  }
0x118: {  	v35 =	vld [tilespmem:$0x6270]  }
0x119: {  	v48 =	vld [tilespmem:$0x62F0];
	_ =	sdelay $0x1  }
0x11a: {  	v49 =	vld [tilespmem:$0x6370];
	_ =	sdelay $0x1  }
0x11b: {  	v50 =	vld [tilespmem:$0x63F0]  }
0x11c: {  	v35 =	vmul.f32 v35, v20;
	v36 =	vmul.f32 v48, v21  }
0x11d: {  	v51 =	vld [tilespmem:$0x6470]  }
0x11e: {  	v52 =	vmul.f32 v49, v19;
	v35 =	vadd.f32 v36, v35  }
0x11f: {  	v53 =	vld [tilespmem:$0x64F0]  }
0x120: {  	v54 =	vmul.f32 v50, v22;
	v35 =	vadd.f32 v52, v35  }
0x121: {  	v55 =	vld [tilespmem:$0x6570]  }
0x122: {  	v56 =	vmul.f32 v51, v23;
	v35 =	vadd.f32 v54, v35  }
0x123: {  	v57 =	vld [tilespmem:$0x65F0]  }
0x124: {  	v58 =	vmul.f32 v53, v24;
	v35 =	vadd.f32 v56, v35  }
0x125: {  	v59 =	vld [tilespmem:$0x6A70]  }
0x126: {  	v60 =	vmul.f32 v55, v25;
	v35 =	vadd.f32 v58, v35  }
0x127: {  	v61 =	vld [tilespmem:$0x6AF0]  }
0x128: {  	v62 =	vmul.f32 v57, v26;
	v35 =	vadd.f32 v60, v35  }
0x129: {  	v63 =	vld [tilespmem:$0x6B70]  }
0x12a: {  	v41 =	vmul.f32 v59, v27;
	v35 =	vadd.f32 v62, v35  }
0x12b: {  	v42 =	vld [tilespmem:$0x6BF0]  }
0x12c: {  	v43 =	vmul.f32 v61, v28;
	v35 =	vadd.f32 v41, v35  }
0x12d: {  	v44 =	vld [tilespmem:$0x6C70]  }
0x12e: {  	v45 =	vmul.f32 v63, v29;
	v35 =	vadd.f32 v43, v35  }
0x12f: {  	v46 =	vld [tilespmem:$0x6CF0]  }
0x130: {  	v47 =	vmul.f32 v42, v30;
	v35 =	vadd.f32 v45, v35  }
0x131: {  	v48 =	vld [tilespmem:$0x6D70]  }
0x132: {  	v49 =	vmul.f32 v44, v31;
	v35 =	vadd.f32 v47, v35  }
0x133: {  	v50 =	vld [tilespmem:$0x6DF0]  }
0x134: {  	v51 =	vmul.f32 v46, v32;
	v35 =	vadd.f32 v49, v35;
	_ =	sdelay $0x1  }
0x135: {  	v52 =	vmul.f32 v48, v33;
	v35 =	vadd.f32 v51, v35;
	_ =	sdelay $0x1  }
0x136: {  	v53 =	vmul.f32 v50, v34;
	v35 =	vadd.f32 v52, v35;
	_ =	sdelay $0x1  }
0x137: {  	v35 =	vadd.f32 v53, v35;
	_ =	sdelay $0x1  }
0x138: {  	[tilespmem:s30+$0x8270] =	vst v35  }
0x139: {  	v35 =	vld [tilespmem:$0x6600]  }
0x13a: {  	v54 =	vld [tilespmem:$0x6680];
	_ =	sdelay $0x1  }
0x13b: {  	v55 =	vld [tilespmem:$0x6700];
	_ =	sdelay $0x1  }
0x13c: {  	v56 =	vld [tilespmem:$0x6780]  }
0x13d: {  	v35 =	vmul.f32 v35, v20;
	v36 =	vmul.f32 v54, v21  }
0x13e: {  	v57 =	vld [tilespmem:$0x6800]  }
0x13f: {  	v58 =	vmul.f32 v55, v19;
	v35 =	vadd.f32 v36, v35  }
0x140: {  	v59 =	vld [tilespmem:$0x6880]  }
0x141: {  	v60 =	vmul.f32 v56, v22;
	v35 =	vadd.f32 v58, v35  }
0x142: {  	v61 =	vld [tilespmem:$0x6900]  }
0x143: {  	v62 =	vmul.f32 v57, v23;
	v35 =	vadd.f32 v60, v35  }
0x144: {  	v63 =	vld [tilespmem:$0x6980]  }
0x145: {  	v41 =	vmul.f32 v59, v24;
	v35 =	vadd.f32 v62, v35  }
0x146: {  	v42 =	vld [tilespmem:$0x6E00]  }
0x147: {  	v43 =	vmul.f32 v61, v25;
	v35 =	vadd.f32 v41, v35  }
0x148: {  	v44 =	vld [tilespmem:$0x6E80]  }
0x149: {  	v45 =	vmul.f32 v63, v26;
	v35 =	vadd.f32 v43, v35  }
0x14a: {  	v46 =	vld [tilespmem:$0x6F00]  }
0x14b: {  	v47 =	vmul.f32 v42, v27;
	v35 =	vadd.f32 v45, v35  }
0x14c: {  	v48 =	vld [tilespmem:$0x6F80]  }
0x14d: {  	v49 =	vmul.f32 v44, v28;
	v35 =	vadd.f32 v47, v35  }
0x14e: {  	v50 =	vld [tilespmem:$0x7000]  }
0x14f: {  	v51 =	vmul.f32 v46, v29;
	v35 =	vadd.f32 v49, v35  }
0x150: {  	v52 =	vld [tilespmem:$0x7080]  }
0x151: {  	v53 =	vmul.f32 v48, v30;
	v35 =	vadd.f32 v51, v35  }
0x152: {  	v54 =	vld [tilespmem:$0x7100]  }
0x153: {  	v55 =	vmul.f32 v50, v31;
	v35 =	vadd.f32 v53, v35  }
0x154: {  	v56 =	vld [tilespmem:$0x7180]  }
0x155: {  	v57 =	vmul.f32 v52, v32;
	v35 =	vadd.f32 v55, v35;
	_ =	sdelay $0x1  }
0x156: {  	v58 =	vmul.f32 v54, v33;
	v35 =	vadd.f32 v57, v35;
	_ =	sdelay $0x1  }
0x157: {  	v59 =	vmul.f32 v56, v34;
	v35 =	vadd.f32 v58, v35;
	_ =	sdelay $0x1  }
0x158: {  	v35 =	vadd.f32 v59, v35;
	_ =	sdelay $0x1  }
0x159: {  	[tilespmem:s30+$0x8600] =	vst v35  }
0x15a: {  	v35 =	vld [tilespmem:$0x6610]  }
0x15b: {  	v60 =	vld [tilespmem:$0x6690];
	_ =	sdelay $0x1  }
0x15c: {  	v61 =	vld [tilespmem:$0x6710];
	_ =	sdelay $0x1  }
0x15d: {  	v62 =	vld [tilespmem:$0x6790]  }
0x15e: {  	v35 =	vmul.f32 v35, v20;
	v36 =	vmul.f32 v60, v21  }
0x15f: {  	v63 =	vld [tilespmem:$0x6810]  }
0x160: {  	v41 =	vmul.f32 v61, v19;
	v35 =	vadd.f32 v36, v35  }
0x161: {  	v42 =	vld [tilespmem:$0x6890]  }
0x162: {  	v43 =	vmul.f32 v62, v22;
	v35 =	vadd.f32 v41, v35  }
0x163: {  	v44 =	vld [tilespmem:$0x6910]  }
0x164: {  	v45 =	vmul.f32 v63, v23;
	v35 =	vadd.f32 v43, v35  }
0x165: {  	v46 =	vld [tilespmem:$0x6990]  }
0x166: {  	v47 =	vmul.f32 v42, v24;
	v35 =	vadd.f32 v45, v35  }
0x167: {  	v48 =	vld [tilespmem:$0x6E10]  }
0x168: {  	v49 =	vmul.f32 v44, v25;
	v35 =	vadd.f32 v47, v35  }
0x169: {  	v50 =	vld [tilespmem:$0x6E90]  }
0x16a: {  	v51 =	vmul.f32 v46, v26;
	v35 =	vadd.f32 v49, v35  }
0x16b: {  	v52 =	vld [tilespmem:$0x6F10]  }
0x16c: {  	v53 =	vmul.f32 v48, v27;
	v35 =	vadd.f32 v51, v35  }
0x16d: {  	v54 =	vld [tilespmem:$0x6F90]  }
0x16e: {  	v55 =	vmul.f32 v50, v28;
	v35 =	vadd.f32 v53, v35  }
0x16f: {  	v56 =	vld [tilespmem:$0x7010]  }
0x170: {  	v57 =	vmul.f32 v52, v29;
	v35 =	vadd.f32 v55, v35  }
0x171: {  	v58 =	vld [tilespmem:$0x7090]  }
0x172: {  	v59 =	vmul.f32 v54, v30;
	v35 =	vadd.f32 v57, v35  }
0x173: {  	v60 =	vld [tilespmem:$0x7110]  }
0x174: {  	v61 =	vmul.f32 v56, v31;
	v35 =	vadd.f32 v59, v35  }
0x175: {  	v62 =	vld [tilespmem:$0x7190]  }
0x176: {  	v63 =	vmul.f32 v58, v32;
	v35 =	vadd.f32 v61, v35;
	_ =	sdelay $0x1  }
0x177: {  	v40 =	vmul.f32 v60, v33;
	v35 =	vadd.f32 v63, v35;
	_ =	sdelay $0x1  }
0x178: {  	v41 =	vmul.f32 v62, v34;
	v35 =	vadd.f32 v40, v35;
	_ =	sdelay $0x1  }
0x179: {  	v35 =	vadd.f32 v41, v35;
	_ =	sdelay $0x1  }
0x17a: {  	[tilespmem:s30+$0x8610] =	vst v35  }
0x17b: {  	v35 =	vld [tilespmem:$0x6620]  }
0x17c: {  	v42 =	vld [tilespmem:$0x66A0];
	_ =	sdelay $0x1  }
0x17d: {  	v43 =	vld [tilespmem:$0x6720];
	_ =	sdelay $0x1  }
0x17e: {  	v44 =	vld [tilespmem:$0x67A0]  }
0x17f: {  	v35 =	vmul.f32 v35, v20;
	v36 =	vmul.f32 v42, v21  }
0x180: {  	v45 =	vld [tilespmem:$0x6820]  }
0x181: {  	v46 =	vmul.f32 v43, v19;
	v35 =	vadd.f32 v36, v35  }
0x182: {  	v47 =	vld [tilespmem:$0x68A0]  }
0x183: {  	v48 =	vmul.f32 v44, v22;
	v35 =	vadd.f32 v46, v35  }
0x184: {  	v49 =	vld [tilespmem:$0x6920]  }
0x185: {  	v50 =	vmul.f32 v45, v23;
	v35 =	vadd.f32 v48, v35  }
0x186: {  	v51 =	vld [tilespmem:$0x69A0]  }
0x187: {  	v52 =	vmul.f32 v47, v24;
	v35 =	vadd.f32 v50, v35  }
0x188: {  	v53 =	vld [tilespmem:$0x6E20]  }
0x189: {  	v54 =	vmul.f32 v49, v25;
	v35 =	vadd.f32 v52, v35  }
0x18a: {  	v55 =	vld [tilespmem:$0x6EA0]  }
0x18b: {  	v56 =	vmul.f32 v51, v26;
	v35 =	vadd.f32 v54, v35  }
0x18c: {  	v57 =	vld [tilespmem:$0x6F20]  }
0x18d: {  	v58 =	vmul.f32 v53, v27;
	v35 =	vadd.f32 v56, v35  }
0x18e: {  	v59 =	vld [tilespmem:$0x6FA0]  }
0x18f: {  	v60 =	vmul.f32 v55, v28;
	v35 =	vadd.f32 v58, v35  }
0x190: {  	v61 =	vld [tilespmem:$0x7020]  }
0x191: {  	v62 =	vmul.f32 v57, v29;
	v35 =	vadd.f32 v60, v35  }
0x192: {  	v63 =	vld [tilespmem:$0x70A0]  }
0x193: {  	v41 =	vmul.f32 v59, v30;
	v35 =	vadd.f32 v62, v35  }
0x194: {  	v42 =	vld [tilespmem:$0x7120]  }
0x195: {  	v43 =	vmul.f32 v61, v31;
	v35 =	vadd.f32 v41, v35  }
0x196: {  	v44 =	vld [tilespmem:$0x71A0]  }
0x197: {  	v45 =	vmul.f32 v63, v32;
	v35 =	vadd.f32 v43, v35;
	_ =	sdelay $0x1  }
0x198: {  	v46 =	vmul.f32 v42, v33;
	v35 =	vadd.f32 v45, v35;
	_ =	sdelay $0x1  }
0x199: {  	v47 =	vmul.f32 v44, v34;
	v35 =	vadd.f32 v46, v35;
	_ =	sdelay $0x1  }
0x19a: {  	v35 =	vadd.f32 v47, v35;
	_ =	sdelay $0x1  }
0x19b: {  	[tilespmem:s30+$0x8620] =	vst v35  }
0x19c: {  	v35 =	vld [tilespmem:$0x6630]  }
0x19d: {  	v48 =	vld [tilespmem:$0x66B0];
	_ =	sdelay $0x1  }
0x19e: {  	v49 =	vld [tilespmem:$0x6730];
	_ =	sdelay $0x1  }
0x19f: {  	v50 =	vld [tilespmem:$0x67B0]  }
0x1a0: {  	v35 =	vmul.f32 v35, v20;
	v36 =	vmul.f32 v48, v21  }
0x1a1: {  	v51 =	vld [tilespmem:$0x6830]  }
0x1a2: {  	v52 =	vmul.f32 v49, v19;
	v35 =	vadd.f32 v36, v35  }
0x1a3: {  	v53 =	vld [tilespmem:$0x68B0]  }
0x1a4: {  	v54 =	vmul.f32 v50, v22;
	v35 =	vadd.f32 v52, v35  }
0x1a5: {  	v55 =	vld [tilespmem:$0x6930]  }
0x1a6: {  	v56 =	vmul.f32 v51, v23;
	v35 =	vadd.f32 v54, v35  }
0x1a7: {  	v57 =	vld [tilespmem:$0x69B0]  }
0x1a8: {  	v58 =	vmul.f32 v53, v24;
	v35 =	vadd.f32 v56, v35  }
0x1a9: {  	v59 =	vld [tilespmem:$0x6E30]  }
0x1aa: {  	v60 =	vmul.f32 v55, v25;
	v35 =	vadd.f32 v58, v35  }
0x1ab: {  	v61 =	vld [tilespmem:$0x6EB0]  }
0x1ac: {  	v62 =	vmul.f32 v57, v26;
	v35 =	vadd.f32 v60, v35  }
0x1ad: {  	v63 =	vld [tilespmem:$0x6F30]  }
0x1ae: {  	v41 =	vmul.f32 v59, v27;
	v35 =	vadd.f32 v62, v35  }
0x1af: {  	v42 =	vld [tilespmem:$0x6FB0]  }
0x1b0: {  	v43 =	vmul.f32 v61, v28;
	v35 =	vadd.f32 v41, v35  }
0x1b1: {  	v44 =	vld [tilespmem:$0x7030]  }
0x1b2: {  	v45 =	vmul.f32 v63, v29;
	v35 =	vadd.f32 v43, v35  }
0x1b3: {  	v46 =	vld [tilespmem:$0x70B0]  }
0x1b4: {  	v47 =	vmul.f32 v42, v30;
	v35 =	vadd.f32 v45, v35  }
0x1b5: {  	v48 =	vld [tilespmem:$0x7130]  }
0x1b6: {  	v49 =	vmul.f32 v44, v31;
	v35 =	vadd.f32 v47, v35  }
0x1b7: {  	v50 =	vld [tilespmem:$0x71B0]  }
0x1b8: {  	v51 =	vmul.f32 v46, v32;
	v35 =	vadd.f32 v49, v35;
	_ =	sdelay $0x1  }
0x1b9: {  	v52 =	vmul.f32 v48, v33;
	v35 =	vadd.f32 v51, v35;
	_ =	sdelay $0x1  }
0x1ba: {  	v53 =	vmul.f32 v50, v34;
	v35 =	vadd.f32 v52, v35;
	_ =	sdelay $0x1  }
0x1bb: {  	v35 =	vadd.f32 v53, v35;
	_ =	sdelay $0x1  }
0x1bc: {  	[tilespmem:s30+$0x8630] =	vst v35  }
0x1bd: {  	v35 =	vld [tilespmem:$0x6640]  }
0x1be: {  	v54 =	vld [tilespmem:$0x66C0];
	_ =	sdelay $0x1  }
0x1bf: {  	v55 =	vld [tilespmem:$0x6740];
	_ =	sdelay $0x1  }
0x1c0: {  	v56 =	vld [tilespmem:$0x67C0]  }
0x1c1: {  	v35 =	vmul.f32 v35, v20;
	v36 =	vmul.f32 v54, v21  }
0x1c2: {  	v57 =	vld [tilespmem:$0x6840]  }
0x1c3: {  	v58 =	vmul.f32 v55, v19;
	v35 =	vadd.f32 v36, v35  }
0x1c4: {  	v59 =	vld [tilespmem:$0x68C0]  }
0x1c5: {  	v60 =	vmul.f32 v56, v22;
	v35 =	vadd.f32 v58, v35  }
0x1c6: {  	v61 =	vld [tilespmem:$0x6940]  }
0x1c7: {  	v62 =	vmul.f32 v57, v23;
	v35 =	vadd.f32 v60, v35  }
0x1c8: {  	v63 =	vld [tilespmem:$0x69C0]  }
0x1c9: {  	v41 =	vmul.f32 v59, v24;
	v35 =	vadd.f32 v62, v35  }
0x1ca: {  	v42 =	vld [tilespmem:$0x6E40]  }
0x1cb: {  	v43 =	vmul.f32 v61, v25;
	v35 =	vadd.f32 v41, v35  }
0x1cc: {  	v44 =	vld [tilespmem:$0x6EC0]  }
0x1cd: {  	v45 =	vmul.f32 v63, v26;
	v35 =	vadd.f32 v43, v35  }
0x1ce: {  	v46 =	vld [tilespmem:$0x6F40]  }
0x1cf: {  	v47 =	vmul.f32 v42, v27;
	v35 =	vadd.f32 v45, v35  }
0x1d0: {  	v48 =	vld [tilespmem:$0x6FC0]  }
0x1d1: {  	v49 =	vmul.f32 v44, v28;
	v35 =	vadd.f32 v47, v35  }
0x1d2: {  	v50 =	vld [tilespmem:$0x7040]  }
0x1d3: {  	v51 =	vmul.f32 v46, v29;
	v35 =	vadd.f32 v49, v35  }
0x1d4: {  	v52 =	vld [tilespmem:$0x70C0]  }
0x1d5: {  	v53 =	vmul.f32 v48, v30;
	v35 =	vadd.f32 v51, v35  }
0x1d6: {  	v54 =	vld [tilespmem:$0x7140]  }
0x1d7: {  	v55 =	vmul.f32 v50, v31;
	v35 =	vadd.f32 v53, v35  }
0x1d8: {  	v56 =	vld [tilespmem:$0x71C0]  }
0x1d9: {  	v57 =	vmul.f32 v52, v32;
	v35 =	vadd.f32 v55, v35;
	_ =	sdelay $0x1  }
0x1da: {  	v58 =	vmul.f32 v54, v33;
	v35 =	vadd.f32 v57, v35;
	_ =	sdelay $0x1  }
0x1db: {  	v59 =	vmul.f32 v56, v34;
	v35 =	vadd.f32 v58, v35;
	_ =	sdelay $0x1  }
0x1dc: {  	v35 =	vadd.f32 v59, v35;
	_ =	sdelay $0x1  }
0x1dd: {  	[tilespmem:s30+$0x8640] =	vst v35  }
0x1de: {  	v35 =	vld [tilespmem:$0x6650]  }
0x1df: {  	v60 =	vld [tilespmem:$0x66D0];
	_ =	sdelay $0x1  }
0x1e0: {  	v61 =	vld [tilespmem:$0x6750];
	_ =	sdelay $0x1  }
0x1e1: {  	v62 =	vld [tilespmem:$0x67D0]  }
0x1e2: {  	v35 =	vmul.f32 v35, v20;
	v36 =	vmul.f32 v60, v21  }
0x1e3: {  	v63 =	vld [tilespmem:$0x6850]  }
0x1e4: {  	v41 =	vmul.f32 v61, v19;
	v35 =	vadd.f32 v36, v35  }
0x1e5: {  	v42 =	vld [tilespmem:$0x68D0]  }
0x1e6: {  	v43 =	vmul.f32 v62, v22;
	v35 =	vadd.f32 v41, v35  }
0x1e7: {  	v44 =	vld [tilespmem:$0x6950]  }
0x1e8: {  	v45 =	vmul.f32 v63, v23;
	v35 =	vadd.f32 v43, v35  }
0x1e9: {  	v46 =	vld [tilespmem:$0x69D0]  }
0x1ea: {  	v47 =	vmul.f32 v42, v24;
	v35 =	vadd.f32 v45, v35  }
0x1eb: {  	v48 =	vld [tilespmem:$0x6E50]  }
0x1ec: {  	v49 =	vmul.f32 v44, v25;
	v35 =	vadd.f32 v47, v35  }
0x1ed: {  	v50 =	vld [tilespmem:$0x6ED0]  }
0x1ee: {  	v51 =	vmul.f32 v46, v26;
	v35 =	vadd.f32 v49, v35  }
0x1ef: {  	v52 =	vld [tilespmem:$0x6F50]  }
0x1f0: {  	v53 =	vmul.f32 v48, v27;
	v35 =	vadd.f32 v51, v35  }
0x1f1: {  	v54 =	vld [tilespmem:$0x6FD0]  }
0x1f2: {  	v55 =	vmul.f32 v50, v28;
	v35 =	vadd.f32 v53, v35  }
0x1f3: {  	v56 =	vld [tilespmem:$0x7050]  }
0x1f4: {  	v57 =	vmul.f32 v52, v29;
	v35 =	vadd.f32 v55, v35  }
0x1f5: {  	v58 =	vld [tilespmem:$0x70D0]  }
0x1f6: {  	v59 =	vmul.f32 v54, v30;
	v35 =	vadd.f32 v57, v35  }
0x1f7: {  	v60 =	vld [tilespmem:$0x7150]  }
0x1f8: {  	v61 =	vmul.f32 v56, v31;
	v35 =	vadd.f32 v59, v35  }
0x1f9: {  	v62 =	vld [tilespmem:$0x71D0]  }
0x1fa: {  	v63 =	vmul.f32 v58, v32;
	v35 =	vadd.f32 v61, v35;
	_ =	sdelay $0x1  }
0x1fb: {  	v40 =	vmul.f32 v60, v33;
	v35 =	vadd.f32 v63, v35;
	_ =	sdelay $0x1  }
0x1fc: {  	v41 =	vmul.f32 v62, v34;
	v35 =	vadd.f32 v40, v35;
	_ =	sdelay $0x1  }
0x1fd: {  	v35 =	vadd.f32 v41, v35;
	_ =	sdelay $0x1  }
0x1fe: {  	[tilespmem:s30+$0x8650] =	vst v35  }
0x1ff: {  	v35 =	vld [tilespmem:$0x6660]  }
0x200: {  	v42 =	vld [tilespmem:$0x66E0];
	_ =	sdelay $0x1  }
0x201: {  	v43 =	vld [tilespmem:$0x6760];
	_ =	sdelay $0x1  }
0x202: {  	v44 =	vld [tilespmem:$0x67E0]  }
0x203: {  	v35 =	vmul.f32 v35, v20;
	v36 =	vmul.f32 v42, v21  }
0x204: {  	v45 =	vld [tilespmem:$0x6860]  }
0x205: {  	v46 =	vmul.f32 v43, v19;
	v35 =	vadd.f32 v36, v35  }
0x206: {  	v47 =	vld [tilespmem:$0x68E0]  }
0x207: {  	v48 =	vmul.f32 v44, v22;
	v35 =	vadd.f32 v46, v35  }
0x208: {  	v49 =	vld [tilespmem:$0x6960]  }
0x209: {  	v50 =	vmul.f32 v45, v23;
	v35 =	vadd.f32 v48, v35  }
0x20a: {  	v51 =	vld [tilespmem:$0x69E0]  }
0x20b: {  	v52 =	vmul.f32 v47, v24;
	v35 =	vadd.f32 v50, v35  }
0x20c: {  	v53 =	vld [tilespmem:$0x6E60]  }
0x20d: {  	v54 =	vmul.f32 v49, v25;
	v35 =	vadd.f32 v52, v35  }
0x20e: {  	v55 =	vld [tilespmem:$0x6EE0]  }
0x20f: {  	v56 =	vmul.f32 v51, v26;
	v35 =	vadd.f32 v54, v35  }
0x210: {  	v57 =	vld [tilespmem:$0x6F60]  }
0x211: {  	v58 =	vmul.f32 v53, v27;
	v35 =	vadd.f32 v56, v35  }
0x212: {  	v59 =	vld [tilespmem:$0x6FE0]  }
0x213: {  	v60 =	vmul.f32 v55, v28;
	v35 =	vadd.f32 v58, v35  }
0x214: {  	v61 =	vld [tilespmem:$0x7060]  }
0x215: {  	v62 =	vmul.f32 v57, v29;
	v35 =	vadd.f32 v60, v35  }
0x216: {  	v63 =	vld [tilespmem:$0x70E0]  }
0x217: {  	v41 =	vmul.f32 v59, v30;
	v35 =	vadd.f32 v62, v35  }
0x218: {  	v42 =	vld [tilespmem:$0x7160]  }
0x219: {  	v43 =	vmul.f32 v61, v31;
	v35 =	vadd.f32 v41, v35  }
0x21a: {  	v44 =	vld [tilespmem:$0x71E0]  }
0x21b: {  	v45 =	vmul.f32 v63, v32;
	v35 =	vadd.f32 v43, v35;
	_ =	sdelay $0x1  }
0x21c: {  	v46 =	vmul.f32 v42, v33;
	v35 =	vadd.f32 v45, v35;
	_ =	sdelay $0x1  }
0x21d: {  	v47 =	vmul.f32 v44, v34;
	v35 =	vadd.f32 v46, v35;
	_ =	sdelay $0x1  }
0x21e: {  	v35 =	vadd.f32 v47, v35;
	_ =	sdelay $0x1  }
0x21f: {  	[tilespmem:s30+$0x8660] =	vst v35  }
0x220: {  	v35 =	vld [tilespmem:$0x6670]  }
0x221: {  	v48 =	vld [tilespmem:$0x66F0];
	_ =	sdelay $0x1  }
0x222: {  	v49 =	vld [tilespmem:$0x6770];
	_ =	sdelay $0x1  }
0x223: {  	v50 =	vld [tilespmem:$0x67F0]  }
0x224: {  	v20 =	vmul.f32 v35, v20;
	v21 =	vmul.f32 v48, v21  }
0x225: {  	v51 =	vld [tilespmem:$0x6870]  }
0x226: {  	v19 =	vmul.f32 v49, v19;
	v20 =	vadd.f32 v21, v20  }
0x227: {  	v52 =	vld [tilespmem:$0x68F0]  }
0x228: {  	v19 =	vadd.f32 v19, v20;
	v20 =	vmul.f32 v50, v22  }
0x229: {  	v53 =	vld [tilespmem:$0x6970]  }
0x22a: {  	v19 =	vadd.f32 v20, v19;
	v20 =	vmul.f32 v51, v23  }
0x22b: {  	v54 =	vld [tilespmem:$0x69F0]  }
0x22c: {  	v19 =	vadd.f32 v20, v19;
	v20 =	vmul.f32 v52, v24  }
0x22d: {  	v55 =	vld [tilespmem:$0x6E70]  }
0x22e: {  	v19 =	vadd.f32 v20, v19;
	v20 =	vmul.f32 v53, v25  }
0x22f: {  	v56 =	vld [tilespmem:$0x6EF0]  }
0x230: {  	v19 =	vadd.f32 v20, v19;
	v20 =	vmul.f32 v54, v26  }
0x231: {  	v57 =	vld [tilespmem:$0x6F70]  }
0x232: {  	v19 =	vadd.f32 v20, v19;
	v20 =	vmul.f32 v55, v27  }
0x233: {  	v58 =	vld [tilespmem:$0x6FF0]  }
0x234: {  	v19 =	vadd.f32 v20, v19;
	v20 =	vmul.f32 v56, v28  }
0x235: {  	v59 =	vld [tilespmem:$0x7070]  }
0x236: {  	v19 =	vadd.f32 v20, v19;
	v20 =	vmul.f32 v57, v29  }
0x237: {  	v60 =	vld [tilespmem:$0x70F0]  }
0x238: {  	v19 =	vadd.f32 v20, v19;
	v20 =	vmul.f32 v58, v30  }
0x239: {  	v61 =	vld [tilespmem:$0x7170]  }
0x23a: {  	v19 =	vadd.f32 v20, v19;
	v20 =	vmul.f32 v59, v31  }
0x23b: {  	v62 =	vld [tilespmem:$0x71F0]  }
0x23c: {  	v19 =	vadd.f32 v20, v19;
	v20 =	vmul.f32 v60, v32;
	_ =	sdelay $0x1  }
0x23d: {  	v19 =	vadd.f32 v20, v19;
	v20 =	vmul.f32 v61, v33;
	_ =	sdelay $0x1  }
0x23e: {  	v19 =	vadd.f32 v20, v19;
	v20 =	vmul.f32 v62, v34;
	_ =	sdelay $0x1  }
0x23f: {  	v19 =	vadd.f32 v20, v19;
	_ =	sdelay $0x1  }
0x240: {  	p0 =	sgt.u32 s28, $0x30D;
	[tilespmem:s30+$0x8670] =	vst v19  }
0x241: {  	v19 =	vld @!p0 [tilespmem:s25+$0x0];
	_ =	sdelay $0x4  }
0x242: {  	v20 =	vshll.u32 @!p0 v19, $0x1  }
0x243: {  	v21 =	vlaneseq.u32 @!p0;
	v19 =	vand.u32 @!p0 $0x7, v19;
	v20 =	vand.u32 @!p0 $0xFFFFFFF0, v20  }
0x244: {  	v22 =	vshrl.u32 @!p0 v21, $0x3;
	v19 =	vor.u32 @!p0 v19, v20;
	v20 =	vand.u32 @!p0 $0x7, v21  }
0x245: {  	v22 =	vmul.u32 @!p0 $0x8, v22;
	v20 =	vperm.xlane @!p0 v19, v20  }
0x246: {  	v21 =	vor.u32 @!p0 $0x8, v21  }
0x247: {  	v19 =	vperm.xlane @!p0 v19, v21;
	v20 =	vadd.s32 @!p0 v22, v20;
	_ =	sdelay $0x1  }
0x248: {  	v19 =	vadd.s32 @!p0 v22, v19;
	_ =	sdelay $0x1  }
0x249: {  	vm1 =	vmmov @!p0 $0xffff;
	s31 =	simm.s32 @!p0 $0x0;
	s1 =	simm.s32 @!p0 $0x6200  }
0x24a: {  	[tilespmem:s1], [sflag:$0x1] =	stream.indirect_vreg.gather @!p0 [hbm4b:s4+s31], $0x80, v20, vm1, $0xb8;
	[tilespmem:$0xF200] =	vst v63  }
0x24b: {  	s1 =	simm.s32 @!p0 $0x6A00  }
0x24c: {  	[tilespmem:s1], [sflag:$0x1] =	stream.indirect_vreg.gather @!p0 [hbm4b:s4+s31], $0x80, v19, vm1, $0xb8;
	[tilespmem:$0xF200] =	vst v63  }
0x24d: {  	_ =	swait.ge [sflag:s16], $0x1000  }
0x24e: {  	[sflag:s16] =	ssyncset.done $0x0  }
0x24f: {  	[sflag:s16] =	ssyncadd.s32 $0xFFFFF000  }
0x250: {  	v63 =	vld [tilespmem:s26+$0x0]  }
0x251: {  	v40 =	vld [tilespmem:$0x7200]  }
0x252: {  	v41 =	vld [tilespmem:$0x7280];
	_ =	sdelay $0x1  }
0x253: {  	v42 =	vld [tilespmem:$0x7300]  }
0x254: {  	v20 =	vperm.xlane v63, v5;
	v21 =	vperm.xlane v63, v3  }
0x255: {  	v43 =	vld [tilespmem:$0x7380];
	v19 =	vperm.xlane v63, v6  }
0x256: {  	v44 =	vmul.f32 v40, v20;
	v23 =	vmul.f32 v41, v21  }
0x257: {  	v45 =	vld [tilespmem:$0x7400]  }
0x258: {  	v22 =	vperm.xlane v63, v7;
	v24 =	vmul.f32 v42, v19;
	v26 =	vadd.f32 v23, v44  }
0x259: {  	v46 =	vld [tilespmem:$0x7480]  }
0x25a: {  	v25 =	vmul.f32 v43, v22;
	v23 =	vperm.xlane v63, v8;
	v26 =	vadd.f32 v24, v26  }
0x25b: {  	v47 =	vld [tilespmem:$0x7500]  }
0x25c: {  	v24 =	vperm.xlane v63, v9;
	v27 =	vmul.f32 v45, v23;
	v26 =	vadd.f32 v25, v26  }
0x25d: {  	v48 =	vld [tilespmem:$0x7580]  }
0x25e: {  	v25 =	vperm.xlane v63, v10;
	v28 =	vmul.f32 v46, v24;
	v27 =	vadd.f32 v27, v26  }
0x25f: {  	v49 =	vld [tilespmem:$0x7A00]  }
0x260: {  	v26 =	vperm.xlane v63, v4;
	v29 =	vmul.f32 v47, v25;
	v28 =	vadd.f32 v28, v27  }
0x261: {  	v50 =	vld [tilespmem:$0x7A80]  }
0x262: {  	v27 =	vperm.xlane v63, v11;
	v30 =	vmul.f32 v48, v26;
	v29 =	vadd.f32 v29, v28  }
0x263: {  	v51 =	vld [tilespmem:$0x7B00]  }
0x264: {  	v28 =	vperm.xlane v63, v12;
	v31 =	vmul.f32 v49, v27;
	v30 =	vadd.f32 v30, v29  }
0x265: {  	v52 =	vld [tilespmem:$0x7B80]  }
0x266: {  	v29 =	vperm.xlane v63, v13;
	v32 =	vmul.f32 v50, v28;
	v31 =	vadd.f32 v31, v30  }
0x267: {  	v53 =	vld [tilespmem:$0x7C00]  }
0x268: {  	v30 =	vperm.xlane v63, v14;
	v33 =	vmul.f32 v51, v29;
	v32 =	vadd.f32 v32, v31  }
0x269: {  	v54 =	vld [tilespmem:$0x7C80]  }
0x26a: {  	v31 =	vperm.xlane v63, v15;
	v35 =	vmul.f32 v52, v30;
	v33 =	vadd.f32 v33, v32  }
0x26b: {  	v55 =	vld [tilespmem:$0x7D00]  }
0x26c: {  	v32 =	vperm.xlane v63, v16;
	v36 =	vmul.f32 v53, v31;
	v35 =	vadd.f32 v35, v33  }
0x26d: {  	v56 =	vld [tilespmem:$0x7D80]  }
0x26e: {  	v33 =	vperm.xlane v63, v17;
	v57 =	vmul.f32 v54, v32;
	v35 =	vadd.f32 v36, v35;
	_ =	sdelay $0x1  }
0x26f: {  	v34 =	vperm.xlane v63, v18;
	v58 =	vmul.f32 v55, v33;
	v35 =	vadd.f32 v57, v35;
	_ =	sdelay $0x1  }
0x270: {  	v59 =	vmul.f32 v56, v34;
	v35 =	vadd.f32 v58, v35;
	_ =	sdelay $0x1  }
0x271: {  	v35 =	vadd.f32 v59, v35  }
0x272: {  	s30 =	sadd.s32 $0x8200, s30  }
0x273: {  	[tilespmem:s30+$0x80] =	vst v35  }
0x274: {  	v35 =	vld [tilespmem:$0x7210]  }
0x275: {  	v60 =	vld [tilespmem:$0x7290];
	_ =	sdelay $0x1  }
0x276: {  	v61 =	vld [tilespmem:$0x7310];
	_ =	sdelay $0x1  }
0x277: {  	v62 =	vld [tilespmem:$0x7390]  }
0x278: {  	v35 =	vmul.f32 v35, v20;
	v36 =	vmul.f32 v60, v21  }
0x279: {  	v63 =	vld [tilespmem:$0x7410]  }
0x27a: {  	v41 =	vmul.f32 v61, v19;
	v35 =	vadd.f32 v36, v35  }
0x27b: {  	v42 =	vld [tilespmem:$0x7490]  }
0x27c: {  	v43 =	vmul.f32 v62, v22;
	v35 =	vadd.f32 v41, v35  }
0x27d: {  	v44 =	vld [tilespmem:$0x7510]  }
0x27e: {  	v45 =	vmul.f32 v63, v23;
	v35 =	vadd.f32 v43, v35  }
0x27f: {  	v46 =	vld [tilespmem:$0x7590]  }
0x280: {  	v47 =	vmul.f32 v42, v24;
	v35 =	vadd.f32 v45, v35  }
0x281: {  	v48 =	vld [tilespmem:$0x7A10]  }
0x282: {  	v49 =	vmul.f32 v44, v25;
	v35 =	vadd.f32 v47, v35  }
0x283: {  	v50 =	vld [tilespmem:$0x7A90]  }
0x284: {  	v51 =	vmul.f32 v46, v26;
	v35 =	vadd.f32 v49, v35  }
0x285: {  	v52 =	vld [tilespmem:$0x7B10]  }
0x286: {  	v53 =	vmul.f32 v48, v27;
	v35 =	vadd.f32 v51, v35  }
0x287: {  	v54 =	vld [tilespmem:$0x7B90]  }
0x288: {  	v55 =	vmul.f32 v50, v28;
	v35 =	vadd.f32 v53, v35  }
0x289: {  	v56 =	vld [tilespmem:$0x7C10]  }
0x28a: {  	v57 =	vmul.f32 v52, v29;
	v35 =	vadd.f32 v55, v35  }
0x28b: {  	v58 =	vld [tilespmem:$0x7C90]  }
0x28c: {  	v59 =	vmul.f32 v54, v30;
	v35 =	vadd.f32 v57, v35  }
0x28d: {  	v60 =	vld [tilespmem:$0x7D10]  }
0x28e: {  	v61 =	vmul.f32 v56, v31;
	v35 =	vadd.f32 v59, v35  }
0x28f: {  	v62 =	vld [tilespmem:$0x7D90]  }
0x290: {  	v63 =	vmul.f32 v58, v32;
	v35 =	vadd.f32 v61, v35;
	_ =	sdelay $0x1  }
0x291: {  	v40 =	vmul.f32 v60, v33;
	v35 =	vadd.f32 v63, v35;
	_ =	sdelay $0x1  }
0x292: {  	v41 =	vmul.f32 v62, v34;
	v35 =	vadd.f32 v40, v35;
	_ =	sdelay $0x1  }
0x293: {  	v35 =	vadd.f32 v41, v35;
	_ =	sdelay $0x1  }
0x294: {  	[tilespmem:s30+$0x90] =	vst v35  }
0x295: {  	v35 =	vld [tilespmem:$0x7220]  }
0x296: {  	v42 =	vld [tilespmem:$0x72A0];
	_ =	sdelay $0x1  }
0x297: {  	v43 =	vld [tilespmem:$0x7320];
	_ =	sdelay $0x1  }
0x298: {  	v44 =	vld [tilespmem:$0x73A0]  }
0x299: {  	v35 =	vmul.f32 v35, v20;
	v36 =	vmul.f32 v42, v21  }
0x29a: {  	v45 =	vld [tilespmem:$0x7420]  }
0x29b: {  	v46 =	vmul.f32 v43, v19;
	v35 =	vadd.f32 v36, v35  }
0x29c: {  	v47 =	vld [tilespmem:$0x74A0]  }
0x29d: {  	v48 =	vmul.f32 v44, v22;
	v35 =	vadd.f32 v46, v35  }
0x29e: {  	v49 =	vld [tilespmem:$0x7520]  }
0x29f: {  	v50 =	vmul.f32 v45, v23;
	v35 =	vadd.f32 v48, v35  }
0x2a0: {  	v51 =	vld [tilespmem:$0x75A0]  }
0x2a1: {  	v52 =	vmul.f32 v47, v24;
	v35 =	vadd.f32 v50, v35  }
0x2a2: {  	v53 =	vld [tilespmem:$0x7A20]  }
0x2a3: {  	v54 =	vmul.f32 v49, v25;
	v35 =	vadd.f32 v52, v35  }
0x2a4: {  	v55 =	vld [tilespmem:$0x7AA0]  }
0x2a5: {  	v56 =	vmul.f32 v51, v26;
	v35 =	vadd.f32 v54, v35  }
0x2a6: {  	v57 =	vld [tilespmem:$0x7B20]  }
0x2a7: {  	v58 =	vmul.f32 v53, v27;
	v35 =	vadd.f32 v56, v35  }
0x2a8: {  	v59 =	vld [tilespmem:$0x7BA0]  }
0x2a9: {  	v60 =	vmul.f32 v55, v28;
	v35 =	vadd.f32 v58, v35  }
0x2aa: {  	v61 =	vld [tilespmem:$0x7C20]  }
0x2ab: {  	v62 =	vmul.f32 v57, v29;
	v35 =	vadd.f32 v60, v35  }
0x2ac: {  	v63 =	vld [tilespmem:$0x7CA0]  }
0x2ad: {  	v41 =	vmul.f32 v59, v30;
	v35 =	vadd.f32 v62, v35  }
0x2ae: {  	v42 =	vld [tilespmem:$0x7D20]  }
0x2af: {  	v43 =	vmul.f32 v61, v31;
	v35 =	vadd.f32 v41, v35  }
0x2b0: {  	v44 =	vld [tilespmem:$0x7DA0]  }
0x2b1: {  	v45 =	vmul.f32 v63, v32;
	v35 =	vadd.f32 v43, v35;
	_ =	sdelay $0x1  }
0x2b2: {  	v46 =	vmul.f32 v42, v33;
	v35 =	vadd.f32 v45, v35;
	_ =	sdelay $0x1  }
0x2b3: {  	v47 =	vmul.f32 v44, v34;
	v35 =	vadd.f32 v46, v35;
	_ =	sdelay $0x1  }
0x2b4: {  	v35 =	vadd.f32 v47, v35;
	_ =	sdelay $0x1  }
0x2b5: {  	[tilespmem:s30+$0xA0] =	vst v35  }
0x2b6: {  	v35 =	vld [tilespmem:$0x7230]  }
0x2b7: {  	v48 =	vld [tilespmem:$0x72B0];
	_ =	sdelay $0x1  }
0x2b8: {  	v49 =	vld [tilespmem:$0x7330];
	_ =	sdelay $0x1  }
0x2b9: {  	v50 =	vld [tilespmem:$0x73B0]  }
0x2ba: {  	v35 =	vmul.f32 v35, v20;
	v36 =	vmul.f32 v48, v21  }
0x2bb: {  	v51 =	vld [tilespmem:$0x7430]  }
0x2bc: {  	v52 =	vmul.f32 v49, v19;
	v35 =	vadd.f32 v36, v35  }
0x2bd: {  	v53 =	vld [tilespmem:$0x74B0]  }
0x2be: {  	v54 =	vmul.f32 v50, v22;
	v35 =	vadd.f32 v52, v35  }
0x2bf: {  	v55 =	vld [tilespmem:$0x7530]  }
0x2c0: {  	v56 =	vmul.f32 v51, v23;
	v35 =	vadd.f32 v54, v35  }
0x2c1: {  	v57 =	vld [tilespmem:$0x75B0]  }
0x2c2: {  	v58 =	vmul.f32 v53, v24;
	v35 =	vadd.f32 v56, v35  }
0x2c3: {  	v59 =	vld [tilespmem:$0x7A30]  }
0x2c4: {  	v60 =	vmul.f32 v55, v25;
	v35 =	vadd.f32 v58, v35  }
0x2c5: {  	v61 =	vld [tilespmem:$0x7AB0]  }
0x2c6: {  	v62 =	vmul.f32 v57, v26;
	v35 =	vadd.f32 v60, v35  }
0x2c7: {  	v63 =	vld [tilespmem:$0x7B30]  }
0x2c8: {  	v41 =	vmul.f32 v59, v27;
	v35 =	vadd.f32 v62, v35  }
0x2c9: {  	v42 =	vld [tilespmem:$0x7BB0]  }
0x2ca: {  	v43 =	vmul.f32 v61, v28;
	v35 =	vadd.f32 v41, v35  }
0x2cb: {  	v44 =	vld [tilespmem:$0x7C30]  }
0x2cc: {  	v45 =	vmul.f32 v63, v29;
	v35 =	vadd.f32 v43, v35  }
0x2cd: {  	v46 =	vld [tilespmem:$0x7CB0]  }
0x2ce: {  	v47 =	vmul.f32 v42, v30;
	v35 =	vadd.f32 v45, v35  }
0x2cf: {  	v48 =	vld [tilespmem:$0x7D30]  }
0x2d0: {  	v49 =	vmul.f32 v44, v31;
	v35 =	vadd.f32 v47, v35  }
0x2d1: {  	v50 =	vld [tilespmem:$0x7DB0]  }
0x2d2: {  	v51 =	vmul.f32 v46, v32;
	v35 =	vadd.f32 v49, v35;
	_ =	sdelay $0x1  }
0x2d3: {  	v52 =	vmul.f32 v48, v33;
	v35 =	vadd.f32 v51, v35;
	_ =	sdelay $0x1  }
0x2d4: {  	v53 =	vmul.f32 v50, v34;
	v35 =	vadd.f32 v52, v35;
	_ =	sdelay $0x1  }
0x2d5: {  	v35 =	vadd.f32 v53, v35;
	_ =	sdelay $0x1  }
0x2d6: {  	[tilespmem:s30+$0xB0] =	vst v35  }
0x2d7: {  	v35 =	vld [tilespmem:$0x7240]  }
0x2d8: {  	v54 =	vld [tilespmem:$0x72C0];
	_ =	sdelay $0x1  }
0x2d9: {  	v55 =	vld [tilespmem:$0x7340];
	_ =	sdelay $0x1  }
0x2da: {  	v56 =	vld [tilespmem:$0x73C0]  }
0x2db: {  	v35 =	vmul.f32 v35, v20;
	v36 =	vmul.f32 v54, v21  }
0x2dc: {  	v57 =	vld [tilespmem:$0x7440]  }
0x2dd: {  	v58 =	vmul.f32 v55, v19;
	v35 =	vadd.f32 v36, v35  }
0x2de: {  	v59 =	vld [tilespmem:$0x74C0]  }
0x2df: {  	v60 =	vmul.f32 v56, v22;
	v35 =	vadd.f32 v58, v35  }
0x2e0: {  	v61 =	vld [tilespmem:$0x7540]  }
0x2e1: {  	v62 =	vmul.f32 v57, v23;
	v35 =	vadd.f32 v60, v35  }
0x2e2: {  	v63 =	vld [tilespmem:$0x75C0]  }
0x2e3: {  	v41 =	vmul.f32 v59, v24;
	v35 =	vadd.f32 v62, v35  }
0x2e4: {  	v42 =	vld [tilespmem:$0x7A40]  }
0x2e5: {  	v43 =	vmul.f32 v61, v25;
	v35 =	vadd.f32 v41, v35  }
0x2e6: {  	v44 =	vld [tilespmem:$0x7AC0]  }
0x2e7: {  	v45 =	vmul.f32 v63, v26;
	v35 =	vadd.f32 v43, v35  }
0x2e8: {  	v46 =	vld [tilespmem:$0x7B40]  }
0x2e9: {  	v47 =	vmul.f32 v42, v27;
	v35 =	vadd.f32 v45, v35  }
0x2ea: {  	v48 =	vld [tilespmem:$0x7BC0]  }
0x2eb: {  	v49 =	vmul.f32 v44, v28;
	v35 =	vadd.f32 v47, v35  }
0x2ec: {  	v50 =	vld [tilespmem:$0x7C40]  }
0x2ed: {  	v51 =	vmul.f32 v46, v29;
	v35 =	vadd.f32 v49, v35  }
0x2ee: {  	v52 =	vld [tilespmem:$0x7CC0]  }
0x2ef: {  	v53 =	vmul.f32 v48, v30;
	v35 =	vadd.f32 v51, v35  }
0x2f0: {  	v54 =	vld [tilespmem:$0x7D40]  }
0x2f1: {  	v55 =	vmul.f32 v50, v31;
	v35 =	vadd.f32 v53, v35  }
0x2f2: {  	v56 =	vld [tilespmem:$0x7DC0]  }
0x2f3: {  	v57 =	vmul.f32 v52, v32;
	v35 =	vadd.f32 v55, v35;
	_ =	sdelay $0x1  }
0x2f4: {  	v58 =	vmul.f32 v54, v33;
	v35 =	vadd.f32 v57, v35;
	_ =	sdelay $0x1  }
0x2f5: {  	v59 =	vmul.f32 v56, v34;
	v35 =	vadd.f32 v58, v35;
	_ =	sdelay $0x1  }
0x2f6: {  	v35 =	vadd.f32 v59, v35;
	_ =	sdelay $0x1  }
0x2f7: {  	[tilespmem:s30+$0xC0] =	vst v35  }
0x2f8: {  	v35 =	vld [tilespmem:$0x7250]  }
0x2f9: {  	v60 =	vld [tilespmem:$0x72D0];
	_ =	sdelay $0x1  }
0x2fa: {  	v61 =	vld [tilespmem:$0x7350];
	_ =	sdelay $0x1  }
0x2fb: {  	v62 =	vld [tilespmem:$0x73D0]  }
0x2fc: {  	v35 =	vmul.f32 v35, v20;
	v36 =	vmul.f32 v60, v21  }
0x2fd: {  	v63 =	vld [tilespmem:$0x7450]  }
0x2fe: {  	v41 =	vmul.f32 v61, v19;
	v35 =	vadd.f32 v36, v35  }
0x2ff: {  	v42 =	vld [tilespmem:$0x74D0]  }
0x300: {  	v43 =	vmul.f32 v62, v22;
	v35 =	vadd.f32 v41, v35  }
0x301: {  	v44 =	vld [tilespmem:$0x7550]  }
0x302: {  	v45 =	vmul.f32 v63, v23;
	v35 =	vadd.f32 v43, v35  }
0x303: {  	v46 =	vld [tilespmem:$0x75D0]  }
0x304: {  	v47 =	vmul.f32 v42, v24;
	v35 =	vadd.f32 v45, v35  }
0x305: {  	v48 =	vld [tilespmem:$0x7A50]  }
0x306: {  	v49 =	vmul.f32 v44, v25;
	v35 =	vadd.f32 v47, v35  }
0x307: {  	v50 =	vld [tilespmem:$0x7AD0]  }
0x308: {  	v51 =	vmul.f32 v46, v26;
	v35 =	vadd.f32 v49, v35  }
0x309: {  	v52 =	vld [tilespmem:$0x7B50]  }
0x30a: {  	v53 =	vmul.f32 v48, v27;
	v35 =	vadd.f32 v51, v35  }
0x30b: {  	v54 =	vld [tilespmem:$0x7BD0]  }
0x30c: {  	v55 =	vmul.f32 v50, v28;
	v35 =	vadd.f32 v53, v35  }
0x30d: {  	v56 =	vld [tilespmem:$0x7C50]  }
0x30e: {  	v57 =	vmul.f32 v52, v29;
	v35 =	vadd.f32 v55, v35  }
0x30f: {  	v58 =	vld [tilespmem:$0x7CD0]  }
0x310: {  	v59 =	vmul.f32 v54, v30;
	v35 =	vadd.f32 v57, v35  }
0x311: {  	v60 =	vld [tilespmem:$0x7D50]  }
0x312: {  	v61 =	vmul.f32 v56, v31;
	v35 =	vadd.f32 v59, v35  }
0x313: {  	v62 =	vld [tilespmem:$0x7DD0]  }
0x314: {  	v63 =	vmul.f32 v58, v32;
	v35 =	vadd.f32 v61, v35;
	_ =	sdelay $0x1  }
0x315: {  	v40 =	vmul.f32 v60, v33;
	v35 =	vadd.f32 v63, v35;
	_ =	sdelay $0x1  }
0x316: {  	v41 =	vmul.f32 v62, v34;
	v35 =	vadd.f32 v40, v35;
	_ =	sdelay $0x1  }
0x317: {  	v35 =	vadd.f32 v41, v35;
	_ =	sdelay $0x1  }
0x318: {  	[tilespmem:s30+$0xD0] =	vst v35  }
0x319: {  	v35 =	vld [tilespmem:$0x7260]  }
0x31a: {  	v42 =	vld [tilespmem:$0x72E0];
	_ =	sdelay $0x1  }
0x31b: {  	v43 =	vld [tilespmem:$0x7360];
	_ =	sdelay $0x1  }
0x31c: {  	v44 =	vld [tilespmem:$0x73E0]  }
0x31d: {  	v35 =	vmul.f32 v35, v20;
	v36 =	vmul.f32 v42, v21  }
0x31e: {  	v45 =	vld [tilespmem:$0x7460]  }
0x31f: {  	v46 =	vmul.f32 v43, v19;
	v35 =	vadd.f32 v36, v35  }
0x320: {  	v47 =	vld [tilespmem:$0x74E0]  }
0x321: {  	v48 =	vmul.f32 v44, v22;
	v35 =	vadd.f32 v46, v35  }
0x322: {  	v49 =	vld [tilespmem:$0x7560]  }
0x323: {  	v50 =	vmul.f32 v45, v23;
	v35 =	vadd.f32 v48, v35  }
0x324: {  	v51 =	vld [tilespmem:$0x75E0]  }
0x325: {  	v52 =	vmul.f32 v47, v24;
	v35 =	vadd.f32 v50, v35  }
0x326: {  	v53 =	vld [tilespmem:$0x7A60]  }
0x327: {  	v54 =	vmul.f32 v49, v25;
	v35 =	vadd.f32 v52, v35  }
0x328: {  	v55 =	vld [tilespmem:$0x7AE0]  }
0x329: {  	v56 =	vmul.f32 v51, v26;
	v35 =	vadd.f32 v54, v35  }
0x32a: {  	v57 =	vld [tilespmem:$0x7B60]  }
0x32b: {  	v58 =	vmul.f32 v53, v27;
	v35 =	vadd.f32 v56, v35  }
0x32c: {  	v59 =	vld [tilespmem:$0x7BE0]  }
0x32d: {  	v60 =	vmul.f32 v55, v28;
	v35 =	vadd.f32 v58, v35  }
0x32e: {  	v61 =	vld [tilespmem:$0x7C60]  }
0x32f: {  	v62 =	vmul.f32 v57, v29;
	v35 =	vadd.f32 v60, v35  }
0x330: {  	v63 =	vld [tilespmem:$0x7CE0]  }
0x331: {  	v41 =	vmul.f32 v59, v30;
	v35 =	vadd.f32 v62, v35  }
0x332: {  	v42 =	vld [tilespmem:$0x7D60]  }
0x333: {  	v43 =	vmul.f32 v61, v31;
	v35 =	vadd.f32 v41, v35  }
0x334: {  	v44 =	vld [tilespmem:$0x7DE0]  }
0x335: {  	v45 =	vmul.f32 v63, v32;
	v35 =	vadd.f32 v43, v35;
	_ =	sdelay $0x1  }
0x336: {  	v46 =	vmul.f32 v42, v33;
	v35 =	vadd.f32 v45, v35;
	_ =	sdelay $0x1  }
0x337: {  	v47 =	vmul.f32 v44, v34;
	v35 =	vadd.f32 v46, v35;
	_ =	sdelay $0x1  }
0x338: {  	v35 =	vadd.f32 v47, v35;
	_ =	sdelay $0x1  }
0x339: {  	[tilespmem:s30+$0xE0] =	vst v35  }
0x33a: {  	v35 =	vld [tilespmem:$0x7270]  }
0x33b: {  	v48 =	vld [tilespmem:$0x72F0];
	_ =	sdelay $0x1  }
0x33c: {  	v49 =	vld [tilespmem:$0x7370];
	_ =	sdelay $0x1  }
0x33d: {  	v50 =	vld [tilespmem:$0x73F0]  }
0x33e: {  	v35 =	vmul.f32 v35, v20;
	v36 =	vmul.f32 v48, v21  }
0x33f: {  	v51 =	vld [tilespmem:$0x7470]  }
0x340: {  	v52 =	vmul.f32 v49, v19;
	v35 =	vadd.f32 v36, v35  }
0x341: {  	v53 =	vld [tilespmem:$0x74F0]  }
0x342: {  	v54 =	vmul.f32 v50, v22;
	v35 =	vadd.f32 v52, v35  }
0x343: {  	v55 =	vld [tilespmem:$0x7570]  }
0x344: {  	v56 =	vmul.f32 v51, v23;
	v35 =	vadd.f32 v54, v35  }
0x345: {  	v57 =	vld [tilespmem:$0x75F0]  }
0x346: {  	v58 =	vmul.f32 v53, v24;
	v35 =	vadd.f32 v56, v35  }
0x347: {  	v59 =	vld [tilespmem:$0x7A70]  }
0x348: {  	v60 =	vmul.f32 v55, v25;
	v35 =	vadd.f32 v58, v35  }
0x349: {  	v61 =	vld [tilespmem:$0x7AF0]  }
0x34a: {  	v62 =	vmul.f32 v57, v26;
	v35 =	vadd.f32 v60, v35  }
0x34b: {  	v63 =	vld [tilespmem:$0x7B70]  }
0x34c: {  	v41 =	vmul.f32 v59, v27;
	v35 =	vadd.f32 v62, v35  }
0x34d: {  	v42 =	vld [tilespmem:$0x7BF0]  }
0x34e: {  	v43 =	vmul.f32 v61, v28;
	v35 =	vadd.f32 v41, v35  }
0x34f: {  	v44 =	vld [tilespmem:$0x7C70]  }
0x350: {  	v45 =	vmul.f32 v63, v29;
	v35 =	vadd.f32 v43, v35  }
0x351: {  	v46 =	vld [tilespmem:$0x7CF0]  }
0x352: {  	v47 =	vmul.f32 v42, v30;
	v35 =	vadd.f32 v45, v35  }
0x353: {  	v48 =	vld [tilespmem:$0x7D70]  }
0x354: {  	v49 =	vmul.f32 v44, v31;
	v35 =	vadd.f32 v47, v35  }
0x355: {  	v50 =	vld [tilespmem:$0x7DF0]  }
0x356: {  	v51 =	vmul.f32 v46, v32;
	v35 =	vadd.f32 v49, v35;
	_ =	sdelay $0x1  }
0x357: {  	v52 =	vmul.f32 v48, v33;
	v35 =	vadd.f32 v51, v35;
	_ =	sdelay $0x1  }
0x358: {  	v53 =	vmul.f32 v50, v34;
	v35 =	vadd.f32 v52, v35;
	_ =	sdelay $0x1  }
0x359: {  	v35 =	vadd.f32 v53, v35;
	_ =	sdelay $0x1  }
0x35a: {  	[tilespmem:s30+$0xF0] =	vst v35  }
0x35b: {  	v35 =	vld [tilespmem:$0x7600]  }
0x35c: {  	v54 =	vld [tilespmem:$0x7680];
	_ =	sdelay $0x1  }
0x35d: {  	v55 =	vld [tilespmem:$0x7700];
	_ =	sdelay $0x1  }
0x35e: {  	v56 =	vld [tilespmem:$0x7780]  }
0x35f: {  	v35 =	vmul.f32 v35, v20;
	v36 =	vmul.f32 v54, v21  }
0x360: {  	v57 =	vld [tilespmem:$0x7800]  }
0x361: {  	v58 =	vmul.f32 v55, v19;
	v35 =	vadd.f32 v36, v35  }
0x362: {  	v59 =	vld [tilespmem:$0x7880]  }
0x363: {  	v60 =	vmul.f32 v56, v22;
	v35 =	vadd.f32 v58, v35  }
0x364: {  	v61 =	vld [tilespmem:$0x7900]  }
0x365: {  	v62 =	vmul.f32 v57, v23;
	v35 =	vadd.f32 v60, v35  }
0x366: {  	v63 =	vld [tilespmem:$0x7980]  }
0x367: {  	v41 =	vmul.f32 v59, v24;
	v35 =	vadd.f32 v62, v35  }
0x368: {  	v42 =	vld [tilespmem:$0x7E00]  }
0x369: {  	v43 =	vmul.f32 v61, v25;
	v35 =	vadd.f32 v41, v35  }
0x36a: {  	v44 =	vld [tilespmem:$0x7E80]  }
0x36b: {  	v45 =	vmul.f32 v63, v26;
	v35 =	vadd.f32 v43, v35  }
0x36c: {  	v46 =	vld [tilespmem:$0x7F00]  }
0x36d: {  	v47 =	vmul.f32 v42, v27;
	v35 =	vadd.f32 v45, v35  }
0x36e: {  	v48 =	vld [tilespmem:$0x7F80]  }
0x36f: {  	v49 =	vmul.f32 v44, v28;
	v35 =	vadd.f32 v47, v35  }
0x370: {  	v50 =	vld [tilespmem:$0x8000]  }
0x371: {  	v51 =	vmul.f32 v46, v29;
	v35 =	vadd.f32 v49, v35  }
0x372: {  	v52 =	vld [tilespmem:$0x8080]  }
0x373: {  	v53 =	vmul.f32 v48, v30;
	v35 =	vadd.f32 v51, v35  }
0x374: {  	v54 =	vld [tilespmem:$0x8100]  }
0x375: {  	v55 =	vmul.f32 v50, v31;
	v35 =	vadd.f32 v53, v35  }
0x376: {  	v56 =	vld [tilespmem:$0x8180]  }
0x377: {  	v57 =	vmul.f32 v52, v32;
	v35 =	vadd.f32 v55, v35;
	_ =	sdelay $0x1  }
0x378: {  	v58 =	vmul.f32 v54, v33;
	v35 =	vadd.f32 v57, v35;
	_ =	sdelay $0x1  }
0x379: {  	v59 =	vmul.f32 v56, v34;
	v35 =	vadd.f32 v58, v35;
	_ =	sdelay $0x1  }
0x37a: {  	v35 =	vadd.f32 v59, v35;
	_ =	sdelay $0x1  }
0x37b: {  	[tilespmem:s30+$0x480] =	vst v35  }
0x37c: {  	v35 =	vld [tilespmem:$0x7610]  }
0x37d: {  	v60 =	vld [tilespmem:$0x7690];
	_ =	sdelay $0x1  }
0x37e: {  	v61 =	vld [tilespmem:$0x7710];
	_ =	sdelay $0x1  }
0x37f: {  	v62 =	vld [tilespmem:$0x7790]  }
0x380: {  	v35 =	vmul.f32 v35, v20;
	v36 =	vmul.f32 v60, v21  }
0x381: {  	v63 =	vld [tilespmem:$0x7810]  }
0x382: {  	v41 =	vmul.f32 v61, v19;
	v35 =	vadd.f32 v36, v35  }
0x383: {  	v42 =	vld [tilespmem:$0x7890]  }
0x384: {  	v43 =	vmul.f32 v62, v22;
	v35 =	vadd.f32 v41, v35  }
0x385: {  	v44 =	vld [tilespmem:$0x7910]  }
0x386: {  	v45 =	vmul.f32 v63, v23;
	v35 =	vadd.f32 v43, v35  }
0x387: {  	v46 =	vld [tilespmem:$0x7990]  }
0x388: {  	v47 =	vmul.f32 v42, v24;
	v35 =	vadd.f32 v45, v35  }
0x389: {  	v48 =	vld [tilespmem:$0x7E10]  }
0x38a: {  	v49 =	vmul.f32 v44, v25;
	v35 =	vadd.f32 v47, v35  }
0x38b: {  	v50 =	vld [tilespmem:$0x7E90]  }
0x38c: {  	v51 =	vmul.f32 v46, v26;
	v35 =	vadd.f32 v49, v35  }
0x38d: {  	v52 =	vld [tilespmem:$0x7F10]  }
0x38e: {  	v53 =	vmul.f32 v48, v27;
	v35 =	vadd.f32 v51, v35  }
0x38f: {  	v54 =	vld [tilespmem:$0x7F90]  }
0x390: {  	v55 =	vmul.f32 v50, v28;
	v35 =	vadd.f32 v53, v35  }
0x391: {  	v56 =	vld [tilespmem:$0x8010]  }
0x392: {  	v57 =	vmul.f32 v52, v29;
	v35 =	vadd.f32 v55, v35  }
0x393: {  	v58 =	vld [tilespmem:$0x8090]  }
0x394: {  	v59 =	vmul.f32 v54, v30;
	v35 =	vadd.f32 v57, v35  }
0x395: {  	v60 =	vld [tilespmem:$0x8110]  }
0x396: {  	v61 =	vmul.f32 v56, v31;
	v35 =	vadd.f32 v59, v35  }
0x397: {  	v62 =	vld [tilespmem:$0x8190]  }
0x398: {  	v63 =	vmul.f32 v58, v32;
	v35 =	vadd.f32 v61, v35;
	_ =	sdelay $0x1  }
0x399: {  	v40 =	vmul.f32 v60, v33;
	v35 =	vadd.f32 v63, v35;
	_ =	sdelay $0x1  }
0x39a: {  	v41 =	vmul.f32 v62, v34;
	v35 =	vadd.f32 v40, v35;
	_ =	sdelay $0x1  }
0x39b: {  	v35 =	vadd.f32 v41, v35;
	_ =	sdelay $0x1  }
0x39c: {  	[tilespmem:s30+$0x490] =	vst v35  }
0x39d: {  	v35 =	vld [tilespmem:$0x7620]  }
0x39e: {  	v42 =	vld [tilespmem:$0x76A0];
	_ =	sdelay $0x1  }
0x39f: {  	v43 =	vld [tilespmem:$0x7720];
	_ =	sdelay $0x1  }
0x3a0: {  	v44 =	vld [tilespmem:$0x77A0]  }
0x3a1: {  	v35 =	vmul.f32 v35, v20;
	v36 =	vmul.f32 v42, v21  }
0x3a2: {  	v45 =	vld [tilespmem:$0x7820]  }
0x3a3: {  	v46 =	vmul.f32 v43, v19;
	v35 =	vadd.f32 v36, v35  }
0x3a4: {  	v47 =	vld [tilespmem:$0x78A0]  }
0x3a5: {  	v48 =	vmul.f32 v44, v22;
	v35 =	vadd.f32 v46, v35  }
0x3a6: {  	v49 =	vld [tilespmem:$0x7920]  }
0x3a7: {  	v50 =	vmul.f32 v45, v23;
	v35 =	vadd.f32 v48, v35  }
0x3a8: {  	v51 =	vld [tilespmem:$0x79A0]  }
0x3a9: {  	v52 =	vmul.f32 v47, v24;
	v35 =	vadd.f32 v50, v35  }
0x3aa: {  	v53 =	vld [tilespmem:$0x7E20]  }
0x3ab: {  	v54 =	vmul.f32 v49, v25;
	v35 =	vadd.f32 v52, v35  }
0x3ac: {  	v55 =	vld [tilespmem:$0x7EA0]  }
0x3ad: {  	v56 =	vmul.f32 v51, v26;
	v35 =	vadd.f32 v54, v35  }
0x3ae: {  	v57 =	vld [tilespmem:$0x7F20]  }
0x3af: {  	v58 =	vmul.f32 v53, v27;
	v35 =	vadd.f32 v56, v35  }
0x3b0: {  	v59 =	vld [tilespmem:$0x7FA0]  }
0x3b1: {  	v60 =	vmul.f32 v55, v28;
	v35 =	vadd.f32 v58, v35  }
0x3b2: {  	v61 =	vld [tilespmem:$0x8020]  }
0x3b3: {  	v62 =	vmul.f32 v57, v29;
	v35 =	vadd.f32 v60, v35  }
0x3b4: {  	v63 =	vld [tilespmem:$0x80A0]  }
0x3b5: {  	v41 =	vmul.f32 v59, v30;
	v35 =	vadd.f32 v62, v35  }
0x3b6: {  	v42 =	vld [tilespmem:$0x8120]  }
0x3b7: {  	v43 =	vmul.f32 v61, v31;
	v35 =	vadd.f32 v41, v35  }
0x3b8: {  	v44 =	vld [tilespmem:$0x81A0]  }
0x3b9: {  	v45 =	vmul.f32 v63, v32;
	v35 =	vadd.f32 v43, v35;
	_ =	sdelay $0x1  }
0x3ba: {  	v46 =	vmul.f32 v42, v33;
	v35 =	vadd.f32 v45, v35;
	_ =	sdelay $0x1  }
0x3bb: {  	v47 =	vmul.f32 v44, v34;
	v35 =	vadd.f32 v46, v35;
	_ =	sdelay $0x1  }
0x3bc: {  	v35 =	vadd.f32 v47, v35;
	_ =	sdelay $0x1  }
0x3bd: {  	[tilespmem:s30+$0x4A0] =	vst v35  }
0x3be: {  	v35 =	vld [tilespmem:$0x7630]  }
0x3bf: {  	v48 =	vld [tilespmem:$0x76B0];
	_ =	sdelay $0x1  }
0x3c0: {  	v49 =	vld [tilespmem:$0x7730];
	_ =	sdelay $0x1  }
0x3c1: {  	v50 =	vld [tilespmem:$0x77B0]  }
0x3c2: {  	v35 =	vmul.f32 v35, v20;
	v36 =	vmul.f32 v48, v21  }
0x3c3: {  	v51 =	vld [tilespmem:$0x7830]  }
0x3c4: {  	v52 =	vmul.f32 v49, v19;
	v35 =	vadd.f32 v36, v35  }
0x3c5: {  	v53 =	vld [tilespmem:$0x78B0]  }
0x3c6: {  	v54 =	vmul.f32 v50, v22;
	v35 =	vadd.f32 v52, v35  }
0x3c7: {  	v55 =	vld [tilespmem:$0x7930]  }
0x3c8: {  	v56 =	vmul.f32 v51, v23;
	v35 =	vadd.f32 v54, v35  }
0x3c9: {  	v57 =	vld [tilespmem:$0x79B0]  }
0x3ca: {  	v58 =	vmul.f32 v53, v24;
	v35 =	vadd.f32 v56, v35  }
0x3cb: {  	v59 =	vld [tilespmem:$0x7E30]  }
0x3cc: {  	v60 =	vmul.f32 v55, v25;
	v35 =	vadd.f32 v58, v35  }
0x3cd: {  	v61 =	vld [tilespmem:$0x7EB0]  }
0x3ce: {  	v62 =	vmul.f32 v57, v26;
	v35 =	vadd.f32 v60, v35  }
0x3cf: {  	v63 =	vld [tilespmem:$0x7F30]  }
0x3d0: {  	v41 =	vmul.f32 v59, v27;
	v35 =	vadd.f32 v62, v35  }
0x3d1: {  	v42 =	vld [tilespmem:$0x7FB0]  }
0x3d2: {  	v43 =	vmul.f32 v61, v28;
	v35 =	vadd.f32 v41, v35  }
0x3d3: {  	v44 =	vld [tilespmem:$0x8030]  }
0x3d4: {  	v45 =	vmul.f32 v63, v29;
	v35 =	vadd.f32 v43, v35  }
0x3d5: {  	v46 =	vld [tilespmem:$0x80B0]  }
0x3d6: {  	v47 =	vmul.f32 v42, v30;
	v35 =	vadd.f32 v45, v35  }
0x3d7: {  	v48 =	vld [tilespmem:$0x8130]  }
0x3d8: {  	v49 =	vmul.f32 v44, v31;
	v35 =	vadd.f32 v47, v35  }
0x3d9: {  	v50 =	vld [tilespmem:$0x81B0]  }
0x3da: {  	v51 =	vmul.f32 v46, v32;
	v35 =	vadd.f32 v49, v35;
	_ =	sdelay $0x1  }
0x3db: {  	v52 =	vmul.f32 v48, v33;
	v35 =	vadd.f32 v51, v35;
	_ =	sdelay $0x1  }
0x3dc: {  	v53 =	vmul.f32 v50, v34;
	v35 =	vadd.f32 v52, v35;
	_ =	sdelay $0x1  }
0x3dd: {  	v35 =	vadd.f32 v53, v35;
	_ =	sdelay $0x1  }
0x3de: {  	[tilespmem:s30+$0x4B0] =	vst v35  }
0x3df: {  	v35 =	vld [tilespmem:$0x7640]  }
0x3e0: {  	v54 =	vld [tilespmem:$0x76C0];
	_ =	sdelay $0x1  }
0x3e1: {  	v55 =	vld [tilespmem:$0x7740];
	_ =	sdelay $0x1  }
0x3e2: {  	v56 =	vld [tilespmem:$0x77C0]  }
0x3e3: {  	v35 =	vmul.f32 v35, v20;
	v36 =	vmul.f32 v54, v21  }
0x3e4: {  	v57 =	vld [tilespmem:$0x7840]  }
0x3e5: {  	v58 =	vmul.f32 v55, v19;
	v35 =	vadd.f32 v36, v35  }
0x3e6: {  	v59 =	vld [tilespmem:$0x78C0]  }
0x3e7: {  	v60 =	vmul.f32 v56, v22;
	v35 =	vadd.f32 v58, v35  }
0x3e8: {  	v61 =	vld [tilespmem:$0x7940]  }
0x3e9: {  	v62 =	vmul.f32 v57, v23;
	v35 =	vadd.f32 v60, v35  }
0x3ea: {  	v63 =	vld [tilespmem:$0x79C0]  }
0x3eb: {  	v41 =	vmul.f32 v59, v24;
	v35 =	vadd.f32 v62, v35  }
0x3ec: {  	v42 =	vld [tilespmem:$0x7E40]  }
0x3ed: {  	v43 =	vmul.f32 v61, v25;
	v35 =	vadd.f32 v41, v35  }
0x3ee: {  	v44 =	vld [tilespmem:$0x7EC0]  }
0x3ef: {  	v45 =	vmul.f32 v63, v26;
	v35 =	vadd.f32 v43, v35  }
0x3f0: {  	v46 =	vld [tilespmem:$0x7F40]  }
0x3f1: {  	v47 =	vmul.f32 v42, v27;
	v35 =	vadd.f32 v45, v35  }
0x3f2: {  	v48 =	vld [tilespmem:$0x7FC0]  }
0x3f3: {  	v49 =	vmul.f32 v44, v28;
	v35 =	vadd.f32 v47, v35  }
0x3f4: {  	v50 =	vld [tilespmem:$0x8040]  }
0x3f5: {  	v51 =	vmul.f32 v46, v29;
	v35 =	vadd.f32 v49, v35  }
0x3f6: {  	v52 =	vld [tilespmem:$0x80C0]  }
0x3f7: {  	v53 =	vmul.f32 v48, v30;
	v35 =	vadd.f32 v51, v35  }
0x3f8: {  	v54 =	vld [tilespmem:$0x8140]  }
0x3f9: {  	v55 =	vmul.f32 v50, v31;
	v35 =	vadd.f32 v53, v35  }
0x3fa: {  	v56 =	vld [tilespmem:$0x81C0]  }
0x3fb: {  	v57 =	vmul.f32 v52, v32;
	v35 =	vadd.f32 v55, v35;
	_ =	sdelay $0x1  }
0x3fc: {  	v58 =	vmul.f32 v54, v33;
	v35 =	vadd.f32 v57, v35;
	_ =	sdelay $0x1  }
0x3fd: {  	v59 =	vmul.f32 v56, v34;
	v35 =	vadd.f32 v58, v35;
	_ =	sdelay $0x1  }
0x3fe: {  	v35 =	vadd.f32 v59, v35;
	_ =	sdelay $0x1  }
0x3ff: {  	[tilespmem:s30+$0x4C0] =	vst v35  }
0x400: {  	v35 =	vld [tilespmem:$0x7650]  }
0x401: {  	v60 =	vld [tilespmem:$0x76D0];
	_ =	sdelay $0x1  }
0x402: {  	v61 =	vld [tilespmem:$0x7750];
	_ =	sdelay $0x1  }
0x403: {  	v62 =	vld [tilespmem:$0x77D0]  }
0x404: {  	v35 =	vmul.f32 v35, v20;
	v36 =	vmul.f32 v60, v21  }
0x405: {  	v63 =	vld [tilespmem:$0x7850]  }
0x406: {  	v41 =	vmul.f32 v61, v19;
	v35 =	vadd.f32 v36, v35  }
0x407: {  	v42 =	vld [tilespmem:$0x78D0]  }
0x408: {  	v43 =	vmul.f32 v62, v22;
	v35 =	vadd.f32 v41, v35  }
0x409: {  	v44 =	vld [tilespmem:$0x7950]  }
0x40a: {  	v45 =	vmul.f32 v63, v23;
	v35 =	vadd.f32 v43, v35  }
0x40b: {  	v46 =	vld [tilespmem:$0x79D0]  }
0x40c: {  	v47 =	vmul.f32 v42, v24;
	v35 =	vadd.f32 v45, v35  }
0x40d: {  	v48 =	vld [tilespmem:$0x7E50]  }
0x40e: {  	v49 =	vmul.f32 v44, v25;
	v35 =	vadd.f32 v47, v35  }
0x40f: {  	v50 =	vld [tilespmem:$0x7ED0]  }
0x410: {  	v51 =	vmul.f32 v46, v26;
	v35 =	vadd.f32 v49, v35  }
0x411: {  	v52 =	vld [tilespmem:$0x7F50]  }
0x412: {  	v53 =	vmul.f32 v48, v27;
	v35 =	vadd.f32 v51, v35  }
0x413: {  	v54 =	vld [tilespmem:$0x7FD0]  }
0x414: {  	v55 =	vmul.f32 v50, v28;
	v35 =	vadd.f32 v53, v35  }
0x415: {  	v56 =	vld [tilespmem:$0x8050]  }
0x416: {  	v57 =	vmul.f32 v52, v29;
	v35 =	vadd.f32 v55, v35  }
0x417: {  	v58 =	vld [tilespmem:$0x80D0]  }
0x418: {  	v59 =	vmul.f32 v54, v30;
	v35 =	vadd.f32 v57, v35  }
0x419: {  	v60 =	vld [tilespmem:$0x8150]  }
0x41a: {  	v61 =	vmul.f32 v56, v31;
	v35 =	vadd.f32 v59, v35  }
0x41b: {  	v62 =	vld [tilespmem:$0x81D0]  }
0x41c: {  	v63 =	vmul.f32 v58, v32;
	v35 =	vadd.f32 v61, v35;
	_ =	sdelay $0x1  }
0x41d: {  	v40 =	vmul.f32 v60, v33;
	v35 =	vadd.f32 v63, v35;
	_ =	sdelay $0x1  }
0x41e: {  	v41 =	vmul.f32 v62, v34;
	v35 =	vadd.f32 v40, v35;
	_ =	sdelay $0x1  }
0x41f: {  	v35 =	vadd.f32 v41, v35;
	_ =	sdelay $0x1  }
0x420: {  	[tilespmem:s30+$0x4D0] =	vst v35  }
0x421: {  	v35 =	vld [tilespmem:$0x7660]  }
0x422: {  	v42 =	vld [tilespmem:$0x76E0];
	_ =	sdelay $0x1  }
0x423: {  	v43 =	vld [tilespmem:$0x7760];
	_ =	sdelay $0x1  }
0x424: {  	v44 =	vld [tilespmem:$0x77E0]  }
0x425: {  	v35 =	vmul.f32 v35, v20;
	v36 =	vmul.f32 v42, v21  }
0x426: {  	v45 =	vld [tilespmem:$0x7860]  }
0x427: {  	v46 =	vmul.f32 v43, v19;
	v35 =	vadd.f32 v36, v35  }
0x428: {  	v47 =	vld [tilespmem:$0x78E0]  }
0x429: {  	v48 =	vmul.f32 v44, v22;
	v35 =	vadd.f32 v46, v35  }
0x42a: {  	v49 =	vld [tilespmem:$0x7960]  }
0x42b: {  	v50 =	vmul.f32 v45, v23;
	v35 =	vadd.f32 v48, v35  }
0x42c: {  	v51 =	vld [tilespmem:$0x79E0]  }
0x42d: {  	v52 =	vmul.f32 v47, v24;
	v35 =	vadd.f32 v50, v35  }
0x42e: {  	v53 =	vld [tilespmem:$0x7E60]  }
0x42f: {  	v54 =	vmul.f32 v49, v25;
	v35 =	vadd.f32 v52, v35  }
0x430: {  	v55 =	vld [tilespmem:$0x7EE0]  }
0x431: {  	v56 =	vmul.f32 v51, v26;
	v35 =	vadd.f32 v54, v35  }
0x432: {  	v57 =	vld [tilespmem:$0x7F60]  }
0x433: {  	v58 =	vmul.f32 v53, v27;
	v35 =	vadd.f32 v56, v35  }
0x434: {  	v59 =	vld [tilespmem:$0x7FE0]  }
0x435: {  	v60 =	vmul.f32 v55, v28;
	v35 =	vadd.f32 v58, v35  }
0x436: {  	v61 =	vld [tilespmem:$0x8060]  }
0x437: {  	v62 =	vmul.f32 v57, v29;
	v35 =	vadd.f32 v60, v35  }
0x438: {  	v63 =	vld [tilespmem:$0x80E0]  }
0x439: {  	v42 =	vmul.f32 v59, v30;
	v35 =	vadd.f32 v62, v35  }
0x43a: {  	v43 =	vld [tilespmem:$0x8160]  }
0x43b: {  	v44 =	vmul.f32 v61, v31;
	v35 =	vadd.f32 v42, v35  }
0x43c: {  	v45 =	vld [tilespmem:$0x81E0]  }
0x43d: {  	v46 =	vmul.f32 v63, v32;
	v35 =	vadd.f32 v44, v35;
	_ =	sdelay $0x1  }
0x43e: {  	v47 =	vmul.f32 v43, v33;
	v35 =	vadd.f32 v46, v35;
	_ =	sdelay $0x1  }
0x43f: {  	v48 =	vmul.f32 v45, v34;
	v35 =	vadd.f32 v47, v35;
	_ =	sdelay $0x1  }
0x440: {  	v35 =	vadd.f32 v48, v35;
	_ =	sdelay $0x1  }
0x441: {  	[tilespmem:s30+$0x4E0] =	vst v35  }
0x442: {  	v35 =	vld [tilespmem:$0x7670]  }
0x443: {  	v49 =	vld [tilespmem:$0x76F0];
	_ =	sdelay $0x1  }
0x444: {  	v50 =	vld [tilespmem:$0x7770];
	_ =	sdelay $0x1  }
0x445: {  	v51 =	vld [tilespmem:$0x77F0]  }
0x446: {  	v20 =	vmul.f32 v35, v20;
	v21 =	vmul.f32 v49, v21  }
0x447: {  	v52 =	vld [tilespmem:$0x7870]  }
0x448: {  	v19 =	vmul.f32 v50, v19;
	v20 =	vadd.f32 v21, v20  }
0x449: {  	v53 =	vld [tilespmem:$0x78F0]  }
0x44a: {  	v19 =	vadd.f32 v19, v20;
	v20 =	vmul.f32 v51, v22  }
0x44b: {  	v54 =	vld [tilespmem:$0x7970]  }
0x44c: {  	v19 =	vadd.f32 v20, v19;
	v20 =	vmul.f32 v52, v23  }
0x44d: {  	v55 =	vld [tilespmem:$0x79F0]  }
0x44e: {  	v19 =	vadd.f32 v20, v19;
	v20 =	vmul.f32 v53, v24  }
0x44f: {  	v56 =	vld [tilespmem:$0x7E70]  }
0x450: {  	v19 =	vadd.f32 v20, v19;
	v20 =	vmul.f32 v54, v25  }
0x451: {  	v57 =	vld [tilespmem:$0x7EF0]  }
0x452: {  	v19 =	vadd.f32 v20, v19;
	v20 =	vmul.f32 v55, v26  }
0x453: {  	v58 =	vld [tilespmem:$0x7F70]  }
0x454: {  	v19 =	vadd.f32 v20, v19;
	v20 =	vmul.f32 v56, v27  }
0x455: {  	v59 =	vld [tilespmem:$0x7FF0]  }
0x456: {  	v19 =	vadd.f32 v20, v19;
	v20 =	vmul.f32 v57, v28  }
0x457: {  	v60 =	vld [tilespmem:$0x8070]  }
0x458: {  	v19 =	vadd.f32 v20, v19;
	v20 =	vmul.f32 v58, v29  }
0x459: {  	v61 =	vld [tilespmem:$0x80F0]  }
0x45a: {  	v19 =	vadd.f32 v20, v19;
	v20 =	vmul.f32 v59, v30  }
0x45b: {  	v62 =	vld [tilespmem:$0x8170]  }
0x45c: {  	v19 =	vadd.f32 v20, v19;
	v20 =	vmul.f32 v60, v31  }
0x45d: {  	v63 =	vld [tilespmem:$0x81F0]  }
0x45e: {  	v19 =	vadd.f32 v20, v19;
	v20 =	vmul.f32 v61, v32;
	_ =	sdelay $0x1  }
0x45f: {  	s29 =	sadd.s32 $0x200, s29;
	v19 =	vadd.f32 v20, v19;
	v20 =	vmul.f32 v62, v33  }
0x460: {  	p0 =	sne.s32 s29, $0x7000  }
.Ltmp0:
0x461: {  	v19 =	vadd.f32 v20, v19;
	v20 =	vmul.f32 v63, v34;
	(pc) =	sbr.rel @p0 .LBB2_3-.Ltmp0, $4  }
0x462: {  	_ = 	snop  }
0x463: {  	v19 =	vadd.f32 v20, v19  }
0x464: {  	s24 =	sadd.s32 $0x100, s24  }
0x465: {  	s28 =	sadd.s32 $0x2, s28;
	s25 =	sadd.s32 $0x20, s25;
	s26 =	sadd.s32 $0x20, s26;
	[tilespmem:s30+$0x4F0] =	vst v19  }
0x466: {  	s1 =	sadd.s32 s5, s23;
	s22 =	sadd.s32 $0x1, s22  }
0x467: {  	s1 =	sshll.u32 s1, $0x5;
	p0 =	sne.s32 s22, $0x7  }
.Ltmp1:
0x468: {  	s1 =	sadd.s32 s2, s1;
	(pc) =	sbr.rel @p0 .LBB2_2-.Ltmp1, $4  }
0x469: {  	[hbm4b:s1+s3] =	stream.linear.scatter [tilespmem:s17], [sflag:$0x3], $0x7000, $0x38;
	[tilespmem:$0xF200] =	vst v63  }
0x46a: {  	_ =	swait.ge [sflag:s9], $0x7000  }
0x46b: {  	s21 =	sadd.s32 $0x70, s21;
	[sflag:s9] =	ssyncset.done $0x0  }
0x46c: {  	s19 =	sadd.s32 $0x700, s19;
	s20 =	sadd.s32 $0x700, s20;
	[sflag:s9] =	ssyncadd.s32 $0xFFFF9000  }
0x46d: {  	s18 =	sadd.s32 $0x1, s18  }
0x46e: {  	p0 =	sne.s32 s18, s8  }
.Ltmp2:
0x46f: {  	_ = 	snop;
	(pc) =	sbr.rel @p0 .LBB2_1-.Ltmp2, $1  }
0x470: {  	_ =	sdelay $0x3  }
0x471: {  	_ =	sfence.sel $0x180000  }
0x472: {  	[bflag:$0x0] =	sbarrier.arrive $0xFFFF  }
0x473: {  	_ =	strace $0x9000004A  }
0x474: {  	[bflag:$0x2] =	sbarrier.arrive $0xFFFF  }
0x475: {  	p0 =	sne.s32 s0, $0x0;
	s0 =	rddreg [dreg:$0x2]  }
0x476: {  	s0 =	sadd.s32 @!p0 $0x100000, s0  }
0x477: {  	[sflag:s0] =	ssyncadd.tile.s32 @!p0 $0x1;
	_ =	shalt  }
.Lfunc_end2:
_tile_overlayer_lowered:
.L_overlay_start_2:
0x478: {  	(tag) =	ssettag $0x2  }
0x479: {  	s0 =	rddreg [dreg:$0x0];
	s2 =	stileid.u32  }
0x47a: {  	s1 =	rddreg [dreg:$0x1];
	p0 =	sne.s32 s2, $0x0  }
0x47b: {  	s3 =	rddreg [dreg:$0x2];
	[bflag:$0x3] =	sbarrier.arrive $0xFFFF;
	s2 =	simm.s32 @!p0 $0x1C03  }
0x47c: {  	[timem:s3], [sflag:s2] =	dma.local @!p0 [hbm:s0], s1  }
0x47d: {  	s0 =	simm.s32 @!p0 $0x3  }
0x47e: {  	_ =	swait.ge @!p0 [sflag:s0], s1  }
0x47f: {  	s1 =	ssub.s32 @!p0 $0x0, s1;
	[sflag:s0] =	ssyncset.done @!p0 $0x0  }
0x480: {  	[sflag:s0] =	ssyncadd.s32 @!p0 s1  }
0x481: {  	[bflag:$0x3] =	sbarrier.arrive $0xFFFF  }
0x482: {  	_ =	shalt  }

// kernel: sparse-core-data-format-call.cloned.1.call-start
scs
called_computation_lowered:
.L_overlay_start_0:
0x0: {  	s2 =	sld [smem:$0x3FD9]  }
0x1: {  	s3 =	sld [smem:$0x3FFE];
	_ =	sdelay $0x1  }
0x2: {  	s1 =	srdreg.scid  }
0x3: {  	s0 =	sand.u32 $0x1, s1  }
0x4: {  	s18 =	sshll.u32 s0, $0xA;
	s2 =	sadd.s32 s3, s2  }
0x5: {  	s2 =	sadd.s32 s2, s18  }
0x6: {  	[smem:$0x3FC6] =	sst s2  }
0x7: {  	_ = 	snop  }
0x8: {  	s2 =	sld [smem:$0x3FC9];
	(tm) =	ssettm $0x1  }
0x9: {  	s19 =	sld [smem:$0x3FFB];
	_ =	sdelay $0x3  }
0xa: {  	_ =	strace s19  }
0xb: {  	s3 =	sld [smem:$0x3FFC];
	_ =	sdelay $0x3  }
0xc: {  	_ =	strace s3  }
0xd: {  	s3 =	sld [smem:$0x3FFD];
	_ =	sdelay $0x3  }
0xe: {  	_ =	strace s3  }
0xf: {  	_ =	strace $0x8FFFFFFF  }
0x10: {  	s20 =	sld [smem:$0x3FDB];
	_ =	sdelay $0x1  }
0x11: {  	s4 =	simm.s32 $_scs_section_size  }
0x12: {  	s5 =	simm.s32 $_size__tile_overlayer_lowered;
	s6 =	simm.s32 $_tile_overlayer_lowered  }
0x13: {  	s23 =	simm.s32 $0x1BFF;
	s22 =	sshll.u32 s6, $0x1;
	s3 =	sadd.s32 s4, s20  }
0x14: {  	s7 =	simm.s32 $0x0;
	s21 =	sshll.u32 s5, $0x1;
	s5 =	sadd.s32 s22, s3  }
0x15: {  	[timem:s7], [sflag:s23] =	dma.local [hbm:s5], s21  }
0x16: {  	_ =	swait.ge [sflag:s23], s21  }
0x17: {  	s4 =	ssub.s32 $0x0, s21;
	[sflag:s23] =	ssyncset.done $0x0  }
0x18: {  	[sflag:s23] =	ssyncadd.s32 s4;
	_ =	sdelay $0x1  }
0x19: {  	s24 =	simm.s32 $0x1B8B  }
0x1a: {  	_ =	swait.ge [sflag:s24], $0x1  }
0x1b: {  	[sflag:s24] =	ssyncset.done $0x0  }
0x1c: {  	s26 =	simm.s32 $0x1B8E;
	s25 =	sld [smem:$0x3FFE];
	[sflag:s24] =	ssyncadd.s32 $0xFFFFFFFF  }
0x1d: {  	s27 =	simm.s32 $execute0_lowered;
	[smem:$0x3FD2] =	sst s26  }
0x1e: {  	s5 =	sshll.u32 s27, $0x1;
	_ =	strace $0x80000046;
	[dreg:$0x1] =	wrdreg $0xFFFFFFFF  }
0x1f: {  	s28 =	simm.s32 $_size_execute0_lowered;
	s3 =	sadd.s32 s3, s5;
	[dreg:$0x0] =	wrdreg $0x0  }
0x20: {  	s5 =	sshll.u32 s28, $0x1;
	[dreg:$0x2] =	wrdreg s3  }
0x21: {  	[dreg:$0x3] =	wrdreg s5  }
0x22: {  	[dreg:$0x4] =	wrdreg $0xC0  }
0x23: {  	_ =	task [dreg:s7], $0x5FFFF  }
0x24: {  	[dreg:$0x1] =	wrdreg $0xFFFFFFFF  }
0x25: {  	[dreg:$0x0] =	wrdreg $0x60  }
0x26: {  	[dreg:$0x2] =	wrdreg s2  }
0x27: {  	[dreg:$0x3] =	wrdreg s25  }
0x28: {  	[dreg:$0x4] =	wrdreg $0x9  }
0x29: {  	_ =	task.clear_ibuf [dreg:s7], $0x5FFFF;
	_ =	strace $0x90000046  }
0x2a: {  	s29 =	simm.s32 $0x9;
	_ =	strace $0x80000048  }
0x2b: {  	_ =	swait.ge [sflag:s29], $0x1  }
0x2c: {  	[sflag:s29] =	ssyncadd.s32 $0xFFFFFFFF  }
0x2d: {  	_ =	strace $0x90000048  }
0x2e: {  	_ =	sfence  }
0x2f: {  	s30 =	sld [smem:$0x0];
	_ =	sdelay $0x2  }
0x30: {  	s31 =	sshll.u32 s1, $0xD;
	s1 =	sshrl.u32 s1, $0x2  }
0x31: {  	s3 =	sand.u32 $0x4000, s31;
	s1 =	sadd.s32 s1, s30  }
0x32: {  	s0 =	sor.u32 s3, s0;
	s1 =	sshll.u32 s1, $0x11  }
0x33: {  	s0 =	sor.u32 s1, s0  }
0x34: {  	s0 =	sadd.s32 $0x8F2B, s0  }
0x35: {  	[sflag:s0] =	ssyncadd.remote.s32 $0x1  }
0x36: {  	_ =	sfence.sel $0xFFFF  }
0x37: {  	[dreg:$0x0] =	wrdreg $0xFFFFFFFF;
	(pc) =	sbr.abs _section_cstart, $3  }
0x38: {  	[dreg:$0x1] =	wrdreg $0xFFFFFFFF  }
0x39: {  	_ =	task.clear_ibuf [dreg:s7], $0x2FFFF;
	_ =	strace $0x9FFFFFFF  }
0x3a: {  	(tm) =	ssettm $0x7FFFFFFF  }
0x3b: {  	_ =	shalt  }
tec
execute0_lowered:
.L_overlay_start_1:
0x0: {  	(tag) =	ssettag $0x1  }
0x1: {  	s0 =	stileid.u32;
	s2 =	rddreg [dreg:$0x0]  }
0x2: {  	s5 =	rddreg [dreg:$0x1];
	s8 =	srdreg.scid  }
0x3: {  	s31 =	simm.s32 $0x2;
	s16 =	simm.s32 $0x0;
	p0 =	por $0x0, $0x0  }
0x4: {  	s15 =	simm.s32 $0x0;
	s17 =	simm.s32 $0x0;
	s14 =	simm.s32 $0x0  }
0x5: {  	s1 =	sshll.u32 s0, $0x6;
	s3 =	sand.u32 $0x1, s0;
	s8 =	sshll.u32 s8, $0x4  }
0x6: {  	s5 =	sadd.s32 $0xE00, s5;
	s4 =	sand.u32 $0x80, s1;
	s1 =	rddreg [dreg:$0x2]  }
0x7: {  	s6 =	ssub.s32 $0x2, s3;
	_ =	strace $0x80000047;
	s7 =	ssub.s32 $0x100, s4  }
0x8: {  	s8 =	sand.u32 $0x10, s8;
	s9 =	sshrl.u32 s6, $0x1;
	s10 =	sshrl.u32 s7, $0x7  }
0x9: {  	s6 =	sand.u32 $0x1, s6;
	s7 =	sshrl.u32 s7, $0x8;
	s10 =	sand.u32 $0x1, s10  }
.Ltmp0:
0xa: {  	s6 =	sadd.s32 s6, s9;
	s7 =	sadd.s32 s7, s10;
	(pc) =	sbr.rel .LBB1_1-.Ltmp0, $4  }
0xb: {  	s13 =	smov.u32 s3;
	s8 =	sor.u32 s0, s8;
	s7 =	smul.u32 s7, s6  }
0xc: {  	s12 =	smov.u32 s4;
	s8 =	sshrl.u32 s8, $0x2;
	s6 =	simm.s32 $0x1  }
0xd: {  	s11 =	smov.u32 s8;
	[sflag:s6] =	ssyncpa.u1 $0x0;
	s7 =	sshll.u32 s7, $0x4  }
0xe: {  	s10 =	simm.s32 $0x800;
	[sflag:s31] =	ssyncpa.u1 $0x0;
	s9 =	sor.u32 $0x1, s7  }
.LBB1_4:
0xf: {  	v5 =	vld [tilespmem:s21+$0xFFFFFFD0];
	[tilespmem:s20+$0x2040 ss:$0x81] =	vst.msk $0xffff, v1  }
0x10: {  	v58 =	vld [tilespmem:s21+$0xFFFFFFE0];
	[tilespmem:s20+$0x2850 ss:$0x81] =	vst.msk $0xffff, v2  }
0x11: {  	s22 =	sshra.s32 s22, $0x2;
	v59 =	vld [tilespmem:s21+$0xFFFFFFF0];
	[tilespmem:s20+$0x3060 ss:$0x81] =	vst.msk $0xffff, v3  }
0x12: {  	v60 =	vld [tilespmem:s21+$0x0];
	[tilespmem:s20+$0x0 ss:$0x81] =	vst.msk $0xffff, v0;
	s19 =	sadd.s32 s22, s19  }
0x13: {  	v61 =	vld [tilespmem:s21+$0x10];
	[tilespmem:s19+$0x3870 ss:$0x81] =	vst.msk $0xffff, v4  }
0x14: {  	v62 =	vld [tilespmem:s21+$0x20];
	[tilespmem:s19+$0x810 ss:$0x81] =	vst.msk $0xffff, v5  }
0x15: {  	v63 =	vld [tilespmem:s21+$0xFFFFFFC0];
	[tilespmem:s19+$0x1020 ss:$0x81] =	vst.msk $0xffff, v58  }
0x16: {  	s17 =	sshll.u32 s17, $0x13;
	[tilespmem:s19+$0x1830 ss:$0x81] =	vst.msk $0xffff, v59  }
0x17: {  	s28 =	sand.u32 $0xF80, s15;
	s16 =	sshll.u32 s16, $0xC;
	s17 =	sadd.s32 s5, s17;
	[tilespmem:s19+$0x2040 ss:$0x81] =	vst.msk $0xffff, v60  }
0x18: {  	s29 =	sshrl.u32 s15, $0x3;
	s30 =	sand.u32 $0x7, s15;
	s17 =	sadd.s32 s28, s17;
	[tilespmem:s19+$0x2850 ss:$0x81] =	vst.msk $0xffff, v61  }
0x19: {  	s31 =	sand.u32 $0xF, s29;
	s15 =	sshll.u32 s30, $0x12;
	s16 =	sadd.s32 s16, s17;
	[tilespmem:s19+$0x3060 ss:$0x81] =	vst.msk $0xffff, v62  }
0x1a: {  	s15 =	sor.u32 $0x400, s15;
	s16 =	sadd.s32 s31, s16;
	[tilespmem:s19+$0x0 ss:$0x81] =	vst.msk $0xffff, v63  }
0x1b: {  	[hbm4b:s16+s15] =	stream.strided.scatter [tilespmem:s18], [sflag:$0x2], $0x4000, s10, s15, $0x20;
	[tilespmem:$0x10100] =	vst v63  }
.LBB1_5:
0x1c: {  	s18 =	sadd.s32 $0x8, s11  }
0x1d: {  	s15 =	sadd.s32 $0x100, s12;
	s19 =	smov.u32 s12;
	p2 =	sgt.s32 s18, $0x7F  }
0x1e: {  	s19 =	smov.u32 @p2 s15  }
0x1f: {  	s21 =	smov.u32 s13;
	s15 =	sadd.s32 $0x2, s13;
	p3 =	sgt.s32 s19, $0xFF  }
0x20: {  	s21 =	smov.u32 @p3 s15  }
0x21: {  	s18 =	smov.u32 @p2 s8;
	p2 =	sgt.s32 s21, $0x1  }
0x22: {  	p1 =	slt.u32 s14, $0x2;
	s21 =	smov.u32 @p2 s3;
	p2 =	sne.s32 s14, s9  }
.Ltmp1:
0x23: {  	s20 =	simm.s32 @!p1 $0x2;
	(pc) =	sbr.rel @!p2 .LBB1_6-.Ltmp1, $4  }
0x24: {  	s16 =	smov.u32 s11;
	s17 =	smov.u32 s13;
	_ =	swait.ge @!p1 [sflag:s20], $0x4000  }
0x25: {  	p0 =	por !p0, !p0;
	[sflag:s20] =	ssyncset.done @!p1 $0x0;
	s11 =	smov.u32 s18  }
0x26: {  	s19 =	smov.u32 @p3 s4;
	s15 =	smov.u32 s12;
	[sflag:s20] =	ssyncadd.s32 @!p1 $0xFFFFC000  }
0x27: {  	s12 =	smov.u32 s19;
	s14 =	sadd.s32 $0x1, s14;
	s13 =	smov.u32 s21  }
.LBB1_1:
0x28: {  	p1 =	sge.u32 s14, s7;
	s31 =	sadd.s32 $0xFFFFFFFF, s14  }
0x29: {  	s18 =	sxor.u32 @!p1 $0xFFFFFFFF, s14;
	s19 =	sshll.u32 @!p1 s13, $0x13;
	s20 =	sshll.u32 @!p1 s12, $0xB  }
0x2a: {  	s21 =	sshll.u32 @!p1 s11, $0x4;
	s18 =	sshll.u32 @!p1 s18, $0xE;
	s19 =	sadd.s32 @!p1 s2, s19  }
0x2b: {  	s21 =	sand.u32 @!p1 $0x7F0, s21;
	s18 =	sand.u32 @!p1 $0x4000, s18;
	s19 =	sadd.s32 @!p1 s20, s19  }
0x2c: {  	s20 =	simm.s32 @!p1 $0x80;
	s19 =	sadd.s32 @!p1 s21, s19;
	s21 =	simm.s32 @!p1 $0x4000  }
0x2d: {  	[tilespmem:s18], [sflag:$0x1] =	stream.strided.gather @!p1 [hbm4b:s19+s20], $0x4000, s21, s20, $0x38;
	[tilespmem:$0x10100] =	vst v63  }
0x2e: {  	p1 =	sge.u32 s31, s7  }
.Ltmp2:
0x2f: {  	_ = 	snop;
	(pc) =	sbr.rel @p1 .LBB1_5-.Ltmp2, $1  }
0x30: {  	_ =	sdelay $0x3  }
0x31: {  	s18 =	simm.s32 $0x1  }
0x32: {  	_ =	swait.ge [sflag:s6], $0x4000;
	s18 =	simm.s32 @!p0 $0x0  }
0x33: {  	[sflag:s6] =	ssyncset.done $0x0;
	s19 =	sshll.u32 s18, $0xE  }
0x34: {  	[sflag:s6] =	ssyncadd.s32 $0xFFFFC000;
	s21 =	sor.u32 $0x40, s19  }
0x35: {  	s18 =	smul.u32 $0x10200, s18;
	v0 =	vld [tilespmem:s21+$0x30]  }
0x36: {  	v3 =	vld [tilespmem:s21+$0xFFFFFFD0]  }
0x37: {  	s18 =	sshrl.u32 s18, $0x2;
	v4 =	vld [tilespmem:s21+$0xFFFFFFE0]  }
0x38: {  	v5 =	vld [tilespmem:s21+$0xFFFFFFF0];
	s19 =	sor.u32 $0x8000, s18  }
0x39: {  	s31 =	sand.u32 $0x1, s14;
	v1 =	vld [tilespmem:s21+$0x0];
	s20 =	sadd.s32 $0x0, s19  }
0x3a: {  	v2 =	vld [tilespmem:s21+$0x10];
	s18 =	smul.u32 $0x10200, s31;
	[tilespmem:s20+$0x3870 ss:$0x81] =	vst.msk $0xffff, v0  }
0x3b: {  	[tilespmem:s20+$0x810 ss:$0x81] =	vst.msk $0xffff, v3;
	v3 =	vld [tilespmem:s21+$0x20]  }
0x3c: {  	s18 =	sshrl.u32 s18, $0x2;
	v0 =	vld [tilespmem:s21+$0xFFFFFFC0];
	[tilespmem:s20+$0x1020 ss:$0x81] =	vst.msk $0xffff, v4;
	s21 =	sadd.s32 $0x80, s21  }
0x3d: {  	s22 =	simm.s32 $0x4;
	s23 =	simm.s32 $0x8;
	s18 =	sor.u32 $0x8000, s18;
	[tilespmem:s20+$0x1830 ss:$0x81] =	vst.msk $0xffff, v5;
	v4 =	vld [tilespmem:s21+$0x30]  }
.LBB1_3:
0x3e: {  	p1 =	sne.s32 s23, $0x1FC;
	v5 =	vld [tilespmem:s21+$0xFFFFFFD0];
	[tilespmem:s20+$0x2040 ss:$0x81] =	vst.msk $0xffff, v1  }
0x3f: {  	v6 =	vld [tilespmem:s21+$0xFFFFFFE0];
	[tilespmem:s20+$0x2850 ss:$0x81] =	vst.msk $0xffff, v2  }
0x40: {  	s24 =	sshra.s32 s22, $0x2;
	s22 =	smov.u32 s23;
	v7 =	vld [tilespmem:s21+$0xFFFFFFF0];
	[tilespmem:s20+$0x3060 ss:$0x81] =	vst.msk $0xffff, v3  }
.Ltmp3:
0x41: {  	v1 =	vld [tilespmem:s21+$0x0];
	[tilespmem:s20+$0x0 ss:$0x81] =	vst.msk $0xffff, v0;
	s20 =	sadd.s32 s24, s19;
	(pc) =	sbr.rel @p1 .LBB1_3-.Ltmp3, $4  }
0x42: {  	v2 =	vld [tilespmem:s21+$0x10];
	[tilespmem:s20+$0x3870 ss:$0x81] =	vst.msk $0xffff, v4  }
0x43: {  	[tilespmem:s20+$0x810 ss:$0x81] =	vst.msk $0xffff, v5;
	v3 =	vld [tilespmem:s21+$0x20]  }
0x44: {  	v0 =	vld [tilespmem:s21+$0xFFFFFFC0];
	[tilespmem:s20+$0x1020 ss:$0x81] =	vst.msk $0xffff, v6;
	s21 =	sadd.s32 $0x80, s21  }
0x45: {  	s23 =	sadd.s32 $0x4, s23;
	v4 =	vld [tilespmem:s21+$0x30];
	[tilespmem:s20+$0x1830 ss:$0x81] =	vst.msk $0xffff, v7  }
.Ltmp4:
0x46: {  	_ = 	snop;
	(pc) =	sbr.rel .LBB1_4-.Ltmp4, $1  }
0x47: {  	_ =	sdelay $0x3  }
.LBB1_6:
0x48: {  	_ =	sfence.sel $0x180000  }
0x49: {  	s2 =	simm.s32 $0x1;
	[bflag:$0x0] =	sbarrier.arrive $0xFFFF  }
0x4a: {  	s31 =	simm.s32 $0x2;
	[sflag:s2] =	ssyncpa.u1 $0x1  }
0x4b: {  	[sflag:s31] =	ssyncpa.u1 $0x1  }
0x4c: {  	p0 =	sne.s32 s0, $0x0;
	_ =	strace $0x90000047  }
0x4d: {  	s0 =	sadd.s32 @!p0 $0x100000, s1;
	[bflag:$0x2] =	sbarrier.arrive $0xFFFF  }
0x4e: {  	[sflag:s0] =	ssyncadd.tile.s32 @!p0 $0x1;
	_ =	shalt  }
.Lfunc_end1:
_tile_overlayer_lowered:
.L_overlay_start_2:
0x4f: {  	(tag) =	ssettag $0x2  }
0x50: {  	s0 =	rddreg [dreg:$0x0];
	s2 =	stileid.u32  }
0x51: {  	s1 =	rddreg [dreg:$0x1];
	p0 =	sne.s32 s2, $0x0  }
0x52: {  	s3 =	rddreg [dreg:$0x2];
	[bflag:$0x3] =	sbarrier.arrive $0xFFFF;
	s2 =	simm.s32 @!p0 $0x1C01  }
0x53: {  	[timem:s3], [sflag:s2] =	dma.local @!p0 [hbm:s0], s1  }
0x54: {  	s0 =	simm.s32 @!p0 $0x1  }
0x55: {  	_ =	swait.ge @!p0 [sflag:s0], s1  }
0x56: {  	s1 =	ssub.s32 @!p0 $0x0, s1;
	[sflag:s0] =	ssyncset.done @!p0 $0x0  }
0x57: {  	[sflag:s0] =	ssyncadd.s32 @!p0 s1  }
0x58: {  	[bflag:$0x3] =	sbarrier.arrive $0xFFFF  }
0x59: {  	_ =	shalt  }

</sc_bundles>
